<compile_context>
chip_gen: v7x
topology: tpu7x:2x2x1
jax: 0.10.2.dev20260603
libtpu: 0.0.44.dev20260713+nightly
codegen_flags: <defaults>
</compile_context>

<pallas_src>
import functools

import jax
import jax.numpy as jnp
from jax import lax
from jax.experimental import pallas as pl
from jax.experimental.pallas import tpu as pltpu
from jax.experimental.pallas import tpu_sc as plsc

NC = 2
NS = 16
NW = NC * NS
CHUNK = 128


def _ceil_to(a: int, m: int) -> int:
    return -(-a // m) * m


@functools.lru_cache(maxsize=None)
def _make_seg_sum(N: int, F: int, n_pad: int, nbuf: int):
    N_pad = _ceil_to(N + 1, 256)
    rows_per = N_pad // NS
    n_groups = n_pad // nbuf
    mesh = plsc.VectorSubcoreMesh(core_axis_name="c", subcore_axis_name="s",
                                  num_cores=NC, num_subcores=NS)

    @functools.partial(
        pl.kernel,
        out_type=jax.ShapeDtypeStruct((NC, N_pad, F), jnp.float32),
        mesh=mesh,
        scratch_types=[
            pltpu.VMEM((n_pad, CHUNK), jnp.int32),
            pltpu.VMEM((n_pad, CHUNK), jnp.int32),
            pltpu.VMEM((nbuf, CHUNK, F), jnp.float32),
            pltpu.VMEM_SHARED((N_pad, F), jnp.float32),
        ] + [pltpu.SemaphoreType.DMA] * nbuf,
        compiler_params=pltpu.CompilerParams(use_tc_tiling_on_sc=False),
    )
    def seg_sum(x_hbm, src_hbm, dst_hbm, zeros_hbm, out_hbm,
                src_v, dst_v, rows_v, accum, *gsems):
        c = lax.axis_index("c")
        s = lax.axis_index("s")
        wid = c * NS + s
        pltpu.sync_copy(zeros_hbm.at[pl.ds(s * rows_per, rows_per)],
                        accum.at[pl.ds(s * rows_per, rows_per)])
        pltpu.sync_copy(src_hbm.at[wid], src_v)
        pltpu.sync_copy(dst_hbm.at[wid], dst_v)
        plsc.subcore_barrier()

        def issue(ci, b):
            pltpu.async_copy(x_hbm.at[src_v.at[ci]], rows_v.at[b], gsems[b])

        def wait(ci, b):
            pltpu.make_async_copy(x_hbm.at[src_v.at[ci]], rows_v.at[b],
                                  gsems[b]).wait()

        def scatter(ci, b):
            pltpu.sync_copy(rows_v.at[b], accum.at[dst_v.at[ci]], add=True)

        for b in range(nbuf):
            issue(b, b)

        def group_body(g, carry):
            base = g * nbuf
            for b in range(nbuf):
                wait(base + b, b)
                scatter(base + b, b)
                issue(base + b + nbuf, b)
            return carry

        lax.fori_loop(0, n_groups - 1, group_body, 0)
        base = (n_groups - 1) * nbuf
        for b in range(nbuf):
            wait(base + b, b)
            scatter(base + b, b)

        plsc.subcore_barrier()
        pltpu.sync_copy(accum.at[pl.ds(s * rows_per, rows_per)],
                        out_hbm.at[c, pl.ds(s * rows_per, rows_per)])

    return seg_sum


def _seg_sum_level(x, edge_index, N, F):
    E = edge_index.shape[1]
    nbuf = 4 if F >= 128 else 8
    n_chunks = -(-E // (NW * CHUNK))
    n_pad = _ceil_to(n_chunks, nbuf)
    E_pad = NW * n_pad * CHUNK
    N_pad = _ceil_to(N + 1, 256)
    src = jnp.concatenate(
        [edge_index[0], jnp.zeros((E_pad - E,), jnp.int32)]).reshape(
            NW, n_pad, CHUNK)
    dst = jnp.concatenate(
        [edge_index[1], jnp.full((E_pad - E,), N, jnp.int32)]).reshape(
            NW, n_pad, CHUNK)
    zeros = jnp.zeros((N_pad, F), jnp.float32)
    return _make_seg_sum(N, F, n_pad, nbuf)(x, src, dst, zeros)


def _conv_body(agg_ref, x_ref, wn_ref, ws_ref, b_ref, o_ref, *, F, Wpad):
    a = agg_ref[0] + agg_ref[1]
    xb = x_ref[...]
    wn = wn_ref[...]
    ws = ws_ref[...]
    bb = b_ref[...]

    def half(i):
        ae = a[:, i * Wpad:i * Wpad + F]
        xe = xb[:, i * F:(i + 1) * F]
        if F == 1:
            h = ae * wn + xe * ws + bb
        else:
            h = (jnp.dot(ae, wn, preferred_element_type=jnp.float32)
                 + jnp.dot(xe, ws, preferred_element_type=jnp.float32) + bb)
        return h

    o_ref[...] = jnp.maximum(jnp.maximum(half(0), half(1)), 0.0)


def _conv_pool_tc(aggp, x_r, Wn, Ws, b, Nh, F, Wpad, Fout, R=512):
    grid = (-(-Nh // R),)
    return pl.pallas_call(
        functools.partial(_conv_body, F=F, Wpad=Wpad),
        grid=grid,
        in_specs=[
            pl.BlockSpec((NC, R, 2 * Wpad), lambda i: (0, i, 0)),
            pl.BlockSpec((R, 2 * F), lambda i: (i, 0)),
            pl.BlockSpec((F, Fout), lambda i: (0, 0)),
            pl.BlockSpec((F, Fout), lambda i: (0, 0)),
            pl.BlockSpec((1, Fout), lambda i: (0, 0)),
        ],
        out_specs=pl.BlockSpec((R, Fout), lambda i: (i, 0)),
        out_shape=jax.ShapeDtypeStruct((Nh, Fout), jnp.float32),
    )(aggp, x_r, Wn, Ws, b.reshape(1, Fout))


def _head_body(h_ref, w_ref, b_ref, o_ref, *, inv_n):
    s = jnp.sum(h_ref[...], axis=0, keepdims=True)
    o_ref[...] = (jnp.dot(s, w_ref[...], preferred_element_type=jnp.float32)
                  * inv_n + b_ref[...])


def _head_tc(h, W_fc, b_fc):
    n, _ = h.shape
    out = pl.pallas_call(
        functools.partial(_head_body, inv_n=1.0 / n),
        out_shape=jax.ShapeDtypeStruct((1, W_fc.shape[1]), jnp.float32),
    )(h, W_fc, b_fc.reshape(1, -1))
    return out[0]


F_SC_MIN = 8


def _level(x, edge_index, Wn, Ws, b):
    N, F = x.shape
    Fout = Wn.shape[1]
    Wpad = max(F, F_SC_MIN)
    xw = x if Wpad == F else jnp.pad(x, ((0, 0), (0, Wpad - F)))
    agg = _seg_sum_level(xw, edge_index, N, Wpad)
    aggp = agg.reshape(NC, agg.shape[1] // 2, 2 * Wpad)
    x_r = x.reshape(N // 2, 2 * F)
    return _conv_pool_tc(aggp, x_r, Wn, Ws, b, N // 2, F, Wpad, Fout)


def kernel(x, edge_index_1, edge_index_2, edge_index_3, edge_index_4,
           W1_n, W1_s, b1, W2_n, W2_s, b2, W3_n, W3_s, b3, W4_n, W4_s, b4,
           W_fc, b_fc):
    h = _level(x, edge_index_1, W1_n, W1_s, b1)
    h = _level(h, edge_index_2, W2_n, W2_s, b2)
    h = _level(h, edge_index_3, W3_n, W3_s, b3)
    h = _level(h, edge_index_4, W4_n, W4_s, b4)
    return _head_tc(h, W_fc, b_fc)

# --- scband reference (transcript-rebuilt; emitter-appended) ---
"""Pipeline reference for scband-mnistmodel-73040213836281 (READ-ONLY COPY).

The authoritative reference and input builder live on the scoring server;
editing this copy changes nothing except your own understanding.
"""

import jax, jax.numpy as jnp
import numpy as np

N1, N2, N3, N4 = 50000, 25000, 12500, 6250
E1, E2, E3, E4 = 800000, 400000, 200000, 100000
CH = [1, 32, 64, 128, 256]
NUM_CLASSES = 10


def setup_inputs(seed: int = 0) -> dict:
    key = jax.random.key(seed)
    ks = jax.random.split(key, 20)
    inp = {}
    inp['x'] = jax.random.normal(ks[0], (N1, CH[0]), dtype=jnp.float32)
    inp['edge_index_1'] = jax.random.randint(ks[1], (2, E1), 0, N1, dtype=jnp.int64) if jax.config.jax_enable_x64 else jax.random.randint(ks[1], (2, E1), 0, N1).astype(jnp.int32)
    inp['edge_index_2'] = jax.random.randint(ks[2], (2, E2), 0, N2).astype(jnp.int32)
    inp['edge_index_3'] = jax.random.randint(ks[3], (2, E3), 0, N3).astype(jnp.int32)
    inp['edge_index_4'] = jax.random.randint(ks[4], (2, E4), 0, N4).astype(jnp.int32)
    inp['edge_index_1'] = inp['edge_index_1'].astype(jnp.int32)
    # learned parameters: per conv layer a neighbor weight, self weight, bias
    ki = 5
    for li in range(4):
        fin, fout = CH[li], CH[li + 1]
        scale = 1.0 / np.sqrt(max(fin, 1))
        inp['W%d_n' % (li + 1)] = jax.random.normal(ks[ki], (fin, fout), dtype=jnp.float32) * scale
        inp['W%d_s' % (li + 1)] = jax.random.normal(ks[ki + 1], (fin, fout), dtype=jnp.float32) * scale
        inp['b%d' % (li + 1)] = jnp.zeros((fout,), dtype=jnp.float32)
        ki += 2
    inp['W_fc'] = jax.random.normal(ks[ki], (CH[4], NUM_CLASSES), dtype=jnp.float32) * (1.0 / np.sqrt(CH[4]))
    inp['b_fc'] = jnp.zeros((NUM_CLASSES,), dtype=jnp.float32)
    return inp


def _graph_conv(x, edge_index, Wn, Ws, b):
    src = edge_index[0]
    dst = edge_index[1]
    msgs = jnp.take(x, src, axis=0)
    agg = jax.ops.segment_sum(msgs, dst, num_segments=x.shape[0])
    h = agg @ Wn + x @ Ws + b
    return jax.nn.relu(h)


def _max_pool2(x):
    n, f = x.shape
    return x.reshape(n // 2, 2, f).max(axis=1)


def reference(x, edge_index_1, edge_index_2, edge_index_3, edge_index_4,
              W1_n, W1_s, b1, W2_n, W2_s, b2, W3_n, W3_s, b3, W4_n, W4_s, b4,
              W_fc, b_fc):
    h = _graph_conv(x, edge_index_1, W1_n, W1_s, b1)
    h = _max_pool2(h)
    h = _graph_conv(h, edge_index_2, W2_n, W2_s, b2)
    h = _max_pool2(h)
    h = _graph_conv(h, edge_index_3, W3_n, W3_s, b3)
    h = _max_pool2(h)
    h = _graph_conv(h, edge_index_4, W4_n, W4_s, b4)
    h = _max_pool2(h)
    pooled = jnp.mean(h, axis=0)
    logits = pooled @ W_fc + b_fc
    return logits

if __name__ == "__main__":
    import jax
    _d = setup_inputs()
    print(jax.jit(kernel)(*tuple(_d.values())))

</pallas_src>

<mosaic_0001>
#map = affine_map<(d0, d1) -> (0, 0)>
#map1 = affine_map<(d0, d1) -> (0, 0, 0)>
module attributes {stable_mosaic.version = 14 : i64} {
  func.func @seg_sum(%arg0: i32, %arg1: i32, %arg2: memref<6250x128xf32, #tpu.memory_space<hbm>>, %arg3: memref<32x28x128xi32, #tpu.memory_space<hbm>>, %arg4: memref<32x28x128xi32, #tpu.memory_space<hbm>>, %arg5: memref<6400x128xf32, #tpu.memory_space<hbm>>, %arg6: memref<2x6400x128xf32, #tpu.memory_space<hbm>>, %arg7: memref<28x128xi32, #tpu.memory_space<vmem>>, %arg8: memref<28x128xi32, #tpu.memory_space<vmem>>, %arg9: memref<4x128x128xf32, #tpu.memory_space<vmem>>, %arg10: memref<6400x128xf32, #tpu.memory_space<vmem_shared>>, %arg11: memref<!tpu.dma_semaphore, #tpu.memory_space<semaphore_mem>>, %arg12: memref<!tpu.dma_semaphore, #tpu.memory_space<semaphore_mem>>, %arg13: memref<!tpu.dma_semaphore, #tpu.memory_space<semaphore_mem>>, %arg14: memref<!tpu.dma_semaphore, #tpu.memory_space<semaphore_mem>>) attributes {dimension_semantics = [#tpu.dimension_semantics<core_parallel>, #tpu.dimension_semantics<subcore_parallel>], iteration_bounds = array<i64: 2, 16>, scalar_prefetch = 0 : i64, scratch_operands = 8 : i64, tpu.core_type = #tpu.core_type<sc_vector_subcore>, window_params = [{transform_indices = #map}, {transform_indices = #map1}, {transform_indices = #map1}, {transform_indices = #map}, {transform_indices = #map1}]} {
    %mul3A = arith.constant 16 : i32
    %mul3A_0 = arith.muli %arg0, %mul3A : i32
    %add3A = arith.addi %mul3A_0, %arg1 : i32
    %mul3A_1 = arith.constant 400 : i32
    %mul3A_2 = arith.muli %arg1, %mul3A_1 : i32
    %mul3A_3 = arith.constant 400 : i32
    %mul3A_4 = arith.muli %arg1, %mul3A_3 : i32
    "tpu.region"() ({
      %run_scoped3A_116 = tpu.sem_alloc : memref<!tpu.dma_semaphore, #tpu.memory_space<semaphore_mem>>
      %dma_start3A_117 = arith.constant 0 : i32
      %dma_start3A_118 = tpu.memref_slice %arg10[%mul3A_4, %dma_start3A_117] : memref<6400x128xf32, #tpu.memory_space<vmem_shared>> -> memref<400x128xf32, #tpu.memory_space<vmem_shared>>
      %dma_start3A_119 = arith.constant 0 : i32
      %dma_start3A_120 = tpu.memref_slice %arg5[%mul3A_2, %dma_start3A_119] : memref<6400x128xf32, #tpu.memory_space<hbm>> -> memref<400x128xf32, #tpu.memory_space<hbm>>
      tpu.enqueue_dma source(%dma_start3A_120 : memref<400x128xf32, #tpu.memory_space<hbm>>) target(%dma_start3A_118 : memref<400x128xf32, #tpu.memory_space<vmem_shared>>) target_semaphore(%run_scoped3A_116 : memref<!tpu.dma_semaphore, #tpu.memory_space<semaphore_mem>>)
      %dma_wait3A_121 = arith.constant 0 : i32
      %dma_wait3A_122 = tpu.memref_slice %arg10[%mul3A_4, %dma_wait3A_121] : memref<6400x128xf32, #tpu.memory_space<vmem_shared>> -> memref<400x128xf32, #tpu.memory_space<vmem_shared>>
      %dma_wait3A_123 = arith.constant 0 : i32
      %dma_wait3A_124 = tpu.memref_slice %arg5[%mul3A_2, %dma_wait3A_123] : memref<6400x128xf32, #tpu.memory_space<hbm>> -> memref<400x128xf32, #tpu.memory_space<hbm>>
      tpu.wait_dma2 semaphore(%run_scoped3A_116 : memref<!tpu.dma_semaphore, #tpu.memory_space<semaphore_mem>>) src(%dma_wait3A_124 : memref<400x128xf32, #tpu.memory_space<hbm>>) dst(%dma_wait3A_122 : memref<400x128xf32, #tpu.memory_space<vmem_shared>>)
      tpu.yield
    }) : () -> ()
    "tpu.region"() ({
      %run_scoped3A_116 = tpu.sem_alloc : memref<!tpu.dma_semaphore, #tpu.memory_space<semaphore_mem>>
      %dma_start3A_117 = arith.constant 0 : i32
      %dma_start3A_118 = arith.constant 0 : i32
      %dma_start3A_119 = tpu.memref_slice %arg3[%add3A, %dma_start3A_117, %dma_start3A_118] : memref<32x28x128xi32, #tpu.memory_space<hbm>> -> memref<1x28x128xi32, #tpu.memory_space<hbm>>
      %dma_start3A_120 = tpu.memref_squeeze %dma_start3A_119 : memref<1x28x128xi32, #tpu.memory_space<hbm>> -> memref<28x128xi32, #tpu.memory_space<hbm>>
      %dma_start3A_121 = arith.constant 0 : i32
      %dma_start3A_122 = arith.constant 0 : i32
      %dma_start3A_123 = tpu.memref_slice %arg3[%add3A, %dma_start3A_121, %dma_start3A_122] : memref<32x28x128xi32, #tpu.memory_space<hbm>> -> memref<1x28x128xi32, #tpu.memory_space<hbm>>
      %dma_start3A_124 = tpu.memref_squeeze %dma_start3A_123 : memref<1x28x128xi32, #tpu.memory_space<hbm>> -> memref<28x128xi32, #tpu.memory_space<hbm>>
      tpu.enqueue_dma source(%dma_start3A_124 : memref<28x128xi32, #tpu.memory_space<hbm>>) target(%arg7 : memref<28x128xi32, #tpu.memory_space<vmem>>) target_semaphore(%run_scoped3A_116 : memref<!tpu.dma_semaphore, #tpu.memory_space<semaphore_mem>>)
      %dma_wait3A_125 = arith.constant 0 : i32
      %dma_wait3A_126 = arith.constant 0 : i32
      %dma_wait3A_127 = tpu.memref_slice %arg3[%add3A, %dma_wait3A_125, %dma_wait3A_126] : memref<32x28x128xi32, #tpu.memory_space<hbm>> -> memref<1x28x128xi32, #tpu.memory_space<hbm>>
      %dma_wait3A_128 = tpu.memref_squeeze %dma_wait3A_127 : memref<1x28x128xi32, #tpu.memory_space<hbm>> -> memref<28x128xi32, #tpu.memory_space<hbm>>
      %dma_wait3A_129 = arith.constant 0 : i32
      %dma_wait3A_130 = arith.constant 0 : i32
      %dma_wait3A_131 = tpu.memref_slice %arg3[%add3A, %dma_wait3A_129, %dma_wait3A_130] : memref<32x28x128xi32, #tpu.memory_space<hbm>> -> memref<1x28x128xi32, #tpu.memory_space<hbm>>
      %dma_wait3A_132 = tpu.memref_squeeze %dma_wait3A_131 : memref<1x28x128xi32, #tpu.memory_space<hbm>> -> memref<28x128xi32, #tpu.memory_space<hbm>>
      tpu.wait_dma2 semaphore(%run_scoped3A_116 : memref<!tpu.dma_semaphore, #tpu.memory_space<semaphore_mem>>) src(%dma_wait3A_132 : memref<28x128xi32, #tpu.memory_space<hbm>>) dst(%arg7 : memref<28x128xi32, #tpu.memory_space<vmem>>)
      tpu.yield
    }) : () -> ()
    "tpu.region"() ({
      %run_scoped3A_116 = tpu.sem_alloc : memref<!tpu.dma_semaphore, #tpu.memory_space<semaphore_mem>>
      %dma_start3A_117 = arith.constant 0 : i32
      %dma_start3A_118 = arith.constant 0 : i32
      %dma_start3A_119 = tpu.memref_slice %arg4[%add3A, %dma_start3A_117, %dma_start3A_118] : memref<32x28x128xi32, #tpu.memory_space<hbm>> -> memref<1x28x128xi32, #tpu.memory_space<hbm>>
      %dma_start3A_120 = tpu.memref_squeeze %dma_start3A_119 : memref<1x28x128xi32, #tpu.memory_space<hbm>> -> memref<28x128xi32, #tpu.memory_space<hbm>>
      %dma_start3A_121 = arith.constant 0 : i32
      %dma_start3A_122 = arith.constant 0 : i32
      %dma_start3A_123 = tpu.memref_slice %arg4[%add3A, %dma_start3A_121, %dma_start3A_122] : memref<32x28x128xi32, #tpu.memory_space<hbm>> -> memref<1x28x128xi32, #tpu.memory_space<hbm>>
      %dma_start3A_124 = tpu.memref_squeeze %dma_start3A_123 : memref<1x28x128xi32, #tpu.memory_space<hbm>> -> memref<28x128xi32, #tpu.memory_space<hbm>>
      tpu.enqueue_dma source(%dma_start3A_124 : memref<28x128xi32, #tpu.memory_space<hbm>>) target(%arg8 : memref<28x128xi32, #tpu.memory_space<vmem>>) target_semaphore(%run_scoped3A_116 : memref<!tpu.dma_semaphore, #tpu.memory_space<semaphore_mem>>)
      %dma_wait3A_125 = arith.constant 0 : i32
      %dma_wait3A_126 = arith.constant 0 : i32
      %dma_wait3A_127 = tpu.memref_slice %arg4[%add3A, %dma_wait3A_125, %dma_wait3A_126] : memref<32x28x128xi32, #tpu.memory_space<hbm>> -> memref<1x28x128xi32, #tpu.memory_space<hbm>>
      %dma_wait3A_128 = tpu.memref_squeeze %dma_wait3A_127 : memref<1x28x128xi32, #tpu.memory_space<hbm>> -> memref<28x128xi32, #tpu.memory_space<hbm>>
      %dma_wait3A_129 = arith.constant 0 : i32
      %dma_wait3A_130 = arith.constant 0 : i32
      %dma_wait3A_131 = tpu.memref_slice %arg4[%add3A, %dma_wait3A_129, %dma_wait3A_130] : memref<32x28x128xi32, #tpu.memory_space<hbm>> -> memref<1x28x128xi32, #tpu.memory_space<hbm>>
      %dma_wait3A_132 = tpu.memref_squeeze %dma_wait3A_131 : memref<1x28x128xi32, #tpu.memory_space<hbm>> -> memref<28x128xi32, #tpu.memory_space<hbm>>
      tpu.wait_dma2 semaphore(%run_scoped3A_116 : memref<!tpu.dma_semaphore, #tpu.memory_space<semaphore_mem>>) src(%dma_wait3A_132 : memref<28x128xi32, #tpu.memory_space<hbm>>) dst(%arg8 : memref<28x128xi32, #tpu.memory_space<vmem>>)
      tpu.yield
    }) : () -> ()
    %barrier3A = arith.constant 0 : index
    tpu.barrier barrier_id(%barrier3A)
    %dma_start3A = arith.constant 0 : i32
    %dma_start3A_5 = arith.constant 0 : i32
    %dma_start3A_6 = arith.constant 0 : i32
    %dma_start3A_7 = arith.constant 0 : i32
    %dma_start3A_8 = tpu.memref_slice %arg9[%dma_start3A_5, %dma_start3A_6, %dma_start3A_7] : memref<4x128x128xf32, #tpu.memory_space<vmem>> -> memref<1x128x128xf32, #tpu.memory_space<vmem>>
    %dma_start3A_9 = tpu.memref_squeeze %dma_start3A_8 : memref<1x128x128xf32, #tpu.memory_space<vmem>> -> memref<128x128xf32, #tpu.memory_space<vmem>>
    %dma_start3A_10 = arith.constant 0 : i32
    %dma_start3A_11 = tpu.memref_slice %arg7[%dma_start3A, %dma_start3A_10] : memref<28x128xi32, #tpu.memory_space<vmem>> -> memref<1x128xi32, #tpu.memory_space<vmem>>
    %dma_start3A_12 = tpu.memref_squeeze %dma_start3A_11 : memref<1x128xi32, #tpu.memory_space<vmem>> -> memref<128xi32, #tpu.memory_space<vmem>>
    %dma_start3A_13 = arith.constant 0 : i32
    %dma_start3A_14 = arith.constant 0 : i32
    %dma_start3A_15 = tpu.memref_slice %arg2[%dma_start3A_13, %dma_start3A_14] : memref<6250x128xf32, #tpu.memory_space<hbm>> -> memref<6250x128xf32, #tpu.memory_space<hbm>>
    tpu.enqueue_indirect_dma source(%dma_start3A_15 : memref<6250x128xf32, #tpu.memory_space<hbm>>) target(%dma_start3A_9 : memref<128x128xf32, #tpu.memory_space<vmem>>) offsets(%dma_start3A_12 : memref<128xi32, #tpu.memory_space<vmem>>) semaphore(%arg11 : memref<!tpu.dma_semaphore, #tpu.memory_space<semaphore_mem>>)
    %dma_start3A_16 = arith.constant 1 : i32
    %dma_start3A_17 = arith.constant 1 : i32
    %dma_start3A_18 = arith.constant 0 : i32
    %dma_start3A_19 = arith.constant 0 : i32
    %dma_start3A_20 = tpu.memref_slice %arg9[%dma_start3A_17, %dma_start3A_18, %dma_start3A_19] : memref<4x128x128xf32, #tpu.memory_space<vmem>> -> memref<1x128x128xf32, #tpu.memory_space<vmem>>
    %dma_start3A_21 = tpu.memref_squeeze %dma_start3A_20 : memref<1x128x128xf32, #tpu.memory_space<vmem>> -> memref<128x128xf32, #tpu.memory_space<vmem>>
    %dma_start3A_22 = arith.constant 0 : i32
    %dma_start3A_23 = tpu.memref_slice %arg7[%dma_start3A_16, %dma_start3A_22] : memref<28x128xi32, #tpu.memory_space<vmem>> -> memref<1x128xi32, #tpu.memory_space<vmem>>
    %dma_start3A_24 = tpu.memref_squeeze %dma_start3A_23 : memref<1x128xi32, #tpu.memory_space<vmem>> -> memref<128xi32, #tpu.memory_space<vmem>>
    %dma_start3A_25 = arith.constant 0 : i32
    %dma_start3A_26 = arith.constant 0 : i32
    %dma_start3A_27 = tpu.memref_slice %arg2[%dma_start3A_25, %dma_start3A_26] : memref<6250x128xf32, #tpu.memory_space<hbm>> -> memref<6250x128xf32, #tpu.memory_space<hbm>>
    tpu.enqueue_indirect_dma source(%dma_start3A_27 : memref<6250x128xf32, #tpu.memory_space<hbm>>) target(%dma_start3A_21 : memref<128x128xf32, #tpu.memory_space<vmem>>) offsets(%dma_start3A_24 : memref<128xi32, #tpu.memory_space<vmem>>) semaphore(%arg12 : memref<!tpu.dma_semaphore, #tpu.memory_space<semaphore_mem>>)
    %dma_start3A_28 = arith.constant 2 : i32
    %dma_start3A_29 = arith.constant 2 : i32
    %dma_start3A_30 = arith.constant 0 : i32
    %dma_start3A_31 = arith.constant 0 : i32
    %dma_start3A_32 = tpu.memref_slice %arg9[%dma_start3A_29, %dma_start3A_30, %dma_start3A_31] : memref<4x128x128xf32, #tpu.memory_space<vmem>> -> memref<1x128x128xf32, #tpu.memory_space<vmem>>
    %dma_start3A_33 = tpu.memref_squeeze %dma_start3A_32 : memref<1x128x128xf32, #tpu.memory_space<vmem>> -> memref<128x128xf32, #tpu.memory_space<vmem>>
    %dma_start3A_34 = arith.constant 0 : i32
    %dma_start3A_35 = tpu.memref_slice %arg7[%dma_start3A_28, %dma_start3A_34] : memref<28x128xi32, #tpu.memory_space<vmem>> -> memref<1x128xi32, #tpu.memory_space<vmem>>
    %dma_start3A_36 = tpu.memref_squeeze %dma_start3A_35 : memref<1x128xi32, #tpu.memory_space<vmem>> -> memref<128xi32, #tpu.memory_space<vmem>>
    %dma_start3A_37 = arith.constant 0 : i32
    %dma_start3A_38 = arith.constant 0 : i32
    %dma_start3A_39 = tpu.memref_slice %arg2[%dma_start3A_37, %dma_start3A_38] : memref<6250x128xf32, #tpu.memory_space<hbm>> -> memref<6250x128xf32, #tpu.memory_space<hbm>>
    tpu.enqueue_indirect_dma source(%dma_start3A_39 : memref<6250x128xf32, #tpu.memory_space<hbm>>) target(%dma_start3A_33 : memref<128x128xf32, #tpu.memory_space<vmem>>) offsets(%dma_start3A_36 : memref<128xi32, #tpu.memory_space<vmem>>) semaphore(%arg13 : memref<!tpu.dma_semaphore, #tpu.memory_space<semaphore_mem>>)
    %dma_start3A_40 = arith.constant 3 : i32
    %dma_start3A_41 = arith.constant 3 : i32
    %dma_start3A_42 = arith.constant 0 : i32
    %dma_start3A_43 = arith.constant 0 : i32
    %dma_start3A_44 = tpu.memref_slice %arg9[%dma_start3A_41, %dma_start3A_42, %dma_start3A_43] : memref<4x128x128xf32, #tpu.memory_space<vmem>> -> memref<1x128x128xf32, #tpu.memory_space<vmem>>
    %dma_start3A_45 = tpu.memref_squeeze %dma_start3A_44 : memref<1x128x128xf32, #tpu.memory_space<vmem>> -> memref<128x128xf32, #tpu.memory_space<vmem>>
    %dma_start3A_46 = arith.constant 0 : i32
    %dma_start3A_47 = tpu.memref_slice %arg7[%dma_start3A_40, %dma_start3A_46] : memref<28x128xi32, #tpu.memory_space<vmem>> -> memref<1x128xi32, #tpu.memory_space<vmem>>
    %dma_start3A_48 = tpu.memref_squeeze %dma_start3A_47 : memref<1x128xi32, #tpu.memory_space<vmem>> -> memref<128xi32, #tpu.memory_space<vmem>>
    %dma_start3A_49 = arith.constant 0 : i32
    %dma_start3A_50 = arith.constant 0 : i32
    %dma_start3A_51 = tpu.memref_slice %arg2[%dma_start3A_49, %dma_start3A_50] : memref<6250x128xf32, #tpu.memory_space<hbm>> -> memref<6250x128xf32, #tpu.memory_space<hbm>>
    tpu.enqueue_indirect_dma source(%dma_start3A_51 : memref<6250x128xf32, #tpu.memory_space<hbm>>) target(%dma_start3A_45 : memref<128x128xf32, #tpu.memory_space<vmem>>) offsets(%dma_start3A_48 : memref<128xi32, #tpu.memory_space<vmem>>) semaphore(%arg14 : memref<!tpu.dma_semaphore, #tpu.memory_space<semaphore_mem>>)
    %scan3A = arith.constant 0 : i32
    %scan3A_52 = arith.constant 0 : i32
    %scan3A_53 = arith.constant 6 : i32
    %scan3A_54 = arith.addi %scan3A_52, %scan3A_53 : i32
    %scan3A_55 = arith.constant 1 : i32
    scf.for %scan3A_116 = %scan3A_52 to %scan3A_54 step %scan3A_55  : i32 {
      %mul3A_117 = arith.constant 4 : i32
      %mul3A_118 = arith.muli %scan3A_116, %mul3A_117 : i32
      %add3A_119 = arith.constant 0 : i32
      %add3A_120 = arith.addi %mul3A_118, %add3A_119 : i32
      %dma_wait3A_121 = arith.constant 0 : i32
      %dma_wait3A_122 = arith.constant 0 : i32
      %dma_wait3A_123 = arith.constant 0 : i32
      %dma_wait3A_124 = tpu.memref_slice %arg9[%dma_wait3A_121, %dma_wait3A_122, %dma_wait3A_123] : memref<4x128x128xf32, #tpu.memory_space<vmem>> -> memref<1x128x128xf32, #tpu.memory_space<vmem>>
      %dma_wait3A_125 = tpu.memref_squeeze %dma_wait3A_124 : memref<1x128x128xf32, #tpu.memory_space<vmem>> -> memref<128x128xf32, #tpu.memory_space<vmem>>
      %dma_wait3A_126 = arith.constant 0 : i32
      %dma_wait3A_127 = tpu.memref_slice %arg7[%add3A_120, %dma_wait3A_126] : memref<28x128xi32, #tpu.memory_space<vmem>> -> memref<1x128xi32, #tpu.memory_space<vmem>>
      %dma_wait3A_128 = tpu.memref_squeeze %dma_wait3A_127 : memref<1x128xi32, #tpu.memory_space<vmem>> -> memref<128xi32, #tpu.memory_space<vmem>>
      %dma_wait3A_129 = arith.constant 0 : i32
      %dma_wait3A_130 = arith.constant 0 : i32
      %dma_wait3A_131 = tpu.memref_slice %arg2[%dma_wait3A_129, %dma_wait3A_130] : memref<6250x128xf32, #tpu.memory_space<hbm>> -> memref<6250x128xf32, #tpu.memory_space<hbm>>
      tpu.wait_indirect_dma semaphore(%arg11 : memref<!tpu.dma_semaphore, #tpu.memory_space<semaphore_mem>>) src(%dma_wait3A_131 : memref<6250x128xf32, #tpu.memory_space<hbm>>) dst(%dma_wait3A_125 : memref<128x128xf32, #tpu.memory_space<vmem>>)
      %add3A_132 = arith.constant 0 : i32
      %add3A_133 = arith.addi %mul3A_118, %add3A_132 : i32
      %run_scoped3A_134 = arith.constant 0 : i32
      "tpu.region"() ({
        %run_scoped3A_243 = tpu.sem_alloc : memref<!tpu.dma_semaphore, #tpu.memory_space<semaphore_mem>>
        %dma_start3A_244 = arith.constant 0 : i32
        %dma_start3A_245 = arith.constant 0 : i32
        %dma_start3A_246 = tpu.memref_slice %arg9[%run_scoped3A_134, %dma_start3A_244, %dma_start3A_245] : memref<4x128x128xf32, #tpu.memory_space<vmem>> -> memref<1x128x128xf32, #tpu.memory_space<vmem>>
        %dma_start3A_247 = tpu.memref_squeeze %dma_start3A_246 : memref<1x128x128xf32, #tpu.memory_space<vmem>> -> memref<128x128xf32, #tpu.memory_space<vmem>>
        %dma_start3A_248 = arith.constant 0 : i32
        %dma_start3A_249 = tpu.memref_slice %arg8[%add3A_133, %dma_start3A_248] : memref<28x128xi32, #tpu.memory_space<vmem>> -> memref<1x128xi32, #tpu.memory_space<vmem>>
        %dma_start3A_250 = tpu.memref_squeeze %dma_start3A_249 : memref<1x128xi32, #tpu.memory_space<vmem>> -> memref<128xi32, #tpu.memory_space<vmem>>
        %dma_start3A_251 = arith.constant 0 : i32
        %dma_start3A_252 = arith.constant 0 : i32
        %dma_start3A_253 = tpu.memref_slice %arg10[%dma_start3A_251, %dma_start3A_252] : memref<6400x128xf32, #tpu.memory_space<vmem_shared>> -> memref<6400x128xf32, #tpu.memory_space<vmem_shared>>
        tpu.enqueue_indirect_dma source(%dma_start3A_247 : memref<128x128xf32, #tpu.memory_space<vmem>>) target(%dma_start3A_253 : memref<6400x128xf32, #tpu.memory_space<vmem_shared>>) offsets(%dma_start3A_250 : memref<128xi32, #tpu.memory_space<vmem>>) semaphore(%run_scoped3A_243 : memref<!tpu.dma_semaphore, #tpu.memory_space<semaphore_mem>>) {add = true}
        %dma_wait3A_254 = arith.constant 0 : i32
        %dma_wait3A_255 = arith.constant 0 : i32
        %dma_wait3A_256 = tpu.memref_slice %arg9[%run_scoped3A_134, %dma_wait3A_254, %dma_wait3A_255] : memref<4x128x128xf32, #tpu.memory_space<vmem>> -> memref<1x128x128xf32, #tpu.memory_space<vmem>>
        %dma_wait3A_257 = tpu.memref_squeeze %dma_wait3A_256 : memref<1x128x128xf32, #tpu.memory_space<vmem>> -> memref<128x128xf32, #tpu.memory_space<vmem>>
        %dma_wait3A_258 = arith.constant 0 : i32
        %dma_wait3A_259 = tpu.memref_slice %arg8[%add3A_133, %dma_wait3A_258] : memref<28x128xi32, #tpu.memory_space<vmem>> -> memref<1x128xi32, #tpu.memory_space<vmem>>
        %dma_wait3A_260 = tpu.memref_squeeze %dma_wait3A_259 : memref<1x128xi32, #tpu.memory_space<vmem>> -> memref<128xi32, #tpu.memory_space<vmem>>
        %dma_wait3A_261 = arith.constant 0 : i32
        %dma_wait3A_262 = arith.constant 0 : i32
        %dma_wait3A_263 = tpu.memref_slice %arg10[%dma_wait3A_261, %dma_wait3A_262] : memref<6400x128xf32, #tpu.memory_space<vmem_shared>> -> memref<6400x128xf32, #tpu.memory_space<vmem_shared>>
        tpu.wait_indirect_dma semaphore(%run_scoped3A_243 : memref<!tpu.dma_semaphore, #tpu.memory_space<semaphore_mem>>) src(%dma_wait3A_257 : memref<128x128xf32, #tpu.memory_space<vmem>>) dst(%dma_wait3A_263 : memref<6400x128xf32, #tpu.memory_space<vmem_shared>>)
        tpu.yield
      }) : () -> ()
      %add3A_135 = arith.constant 0 : i32
      %add3A_136 = arith.addi %mul3A_118, %add3A_135 : i32
      %add3A_137 = arith.constant 4 : i32
      %add3A_138 = arith.addi %add3A_136, %add3A_137 : i32
      %dma_start3A_139 = arith.constant 0 : i32
      %dma_start3A_140 = arith.constant 0 : i32
      %dma_start3A_141 = arith.constant 0 : i32
      %dma_start3A_142 = tpu.memref_slice %arg9[%dma_start3A_139, %dma_start3A_140, %dma_start3A_141] : memref<4x128x128xf32, #tpu.memory_space<vmem>> -> memref<1x128x128xf32, #tpu.memory_space<vmem>>
      %dma_start3A_143 = tpu.memref_squeeze %dma_start3A_142 : memref<1x128x128xf32, #tpu.memory_space<vmem>> -> memref<128x128xf32, #tpu.memory_space<vmem>>
      %dma_start3A_144 = arith.constant 0 : i32
      %dma_start3A_145 = tpu.memref_slice %arg7[%add3A_138, %dma_start3A_144] : memref<28x128xi32, #tpu.memory_space<vmem>> -> memref<1x128xi32, #tpu.memory_space<vmem>>
      %dma_start3A_146 = tpu.memref_squeeze %dma_start3A_145 : memref<1x128xi32, #tpu.memory_space<vmem>> -> memref<128xi32, #tpu.memory_space<vmem>>
      %dma_start3A_147 = arith.constant 0 : i32
      %dma_start3A_148 = arith.constant 0 : i32
      %dma_start3A_149 = tpu.memref_slice %arg2[%dma_start3A_147, %dma_start3A_148] : memref<6250x128xf32, #tpu.memory_space<hbm>> -> memref<6250x128xf32, #tpu.memory_space<hbm>>
      tpu.enqueue_indirect_dma source(%dma_start3A_149 : memref<6250x128xf32, #tpu.memory_space<hbm>>) target(%dma_start3A_143 : memref<128x128xf32, #tpu.memory_space<vmem>>) offsets(%dma_start3A_146 : memref<128xi32, #tpu.memory_space<vmem>>) semaphore(%arg11 : memref<!tpu.dma_semaphore, #tpu.memory_space<semaphore_mem>>)
      %add3A_150 = arith.constant 1 : i32
      %add3A_151 = arith.addi %mul3A_118, %add3A_150 : i32
      %dma_wait3A_152 = arith.constant 1 : i32
      %dma_wait3A_153 = arith.constant 0 : i32
      %dma_wait3A_154 = arith.constant 0 : i32
      %dma_wait3A_155 = tpu.memref_slice %arg9[%dma_wait3A_152, %dma_wait3A_153, %dma_wait3A_154] : memref<4x128x128xf32, #tpu.memory_space<vmem>> -> memref<1x128x128xf32, #tpu.memory_space<vmem>>
      %dma_wait3A_156 = tpu.memref_squeeze %dma_wait3A_155 : memref<1x128x128xf32, #tpu.memory_space<vmem>> -> memref<128x128xf32, #tpu.memory_space<vmem>>
      %dma_wait3A_157 = arith.constant 0 : i32
      %dma_wait3A_158 = tpu.memref_slice %arg7[%add3A_151, %dma_wait3A_157] : memref<28x128xi32, #tpu.memory_space<vmem>> -> memref<1x128xi32, #tpu.memory_space<vmem>>
      %dma_wait3A_159 = tpu.memref_squeeze %dma_wait3A_158 : memref<1x128xi32, #tpu.memory_space<vmem>> -> memref<128xi32, #tpu.memory_space<vmem>>
      %dma_wait3A_160 = arith.constant 0 : i32
      %dma_wait3A_161 = arith.constant 0 : i32
      %dma_wait3A_162 = tpu.memref_slice %arg2[%dma_wait3A_160, %dma_wait3A_161] : memref<6250x128xf32, #tpu.memory_space<hbm>> -> memref<6250x128xf32, #tpu.memory_space<hbm>>
      tpu.wait_indirect_dma semaphore(%arg12 : memref<!tpu.dma_semaphore, #tpu.memory_space<semaphore_mem>>) src(%dma_wait3A_162 : memref<6250x128xf32, #tpu.memory_space<hbm>>) dst(%dma_wait3A_156 : memref<128x128xf32, #tpu.memory_space<vmem>>)
      %add3A_163 = arith.constant 1 : i32
      %add3A_164 = arith.addi %mul3A_118, %add3A_163 : i32
      %run_scoped3A_165 = arith.constant 1 : i32
      "tpu.region"() ({
        %run_scoped3A_243 = tpu.sem_alloc : memref<!tpu.dma_semaphore, #tpu.memory_space<semaphore_mem>>
        %dma_start3A_244 = arith.constant 0 : i32
        %dma_start3A_245 = arith.constant 0 : i32
        %dma_start3A_246 = tpu.memref_slice %arg9[%run_scoped3A_165, %dma_start3A_244, %dma_start3A_245] : memref<4x128x128xf32, #tpu.memory_space<vmem>> -> memref<1x128x128xf32, #tpu.memory_space<vmem>>
        %dma_start3A_247 = tpu.memref_squeeze %dma_start3A_246 : memref<1x128x128xf32, #tpu.memory_space<vmem>> -> memref<128x128xf32, #tpu.memory_space<vmem>>
        %dma_start3A_248 = arith.constant 0 : i32
        %dma_start3A_249 = tpu.memref_slice %arg8[%add3A_164, %dma_start3A_248] : memref<28x128xi32, #tpu.memory_space<vmem>> -> memref<1x128xi32, #tpu.memory_space<vmem>>
        %dma_start3A_250 = tpu.memref_squeeze %dma_start3A_249 : memref<1x128xi32, #tpu.memory_space<vmem>> -> memref<128xi32, #tpu.memory_space<vmem>>
        %dma_start3A_251 = arith.constant 0 : i32
        %dma_start3A_252 = arith.constant 0 : i32
        %dma_start3A_253 = tpu.memref_slice %arg10[%dma_start3A_251, %dma_start3A_252] : memref<6400x128xf32, #tpu.memory_space<vmem_shared>> -> memref<6400x128xf32, #tpu.memory_space<vmem_shared>>
        tpu.enqueue_indirect_dma source(%dma_start3A_247 : memref<128x128xf32, #tpu.memory_space<vmem>>) target(%dma_start3A_253 : memref<6400x128xf32, #tpu.memory_space<vmem_shared>>) offsets(%dma_start3A_250 : memref<128xi32, #tpu.memory_space<vmem>>) semaphore(%run_scoped3A_243 : memref<!tpu.dma_semaphore, #tpu.memory_space<semaphore_mem>>) {add = true}
        %dma_wait3A_254 = arith.constant 0 : i32
        %dma_wait3A_255 = arith.constant 0 : i32
        %dma_wait3A_256 = tpu.memref_slice %arg9[%run_scoped3A_165, %dma_wait3A_254, %dma_wait3A_255] : memref<4x128x128xf32, #tpu.memory_space<vmem>> -> memref<1x128x128xf32, #tpu.memory_space<vmem>>
        %dma_wait3A_257 = tpu.memref_squeeze %dma_wait3A_256 : memref<1x128x128xf32, #tpu.memory_space<vmem>> -> memref<128x128xf32, #tpu.memory_space<vmem>>
        %dma_wait3A_258 = arith.constant 0 : i32
        %dma_wait3A_259 = tpu.memref_slice %arg8[%add3A_164, %dma_wait3A_258] : memref<28x128xi32, #tpu.memory_space<vmem>> -> memref<1x128xi32, #tpu.memory_space<vmem>>
        %dma_wait3A_260 = tpu.memref_squeeze %dma_wait3A_259 : memref<1x128xi32, #tpu.memory_space<vmem>> -> memref<128xi32, #tpu.memory_space<vmem>>
        %dma_wait3A_261 = arith.constant 0 : i32
        %dma_wait3A_262 = arith.constant 0 : i32
        %dma_wait3A_263 = tpu.memref_slice %arg10[%dma_wait3A_261, %dma_wait3A_262] : memref<6400x128xf32, #tpu.memory_space<vmem_shared>> -> memref<6400x128xf32, #tpu.memory_space<vmem_shared>>
        tpu.wait_indirect_dma semaphore(%run_scoped3A_243 : memref<!tpu.dma_semaphore, #tpu.memory_space<semaphore_mem>>) src(%dma_wait3A_257 : memref<128x128xf32, #tpu.memory_space<vmem>>) dst(%dma_wait3A_263 : memref<6400x128xf32, #tpu.memory_space<vmem_shared>>)
        tpu.yield
      }) : () -> ()
      %add3A_166 = arith.constant 1 : i32
      %add3A_167 = arith.addi %mul3A_118, %add3A_166 : i32
      %add3A_168 = arith.constant 4 : i32
      %add3A_169 = arith.addi %add3A_167, %add3A_168 : i32
      %dma_start3A_170 = arith.constant 1 : i32
      %dma_start3A_171 = arith.constant 0 : i32
      %dma_start3A_172 = arith.constant 0 : i32
      %dma_start3A_173 = tpu.memref_slice %arg9[%dma_start3A_170, %dma_start3A_171, %dma_start3A_172] : memref<4x128x128xf32, #tpu.memory_space<vmem>> -> memref<1x128x128xf32, #tpu.memory_space<vmem>>
      %dma_start3A_174 = tpu.memref_squeeze %dma_start3A_173 : memref<1x128x128xf32, #tpu.memory_space<vmem>> -> memref<128x128xf32, #tpu.memory_space<vmem>>
      %dma_start3A_175 = arith.constant 0 : i32
      %dma_start3A_176 = tpu.memref_slice %arg7[%add3A_169, %dma_start3A_175] : memref<28x128xi32, #tpu.memory_space<vmem>> -> memref<1x128xi32, #tpu.memory_space<vmem>>
      %dma_start3A_177 = tpu.memref_squeeze %dma_start3A_176 : memref<1x128xi32, #tpu.memory_space<vmem>> -> memref<128xi32, #tpu.memory_space<vmem>>
      %dma_start3A_178 = arith.constant 0 : i32
      %dma_start3A_179 = arith.constant 0 : i32
      %dma_start3A_180 = tpu.memref_slice %arg2[%dma_start3A_178, %dma_start3A_179] : memref<6250x128xf32, #tpu.memory_space<hbm>> -> memref<6250x128xf32, #tpu.memory_space<hbm>>
      tpu.enqueue_indirect_dma source(%dma_start3A_180 : memref<6250x128xf32, #tpu.memory_space<hbm>>) target(%dma_start3A_174 : memref<128x128xf32, #tpu.memory_space<vmem>>) offsets(%dma_start3A_177 : memref<128xi32, #tpu.memory_space<vmem>>) semaphore(%arg12 : memref<!tpu.dma_semaphore, #tpu.memory_space<semaphore_mem>>)
      %add3A_181 = arith.constant 2 : i32
      %add3A_182 = arith.addi %mul3A_118, %add3A_181 : i32
      %dma_wait3A_183 = arith.constant 2 : i32
      %dma_wait3A_184 = arith.constant 0 : i32
      %dma_wait3A_185 = arith.constant 0 : i32
      %dma_wait3A_186 = tpu.memref_slice %arg9[%dma_wait3A_183, %dma_wait3A_184, %dma_wait3A_185] : memref<4x128x128xf32, #tpu.memory_space<vmem>> -> memref<1x128x128xf32, #tpu.memory_space<vmem>>
      %dma_wait3A_187 = tpu.memref_squeeze %dma_wait3A_186 : memref<1x128x128xf32, #tpu.memory_space<vmem>> -> memref<128x128xf32, #tpu.memory_space<vmem>>
      %dma_wait3A_188 = arith.constant 0 : i32
      %dma_wait3A_189 = tpu.memref_slice %arg7[%add3A_182, %dma_wait3A_188] : memref<28x128xi32, #tpu.memory_space<vmem>> -> memref<1x128xi32, #tpu.memory_space<vmem>>
      %dma_wait3A_190 = tpu.memref_squeeze %dma_wait3A_189 : memref<1x128xi32, #tpu.memory_space<vmem>> -> memref<128xi32, #tpu.memory_space<vmem>>
      %dma_wait3A_191 = arith.constant 0 : i32
      %dma_wait3A_192 = arith.constant 0 : i32
      %dma_wait3A_193 = tpu.memref_slice %arg2[%dma_wait3A_191, %dma_wait3A_192] : memref<6250x128xf32, #tpu.memory_space<hbm>> -> memref<6250x128xf32, #tpu.memory_space<hbm>>
      tpu.wait_indirect_dma semaphore(%arg13 : memref<!tpu.dma_semaphore, #tpu.memory_space<semaphore_mem>>) src(%dma_wait3A_193 : memref<6250x128xf32, #tpu.memory_space<hbm>>) dst(%dma_wait3A_187 : memref<128x128xf32, #tpu.memory_space<vmem>>)
      %add3A_194 = arith.constant 2 : i32
      %add3A_195 = arith.addi %mul3A_118, %add3A_194 : i32
      %run_scoped3A_196 = arith.constant 2 : i32
      "tpu.region"() ({
        %run_scoped3A_243 = tpu.sem_alloc : memref<!tpu.dma_semaphore, #tpu.memory_space<semaphore_mem>>
        %dma_start3A_244 = arith.constant 0 : i32
        %dma_start3A_245 = arith.constant 0 : i32
        %dma_start3A_246 = tpu.memref_slice %arg9[%run_scoped3A_196, %dma_start3A_244, %dma_start3A_245] : memref<4x128x128xf32, #tpu.memory_space<vmem>> -> memref<1x128x128xf32, #tpu.memory_space<vmem>>
        %dma_start3A_247 = tpu.memref_squeeze %dma_start3A_246 : memref<1x128x128xf32, #tpu.memory_space<vmem>> -> memref<128x128xf32, #tpu.memory_space<vmem>>
        %dma_start3A_248 = arith.constant 0 : i32
        %dma_start3A_249 = tpu.memref_slice %arg8[%add3A_195, %dma_start3A_248] : memref<28x128xi32, #tpu.memory_space<vmem>> -> memref<1x128xi32, #tpu.memory_space<vmem>>
        %dma_start3A_250 = tpu.memref_squeeze %dma_start3A_249 : memref<1x128xi32, #tpu.memory_space<vmem>> -> memref<128xi32, #tpu.memory_space<vmem>>
        %dma_start3A_251 = arith.constant 0 : i32
        %dma_start3A_252 = arith.constant 0 : i32
        %dma_start3A_253 = tpu.memref_slice %arg10[%dma_start3A_251, %dma_start3A_252] : memref<6400x128xf32, #tpu.memory_space<vmem_shared>> -> memref<6400x128xf32, #tpu.memory_space<vmem_shared>>
        tpu.enqueue_indirect_dma source(%dma_start3A_247 : memref<128x128xf32, #tpu.memory_space<vmem>>) target(%dma_start3A_253 : memref<6400x128xf32, #tpu.memory_space<vmem_shared>>) offsets(%dma_start3A_250 : memref<128xi32, #tpu.memory_space<vmem>>) semaphore(%run_scoped3A_243 : memref<!tpu.dma_semaphore, #tpu.memory_space<semaphore_mem>>) {add = true}
        %dma_wait3A_254 = arith.constant 0 : i32
        %dma_wait3A_255 = arith.constant 0 : i32
        %dma_wait3A_256 = tpu.memref_slice %arg9[%run_scoped3A_196, %dma_wait3A_254, %dma_wait3A_255] : memref<4x128x128xf32, #tpu.memory_space<vmem>> -> memref<1x128x128xf32, #tpu.memory_space<vmem>>
        %dma_wait3A_257 = tpu.memref_squeeze %dma_wait3A_256 : memref<1x128x128xf32, #tpu.memory_space<vmem>> -> memref<128x128xf32, #tpu.memory_space<vmem>>
        %dma_wait3A_258 = arith.constant 0 : i32
        %dma_wait3A_259 = tpu.memref_slice %arg8[%add3A_195, %dma_wait3A_258] : memref<28x128xi32, #tpu.memory_space<vmem>> -> memref<1x128xi32, #tpu.memory_space<vmem>>
        %dma_wait3A_260 = tpu.memref_squeeze %dma_wait3A_259 : memref<1x128xi32, #tpu.memory_space<vmem>> -> memref<128xi32, #tpu.memory_space<vmem>>
        %dma_wait3A_261 = arith.constant 0 : i32
        %dma_wait3A_262 = arith.constant 0 : i32
        %dma_wait3A_263 = tpu.memref_slice %arg10[%dma_wait3A_261, %dma_wait3A_262] : memref<6400x128xf32, #tpu.memory_space<vmem_shared>> -> memref<6400x128xf32, #tpu.memory_space<vmem_shared>>
        tpu.wait_indirect_dma semaphore(%run_scoped3A_243 : memref<!tpu.dma_semaphore, #tpu.memory_space<semaphore_mem>>) src(%dma_wait3A_257 : memref<128x128xf32, #tpu.memory_space<vmem>>) dst(%dma_wait3A_263 : memref<6400x128xf32, #tpu.memory_space<vmem_shared>>)
        tpu.yield
      }) : () -> ()
      %add3A_197 = arith.constant 2 : i32
      %add3A_198 = arith.addi %mul3A_118, %add3A_197 : i32
      %add3A_199 = arith.constant 4 : i32
      %add3A_200 = arith.addi %add3A_198, %add3A_199 : i32
      %dma_start3A_201 = arith.constant 2 : i32
      %dma_start3A_202 = arith.constant 0 : i32
      %dma_start3A_203 = arith.constant 0 : i32
      %dma_start3A_204 = tpu.memref_slice %arg9[%dma_start3A_201, %dma_start3A_202, %dma_start3A_203] : memref<4x128x128xf32, #tpu.memory_space<vmem>> -> memref<1x128x128xf32, #tpu.memory_space<vmem>>
      %dma_start3A_205 = tpu.memref_squeeze %dma_start3A_204 : memref<1x128x128xf32, #tpu.memory_space<vmem>> -> memref<128x128xf32, #tpu.memory_space<vmem>>
      %dma_start3A_206 = arith.constant 0 : i32
      %dma_start3A_207 = tpu.memref_slice %arg7[%add3A_200, %dma_start3A_206] : memref<28x128xi32, #tpu.memory_space<vmem>> -> memref<1x128xi32, #tpu.memory_space<vmem>>
      %dma_start3A_208 = tpu.memref_squeeze %dma_start3A_207 : memref<1x128xi32, #tpu.memory_space<vmem>> -> memref<128xi32, #tpu.memory_space<vmem>>
      %dma_start3A_209 = arith.constant 0 : i32
      %dma_start3A_210 = arith.constant 0 : i32
      %dma_start3A_211 = tpu.memref_slice %arg2[%dma_start3A_209, %dma_start3A_210] : memref<6250x128xf32, #tpu.memory_space<hbm>> -> memref<6250x128xf32, #tpu.memory_space<hbm>>
      tpu.enqueue_indirect_dma source(%dma_start3A_211 : memref<6250x128xf32, #tpu.memory_space<hbm>>) target(%dma_start3A_205 : memref<128x128xf32, #tpu.memory_space<vmem>>) offsets(%dma_start3A_208 : memref<128xi32, #tpu.memory_space<vmem>>) semaphore(%arg13 : memref<!tpu.dma_semaphore, #tpu.memory_space<semaphore_mem>>)
      %add3A_212 = arith.constant 3 : i32
      %add3A_213 = arith.addi %mul3A_118, %add3A_212 : i32
      %dma_wait3A_214 = arith.constant 3 : i32
      %dma_wait3A_215 = arith.constant 0 : i32
      %dma_wait3A_216 = arith.constant 0 : i32
      %dma_wait3A_217 = tpu.memref_slice %arg9[%dma_wait3A_214, %dma_wait3A_215, %dma_wait3A_216] : memref<4x128x128xf32, #tpu.memory_space<vmem>> -> memref<1x128x128xf32, #tpu.memory_space<vmem>>
      %dma_wait3A_218 = tpu.memref_squeeze %dma_wait3A_217 : memref<1x128x128xf32, #tpu.memory_space<vmem>> -> memref<128x128xf32, #tpu.memory_space<vmem>>
      %dma_wait3A_219 = arith.constant 0 : i32
      %dma_wait3A_220 = tpu.memref_slice %arg7[%add3A_213, %dma_wait3A_219] : memref<28x128xi32, #tpu.memory_space<vmem>> -> memref<1x128xi32, #tpu.memory_space<vmem>>
      %dma_wait3A_221 = tpu.memref_squeeze %dma_wait3A_220 : memref<1x128xi32, #tpu.memory_space<vmem>> -> memref<128xi32, #tpu.memory_space<vmem>>
      %dma_wait3A_222 = arith.constant 0 : i32
      %dma_wait3A_223 = arith.constant 0 : i32
      %dma_wait3A_224 = tpu.memref_slice %arg2[%dma_wait3A_222, %dma_wait3A_223] : memref<6250x128xf32, #tpu.memory_space<hbm>> -> memref<6250x128xf32, #tpu.memory_space<hbm>>
      tpu.wait_indirect_dma semaphore(%arg14 : memref<!tpu.dma_semaphore, #tpu.memory_space<semaphore_mem>>) src(%dma_wait3A_224 : memref<6250x128xf32, #tpu.memory_space<hbm>>) dst(%dma_wait3A_218 : memref<128x128xf32, #tpu.memory_space<vmem>>)
      %add3A_225 = arith.constant 3 : i32
      %add3A_226 = arith.addi %mul3A_118, %add3A_225 : i32
      %run_scoped3A_227 = arith.constant 3 : i32
      "tpu.region"() ({
        %run_scoped3A_243 = tpu.sem_alloc : memref<!tpu.dma_semaphore, #tpu.memory_space<semaphore_mem>>
        %dma_start3A_244 = arith.constant 0 : i32
        %dma_start3A_245 = arith.constant 0 : i32
        %dma_start3A_246 = tpu.memref_slice %arg9[%run_scoped3A_227, %dma_start3A_244, %dma_start3A_245] : memref<4x128x128xf32, #tpu.memory_space<vmem>> -> memref<1x128x128xf32, #tpu.memory_space<vmem>>
        %dma_start3A_247 = tpu.memref_squeeze %dma_start3A_246 : memref<1x128x128xf32, #tpu.memory_space<vmem>> -> memref<128x128xf32, #tpu.memory_space<vmem>>
        %dma_start3A_248 = arith.constant 0 : i32
        %dma_start3A_249 = tpu.memref_slice %arg8[%add3A_226, %dma_start3A_248] : memref<28x128xi32, #tpu.memory_space<vmem>> -> memref<1x128xi32, #tpu.memory_space<vmem>>
        %dma_start3A_250 = tpu.memref_squeeze %dma_start3A_249 : memref<1x128xi32, #tpu.memory_space<vmem>> -> memref<128xi32, #tpu.memory_space<vmem>>
        %dma_start3A_251 = arith.constant 0 : i32
        %dma_start3A_252 = arith.constant 0 : i32
        %dma_start3A_253 = tpu.memref_slice %arg10[%dma_start3A_251, %dma_start3A_252] : memref<6400x128xf32, #tpu.memory_space<vmem_shared>> -> memref<6400x128xf32, #tpu.memory_space<vmem_shared>>
        tpu.enqueue_indirect_dma source(%dma_start3A_247 : memref<128x128xf32, #tpu.memory_space<vmem>>) target(%dma_start3A_253 : memref<6400x128xf32, #tpu.memory_space<vmem_shared>>) offsets(%dma_start3A_250 : memref<128xi32, #tpu.memory_space<vmem>>) semaphore(%run_scoped3A_243 : memref<!tpu.dma_semaphore, #tpu.memory_space<semaphore_mem>>) {add = true}
        %dma_wait3A_254 = arith.constant 0 : i32
        %dma_wait3A_255 = arith.constant 0 : i32
        %dma_wait3A_256 = tpu.memref_slice %arg9[%run_scoped3A_227, %dma_wait3A_254, %dma_wait3A_255] : memref<4x128x128xf32, #tpu.memory_space<vmem>> -> memref<1x128x128xf32, #tpu.memory_space<vmem>>
        %dma_wait3A_257 = tpu.memref_squeeze %dma_wait3A_256 : memref<1x128x128xf32, #tpu.memory_space<vmem>> -> memref<128x128xf32, #tpu.memory_space<vmem>>
        %dma_wait3A_258 = arith.constant 0 : i32
        %dma_wait3A_259 = tpu.memref_slice %arg8[%add3A_226, %dma_wait3A_258] : memref<28x128xi32, #tpu.memory_space<vmem>> -> memref<1x128xi32, #tpu.memory_space<vmem>>
        %dma_wait3A_260 = tpu.memref_squeeze %dma_wait3A_259 : memref<1x128xi32, #tpu.memory_space<vmem>> -> memref<128xi32, #tpu.memory_space<vmem>>
        %dma_wait3A_261 = arith.constant 0 : i32
        %dma_wait3A_262 = arith.constant 0 : i32
        %dma_wait3A_263 = tpu.memref_slice %arg10[%dma_wait3A_261, %dma_wait3A_262] : memref<6400x128xf32, #tpu.memory_space<vmem_shared>> -> memref<6400x128xf32, #tpu.memory_space<vmem_shared>>
        tpu.wait_indirect_dma semaphore(%run_scoped3A_243 : memref<!tpu.dma_semaphore, #tpu.memory_space<semaphore_mem>>) src(%dma_wait3A_257 : memref<128x128xf32, #tpu.memory_space<vmem>>) dst(%dma_wait3A_263 : memref<6400x128xf32, #tpu.memory_space<vmem_shared>>)
        tpu.yield
      }) : () -> ()
      %add3A_228 = arith.constant 3 : i32
      %add3A_229 = arith.addi %mul3A_118, %add3A_228 : i32
      %add3A_230 = arith.constant 4 : i32
      %add3A_231 = arith.addi %add3A_229, %add3A_230 : i32
      %dma_start3A_232 = arith.constant 3 : i32
      %dma_start3A_233 = arith.constant 0 : i32
      %dma_start3A_234 = arith.constant 0 : i32
      %dma_start3A_235 = tpu.memref_slice %arg9[%dma_start3A_232, %dma_start3A_233, %dma_start3A_234] : memref<4x128x128xf32, #tpu.memory_space<vmem>> -> memref<1x128x128xf32, #tpu.memory_space<vmem>>
      %dma_start3A_236 = tpu.memref_squeeze %dma_start3A_235 : memref<1x128x128xf32, #tpu.memory_space<vmem>> -> memref<128x128xf32, #tpu.memory_space<vmem>>
      %dma_start3A_237 = arith.constant 0 : i32
      %dma_start3A_238 = tpu.memref_slice %arg7[%add3A_231, %dma_start3A_237] : memref<28x128xi32, #tpu.memory_space<vmem>> -> memref<1x128xi32, #tpu.memory_space<vmem>>
      %dma_start3A_239 = tpu.memref_squeeze %dma_start3A_238 : memref<1x128xi32, #tpu.memory_space<vmem>> -> memref<128xi32, #tpu.memory_space<vmem>>
      %dma_start3A_240 = arith.constant 0 : i32
      %dma_start3A_241 = arith.constant 0 : i32
      %dma_start3A_242 = tpu.memref_slice %arg2[%dma_start3A_240, %dma_start3A_241] : memref<6250x128xf32, #tpu.memory_space<hbm>> -> memref<6250x128xf32, #tpu.memory_space<hbm>>
      tpu.enqueue_indirect_dma source(%dma_start3A_242 : memref<6250x128xf32, #tpu.memory_space<hbm>>) target(%dma_start3A_236 : memref<128x128xf32, #tpu.memory_space<vmem>>) offsets(%dma_start3A_239 : memref<128xi32, #tpu.memory_space<vmem>>) semaphore(%arg14 : memref<!tpu.dma_semaphore, #tpu.memory_space<semaphore_mem>>)
    }
    %scan3A_56 = arith.constant 6 : i32
    %dma_wait3A = arith.constant 24 : i32
    %dma_wait3A_57 = arith.constant 0 : i32
    %dma_wait3A_58 = arith.constant 0 : i32
    %dma_wait3A_59 = arith.constant 0 : i32
    %dma_wait3A_60 = tpu.memref_slice %arg9[%dma_wait3A_57, %dma_wait3A_58, %dma_wait3A_59] : memref<4x128x128xf32, #tpu.memory_space<vmem>> -> memref<1x128x128xf32, #tpu.memory_space<vmem>>
    %dma_wait3A_61 = tpu.memref_squeeze %dma_wait3A_60 : memref<1x128x128xf32, #tpu.memory_space<vmem>> -> memref<128x128xf32, #tpu.memory_space<vmem>>
    %dma_wait3A_62 = arith.constant 0 : i32
    %dma_wait3A_63 = tpu.memref_slice %arg7[%dma_wait3A, %dma_wait3A_62] : memref<28x128xi32, #tpu.memory_space<vmem>> -> memref<1x128xi32, #tpu.memory_space<vmem>>
    %dma_wait3A_64 = tpu.memref_squeeze %dma_wait3A_63 : memref<1x128xi32, #tpu.memory_space<vmem>> -> memref<128xi32, #tpu.memory_space<vmem>>
    %dma_wait3A_65 = arith.constant 0 : i32
    %dma_wait3A_66 = arith.constant 0 : i32
    %dma_wait3A_67 = tpu.memref_slice %arg2[%dma_wait3A_65, %dma_wait3A_66] : memref<6250x128xf32, #tpu.memory_space<hbm>> -> memref<6250x128xf32, #tpu.memory_space<hbm>>
    tpu.wait_indirect_dma semaphore(%arg11 : memref<!tpu.dma_semaphore, #tpu.memory_space<semaphore_mem>>) src(%dma_wait3A_67 : memref<6250x128xf32, #tpu.memory_space<hbm>>) dst(%dma_wait3A_61 : memref<128x128xf32, #tpu.memory_space<vmem>>)
    %run_scoped3A = arith.constant 0 : i32
    %run_scoped3A_68 = arith.constant 24 : i32
    "tpu.region"() ({
      %run_scoped3A_116 = tpu.sem_alloc : memref<!tpu.dma_semaphore, #tpu.memory_space<semaphore_mem>>
      %dma_start3A_117 = arith.constant 0 : i32
      %dma_start3A_118 = arith.constant 0 : i32
      %dma_start3A_119 = tpu.memref_slice %arg9[%run_scoped3A, %dma_start3A_117, %dma_start3A_118] : memref<4x128x128xf32, #tpu.memory_space<vmem>> -> memref<1x128x128xf32, #tpu.memory_space<vmem>>
      %dma_start3A_120 = tpu.memref_squeeze %dma_start3A_119 : memref<1x128x128xf32, #tpu.memory_space<vmem>> -> memref<128x128xf32, #tpu.memory_space<vmem>>
      %dma_start3A_121 = arith.constant 0 : i32
      %dma_start3A_122 = tpu.memref_slice %arg8[%run_scoped3A_68, %dma_start3A_121] : memref<28x128xi32, #tpu.memory_space<vmem>> -> memref<1x128xi32, #tpu.memory_space<vmem>>
      %dma_start3A_123 = tpu.memref_squeeze %dma_start3A_122 : memref<1x128xi32, #tpu.memory_space<vmem>> -> memref<128xi32, #tpu.memory_space<vmem>>
      %dma_start3A_124 = arith.constant 0 : i32
      %dma_start3A_125 = arith.constant 0 : i32
      %dma_start3A_126 = tpu.memref_slice %arg10[%dma_start3A_124, %dma_start3A_125] : memref<6400x128xf32, #tpu.memory_space<vmem_shared>> -> memref<6400x128xf32, #tpu.memory_space<vmem_shared>>
      tpu.enqueue_indirect_dma source(%dma_start3A_120 : memref<128x128xf32, #tpu.memory_space<vmem>>) target(%dma_start3A_126 : memref<6400x128xf32, #tpu.memory_space<vmem_shared>>) offsets(%dma_start3A_123 : memref<128xi32, #tpu.memory_space<vmem>>) semaphore(%run_scoped3A_116 : memref<!tpu.dma_semaphore, #tpu.memory_space<semaphore_mem>>) {add = true}
      %dma_wait3A_127 = arith.constant 0 : i32
      %dma_wait3A_128 = arith.constant 0 : i32
      %dma_wait3A_129 = tpu.memref_slice %arg9[%run_scoped3A, %dma_wait3A_127, %dma_wait3A_128] : memref<4x128x128xf32, #tpu.memory_space<vmem>> -> memref<1x128x128xf32, #tpu.memory_space<vmem>>
      %dma_wait3A_130 = tpu.memref_squeeze %dma_wait3A_129 : memref<1x128x128xf32, #tpu.memory_space<vmem>> -> memref<128x128xf32, #tpu.memory_space<vmem>>
      %dma_wait3A_131 = arith.constant 0 : i32
      %dma_wait3A_132 = tpu.memref_slice %arg8[%run_scoped3A_68, %dma_wait3A_131] : memref<28x128xi32, #tpu.memory_space<vmem>> -> memref<1x128xi32, #tpu.memory_space<vmem>>
      %dma_wait3A_133 = tpu.memref_squeeze %dma_wait3A_132 : memref<1x128xi32, #tpu.memory_space<vmem>> -> memref<128xi32, #tpu.memory_space<vmem>>
      %dma_wait3A_134 = arith.constant 0 : i32
      %dma_wait3A_135 = arith.constant 0 : i32
      %dma_wait3A_136 = tpu.memref_slice %arg10[%dma_wait3A_134, %dma_wait3A_135] : memref<6400x128xf32, #tpu.memory_space<vmem_shared>> -> memref<6400x128xf32, #tpu.memory_space<vmem_shared>>
      tpu.wait_indirect_dma semaphore(%run_scoped3A_116 : memref<!tpu.dma_semaphore, #tpu.memory_space<semaphore_mem>>) src(%dma_wait3A_130 : memref<128x128xf32, #tpu.memory_space<vmem>>) dst(%dma_wait3A_136 : memref<6400x128xf32, #tpu.memory_space<vmem_shared>>)
      tpu.yield
    }) : () -> ()
    %dma_wait3A_69 = arith.constant 25 : i32
    %dma_wait3A_70 = arith.constant 1 : i32
    %dma_wait3A_71 = arith.constant 0 : i32
    %dma_wait3A_72 = arith.constant 0 : i32
    %dma_wait3A_73 = tpu.memref_slice %arg9[%dma_wait3A_70, %dma_wait3A_71, %dma_wait3A_72] : memref<4x128x128xf32, #tpu.memory_space<vmem>> -> memref<1x128x128xf32, #tpu.memory_space<vmem>>
    %dma_wait3A_74 = tpu.memref_squeeze %dma_wait3A_73 : memref<1x128x128xf32, #tpu.memory_space<vmem>> -> memref<128x128xf32, #tpu.memory_space<vmem>>
    %dma_wait3A_75 = arith.constant 0 : i32
    %dma_wait3A_76 = tpu.memref_slice %arg7[%dma_wait3A_69, %dma_wait3A_75] : memref<28x128xi32, #tpu.memory_space<vmem>> -> memref<1x128xi32, #tpu.memory_space<vmem>>
    %dma_wait3A_77 = tpu.memref_squeeze %dma_wait3A_76 : memref<1x128xi32, #tpu.memory_space<vmem>> -> memref<128xi32, #tpu.memory_space<vmem>>
    %dma_wait3A_78 = arith.constant 0 : i32
    %dma_wait3A_79 = arith.constant 0 : i32
    %dma_wait3A_80 = tpu.memref_slice %arg2[%dma_wait3A_78, %dma_wait3A_79] : memref<6250x128xf32, #tpu.memory_space<hbm>> -> memref<6250x128xf32, #tpu.memory_space<hbm>>
    tpu.wait_indirect_dma semaphore(%arg12 : memref<!tpu.dma_semaphore, #tpu.memory_space<semaphore_mem>>) src(%dma_wait3A_80 : memref<6250x128xf32, #tpu.memory_space<hbm>>) dst(%dma_wait3A_74 : memref<128x128xf32, #tpu.memory_space<vmem>>)
    %run_scoped3A_81 = arith.constant 1 : i32
    %run_scoped3A_82 = arith.constant 25 : i32
    "tpu.region"() ({
      %run_scoped3A_116 = tpu.sem_alloc : memref<!tpu.dma_semaphore, #tpu.memory_space<semaphore_mem>>
      %dma_start3A_117 = arith.constant 0 : i32
      %dma_start3A_118 = arith.constant 0 : i32
      %dma_start3A_119 = tpu.memref_slice %arg9[%run_scoped3A_81, %dma_start3A_117, %dma_start3A_118] : memref<4x128x128xf32, #tpu.memory_space<vmem>> -> memref<1x128x128xf32, #tpu.memory_space<vmem>>
      %dma_start3A_120 = tpu.memref_squeeze %dma_start3A_119 : memref<1x128x128xf32, #tpu.memory_space<vmem>> -> memref<128x128xf32, #tpu.memory_space<vmem>>
      %dma_start3A_121 = arith.constant 0 : i32
      %dma_start3A_122 = tpu.memref_slice %arg8[%run_scoped3A_82, %dma_start3A_121] : memref<28x128xi32, #tpu.memory_space<vmem>> -> memref<1x128xi32, #tpu.memory_space<vmem>>
      %dma_start3A_123 = tpu.memref_squeeze %dma_start3A_122 : memref<1x128xi32, #tpu.memory_space<vmem>> -> memref<128xi32, #tpu.memory_space<vmem>>
      %dma_start3A_124 = arith.constant 0 : i32
      %dma_start3A_125 = arith.constant 0 : i32
      %dma_start3A_126 = tpu.memref_slice %arg10[%dma_start3A_124, %dma_start3A_125] : memref<6400x128xf32, #tpu.memory_space<vmem_shared>> -> memref<6400x128xf32, #tpu.memory_space<vmem_shared>>
      tpu.enqueue_indirect_dma source(%dma_start3A_120 : memref<128x128xf32, #tpu.memory_space<vmem>>) target(%dma_start3A_126 : memref<6400x128xf32, #tpu.memory_space<vmem_shared>>) offsets(%dma_start3A_123 : memref<128xi32, #tpu.memory_space<vmem>>) semaphore(%run_scoped3A_116 : memref<!tpu.dma_semaphore, #tpu.memory_space<semaphore_mem>>) {add = true}
      %dma_wait3A_127 = arith.constant 0 : i32
      %dma_wait3A_128 = arith.constant 0 : i32
      %dma_wait3A_129 = tpu.memref_slice %arg9[%run_scoped3A_81, %dma_wait3A_127, %dma_wait3A_128] : memref<4x128x128xf32, #tpu.memory_space<vmem>> -> memref<1x128x128xf32, #tpu.memory_space<vmem>>
      %dma_wait3A_130 = tpu.memref_squeeze %dma_wait3A_129 : memref<1x128x128xf32, #tpu.memory_space<vmem>> -> memref<128x128xf32, #tpu.memory_space<vmem>>
      %dma_wait3A_131 = arith.constant 0 : i32
      %dma_wait3A_132 = tpu.memref_slice %arg8[%run_scoped3A_82, %dma_wait3A_131] : memref<28x128xi32, #tpu.memory_space<vmem>> -> memref<1x128xi32, #tpu.memory_space<vmem>>
      %dma_wait3A_133 = tpu.memref_squeeze %dma_wait3A_132 : memref<1x128xi32, #tpu.memory_space<vmem>> -> memref<128xi32, #tpu.memory_space<vmem>>
      %dma_wait3A_134 = arith.constant 0 : i32
      %dma_wait3A_135 = arith.constant 0 : i32
      %dma_wait3A_136 = tpu.memref_slice %arg10[%dma_wait3A_134, %dma_wait3A_135] : memref<6400x128xf32, #tpu.memory_space<vmem_shared>> -> memref<6400x128xf32, #tpu.memory_space<vmem_shared>>
      tpu.wait_indirect_dma semaphore(%run_scoped3A_116 : memref<!tpu.dma_semaphore, #tpu.memory_space<semaphore_mem>>) src(%dma_wait3A_130 : memref<128x128xf32, #tpu.memory_space<vmem>>) dst(%dma_wait3A_136 : memref<6400x128xf32, #tpu.memory_space<vmem_shared>>)
      tpu.yield
    }) : () -> ()
    %dma_wait3A_83 = arith.constant 26 : i32
    %dma_wait3A_84 = arith.constant 2 : i32
    %dma_wait3A_85 = arith.constant 0 : i32
    %dma_wait3A_86 = arith.constant 0 : i32
    %dma_wait3A_87 = tpu.memref_slice %arg9[%dma_wait3A_84, %dma_wait3A_85, %dma_wait3A_86] : memref<4x128x128xf32, #tpu.memory_space<vmem>> -> memref<1x128x128xf32, #tpu.memory_space<vmem>>
    %dma_wait3A_88 = tpu.memref_squeeze %dma_wait3A_87 : memref<1x128x128xf32, #tpu.memory_space<vmem>> -> memref<128x128xf32, #tpu.memory_space<vmem>>
    %dma_wait3A_89 = arith.constant 0 : i32
    %dma_wait3A_90 = tpu.memref_slice %arg7[%dma_wait3A_83, %dma_wait3A_89] : memref<28x128xi32, #tpu.memory_space<vmem>> -> memref<1x128xi32, #tpu.memory_space<vmem>>
    %dma_wait3A_91 = tpu.memref_squeeze %dma_wait3A_90 : memref<1x128xi32, #tpu.memory_space<vmem>> -> memref<128xi32, #tpu.memory_space<vmem>>
    %dma_wait3A_92 = arith.constant 0 : i32
    %dma_wait3A_93 = arith.constant 0 : i32
    %dma_wait3A_94 = tpu.memref_slice %arg2[%dma_wait3A_92, %dma_wait3A_93] : memref<6250x128xf32, #tpu.memory_space<hbm>> -> memref<6250x128xf32, #tpu.memory_space<hbm>>
    tpu.wait_indirect_dma semaphore(%arg13 : memref<!tpu.dma_semaphore, #tpu.memory_space<semaphore_mem>>) src(%dma_wait3A_94 : memref<6250x128xf32, #tpu.memory_space<hbm>>) dst(%dma_wait3A_88 : memref<128x128xf32, #tpu.memory_space<vmem>>)
    %run_scoped3A_95 = arith.constant 2 : i32
    %run_scoped3A_96 = arith.constant 26 : i32
    "tpu.region"() ({
      %run_scoped3A_116 = tpu.sem_alloc : memref<!tpu.dma_semaphore, #tpu.memory_space<semaphore_mem>>
      %dma_start3A_117 = arith.constant 0 : i32
      %dma_start3A_118 = arith.constant 0 : i32
      %dma_start3A_119 = tpu.memref_slice %arg9[%run_scoped3A_95, %dma_start3A_117, %dma_start3A_118] : memref<4x128x128xf32, #tpu.memory_space<vmem>> -> memref<1x128x128xf32, #tpu.memory_space<vmem>>
      %dma_start3A_120 = tpu.memref_squeeze %dma_start3A_119 : memref<1x128x128xf32, #tpu.memory_space<vmem>> -> memref<128x128xf32, #tpu.memory_space<vmem>>
      %dma_start3A_121 = arith.constant 0 : i32
      %dma_start3A_122 = tpu.memref_slice %arg8[%run_scoped3A_96, %dma_start3A_121] : memref<28x128xi32, #tpu.memory_space<vmem>> -> memref<1x128xi32, #tpu.memory_space<vmem>>
      %dma_start3A_123 = tpu.memref_squeeze %dma_start3A_122 : memref<1x128xi32, #tpu.memory_space<vmem>> -> memref<128xi32, #tpu.memory_space<vmem>>
      %dma_start3A_124 = arith.constant 0 : i32
      %dma_start3A_125 = arith.constant 0 : i32
      %dma_start3A_126 = tpu.memref_slice %arg10[%dma_start3A_124, %dma_start3A_125] : memref<6400x128xf32, #tpu.memory_space<vmem_shared>> -> memref<6400x128xf32, #tpu.memory_space<vmem_shared>>
      tpu.enqueue_indirect_dma source(%dma_start3A_120 : memref<128x128xf32, #tpu.memory_space<vmem>>) target(%dma_start3A_126 : memref<6400x128xf32, #tpu.memory_space<vmem_shared>>) offsets(%dma_start3A_123 : memref<128xi32, #tpu.memory_space<vmem>>) semaphore(%run_scoped3A_116 : memref<!tpu.dma_semaphore, #tpu.memory_space<semaphore_mem>>) {add = true}
      %dma_wait3A_127 = arith.constant 0 : i32
      %dma_wait3A_128 = arith.constant 0 : i32
      %dma_wait3A_129 = tpu.memref_slice %arg9[%run_scoped3A_95, %dma_wait3A_127, %dma_wait3A_128] : memref<4x128x128xf32, #tpu.memory_space<vmem>> -> memref<1x128x128xf32, #tpu.memory_space<vmem>>
      %dma_wait3A_130 = tpu.memref_squeeze %dma_wait3A_129 : memref<1x128x128xf32, #tpu.memory_space<vmem>> -> memref<128x128xf32, #tpu.memory_space<vmem>>
      %dma_wait3A_131 = arith.constant 0 : i32
      %dma_wait3A_132 = tpu.memref_slice %arg8[%run_scoped3A_96, %dma_wait3A_131] : memref<28x128xi32, #tpu.memory_space<vmem>> -> memref<1x128xi32, #tpu.memory_space<vmem>>
      %dma_wait3A_133 = tpu.memref_squeeze %dma_wait3A_132 : memref<1x128xi32, #tpu.memory_space<vmem>> -> memref<128xi32, #tpu.memory_space<vmem>>
      %dma_wait3A_134 = arith.constant 0 : i32
      %dma_wait3A_135 = arith.constant 0 : i32
      %dma_wait3A_136 = tpu.memref_slice %arg10[%dma_wait3A_134, %dma_wait3A_135] : memref<6400x128xf32, #tpu.memory_space<vmem_shared>> -> memref<6400x128xf32, #tpu.memory_space<vmem_shared>>
      tpu.wait_indirect_dma semaphore(%run_scoped3A_116 : memref<!tpu.dma_semaphore, #tpu.memory_space<semaphore_mem>>) src(%dma_wait3A_130 : memref<128x128xf32, #tpu.memory_space<vmem>>) dst(%dma_wait3A_136 : memref<6400x128xf32, #tpu.memory_space<vmem_shared>>)
      tpu.yield
    }) : () -> ()
    %dma_wait3A_97 = arith.constant 27 : i32
    %dma_wait3A_98 = arith.constant 3 : i32
    %dma_wait3A_99 = arith.constant 0 : i32
    %dma_wait3A_100 = arith.constant 0 : i32
    %dma_wait3A_101 = tpu.memref_slice %arg9[%dma_wait3A_98, %dma_wait3A_99, %dma_wait3A_100] : memref<4x128x128xf32, #tpu.memory_space<vmem>> -> memref<1x128x128xf32, #tpu.memory_space<vmem>>
    %dma_wait3A_102 = tpu.memref_squeeze %dma_wait3A_101 : memref<1x128x128xf32, #tpu.memory_space<vmem>> -> memref<128x128xf32, #tpu.memory_space<vmem>>
    %dma_wait3A_103 = arith.constant 0 : i32
    %dma_wait3A_104 = tpu.memref_slice %arg7[%dma_wait3A_97, %dma_wait3A_103] : memref<28x128xi32, #tpu.memory_space<vmem>> -> memref<1x128xi32, #tpu.memory_space<vmem>>
    %dma_wait3A_105 = tpu.memref_squeeze %dma_wait3A_104 : memref<1x128xi32, #tpu.memory_space<vmem>> -> memref<128xi32, #tpu.memory_space<vmem>>
    %dma_wait3A_106 = arith.constant 0 : i32
    %dma_wait3A_107 = arith.constant 0 : i32
    %dma_wait3A_108 = tpu.memref_slice %arg2[%dma_wait3A_106, %dma_wait3A_107] : memref<6250x128xf32, #tpu.memory_space<hbm>> -> memref<6250x128xf32, #tpu.memory_space<hbm>>
    tpu.wait_indirect_dma semaphore(%arg14 : memref<!tpu.dma_semaphore, #tpu.memory_space<semaphore_mem>>) src(%dma_wait3A_108 : memref<6250x128xf32, #tpu.memory_space<hbm>>) dst(%dma_wait3A_102 : memref<128x128xf32, #tpu.memory_space<vmem>>)
    %run_scoped3A_109 = arith.constant 3 : i32
    %run_scoped3A_110 = arith.constant 27 : i32
    "tpu.region"() ({
      %run_scoped3A_116 = tpu.sem_alloc : memref<!tpu.dma_semaphore, #tpu.memory_space<semaphore_mem>>
      %dma_start3A_117 = arith.constant 0 : i32
      %dma_start3A_118 = arith.constant 0 : i32
      %dma_start3A_119 = tpu.memref_slice %arg9[%run_scoped3A_109, %dma_start3A_117, %dma_start3A_118] : memref<4x128x128xf32, #tpu.memory_space<vmem>> -> memref<1x128x128xf32, #tpu.memory_space<vmem>>
      %dma_start3A_120 = tpu.memref_squeeze %dma_start3A_119 : memref<1x128x128xf32, #tpu.memory_space<vmem>> -> memref<128x128xf32, #tpu.memory_space<vmem>>
      %dma_start3A_121 = arith.constant 0 : i32
      %dma_start3A_122 = tpu.memref_slice %arg8[%run_scoped3A_110, %dma_start3A_121] : memref<28x128xi32, #tpu.memory_space<vmem>> -> memref<1x128xi32, #tpu.memory_space<vmem>>
      %dma_start3A_123 = tpu.memref_squeeze %dma_start3A_122 : memref<1x128xi32, #tpu.memory_space<vmem>> -> memref<128xi32, #tpu.memory_space<vmem>>
      %dma_start3A_124 = arith.constant 0 : i32
      %dma_start3A_125 = arith.constant 0 : i32
      %dma_start3A_126 = tpu.memref_slice %arg10[%dma_start3A_124, %dma_start3A_125] : memref<6400x128xf32, #tpu.memory_space<vmem_shared>> -> memref<6400x128xf32, #tpu.memory_space<vmem_shared>>
      tpu.enqueue_indirect_dma source(%dma_start3A_120 : memref<128x128xf32, #tpu.memory_space<vmem>>) target(%dma_start3A_126 : memref<6400x128xf32, #tpu.memory_space<vmem_shared>>) offsets(%dma_start3A_123 : memref<128xi32, #tpu.memory_space<vmem>>) semaphore(%run_scoped3A_116 : memref<!tpu.dma_semaphore, #tpu.memory_space<semaphore_mem>>) {add = true}
      %dma_wait3A_127 = arith.constant 0 : i32
      %dma_wait3A_128 = arith.constant 0 : i32
      %dma_wait3A_129 = tpu.memref_slice %arg9[%run_scoped3A_109, %dma_wait3A_127, %dma_wait3A_128] : memref<4x128x128xf32, #tpu.memory_space<vmem>> -> memref<1x128x128xf32, #tpu.memory_space<vmem>>
      %dma_wait3A_130 = tpu.memref_squeeze %dma_wait3A_129 : memref<1x128x128xf32, #tpu.memory_space<vmem>> -> memref<128x128xf32, #tpu.memory_space<vmem>>
      %dma_wait3A_131 = arith.constant 0 : i32
      %dma_wait3A_132 = tpu.memref_slice %arg8[%run_scoped3A_110, %dma_wait3A_131] : memref<28x128xi32, #tpu.memory_space<vmem>> -> memref<1x128xi32, #tpu.memory_space<vmem>>
      %dma_wait3A_133 = tpu.memref_squeeze %dma_wait3A_132 : memref<1x128xi32, #tpu.memory_space<vmem>> -> memref<128xi32, #tpu.memory_space<vmem>>
      %dma_wait3A_134 = arith.constant 0 : i32
      %dma_wait3A_135 = arith.constant 0 : i32
      %dma_wait3A_136 = tpu.memref_slice %arg10[%dma_wait3A_134, %dma_wait3A_135] : memref<6400x128xf32, #tpu.memory_space<vmem_shared>> -> memref<6400x128xf32, #tpu.memory_space<vmem_shared>>
      tpu.wait_indirect_dma semaphore(%run_scoped3A_116 : memref<!tpu.dma_semaphore, #tpu.memory_space<semaphore_mem>>) src(%dma_wait3A_130 : memref<128x128xf32, #tpu.memory_space<vmem>>) dst(%dma_wait3A_136 : memref<6400x128xf32, #tpu.memory_space<vmem_shared>>)
      tpu.yield
    }) : () -> ()
    %barrier3A_111 = arith.constant 0 : index
    tpu.barrier barrier_id(%barrier3A_111)
    %mul3A_112 = arith.constant 400 : i32
    %mul3A_113 = arith.muli %arg1, %mul3A_112 : i32
    %mul3A_114 = arith.constant 400 : i32
    %mul3A_115 = arith.muli %arg1, %mul3A_114 : i32
    "tpu.region"() ({
      %run_scoped3A_116 = tpu.sem_alloc : memref<!tpu.dma_semaphore, #tpu.memory_space<semaphore_mem>>
      %dma_start3A_117 = arith.constant 0 : i32
      %dma_start3A_118 = tpu.memref_slice %arg6[%arg0, %mul3A_115, %dma_start3A_117] : memref<2x6400x128xf32, #tpu.memory_space<hbm>> -> memref<1x400x128xf32, #tpu.memory_space<hbm>>
      %dma_start3A_119 = tpu.memref_squeeze %dma_start3A_118 : memref<1x400x128xf32, #tpu.memory_space<hbm>> -> memref<400x128xf32, #tpu.memory_space<hbm>>
      %dma_start3A_120 = arith.constant 0 : i32
      %dma_start3A_121 = tpu.memref_slice %arg10[%mul3A_113, %dma_start3A_120] : memref<6400x128xf32, #tpu.memory_space<vmem_shared>> -> memref<400x128xf32, #tpu.memory_space<vmem_shared>>
      tpu.enqueue_dma source(%dma_start3A_121 : memref<400x128xf32, #tpu.memory_space<vmem_shared>>) target(%dma_start3A_119 : memref<400x128xf32, #tpu.memory_space<hbm>>) target_semaphore(%run_scoped3A_116 : memref<!tpu.dma_semaphore, #tpu.memory_space<semaphore_mem>>)
      %dma_wait3A_122 = arith.constant 0 : i32
      %dma_wait3A_123 = tpu.memref_slice %arg6[%arg0, %mul3A_115, %dma_wait3A_122] : memref<2x6400x128xf32, #tpu.memory_space<hbm>> -> memref<1x400x128xf32, #tpu.memory_space<hbm>>
      %dma_wait3A_124 = tpu.memref_squeeze %dma_wait3A_123 : memref<1x400x128xf32, #tpu.memory_space<hbm>> -> memref<400x128xf32, #tpu.memory_space<hbm>>
      %dma_wait3A_125 = arith.constant 0 : i32
      %dma_wait3A_126 = tpu.memref_slice %arg10[%mul3A_113, %dma_wait3A_125] : memref<6400x128xf32, #tpu.memory_space<vmem_shared>> -> memref<400x128xf32, #tpu.memory_space<vmem_shared>>
      tpu.wait_dma2 semaphore(%run_scoped3A_116 : memref<!tpu.dma_semaphore, #tpu.memory_space<semaphore_mem>>) src(%dma_wait3A_126 : memref<400x128xf32, #tpu.memory_space<vmem_shared>>) dst(%dma_wait3A_124 : memref<400x128xf32, #tpu.memory_space<hbm>>)
      tpu.yield
    }) : () -> ()
    return
  }
}

#map = affine_map<(d0, d1) -> (0, 0)>
#map1 = affine_map<(d0, d1) -> (0, 0, 0)>
module attributes {stable_mosaic.version = 14 : i64} {
  func.func @seg_sum(%arg0: i32, %arg1: i32, %arg2: memref<25000x32xf32, #tpu.memory_space<hbm>>, %arg3: memref<32x104x128xi32, #tpu.memory_space<hbm>>, %arg4: memref<32x104x128xi32, #tpu.memory_space<hbm>>, %arg5: memref<25088x32xf32, #tpu.memory_space<hbm>>, %arg6: memref<2x25088x32xf32, #tpu.memory_space<hbm>>, %arg7: memref<104x128xi32, #tpu.memory_space<vmem>>, %arg8: memref<104x128xi32, #tpu.memory_space<vmem>>, %arg9: memref<8x128x32xf32, #tpu.memory_space<vmem>>, %arg10: memref<25088x32xf32, #tpu.memory_space<vmem_shared>>, %arg11: memref<!tpu.dma_semaphore, #tpu.memory_space<semaphore_mem>>, %arg12: memref<!tpu.dma_semaphore, #tpu.memory_space<semaphore_mem>>, %arg13: memref<!tpu.dma_semaphore, #tpu.memory_space<semaphore_mem>>, %arg14: memref<!tpu.dma_semaphore, #tpu.memory_space<semaphore_mem>>, %arg15: memref<!tpu.dma_semaphore, #tpu.memory_space<semaphore_mem>>, %arg16: memref<!tpu.dma_semaphore, #tpu.memory_space<semaphore_mem>>, %arg17: memref<!tpu.dma_semaphore, #tpu.memory_space<semaphore_mem>>, %arg18: memref<!tpu.dma_semaphore, #tpu.memory_space<semaphore_mem>>) attributes {dimension_semantics = [#tpu.dimension_semantics<core_parallel>, #tpu.dimension_semantics<subcore_parallel>], iteration_bounds = array<i64: 2, 16>, scalar_prefetch = 0 : i64, scratch_operands = 12 : i64, tpu.core_type = #tpu.core_type<sc_vector_subcore>, window_params = [{transform_indices = #map}, {transform_indices = #map1}, {transform_indices = #map1}, {transform_indices = #map}, {transform_indices = #map1}]} {
    %mul3A = arith.constant 16 : i32
    %mul3A_0 = arith.muli %arg0, %mul3A : i32
    %add3A = arith.addi %mul3A_0, %arg1 : i32
    %mul3A_1 = arith.constant 1568 : i32
    %mul3A_2 = arith.muli %arg1, %mul3A_1 : i32
    %mul3A_3 = arith.constant 1568 : i32
    %mul3A_4 = arith.muli %arg1, %mul3A_3 : i32
    "tpu.region"() ({
      %run_scoped3A_220 = tpu.sem_alloc : memref<!tpu.dma_semaphore, #tpu.memory_space<semaphore_mem>>
      %dma_start3A_221 = arith.constant 0 : i32
      %dma_start3A_222 = tpu.memref_slice %arg10[%mul3A_4, %dma_start3A_221] : memref<25088x32xf32, #tpu.memory_space<vmem_shared>> -> memref<1568x32xf32, #tpu.memory_space<vmem_shared>>
      %dma_start3A_223 = arith.constant 0 : i32
      %dma_start3A_224 = tpu.memref_slice %arg5[%mul3A_2, %dma_start3A_223] : memref<25088x32xf32, #tpu.memory_space<hbm>> -> memref<1568x32xf32, #tpu.memory_space<hbm>>
      tpu.enqueue_dma source(%dma_start3A_224 : memref<1568x32xf32, #tpu.memory_space<hbm>>) target(%dma_start3A_222 : memref<1568x32xf32, #tpu.memory_space<vmem_shared>>) target_semaphore(%run_scoped3A_220 : memref<!tpu.dma_semaphore, #tpu.memory_space<semaphore_mem>>)
      %dma_wait3A_225 = arith.constant 0 : i32
      %dma_wait3A_226 = tpu.memref_slice %arg10[%mul3A_4, %dma_wait3A_225] : memref<25088x32xf32, #tpu.memory_space<vmem_shared>> -> memref<1568x32xf32, #tpu.memory_space<vmem_shared>>
      %dma_wait3A_227 = arith.constant 0 : i32
      %dma_wait3A_228 = tpu.memref_slice %arg5[%mul3A_2, %dma_wait3A_227] : memref<25088x32xf32, #tpu.memory_space<hbm>> -> memref<1568x32xf32, #tpu.memory_space<hbm>>
      tpu.wait_dma2 semaphore(%run_scoped3A_220 : memref<!tpu.dma_semaphore, #tpu.memory_space<semaphore_mem>>) src(%dma_wait3A_228 : memref<1568x32xf32, #tpu.memory_space<hbm>>) dst(%dma_wait3A_226 : memref<1568x32xf32, #tpu.memory_space<vmem_shared>>)
      tpu.yield
    }) : () -> ()
    "tpu.region"() ({
      %run_scoped3A_220 = tpu.sem_alloc : memref<!tpu.dma_semaphore, #tpu.memory_space<semaphore_mem>>
      %dma_start3A_221 = arith.constant 0 : i32
      %dma_start3A_222 = arith.constant 0 : i32
      %dma_start3A_223 = tpu.memref_slice %arg3[%add3A, %dma_start3A_221, %dma_start3A_222] : memref<32x104x128xi32, #tpu.memory_space<hbm>> -> memref<1x104x128xi32, #tpu.memory_space<hbm>>
      %dma_start3A_224 = tpu.memref_squeeze %dma_start3A_223 : memref<1x104x128xi32, #tpu.memory_space<hbm>> -> memref<104x128xi32, #tpu.memory_space<hbm>>
      %dma_start3A_225 = arith.constant 0 : i32
      %dma_start3A_226 = arith.constant 0 : i32
      %dma_start3A_227 = tpu.memref_slice %arg3[%add3A, %dma_start3A_225, %dma_start3A_226] : memref<32x104x128xi32, #tpu.memory_space<hbm>> -> memref<1x104x128xi32, #tpu.memory_space<hbm>>
      %dma_start3A_228 = tpu.memref_squeeze %dma_start3A_227 : memref<1x104x128xi32, #tpu.memory_space<hbm>> -> memref<104x128xi32, #tpu.memory_space<hbm>>
      tpu.enqueue_dma source(%dma_start3A_228 : memref<104x128xi32, #tpu.memory_space<hbm>>) target(%arg7 : memref<104x128xi32, #tpu.memory_space<vmem>>) target_semaphore(%run_scoped3A_220 : memref<!tpu.dma_semaphore, #tpu.memory_space<semaphore_mem>>)
      %dma_wait3A_229 = arith.constant 0 : i32
      %dma_wait3A_230 = arith.constant 0 : i32
      %dma_wait3A_231 = tpu.memref_slice %arg3[%add3A, %dma_wait3A_229, %dma_wait3A_230] : memref<32x104x128xi32, #tpu.memory_space<hbm>> -> memref<1x104x128xi32, #tpu.memory_space<hbm>>
      %dma_wait3A_232 = tpu.memref_squeeze %dma_wait3A_231 : memref<1x104x128xi32, #tpu.memory_space<hbm>> -> memref<104x128xi32, #tpu.memory_space<hbm>>
      %dma_wait3A_233 = arith.constant 0 : i32
      %dma_wait3A_234 = arith.constant 0 : i32
      %dma_wait3A_235 = tpu.memref_slice %arg3[%add3A, %dma_wait3A_233, %dma_wait3A_234] : memref<32x104x128xi32, #tpu.memory_space<hbm>> -> memref<1x104x128xi32, #tpu.memory_space<hbm>>
      %dma_wait3A_236 = tpu.memref_squeeze %dma_wait3A_235 : memref<1x104x128xi32, #tpu.memory_space<hbm>> -> memref<104x128xi32, #tpu.memory_space<hbm>>
      tpu.wait_dma2 semaphore(%run_scoped3A_220 : memref<!tpu.dma_semaphore, #tpu.memory_space<semaphore_mem>>) src(%dma_wait3A_236 : memref<104x128xi32, #tpu.memory_space<hbm>>) dst(%arg7 : memref<104x128xi32, #tpu.memory_space<vmem>>)
      tpu.yield
    }) : () -> ()
    "tpu.region"() ({
      %run_scoped3A_220 = tpu.sem_alloc : memref<!tpu.dma_semaphore, #tpu.memory_space<semaphore_mem>>
      %dma_start3A_221 = arith.constant 0 : i32
      %dma_start3A_222 = arith.constant 0 : i32
      %dma_start3A_223 = tpu.memref_slice %arg4[%add3A, %dma_start3A_221, %dma_start3A_222] : memref<32x104x128xi32, #tpu.memory_space<hbm>> -> memref<1x104x128xi32, #tpu.memory_space<hbm>>
      %dma_start3A_224 = tpu.memref_squeeze %dma_start3A_223 : memref<1x104x128xi32, #tpu.memory_space<hbm>> -> memref<104x128xi32, #tpu.memory_space<hbm>>
      %dma_start3A_225 = arith.constant 0 : i32
      %dma_start3A_226 = arith.constant 0 : i32
      %dma_start3A_227 = tpu.memref_slice %arg4[%add3A, %dma_start3A_225, %dma_start3A_226] : memref<32x104x128xi32, #tpu.memory_space<hbm>> -> memref<1x104x128xi32, #tpu.memory_space<hbm>>
      %dma_start3A_228 = tpu.memref_squeeze %dma_start3A_227 : memref<1x104x128xi32, #tpu.memory_space<hbm>> -> memref<104x128xi32, #tpu.memory_space<hbm>>
      tpu.enqueue_dma source(%dma_start3A_228 : memref<104x128xi32, #tpu.memory_space<hbm>>) target(%arg8 : memref<104x128xi32, #tpu.memory_space<vmem>>) target_semaphore(%run_scoped3A_220 : memref<!tpu.dma_semaphore, #tpu.memory_space<semaphore_mem>>)
      %dma_wait3A_229 = arith.constant 0 : i32
      %dma_wait3A_230 = arith.constant 0 : i32
      %dma_wait3A_231 = tpu.memref_slice %arg4[%add3A, %dma_wait3A_229, %dma_wait3A_230] : memref<32x104x128xi32, #tpu.memory_space<hbm>> -> memref<1x104x128xi32, #tpu.memory_space<hbm>>
      %dma_wait3A_232 = tpu.memref_squeeze %dma_wait3A_231 : memref<1x104x128xi32, #tpu.memory_space<hbm>> -> memref<104x128xi32, #tpu.memory_space<hbm>>
      %dma_wait3A_233 = arith.constant 0 : i32
      %dma_wait3A_234 = arith.constant 0 : i32
      %dma_wait3A_235 = tpu.memref_slice %arg4[%add3A, %dma_wait3A_233, %dma_wait3A_234] : memref<32x104x128xi32, #tpu.memory_space<hbm>> -> memref<1x104x128xi32, #tpu.memory_space<hbm>>
      %dma_wait3A_236 = tpu.memref_squeeze %dma_wait3A_235 : memref<1x104x128xi32, #tpu.memory_space<hbm>> -> memref<104x128xi32, #tpu.memory_space<hbm>>
      tpu.wait_dma2 semaphore(%run_scoped3A_220 : memref<!tpu.dma_semaphore, #tpu.memory_space<semaphore_mem>>) src(%dma_wait3A_236 : memref<104x128xi32, #tpu.memory_space<hbm>>) dst(%arg8 : memref<104x128xi32, #tpu.memory_space<vmem>>)
      tpu.yield
    }) : () -> ()
    %barrier3A = arith.constant 0 : index
    tpu.barrier barrier_id(%barrier3A)
    %dma_start3A = arith.constant 0 : i32
    %dma_start3A_5 = arith.constant 0 : i32
    %dma_start3A_6 = arith.constant 0 : i32
    %dma_start3A_7 = arith.constant 0 : i32
    %dma_start3A_8 = tpu.memref_slice %arg9[%dma_start3A_5, %dma_start3A_6, %dma_start3A_7] : memref<8x128x32xf32, #tpu.memory_space<vmem>> -> memref<1x128x32xf32, #tpu.memory_space<vmem>>
    %dma_start3A_9 = tpu.memref_squeeze %dma_start3A_8 : memref<1x128x32xf32, #tpu.memory_space<vmem>> -> memref<128x32xf32, #tpu.memory_space<vmem>>
    %dma_start3A_10 = arith.constant 0 : i32
    %dma_start3A_11 = tpu.memref_slice %arg7[%dma_start3A, %dma_start3A_10] : memref<104x128xi32, #tpu.memory_space<vmem>> -> memref<1x128xi32, #tpu.memory_space<vmem>>
    %dma_start3A_12 = tpu.memref_squeeze %dma_start3A_11 : memref<1x128xi32, #tpu.memory_space<vmem>> -> memref<128xi32, #tpu.memory_space<vmem>>
    %dma_start3A_13 = arith.constant 0 : i32
    %dma_start3A_14 = arith.constant 0 : i32
    %dma_start3A_15 = tpu.memref_slice %arg2[%dma_start3A_13, %dma_start3A_14] : memref<25000x32xf32, #tpu.memory_space<hbm>> -> memref<25000x32xf32, #tpu.memory_space<hbm>>
    tpu.enqueue_indirect_dma source(%dma_start3A_15 : memref<25000x32xf32, #tpu.memory_space<hbm>>) target(%dma_start3A_9 : memref<128x32xf32, #tpu.memory_space<vmem>>) offsets(%dma_start3A_12 : memref<128xi32, #tpu.memory_space<vmem>>) semaphore(%arg11 : memref<!tpu.dma_semaphore, #tpu.memory_space<semaphore_mem>>)
    %dma_start3A_16 = arith.constant 1 : i32
    %dma_start3A_17 = arith.constant 1 : i32
    %dma_start3A_18 = arith.constant 0 : i32
    %dma_start3A_19 = arith.constant 0 : i32
    %dma_start3A_20 = tpu.memref_slice %arg9[%dma_start3A_17, %dma_start3A_18, %dma_start3A_19] : memref<8x128x32xf32, #tpu.memory_space<vmem>> -> memref<1x128x32xf32, #tpu.memory_space<vmem>>
    %dma_start3A_21 = tpu.memref_squeeze %dma_start3A_20 : memref<1x128x32xf32, #tpu.memory_space<vmem>> -> memref<128x32xf32, #tpu.memory_space<vmem>>
    %dma_start3A_22 = arith.constant 0 : i32
    %dma_start3A_23 = tpu.memref_slice %arg7[%dma_start3A_16, %dma_start3A_22] : memref<104x128xi32, #tpu.memory_space<vmem>> -> memref<1x128xi32, #tpu.memory_space<vmem>>
    %dma_start3A_24 = tpu.memref_squeeze %dma_start3A_23 : memref<1x128xi32, #tpu.memory_space<vmem>> -> memref<128xi32, #tpu.memory_space<vmem>>
    %dma_start3A_25 = arith.constant 0 : i32
    %dma_start3A_26 = arith.constant 0 : i32
    %dma_start3A_27 = tpu.memref_slice %arg2[%dma_start3A_25, %dma_start3A_26] : memref<25000x32xf32, #tpu.memory_space<hbm>> -> memref<25000x32xf32, #tpu.memory_space<hbm>>
    tpu.enqueue_indirect_dma source(%dma_start3A_27 : memref<25000x32xf32, #tpu.memory_space<hbm>>) target(%dma_start3A_21 : memref<128x32xf32, #tpu.memory_space<vmem>>) offsets(%dma_start3A_24 : memref<128xi32, #tpu.memory_space<vmem>>) semaphore(%arg12 : memref<!tpu.dma_semaphore, #tpu.memory_space<semaphore_mem>>)
    %dma_start3A_28 = arith.constant 2 : i32
    %dma_start3A_29 = arith.constant 2 : i32
    %dma_start3A_30 = arith.constant 0 : i32
    %dma_start3A_31 = arith.constant 0 : i32
    %dma_start3A_32 = tpu.memref_slice %arg9[%dma_start3A_29, %dma_start3A_30, %dma_start3A_31] : memref<8x128x32xf32, #tpu.memory_space<vmem>> -> memref<1x128x32xf32, #tpu.memory_space<vmem>>
    %dma_start3A_33 = tpu.memref_squeeze %dma_start3A_32 : memref<1x128x32xf32, #tpu.memory_space<vmem>> -> memref<128x32xf32, #tpu.memory_space<vmem>>
    %dma_start3A_34 = arith.constant 0 : i32
    %dma_start3A_35 = tpu.memref_slice %arg7[%dma_start3A_28, %dma_start3A_34] : memref<104x128xi32, #tpu.memory_space<vmem>> -> memref<1x128xi32, #tpu.memory_space<vmem>>
    %dma_start3A_36 = tpu.memref_squeeze %dma_start3A_35 : memref<1x128xi32, #tpu.memory_space<vmem>> -> memref<128xi32, #tpu.memory_space<vmem>>
    %dma_start3A_37 = arith.constant 0 : i32
    %dma_start3A_38 = arith.constant 0 : i32
    %dma_start3A_39 = tpu.memref_slice %arg2[%dma_start3A_37, %dma_start3A_38] : memref<25000x32xf32, #tpu.memory_space<hbm>> -> memref<25000x32xf32, #tpu.memory_space<hbm>>
    tpu.enqueue_indirect_dma source(%dma_start3A_39 : memref<25000x32xf32, #tpu.memory_space<hbm>>) target(%dma_start3A_33 : memref<128x32xf32, #tpu.memory_space<vmem>>) offsets(%dma_start3A_36 : memref<128xi32, #tpu.memory_space<vmem>>) semaphore(%arg13 : memref<!tpu.dma_semaphore, #tpu.memory_space<semaphore_mem>>)
    %dma_start3A_40 = arith.constant 3 : i32
    %dma_start3A_41 = arith.constant 3 : i32
    %dma_start3A_42 = arith.constant 0 : i32
    %dma_start3A_43 = arith.constant 0 : i32
    %dma_start3A_44 = tpu.memref_slice %arg9[%dma_start3A_41, %dma_start3A_42, %dma_start3A_43] : memref<8x128x32xf32, #tpu.memory_space<vmem>> -> memref<1x128x32xf32, #tpu.memory_space<vmem>>
    %dma_start3A_45 = tpu.memref_squeeze %dma_start3A_44 : memref<1x128x32xf32, #tpu.memory_space<vmem>> -> memref<128x32xf32, #tpu.memory_space<vmem>>
    %dma_start3A_46 = arith.constant 0 : i32
    %dma_start3A_47 = tpu.memref_slice %arg7[%dma_start3A_40, %dma_start3A_46] : memref<104x128xi32, #tpu.memory_space<vmem>> -> memref<1x128xi32, #tpu.memory_space<vmem>>
    %dma_start3A_48 = tpu.memref_squeeze %dma_start3A_47 : memref<1x128xi32, #tpu.memory_space<vmem>> -> memref<128xi32, #tpu.memory_space<vmem>>
    %dma_start3A_49 = arith.constant 0 : i32
    %dma_start3A_50 = arith.constant 0 : i32
    %dma_start3A_51 = tpu.memref_slice %arg2[%dma_start3A_49, %dma_start3A_50] : memref<25000x32xf32, #tpu.memory_space<hbm>> -> memref<25000x32xf32, #tpu.memory_space<hbm>>
    tpu.enqueue_indirect_dma source(%dma_start3A_51 : memref<25000x32xf32, #tpu.memory_space<hbm>>) target(%dma_start3A_45 : memref<128x32xf32, #tpu.memory_space<vmem>>) offsets(%dma_start3A_48 : memref<128xi32, #tpu.memory_space<vmem>>) semaphore(%arg14 : memref<!tpu.dma_semaphore, #tpu.memory_space<semaphore_mem>>)
    %dma_start3A_52 = arith.constant 4 : i32
    %dma_start3A_53 = arith.constant 4 : i32
    %dma_start3A_54 = arith.constant 0 : i32
    %dma_start3A_55 = arith.constant 0 : i32
    %dma_start3A_56 = tpu.memref_slice %arg9[%dma_start3A_53, %dma_start3A_54, %dma_start3A_55] : memref<8x128x32xf32, #tpu.memory_space<vmem>> -> memref<1x128x32xf32, #tpu.memory_space<vmem>>
    %dma_start3A_57 = tpu.memref_squeeze %dma_start3A_56 : memref<1x128x32xf32, #tpu.memory_space<vmem>> -> memref<128x32xf32, #tpu.memory_space<vmem>>
    %dma_start3A_58 = arith.constant 0 : i32
    %dma_start3A_59 = tpu.memref_slice %arg7[%dma_start3A_52, %dma_start3A_58] : memref<104x128xi32, #tpu.memory_space<vmem>> -> memref<1x128xi32, #tpu.memory_space<vmem>>
    %dma_start3A_60 = tpu.memref_squeeze %dma_start3A_59 : memref<1x128xi32, #tpu.memory_space<vmem>> -> memref<128xi32, #tpu.memory_space<vmem>>
    %dma_start3A_61 = arith.constant 0 : i32
    %dma_start3A_62 = arith.constant 0 : i32
    %dma_start3A_63 = tpu.memref_slice %arg2[%dma_start3A_61, %dma_start3A_62] : memref<25000x32xf32, #tpu.memory_space<hbm>> -> memref<25000x32xf32, #tpu.memory_space<hbm>>
    tpu.enqueue_indirect_dma source(%dma_start3A_63 : memref<25000x32xf32, #tpu.memory_space<hbm>>) target(%dma_start3A_57 : memref<128x32xf32, #tpu.memory_space<vmem>>) offsets(%dma_start3A_60 : memref<128xi32, #tpu.memory_space<vmem>>) semaphore(%arg15 : memref<!tpu.dma_semaphore, #tpu.memory_space<semaphore_mem>>)
    %dma_start3A_64 = arith.constant 5 : i32
    %dma_start3A_65 = arith.constant 5 : i32
    %dma_start3A_66 = arith.constant 0 : i32
    %dma_start3A_67 = arith.constant 0 : i32
    %dma_start3A_68 = tpu.memref_slice %arg9[%dma_start3A_65, %dma_start3A_66, %dma_start3A_67] : memref<8x128x32xf32, #tpu.memory_space<vmem>> -> memref<1x128x32xf32, #tpu.memory_space<vmem>>
    %dma_start3A_69 = tpu.memref_squeeze %dma_start3A_68 : memref<1x128x32xf32, #tpu.memory_space<vmem>> -> memref<128x32xf32, #tpu.memory_space<vmem>>
    %dma_start3A_70 = arith.constant 0 : i32
    %dma_start3A_71 = tpu.memref_slice %arg7[%dma_start3A_64, %dma_start3A_70] : memref<104x128xi32, #tpu.memory_space<vmem>> -> memref<1x128xi32, #tpu.memory_space<vmem>>
    %dma_start3A_72 = tpu.memref_squeeze %dma_start3A_71 : memref<1x128xi32, #tpu.memory_space<vmem>> -> memref<128xi32, #tpu.memory_space<vmem>>
    %dma_start3A_73 = arith.constant 0 : i32
    %dma_start3A_74 = arith.constant 0 : i32
    %dma_start3A_75 = tpu.memref_slice %arg2[%dma_start3A_73, %dma_start3A_74] : memref<25000x32xf32, #tpu.memory_space<hbm>> -> memref<25000x32xf32, #tpu.memory_space<hbm>>
    tpu.enqueue_indirect_dma source(%dma_start3A_75 : memref<25000x32xf32, #tpu.memory_space<hbm>>) target(%dma_start3A_69 : memref<128x32xf32, #tpu.memory_space<vmem>>) offsets(%dma_start3A_72 : memref<128xi32, #tpu.memory_space<vmem>>) semaphore(%arg16 : memref<!tpu.dma_semaphore, #tpu.memory_space<semaphore_mem>>)
    %dma_start3A_76 = arith.constant 6 : i32
    %dma_start3A_77 = arith.constant 6 : i32
    %dma_start3A_78 = arith.constant 0 : i32
    %dma_start3A_79 = arith.constant 0 : i32
    %dma_start3A_80 = tpu.memref_slice %arg9[%dma_start3A_77, %dma_start3A_78, %dma_start3A_79] : memref<8x128x32xf32, #tpu.memory_space<vmem>> -> memref<1x128x32xf32, #tpu.memory_space<vmem>>
    %dma_start3A_81 = tpu.memref_squeeze %dma_start3A_80 : memref<1x128x32xf32, #tpu.memory_space<vmem>> -> memref<128x32xf32, #tpu.memory_space<vmem>>
    %dma_start3A_82 = arith.constant 0 : i32
    %dma_start3A_83 = tpu.memref_slice %arg7[%dma_start3A_76, %dma_start3A_82] : memref<104x128xi32, #tpu.memory_space<vmem>> -> memref<1x128xi32, #tpu.memory_space<vmem>>
    %dma_start3A_84 = tpu.memref_squeeze %dma_start3A_83 : memref<1x128xi32, #tpu.memory_space<vmem>> -> memref<128xi32, #tpu.memory_space<vmem>>
    %dma_start3A_85 = arith.constant 0 : i32
    %dma_start3A_86 = arith.constant 0 : i32
    %dma_start3A_87 = tpu.memref_slice %arg2[%dma_start3A_85, %dma_start3A_86] : memref<25000x32xf32, #tpu.memory_space<hbm>> -> memref<25000x32xf32, #tpu.memory_space<hbm>>
    tpu.enqueue_indirect_dma source(%dma_start3A_87 : memref<25000x32xf32, #tpu.memory_space<hbm>>) target(%dma_start3A_81 : memref<128x32xf32, #tpu.memory_space<vmem>>) offsets(%dma_start3A_84 : memref<128xi32, #tpu.memory_space<vmem>>) semaphore(%arg17 : memref<!tpu.dma_semaphore, #tpu.memory_space<semaphore_mem>>)
    %dma_start3A_88 = arith.constant 7 : i32
    %dma_start3A_89 = arith.constant 7 : i32
    %dma_start3A_90 = arith.constant 0 : i32
    %dma_start3A_91 = arith.constant 0 : i32
    %dma_start3A_92 = tpu.memref_slice %arg9[%dma_start3A_89, %dma_start3A_90, %dma_start3A_91] : memref<8x128x32xf32, #tpu.memory_space<vmem>> -> memref<1x128x32xf32, #tpu.memory_space<vmem>>
    %dma_start3A_93 = tpu.memref_squeeze %dma_start3A_92 : memref<1x128x32xf32, #tpu.memory_space<vmem>> -> memref<128x32xf32, #tpu.memory_space<vmem>>
    %dma_start3A_94 = arith.constant 0 : i32
    %dma_start3A_95 = tpu.memref_slice %arg7[%dma_start3A_88, %dma_start3A_94] : memref<104x128xi32, #tpu.memory_space<vmem>> -> memref<1x128xi32, #tpu.memory_space<vmem>>
    %dma_start3A_96 = tpu.memref_squeeze %dma_start3A_95 : memref<1x128xi32, #tpu.memory_space<vmem>> -> memref<128xi32, #tpu.memory_space<vmem>>
    %dma_start3A_97 = arith.constant 0 : i32
    %dma_start3A_98 = arith.constant 0 : i32
    %dma_start3A_99 = tpu.memref_slice %arg2[%dma_start3A_97, %dma_start3A_98] : memref<25000x32xf32, #tpu.memory_space<hbm>> -> memref<25000x32xf32, #tpu.memory_space<hbm>>
    tpu.enqueue_indirect_dma source(%dma_start3A_99 : memref<25000x32xf32, #tpu.memory_space<hbm>>) target(%dma_start3A_93 : memref<128x32xf32, #tpu.memory_space<vmem>>) offsets(%dma_start3A_96 : memref<128xi32, #tpu.memory_space<vmem>>) semaphore(%arg18 : memref<!tpu.dma_semaphore, #tpu.memory_space<semaphore_mem>>)
    %scan3A = arith.constant 0 : i32
    %scan3A_100 = arith.constant 0 : i32
    %scan3A_101 = arith.constant 12 : i32
    %scan3A_102 = arith.addi %scan3A_100, %scan3A_101 : i32
    %scan3A_103 = arith.constant 1 : i32
    scf.for %scan3A_220 = %scan3A_100 to %scan3A_102 step %scan3A_103  : i32 {
      %mul3A_221 = arith.constant 8 : i32
      %mul3A_222 = arith.muli %scan3A_220, %mul3A_221 : i32
      %add3A_223 = arith.constant 0 : i32
      %add3A_224 = arith.addi %mul3A_222, %add3A_223 : i32
      %dma_wait3A_225 = arith.constant 0 : i32
      %dma_wait3A_226 = arith.constant 0 : i32
      %dma_wait3A_227 = arith.constant 0 : i32
      %dma_wait3A_228 = tpu.memref_slice %arg9[%dma_wait3A_225, %dma_wait3A_226, %dma_wait3A_227] : memref<8x128x32xf32, #tpu.memory_space<vmem>> -> memref<1x128x32xf32, #tpu.memory_space<vmem>>
      %dma_wait3A_229 = tpu.memref_squeeze %dma_wait3A_228 : memref<1x128x32xf32, #tpu.memory_space<vmem>> -> memref<128x32xf32, #tpu.memory_space<vmem>>
      %dma_wait3A_230 = arith.constant 0 : i32
      %dma_wait3A_231 = tpu.memref_slice %arg7[%add3A_224, %dma_wait3A_230] : memref<104x128xi32, #tpu.memory_space<vmem>> -> memref<1x128xi32, #tpu.memory_space<vmem>>
      %dma_wait3A_232 = tpu.memref_squeeze %dma_wait3A_231 : memref<1x128xi32, #tpu.memory_space<vmem>> -> memref<128xi32, #tpu.memory_space<vmem>>
      %dma_wait3A_233 = arith.constant 0 : i32
      %dma_wait3A_234 = arith.constant 0 : i32
      %dma_wait3A_235 = tpu.memref_slice %arg2[%dma_wait3A_233, %dma_wait3A_234] : memref<25000x32xf32, #tpu.memory_space<hbm>> -> memref<25000x32xf32, #tpu.memory_space<hbm>>
      tpu.wait_indirect_dma semaphore(%arg11 : memref<!tpu.dma_semaphore, #tpu.memory_space<semaphore_mem>>) src(%dma_wait3A_235 : memref<25000x32xf32, #tpu.memory_space<hbm>>) dst(%dma_wait3A_229 : memref<128x32xf32, #tpu.memory_space<vmem>>)
      %add3A_236 = arith.constant 0 : i32
      %add3A_237 = arith.addi %mul3A_222, %add3A_236 : i32
      %run_scoped3A_238 = arith.constant 0 : i32
      "tpu.region"() ({
        %run_scoped3A_471 = tpu.sem_alloc : memref<!tpu.dma_semaphore, #tpu.memory_space<semaphore_mem>>
        %dma_start3A_472 = arith.constant 0 : i32
        %dma_start3A_473 = arith.constant 0 : i32
        %dma_start3A_474 = tpu.memref_slice %arg9[%run_scoped3A_238, %dma_start3A_472, %dma_start3A_473] : memref<8x128x32xf32, #tpu.memory_space<vmem>> -> memref<1x128x32xf32, #tpu.memory_space<vmem>>
        %dma_start3A_475 = tpu.memref_squeeze %dma_start3A_474 : memref<1x128x32xf32, #tpu.memory_space<vmem>> -> memref<128x32xf32, #tpu.memory_space<vmem>>
        %dma_start3A_476 = arith.constant 0 : i32
        %dma_start3A_477 = tpu.memref_slice %arg8[%add3A_237, %dma_start3A_476] : memref<104x128xi32, #tpu.memory_space<vmem>> -> memref<1x128xi32, #tpu.memory_space<vmem>>
        %dma_start3A_478 = tpu.memref_squeeze %dma_start3A_477 : memref<1x128xi32, #tpu.memory_space<vmem>> -> memref<128xi32, #tpu.memory_space<vmem>>
        %dma_start3A_479 = arith.constant 0 : i32
        %dma_start3A_480 = arith.constant 0 : i32
        %dma_start3A_481 = tpu.memref_slice %arg10[%dma_start3A_479, %dma_start3A_480] : memref<25088x32xf32, #tpu.memory_space<vmem_shared>> -> memref<25088x32xf32, #tpu.memory_space<vmem_shared>>
        tpu.enqueue_indirect_dma source(%dma_start3A_475 : memref<128x32xf32, #tpu.memory_space<vmem>>) target(%dma_start3A_481 : memref<25088x32xf32, #tpu.memory_space<vmem_shared>>) offsets(%dma_start3A_478 : memref<128xi32, #tpu.memory_space<vmem>>) semaphore(%run_scoped3A_471 : memref<!tpu.dma_semaphore, #tpu.memory_space<semaphore_mem>>) {add = true}
        %dma_wait3A_482 = arith.constant 0 : i32
        %dma_wait3A_483 = arith.constant 0 : i32
        %dma_wait3A_484 = tpu.memref_slice %arg9[%run_scoped3A_238, %dma_wait3A_482, %dma_wait3A_483] : memref<8x128x32xf32, #tpu.memory_space<vmem>> -> memref<1x128x32xf32, #tpu.memory_space<vmem>>
        %dma_wait3A_485 = tpu.memref_squeeze %dma_wait3A_484 : memref<1x128x32xf32, #tpu.memory_space<vmem>> -> memref<128x32xf32, #tpu.memory_space<vmem>>
        %dma_wait3A_486 = arith.constant 0 : i32
        %dma_wait3A_487 = tpu.memref_slice %arg8[%add3A_237, %dma_wait3A_486] : memref<104x128xi32, #tpu.memory_space<vmem>> -> memref<1x128xi32, #tpu.memory_space<vmem>>
        %dma_wait3A_488 = tpu.memref_squeeze %dma_wait3A_487 : memref<1x128xi32, #tpu.memory_space<vmem>> -> memref<128xi32, #tpu.memory_space<vmem>>
        %dma_wait3A_489 = arith.constant 0 : i32
        %dma_wait3A_490 = arith.constant 0 : i32
        %dma_wait3A_491 = tpu.memref_slice %arg10[%dma_wait3A_489, %dma_wait3A_490] : memref<25088x32xf32, #tpu.memory_space<vmem_shared>> -> memref<25088x32xf32, #tpu.memory_space<vmem_shared>>
        tpu.wait_indirect_dma semaphore(%run_scoped3A_471 : memref<!tpu.dma_semaphore, #tpu.memory_space<semaphore_mem>>) src(%dma_wait3A_485 : memref<128x32xf32, #tpu.memory_space<vmem>>) dst(%dma_wait3A_491 : memref<25088x32xf32, #tpu.memory_space<vmem_shared>>)
        tpu.yield
      }) : () -> ()
      %add3A_239 = arith.constant 0 : i32
      %add3A_240 = arith.addi %mul3A_222, %add3A_239 : i32
      %add3A_241 = arith.constant 8 : i32
      %add3A_242 = arith.addi %add3A_240, %add3A_241 : i32
      %dma_start3A_243 = arith.constant 0 : i32
      %dma_start3A_244 = arith.constant 0 : i32
      %dma_start3A_245 = arith.constant 0 : i32
      %dma_start3A_246 = tpu.memref_slice %arg9[%dma_start3A_243, %dma_start3A_244, %dma_start3A_245] : memref<8x128x32xf32, #tpu.memory_space<vmem>> -> memref<1x128x32xf32, #tpu.memory_space<vmem>>
      %dma_start3A_247 = tpu.memref_squeeze %dma_start3A_246 : memref<1x128x32xf32, #tpu.memory_space<vmem>> -> memref<128x32xf32, #tpu.memory_space<vmem>>
      %dma_start3A_248 = arith.constant 0 : i32
      %dma_start3A_249 = tpu.memref_slice %arg7[%add3A_242, %dma_start3A_248] : memref<104x128xi32, #tpu.memory_space<vmem>> -> memref<1x128xi32, #tpu.memory_space<vmem>>
      %dma_start3A_250 = tpu.memref_squeeze %dma_start3A_249 : memref<1x128xi32, #tpu.memory_space<vmem>> -> memref<128xi32, #tpu.memory_space<vmem>>
      %dma_start3A_251 = arith.constant 0 : i32
      %dma_start3A_252 = arith.constant 0 : i32
      %dma_start3A_253 = tpu.memref_slice %arg2[%dma_start3A_251, %dma_start3A_252] : memref<25000x32xf32, #tpu.memory_space<hbm>> -> memref<25000x32xf32, #tpu.memory_space<hbm>>
      tpu.enqueue_indirect_dma source(%dma_start3A_253 : memref<25000x32xf32, #tpu.memory_space<hbm>>) target(%dma_start3A_247 : memref<128x32xf32, #tpu.memory_space<vmem>>) offsets(%dma_start3A_250 : memref<128xi32, #tpu.memory_space<vmem>>) semaphore(%arg11 : memref<!tpu.dma_semaphore, #tpu.memory_space<semaphore_mem>>)
      %add3A_254 = arith.constant 1 : i32
      %add3A_255 = arith.addi %mul3A_222, %add3A_254 : i32
      %dma_wait3A_256 = arith.constant 1 : i32
      %dma_wait3A_257 = arith.constant 0 : i32
      %dma_wait3A_258 = arith.constant 0 : i32
      %dma_wait3A_259 = tpu.memref_slice %arg9[%dma_wait3A_256, %dma_wait3A_257, %dma_wait3A_258] : memref<8x128x32xf32, #tpu.memory_space<vmem>> -> memref<1x128x32xf32, #tpu.memory_space<vmem>>
      %dma_wait3A_260 = tpu.memref_squeeze %dma_wait3A_259 : memref<1x128x32xf32, #tpu.memory_space<vmem>> -> memref<128x32xf32, #tpu.memory_space<vmem>>
      %dma_wait3A_261 = arith.constant 0 : i32
      %dma_wait3A_262 = tpu.memref_slice %arg7[%add3A_255, %dma_wait3A_261] : memref<104x128xi32, #tpu.memory_space<vmem>> -> memref<1x128xi32, #tpu.memory_space<vmem>>
      %dma_wait3A_263 = tpu.memref_squeeze %dma_wait3A_262 : memref<1x128xi32, #tpu.memory_space<vmem>> -> memref<128xi32, #tpu.memory_space<vmem>>
      %dma_wait3A_264 = arith.constant 0 : i32
      %dma_wait3A_265 = arith.constant 0 : i32
      %dma_wait3A_266 = tpu.memref_slice %arg2[%dma_wait3A_264, %dma_wait3A_265] : memref<25000x32xf32, #tpu.memory_space<hbm>> -> memref<25000x32xf32, #tpu.memory_space<hbm>>
      tpu.wait_indirect_dma semaphore(%arg12 : memref<!tpu.dma_semaphore, #tpu.memory_space<semaphore_mem>>) src(%dma_wait3A_266 : memref<25000x32xf32, #tpu.memory_space<hbm>>) dst(%dma_wait3A_260 : memref<128x32xf32, #tpu.memory_space<vmem>>)
      %add3A_267 = arith.constant 1 : i32
      %add3A_268 = arith.addi %mul3A_222, %add3A_267 : i32
      %run_scoped3A_269 = arith.constant 1 : i32
      "tpu.region"() ({
        %run_scoped3A_471 = tpu.sem_alloc : memref<!tpu.dma_semaphore, #tpu.memory_space<semaphore_mem>>
        %dma_start3A_472 = arith.constant 0 : i32
        %dma_start3A_473 = arith.constant 0 : i32
        %dma_start3A_474 = tpu.memref_slice %arg9[%run_scoped3A_269, %dma_start3A_472, %dma_start3A_473] : memref<8x128x32xf32, #tpu.memory_space<vmem>> -> memref<1x128x32xf32, #tpu.memory_space<vmem>>
        %dma_start3A_475 = tpu.memref_squeeze %dma_start3A_474 : memref<1x128x32xf32, #tpu.memory_space<vmem>> -> memref<128x32xf32, #tpu.memory_space<vmem>>
        %dma_start3A_476 = arith.constant 0 : i32
        %dma_start3A_477 = tpu.memref_slice %arg8[%add3A_268, %dma_start3A_476] : memref<104x128xi32, #tpu.memory_space<vmem>> -> memref<1x128xi32, #tpu.memory_space<vmem>>
        %dma_start3A_478 = tpu.memref_squeeze %dma_start3A_477 : memref<1x128xi32, #tpu.memory_space<vmem>> -> memref<128xi32, #tpu.memory_space<vmem>>
        %dma_start3A_479 = arith.constant 0 : i32
        %dma_start3A_480 = arith.constant 0 : i32
        %dma_start3A_481 = tpu.memref_slice %arg10[%dma_start3A_479, %dma_start3A_480] : memref<25088x32xf32, #tpu.memory_space<vmem_shared>> -> memref<25088x32xf32, #tpu.memory_space<vmem_shared>>
        tpu.enqueue_indirect_dma source(%dma_start3A_475 : memref<128x32xf32, #tpu.memory_space<vmem>>) target(%dma_start3A_481 : memref<25088x32xf32, #tpu.memory_space<vmem_shared>>) offsets(%dma_start3A_478 : memref<128xi32, #tpu.memory_space<vmem>>) semaphore(%run_scoped3A_471 : memref<!tpu.dma_semaphore, #tpu.memory_space<semaphore_mem>>) {add = true}
        %dma_wait3A_482 = arith.constant 0 : i32
        %dma_wait3A_483 = arith.constant 0 : i32
        %dma_wait3A_484 = tpu.memref_slice %arg9[%run_scoped3A_269, %dma_wait3A_482, %dma_wait3A_483] : memref<8x128x32xf32, #tpu.memory_space<vmem>> -> memref<1x128x32xf32, #tpu.memory_space<vmem>>
        %dma_wait3A_485 = tpu.memref_squeeze %dma_wait3A_484 : memref<1x128x32xf32, #tpu.memory_space<vmem>> -> memref<128x32xf32, #tpu.memory_space<vmem>>
        %dma_wait3A_486 = arith.constant 0 : i32
        %dma_wait3A_487 = tpu.memref_slice %arg8[%add3A_268, %dma_wait3A_486] : memref<104x128xi32, #tpu.memory_space<vmem>> -> memref<1x128xi32, #tpu.memory_space<vmem>>
        %dma_wait3A_488 = tpu.memref_squeeze %dma_wait3A_487 : memref<1x128xi32, #tpu.memory_space<vmem>> -> memref<128xi32, #tpu.memory_space<vmem>>
        %dma_wait3A_489 = arith.constant 0 : i32
        %dma_wait3A_490 = arith.constant 0 : i32
        %dma_wait3A_491 = tpu.memref_slice %arg10[%dma_wait3A_489, %dma_wait3A_490] : memref<25088x32xf32, #tpu.memory_space<vmem_shared>> -> memref<25088x32xf32, #tpu.memory_space<vmem_shared>>
        tpu.wait_indirect_dma semaphore(%run_scoped3A_471 : memref<!tpu.dma_semaphore, #tpu.memory_space<semaphore_mem>>) src(%dma_wait3A_485 : memref<128x32xf32, #tpu.memory_space<vmem>>) dst(%dma_wait3A_491 : memref<25088x32xf32, #tpu.memory_space<vmem_shared>>)
        tpu.yield
      }) : () -> ()
      %add3A_270 = arith.constant 1 : i32
      %add3A_271 = arith.addi %mul3A_222, %add3A_270 : i32
      %add3A_272 = arith.constant 8 : i32
      %add3A_273 = arith.addi %add3A_271, %add3A_272 : i32
      %dma_start3A_274 = arith.constant 1 : i32
      %dma_start3A_275 = arith.constant 0 : i32
      %dma_start3A_276 = arith.constant 0 : i32
      %dma_start3A_277 = tpu.memref_slice %arg9[%dma_start3A_274, %dma_start3A_275, %dma_start3A_276] : memref<8x128x32xf32, #tpu.memory_space<vmem>> -> memref<1x128x32xf32, #tpu.memory_space<vmem>>
      %dma_start3A_278 = tpu.memref_squeeze %dma_start3A_277 : memref<1x128x32xf32, #tpu.memory_space<vmem>> -> memref<128x32xf32, #tpu.memory_space<vmem>>
      %dma_start3A_279 = arith.constant 0 : i32
      %dma_start3A_280 = tpu.memref_slice %arg7[%add3A_273, %dma_start3A_279] : memref<104x128xi32, #tpu.memory_space<vmem>> -> memref<1x128xi32, #tpu.memory_space<vmem>>
      %dma_start3A_281 = tpu.memref_squeeze %dma_start3A_280 : memref<1x128xi32, #tpu.memory_space<vmem>> -> memref<128xi32, #tpu.memory_space<vmem>>
      %dma_start3A_282 = arith.constant 0 : i32
      %dma_start3A_283 = arith.constant 0 : i32
      %dma_start3A_284 = tpu.memref_slice %arg2[%dma_start3A_282, %dma_start3A_283] : memref<25000x32xf32, #tpu.memory_space<hbm>> -> memref<25000x32xf32, #tpu.memory_space<hbm>>
      tpu.enqueue_indirect_dma source(%dma_start3A_284 : memref<25000x32xf32, #tpu.memory_space<hbm>>) target(%dma_start3A_278 : memref<128x32xf32, #tpu.memory_space<vmem>>) offsets(%dma_start3A_281 : memref<128xi32, #tpu.memory_space<vmem>>) semaphore(%arg12 : memref<!tpu.dma_semaphore, #tpu.memory_space<semaphore_mem>>)
      %add3A_285 = arith.constant 2 : i32
      %add3A_286 = arith.addi %mul3A_222, %add3A_285 : i32
      %dma_wait3A_287 = arith.constant 2 : i32
      %dma_wait3A_288 = arith.constant 0 : i32
      %dma_wait3A_289 = arith.constant 0 : i32
      %dma_wait3A_290 = tpu.memref_slice %arg9[%dma_wait3A_287, %dma_wait3A_288, %dma_wait3A_289] : memref<8x128x32xf32, #tpu.memory_space<vmem>> -> memref<1x128x32xf32, #tpu.memory_space<vmem>>
      %dma_wait3A_291 = tpu.memref_squeeze %dma_wait3A_290 : memref<1x128x32xf32, #tpu.memory_space<vmem>> -> memref<128x32xf32, #tpu.memory_space<vmem>>
      %dma_wait3A_292 = arith.constant 0 : i32
      %dma_wait3A_293 = tpu.memref_slice %arg7[%add3A_286, %dma_wait3A_292] : memref<104x128xi32, #tpu.memory_space<vmem>> -> memref<1x128xi32, #tpu.memory_space<vmem>>
      %dma_wait3A_294 = tpu.memref_squeeze %dma_wait3A_293 : memref<1x128xi32, #tpu.memory_space<vmem>> -> memref<128xi32, #tpu.memory_space<vmem>>
      %dma_wait3A_295 = arith.constant 0 : i32
      %dma_wait3A_296 = arith.constant 0 : i32
      %dma_wait3A_297 = tpu.memref_slice %arg2[%dma_wait3A_295, %dma_wait3A_296] : memref<25000x32xf32, #tpu.memory_space<hbm>> -> memref<25000x32xf32, #tpu.memory_space<hbm>>
      tpu.wait_indirect_dma semaphore(%arg13 : memref<!tpu.dma_semaphore, #tpu.memory_space<semaphore_mem>>) src(%dma_wait3A_297 : memref<25000x32xf32, #tpu.memory_space<hbm>>) dst(%dma_wait3A_291 : memref<128x32xf32, #tpu.memory_space<vmem>>)
      %add3A_298 = arith.constant 2 : i32
      %add3A_299 = arith.addi %mul3A_222, %add3A_298 : i32
      %run_scoped3A_300 = arith.constant 2 : i32
      "tpu.region"() ({
        %run_scoped3A_471 = tpu.sem_alloc : memref<!tpu.dma_semaphore, #tpu.memory_space<semaphore_mem>>
        %dma_start3A_472 = arith.constant 0 : i32
        %dma_start3A_473 = arith.constant 0 : i32
        %dma_start3A_474 = tpu.memref_slice %arg9[%run_scoped3A_300, %dma_start3A_472, %dma_start3A_473] : memref<8x128x32xf32, #tpu.memory_space<vmem>> -> memref<1x128x32xf32, #tpu.memory_space<vmem>>
        %dma_start3A_475 = tpu.memref_squeeze %dma_start3A_474 : memref<1x128x32xf32, #tpu.memory_space<vmem>> -> memref<128x32xf32, #tpu.memory_space<vmem>>
        %dma_start3A_476 = arith.constant 0 : i32
        %dma_start3A_477 = tpu.memref_slice %arg8[%add3A_299, %dma_start3A_476] : memref<104x128xi32, #tpu.memory_space<vmem>> -> memref<1x128xi32, #tpu.memory_space<vmem>>
        %dma_start3A_478 = tpu.memref_squeeze %dma_start3A_477 : memref<1x128xi32, #tpu.memory_space<vmem>> -> memref<128xi32, #tpu.memory_space<vmem>>
        %dma_start3A_479 = arith.constant 0 : i32
        %dma_start3A_480 = arith.constant 0 : i32
        %dma_start3A_481 = tpu.memref_slice %arg10[%dma_start3A_479, %dma_start3A_480] : memref<25088x32xf32, #tpu.memory_space<vmem_shared>> -> memref<25088x32xf32, #tpu.memory_space<vmem_shared>>
        tpu.enqueue_indirect_dma source(%dma_start3A_475 : memref<128x32xf32, #tpu.memory_space<vmem>>) target(%dma_start3A_481 : memref<25088x32xf32, #tpu.memory_space<vmem_shared>>) offsets(%dma_start3A_478 : memref<128xi32, #tpu.memory_space<vmem>>) semaphore(%run_scoped3A_471 : memref<!tpu.dma_semaphore, #tpu.memory_space<semaphore_mem>>) {add = true}
        %dma_wait3A_482 = arith.constant 0 : i32
        %dma_wait3A_483 = arith.constant 0 : i32
        %dma_wait3A_484 = tpu.memref_slice %arg9[%run_scoped3A_300, %dma_wait3A_482, %dma_wait3A_483] : memref<8x128x32xf32, #tpu.memory_space<vmem>> -> memref<1x128x32xf32, #tpu.memory_space<vmem>>
        %dma_wait3A_485 = tpu.memref_squeeze %dma_wait3A_484 : memref<1x128x32xf32, #tpu.memory_space<vmem>> -> memref<128x32xf32, #tpu.memory_space<vmem>>
        %dma_wait3A_486 = arith.constant 0 : i32
        %dma_wait3A_487 = tpu.memref_slice %arg8[%add3A_299, %dma_wait3A_486] : memref<104x128xi32, #tpu.memory_space<vmem>> -> memref<1x128xi32, #tpu.memory_space<vmem>>
        %dma_wait3A_488 = tpu.memref_squeeze %dma_wait3A_487 : memref<1x128xi32, #tpu.memory_space<vmem>> -> memref<128xi32, #tpu.memory_space<vmem>>
        %dma_wait3A_489 = arith.constant 0 : i32
        %dma_wait3A_490 = arith.constant 0 : i32
        %dma_wait3A_491 = tpu.memref_slice %arg10[%dma_wait3A_489, %dma_wait3A_490] : memref<25088x32xf32, #tpu.memory_space<vmem_shared>> -> memref<25088x32xf32, #tpu.memory_space<vmem_shared>>
        tpu.wait_indirect_dma semaphore(%run_scoped3A_471 : memref<!tpu.dma_semaphore, #tpu.memory_space<semaphore_mem>>) src(%dma_wait3A_485 : memref<128x32xf32, #tpu.memory_space<vmem>>) dst(%dma_wait3A_491 : memref<25088x32xf32, #tpu.memory_space<vmem_shared>>)
        tpu.yield
      }) : () -> ()
      %add3A_301 = arith.constant 2 : i32
      %add3A_302 = arith.addi %mul3A_222, %add3A_301 : i32
      %add3A_303 = arith.constant 8 : i32
      %add3A_304 = arith.addi %add3A_302, %add3A_303 : i32
      %dma_start3A_305 = arith.constant 2 : i32
      %dma_start3A_306 = arith.constant 0 : i32
      %dma_start3A_307 = arith.constant 0 : i32
      %dma_start3A_308 = tpu.memref_slice %arg9[%dma_start3A_305, %dma_start3A_306, %dma_start3A_307] : memref<8x128x32xf32, #tpu.memory_space<vmem>> -> memref<1x128x32xf32, #tpu.memory_space<vmem>>
      %dma_start3A_309 = tpu.memref_squeeze %dma_start3A_308 : memref<1x128x32xf32, #tpu.memory_space<vmem>> -> memref<128x32xf32, #tpu.memory_space<vmem>>
      %dma_start3A_310 = arith.constant 0 : i32
      %dma_start3A_311 = tpu.memref_slice %arg7[%add3A_304, %dma_start3A_310] : memref<104x128xi32, #tpu.memory_space<vmem>> -> memref<1x128xi32, #tpu.memory_space<vmem>>
      %dma_start3A_312 = tpu.memref_squeeze %dma_start3A_311 : memref<1x128xi32, #tpu.memory_space<vmem>> -> memref<128xi32, #tpu.memory_space<vmem>>
      %dma_start3A_313 = arith.constant 0 : i32
      %dma_start3A_314 = arith.constant 0 : i32
      %dma_start3A_315 = tpu.memref_slice %arg2[%dma_start3A_313, %dma_start3A_314] : memref<25000x32xf32, #tpu.memory_space<hbm>> -> memref<25000x32xf32, #tpu.memory_space<hbm>>
      tpu.enqueue_indirect_dma source(%dma_start3A_315 : memref<25000x32xf32, #tpu.memory_space<hbm>>) target(%dma_start3A_309 : memref<128x32xf32, #tpu.memory_space<vmem>>) offsets(%dma_start3A_312 : memref<128xi32, #tpu.memory_space<vmem>>) semaphore(%arg13 : memref<!tpu.dma_semaphore, #tpu.memory_space<semaphore_mem>>)
      %add3A_316 = arith.constant 3 : i32
      %add3A_317 = arith.addi %mul3A_222, %add3A_316 : i32
      %dma_wait3A_318 = arith.constant 3 : i32
      %dma_wait3A_319 = arith.constant 0 : i32
      %dma_wait3A_320 = arith.constant 0 : i32
      %dma_wait3A_321 = tpu.memref_slice %arg9[%dma_wait3A_318, %dma_wait3A_319, %dma_wait3A_320] : memref<8x128x32xf32, #tpu.memory_space<vmem>> -> memref<1x128x32xf32, #tpu.memory_space<vmem>>
      %dma_wait3A_322 = tpu.memref_squeeze %dma_wait3A_321 : memref<1x128x32xf32, #tpu.memory_space<vmem>> -> memref<128x32xf32, #tpu.memory_space<vmem>>
      %dma_wait3A_323 = arith.constant 0 : i32
      %dma_wait3A_324 = tpu.memref_slice %arg7[%add3A_317, %dma_wait3A_323] : memref<104x128xi32, #tpu.memory_space<vmem>> -> memref<1x128xi32, #tpu.memory_space<vmem>>
      %dma_wait3A_325 = tpu.memref_squeeze %dma_wait3A_324 : memref<1x128xi32, #tpu.memory_space<vmem>> -> memref<128xi32, #tpu.memory_space<vmem>>
      %dma_wait3A_326 = arith.constant 0 : i32
      %dma_wait3A_327 = arith.constant 0 : i32
      %dma_wait3A_328 = tpu.memref_slice %arg2[%dma_wait3A_326, %dma_wait3A_327] : memref<25000x32xf32, #tpu.memory_space<hbm>> -> memref<25000x32xf32, #tpu.memory_space<hbm>>
      tpu.wait_indirect_dma semaphore(%arg14 : memref<!tpu.dma_semaphore, #tpu.memory_space<semaphore_mem>>) src(%dma_wait3A_328 : memref<25000x32xf32, #tpu.memory_space<hbm>>) dst(%dma_wait3A_322 : memref<128x32xf32, #tpu.memory_space<vmem>>)
      %add3A_329 = arith.constant 3 : i32
      %add3A_330 = arith.addi %mul3A_222, %add3A_329 : i32
      %run_scoped3A_331 = arith.constant 3 : i32
      "tpu.region"() ({
        %run_scoped3A_471 = tpu.sem_alloc : memref<!tpu.dma_semaphore, #tpu.memory_space<semaphore_mem>>
        %dma_start3A_472 = arith.constant 0 : i32
        %dma_start3A_473 = arith.constant 0 : i32
        %dma_start3A_474 = tpu.memref_slice %arg9[%run_scoped3A_331, %dma_start3A_472, %dma_start3A_473] : memref<8x128x32xf32, #tpu.memory_space<vmem>> -> memref<1x128x32xf32, #tpu.memory_space<vmem>>
        %dma_start3A_475 = tpu.memref_squeeze %dma_start3A_474 : memref<1x128x32xf32, #tpu.memory_space<vmem>> -> memref<128x32xf32, #tpu.memory_space<vmem>>
        %dma_start3A_476 = arith.constant 0 : i32
        %dma_start3A_477 = tpu.memref_slice %arg8[%add3A_330, %dma_start3A_476] : memref<104x128xi32, #tpu.memory_space<vmem>> -> memref<1x128xi32, #tpu.memory_space<vmem>>
        %dma_start3A_478 = tpu.memref_squeeze %dma_start3A_477 : memref<1x128xi32, #tpu.memory_space<vmem>> -> memref<128xi32, #tpu.memory_space<vmem>>
        %dma_start3A_479 = arith.constant 0 : i32
        %dma_start3A_480 = arith.constant 0 : i32
        %dma_start3A_481 = tpu.memref_slice %arg10[%dma_start3A_479, %dma_start3A_480] : memref<25088x32xf32, #tpu.memory_space<vmem_shared>> -> memref<25088x32xf32, #tpu.memory_space<vmem_shared>>
        tpu.enqueue_indirect_dma source(%dma_start3A_475 : memref<128x32xf32, #tpu.memory_space<vmem>>) target(%dma_start3A_481 : memref<25088x32xf32, #tpu.memory_space<vmem_shared>>) offsets(%dma_start3A_478 : memref<128xi32, #tpu.memory_space<vmem>>) semaphore(%run_scoped3A_471 : memref<!tpu.dma_semaphore, #tpu.memory_space<semaphore_mem>>) {add = true}
        %dma_wait3A_482 = arith.constant 0 : i32
        %dma_wait3A_483 = arith.constant 0 : i32
        %dma_wait3A_484 = tpu.memref_slice %arg9[%run_scoped3A_331, %dma_wait3A_482, %dma_wait3A_483] : memref<8x128x32xf32, #tpu.memory_space<vmem>> -> memref<1x128x32xf32, #tpu.memory_space<vmem>>
        %dma_wait3A_485 = tpu.memref_squeeze %dma_wait3A_484 : memref<1x128x32xf32, #tpu.memory_space<vmem>> -> memref<128x32xf32, #tpu.memory_space<vmem>>
        %dma_wait3A_486 = arith.constant 0 : i32
        %dma_wait3A_487 = tpu.memref_slice %arg8[%add3A_330, %dma_wait3A_486] : memref<104x128xi32, #tpu.memory_space<vmem>> -> memref<1x128xi32, #tpu.memory_space<vmem>>
        %dma_wait3A_488 = tpu.memref_squeeze %dma_wait3A_487 : memref<1x128xi32, #tpu.memory_space<vmem>> -> memref<128xi32, #tpu.memory_space<vmem>>
        %dma_wait3A_489 = arith.constant 0 : i32
        %dma_wait3A_490 = arith.constant 0 : i32
        %dma_wait3A_491 = tpu.memref_slice %arg10[%dma_wait3A_489, %dma_wait3A_490] : memref<25088x32xf32, #tpu.memory_space<vmem_shared>> -> memref<25088x32xf32, #tpu.memory_space<vmem_shared>>
        tpu.wait_indirect_dma semaphore(%run_scoped3A_471 : memref<!tpu.dma_semaphore, #tpu.memory_space<semaphore_mem>>) src(%dma_wait3A_485 : memref<128x32xf32, #tpu.memory_space<vmem>>) dst(%dma_wait3A_491 : memref<25088x32xf32, #tpu.memory_space<vmem_shared>>)
        tpu.yield
      }) : () -> ()
      %add3A_332 = arith.constant 3 : i32
      %add3A_333 = arith.addi %mul3A_222, %add3A_332 : i32
      %add3A_334 = arith.constant 8 : i32
      %add3A_335 = arith.addi %add3A_333, %add3A_334 : i32
      %dma_start3A_336 = arith.constant 3 : i32
      %dma_start3A_337 = arith.constant 0 : i32
      %dma_start3A_338 = arith.constant 0 : i32
      %dma_start3A_339 = tpu.memref_slice %arg9[%dma_start3A_336, %dma_start3A_337, %dma_start3A_338] : memref<8x128x32xf32, #tpu.memory_space<vmem>> -> memref<1x128x32xf32, #tpu.memory_space<vmem>>
      %dma_start3A_340 = tpu.memref_squeeze %dma_start3A_339 : memref<1x128x32xf32, #tpu.memory_space<vmem>> -> memref<128x32xf32, #tpu.memory_space<vmem>>
      %dma_start3A_341 = arith.constant 0 : i32
      %dma_start3A_342 = tpu.memref_slice %arg7[%add3A_335, %dma_start3A_341] : memref<104x128xi32, #tpu.memory_space<vmem>> -> memref<1x128xi32, #tpu.memory_space<vmem>>
      %dma_start3A_343 = tpu.memref_squeeze %dma_start3A_342 : memref<1x128xi32, #tpu.memory_space<vmem>> -> memref<128xi32, #tpu.memory_space<vmem>>
      %dma_start3A_344 = arith.constant 0 : i32
      %dma_start3A_345 = arith.constant 0 : i32
      %dma_start3A_346 = tpu.memref_slice %arg2[%dma_start3A_344, %dma_start3A_345] : memref<25000x32xf32, #tpu.memory_space<hbm>> -> memref<25000x32xf32, #tpu.memory_space<hbm>>
      tpu.enqueue_indirect_dma source(%dma_start3A_346 : memref<25000x32xf32, #tpu.memory_space<hbm>>) target(%dma_start3A_340 : memref<128x32xf32, #tpu.memory_space<vmem>>) offsets(%dma_start3A_343 : memref<128xi32, #tpu.memory_space<vmem>>) semaphore(%arg14 : memref<!tpu.dma_semaphore, #tpu.memory_space<semaphore_mem>>)
      %add3A_347 = arith.constant 4 : i32
      %add3A_348 = arith.addi %mul3A_222, %add3A_347 : i32
      %dma_wait3A_349 = arith.constant 4 : i32
      %dma_wait3A_350 = arith.constant 0 : i32
      %dma_wait3A_351 = arith.constant 0 : i32
      %dma_wait3A_352 = tpu.memref_slice %arg9[%dma_wait3A_349, %dma_wait3A_350, %dma_wait3A_351] : memref<8x128x32xf32, #tpu.memory_space<vmem>> -> memref<1x128x32xf32, #tpu.memory_space<vmem>>
      %dma_wait3A_353 = tpu.memref_squeeze %dma_wait3A_352 : memref<1x128x32xf32, #tpu.memory_space<vmem>> -> memref<128x32xf32, #tpu.memory_space<vmem>>
      %dma_wait3A_354 = arith.constant 0 : i32
      %dma_wait3A_355 = tpu.memref_slice %arg7[%add3A_348, %dma_wait3A_354] : memref<104x128xi32, #tpu.memory_space<vmem>> -> memref<1x128xi32, #tpu.memory_space<vmem>>
      %dma_wait3A_356 = tpu.memref_squeeze %dma_wait3A_355 : memref<1x128xi32, #tpu.memory_space<vmem>> -> memref<128xi32, #tpu.memory_space<vmem>>
      %dma_wait3A_357 = arith.constant 0 : i32
      %dma_wait3A_358 = arith.constant 0 : i32
      %dma_wait3A_359 = tpu.memref_slice %arg2[%dma_wait3A_357, %dma_wait3A_358] : memref<25000x32xf32, #tpu.memory_space<hbm>> -> memref<25000x32xf32, #tpu.memory_space<hbm>>
      tpu.wait_indirect_dma semaphore(%arg15 : memref<!tpu.dma_semaphore, #tpu.memory_space<semaphore_mem>>) src(%dma_wait3A_359 : memref<25000x32xf32, #tpu.memory_space<hbm>>) dst(%dma_wait3A_353 : memref<128x32xf32, #tpu.memory_space<vmem>>)
      %add3A_360 = arith.constant 4 : i32
      %add3A_361 = arith.addi %mul3A_222, %add3A_360 : i32
      %run_scoped3A_362 = arith.constant 4 : i32
      "tpu.region"() ({
        %run_scoped3A_471 = tpu.sem_alloc : memref<!tpu.dma_semaphore, #tpu.memory_space<semaphore_mem>>
        %dma_start3A_472 = arith.constant 0 : i32
        %dma_start3A_473 = arith.constant 0 : i32
        %dma_start3A_474 = tpu.memref_slice %arg9[%run_scoped3A_362, %dma_start3A_472, %dma_start3A_473] : memref<8x128x32xf32, #tpu.memory_space<vmem>> -> memref<1x128x32xf32, #tpu.memory_space<vmem>>
        %dma_start3A_475 = tpu.memref_squeeze %dma_start3A_474 : memref<1x128x32xf32, #tpu.memory_space<vmem>> -> memref<128x32xf32, #tpu.memory_space<vmem>>
        %dma_start3A_476 = arith.constant 0 : i32
        %dma_start3A_477 = tpu.memref_slice %arg8[%add3A_361, %dma_start3A_476] : memref<104x128xi32, #tpu.memory_space<vmem>> -> memref<1x128xi32, #tpu.memory_space<vmem>>
        %dma_start3A_478 = tpu.memref_squeeze %dma_start3A_477 : memref<1x128xi32, #tpu.memory_space<vmem>> -> memref<128xi32, #tpu.memory_space<vmem>>
        %dma_start3A_479 = arith.constant 0 : i32
        %dma_start3A_480 = arith.constant 0 : i32
        %dma_start3A_481 = tpu.memref_slice %arg10[%dma_start3A_479, %dma_start3A_480] : memref<25088x32xf32, #tpu.memory_space<vmem_shared>> -> memref<25088x32xf32, #tpu.memory_space<vmem_shared>>
        tpu.enqueue_indirect_dma source(%dma_start3A_475 : memref<128x32xf32, #tpu.memory_space<vmem>>) target(%dma_start3A_481 : memref<25088x32xf32, #tpu.memory_space<vmem_shared>>) offsets(%dma_start3A_478 : memref<128xi32, #tpu.memory_space<vmem>>) semaphore(%run_scoped3A_471 : memref<!tpu.dma_semaphore, #tpu.memory_space<semaphore_mem>>) {add = true}
        %dma_wait3A_482 = arith.constant 0 : i32
        %dma_wait3A_483 = arith.constant 0 : i32
        %dma_wait3A_484 = tpu.memref_slice %arg9[%run_scoped3A_362, %dma_wait3A_482, %dma_wait3A_483] : memref<8x128x32xf32, #tpu.memory_space<vmem>> -> memref<1x128x32xf32, #tpu.memory_space<vmem>>
        %dma_wait3A_485 = tpu.memref_squeeze %dma_wait3A_484 : memref<1x128x32xf32, #tpu.memory_space<vmem>> -> memref<128x32xf32, #tpu.memory_space<vmem>>
        %dma_wait3A_486 = arith.constant 0 : i32
        %dma_wait3A_487 = tpu.memref_slice %arg8[%add3A_361, %dma_wait3A_486] : memref<104x128xi32, #tpu.memory_space<vmem>> -> memref<1x128xi32, #tpu.memory_space<vmem>>
        %dma_wait3A_488 = tpu.memref_squeeze %dma_wait3A_487 : memref<1x128xi32, #tpu.memory_space<vmem>> -> memref<128xi32, #tpu.memory_space<vmem>>
        %dma_wait3A_489 = arith.constant 0 : i32
        %dma_wait3A_490 = arith.constant 0 : i32
        %dma_wait3A_491 = tpu.memref_slice %arg10[%dma_wait3A_489, %dma_wait3A_490] : memref<25088x32xf32, #tpu.memory_space<vmem_shared>> -> memref<25088x32xf32, #tpu.memory_space<vmem_shared>>
        tpu.wait_indirect_dma semaphore(%run_scoped3A_471 : memref<!tpu.dma_semaphore, #tpu.memory_space<semaphore_mem>>) src(%dma_wait3A_485 : memref<128x32xf32, #tpu.memory_space<vmem>>) dst(%dma_wait3A_491 : memref<25088x32xf32, #tpu.memory_space<vmem_shared>>)
        tpu.yield
      }) : () -> ()
      %add3A_363 = arith.constant 4 : i32
      %add3A_364 = arith.addi %mul3A_222, %add3A_363 : i32
      %add3A_365 = arith.constant 8 : i32
      %add3A_366 = arith.addi %add3A_364, %add3A_365 : i32
      %dma_start3A_367 = arith.constant 4 : i32
      %dma_start3A_368 = arith.constant 0 : i32
      %dma_start3A_369 = arith.constant 0 : i32
      %dma_start3A_370 = tpu.memref_slice %arg9[%dma_start3A_367, %dma_start3A_368, %dma_start3A_369] : memref<8x128x32xf32, #tpu.memory_space<vmem>> -> memref<1x128x32xf32, #tpu.memory_space<vmem>>
      %dma_start3A_371 = tpu.memref_squeeze %dma_start3A_370 : memref<1x128x32xf32, #tpu.memory_space<vmem>> -> memref<128x32xf32, #tpu.memory_space<vmem>>
      %dma_start3A_372 = arith.constant 0 : i32
      %dma_start3A_373 = tpu.memref_slice %arg7[%add3A_366, %dma_start3A_372] : memref<104x128xi32, #tpu.memory_space<vmem>> -> memref<1x128xi32, #tpu.memory_space<vmem>>
      %dma_start3A_374 = tpu.memref_squeeze %dma_start3A_373 : memref<1x128xi32, #tpu.memory_space<vmem>> -> memref<128xi32, #tpu.memory_space<vmem>>
      %dma_start3A_375 = arith.constant 0 : i32
      %dma_start3A_376 = arith.constant 0 : i32
      %dma_start3A_377 = tpu.memref_slice %arg2[%dma_start3A_375, %dma_start3A_376] : memref<25000x32xf32, #tpu.memory_space<hbm>> -> memref<25000x32xf32, #tpu.memory_space<hbm>>
      tpu.enqueue_indirect_dma source(%dma_start3A_377 : memref<25000x32xf32, #tpu.memory_space<hbm>>) target(%dma_start3A_371 : memref<128x32xf32, #tpu.memory_space<vmem>>) offsets(%dma_start3A_374 : memref<128xi32, #tpu.memory_space<vmem>>) semaphore(%arg15 : memref<!tpu.dma_semaphore, #tpu.memory_space<semaphore_mem>>)
      %add3A_378 = arith.constant 5 : i32
      %add3A_379 = arith.addi %mul3A_222, %add3A_378 : i32
      %dma_wait3A_380 = arith.constant 5 : i32
      %dma_wait3A_381 = arith.constant 0 : i32
      %dma_wait3A_382 = arith.constant 0 : i32
      %dma_wait3A_383 = tpu.memref_slice %arg9[%dma_wait3A_380, %dma_wait3A_381, %dma_wait3A_382] : memref<8x128x32xf32, #tpu.memory_space<vmem>> -> memref<1x128x32xf32, #tpu.memory_space<vmem>>
      %dma_wait3A_384 = tpu.memref_squeeze %dma_wait3A_383 : memref<1x128x32xf32, #tpu.memory_space<vmem>> -> memref<128x32xf32, #tpu.memory_space<vmem>>
      %dma_wait3A_385 = arith.constant 0 : i32
      %dma_wait3A_386 = tpu.memref_slice %arg7[%add3A_379, %dma_wait3A_385] : memref<104x128xi32, #tpu.memory_space<vmem>> -> memref<1x128xi32, #tpu.memory_space<vmem>>
      %dma_wait3A_387 = tpu.memref_squeeze %dma_wait3A_386 : memref<1x128xi32, #tpu.memory_space<vmem>> -> memref<128xi32, #tpu.memory_space<vmem>>
      %dma_wait3A_388 = arith.constant 0 : i32
      %dma_wait3A_389 = arith.constant 0 : i32
      %dma_wait3A_390 = tpu.memref_slice %arg2[%dma_wait3A_388, %dma_wait3A_389] : memref<25000x32xf32, #tpu.memory_space<hbm>> -> memref<25000x32xf32, #tpu.memory_space<hbm>>
      tpu.wait_indirect_dma semaphore(%arg16 : memref<!tpu.dma_semaphore, #tpu.memory_space<semaphore_mem>>) src(%dma_wait3A_390 : memref<25000x32xf32, #tpu.memory_space<hbm>>) dst(%dma_wait3A_384 : memref<128x32xf32, #tpu.memory_space<vmem>>)
      %add3A_391 = arith.constant 5 : i32
      %add3A_392 = arith.addi %mul3A_222, %add3A_391 : i32
      %run_scoped3A_393 = arith.constant 5 : i32
      "tpu.region"() ({
        %run_scoped3A_471 = tpu.sem_alloc : memref<!tpu.dma_semaphore, #tpu.memory_space<semaphore_mem>>
        %dma_start3A_472 = arith.constant 0 : i32
        %dma_start3A_473 = arith.constant 0 : i32
        %dma_start3A_474 = tpu.memref_slice %arg9[%run_scoped3A_393, %dma_start3A_472, %dma_start3A_473] : memref<8x128x32xf32, #tpu.memory_space<vmem>> -> memref<1x128x32xf32, #tpu.memory_space<vmem>>
        %dma_start3A_475 = tpu.memref_squeeze %dma_start3A_474 : memref<1x128x32xf32, #tpu.memory_space<vmem>> -> memref<128x32xf32, #tpu.memory_space<vmem>>
        %dma_start3A_476 = arith.constant 0 : i32
        %dma_start3A_477 = tpu.memref_slice %arg8[%add3A_392, %dma_start3A_476] : memref<104x128xi32, #tpu.memory_space<vmem>> -> memref<1x128xi32, #tpu.memory_space<vmem>>
        %dma_start3A_478 = tpu.memref_squeeze %dma_start3A_477 : memref<1x128xi32, #tpu.memory_space<vmem>> -> memref<128xi32, #tpu.memory_space<vmem>>
        %dma_start3A_479 = arith.constant 0 : i32
        %dma_start3A_480 = arith.constant 0 : i32
        %dma_start3A_481 = tpu.memref_slice %arg10[%dma_start3A_479, %dma_start3A_480] : memref<25088x32xf32, #tpu.memory_space<vmem_shared>> -> memref<25088x32xf32, #tpu.memory_space<vmem_shared>>
        tpu.enqueue_indirect_dma source(%dma_start3A_475 : memref<128x32xf32, #tpu.memory_space<vmem>>) target(%dma_start3A_481 : memref<25088x32xf32, #tpu.memory_space<vmem_shared>>) offsets(%dma_start3A_478 : memref<128xi32, #tpu.memory_space<vmem>>) semaphore(%run_scoped3A_471 : memref<!tpu.dma_semaphore, #tpu.memory_space<semaphore_mem>>) {add = true}
        %dma_wait3A_482 = arith.constant 0 : i32
        %dma_wait3A_483 = arith.constant 0 : i32
        %dma_wait3A_484 = tpu.memref_slice %arg9[%run_scoped3A_393, %dma_wait3A_482, %dma_wait3A_483] : memref<8x128x32xf32, #tpu.memory_space<vmem>> -> memref<1x128x32xf32, #tpu.memory_space<vmem>>
        %dma_wait3A_485 = tpu.memref_squeeze %dma_wait3A_484 : memref<1x128x32xf32, #tpu.memory_space<vmem>> -> memref<128x32xf32, #tpu.memory_space<vmem>>
        %dma_wait3A_486 = arith.constant 0 : i32
        %dma_wait3A_487 = tpu.memref_slice %arg8[%add3A_392, %dma_wait3A_486] : memref<104x128xi32, #tpu.memory_space<vmem>> -> memref<1x128xi32, #tpu.memory_space<vmem>>
        %dma_wait3A_488 = tpu.memref_squeeze %dma_wait3A_487 : memref<1x128xi32, #tpu.memory_space<vmem>> -> memref<128xi32, #tpu.memory_space<vmem>>
        %dma_wait3A_489 = arith.constant 0 : i32
        %dma_wait3A_490 = arith.constant 0 : i32
        %dma_wait3A_491 = tpu.memref_slice %arg10[%dma_wait3A_489, %dma_wait3A_490] : memref<25088x32xf32, #tpu.memory_space<vmem_shared>> -> memref<25088x32xf32, #tpu.memory_space<vmem_shared>>
        tpu.wait_indirect_dma semaphore(%run_scoped3A_471 : memref<!tpu.dma_semaphore, #tpu.memory_space<semaphore_mem>>) src(%dma_wait3A_485 : memref<128x32xf32, #tpu.memory_space<vmem>>) dst(%dma_wait3A_491 : memref<25088x32xf32, #tpu.memory_space<vmem_shared>>)
        tpu.yield
      }) : () -> ()
      %add3A_394 = arith.constant 5 : i32
      %add3A_395 = arith.addi %mul3A_222, %add3A_394 : i32
      %add3A_396 = arith.constant 8 : i32
      %add3A_397 = arith.addi %add3A_395, %add3A_396 : i32
      %dma_start3A_398 = arith.constant 5 : i32
      %dma_start3A_399 = arith.constant 0 : i32
      %dma_start3A_400 = arith.constant 0 : i32
      %dma_start3A_401 = tpu.memref_slice %arg9[%dma_start3A_398, %dma_start3A_399, %dma_start3A_400] : memref<8x128x32xf32, #tpu.memory_space<vmem>> -> memref<1x128x32xf32, #tpu.memory_space<vmem>>
      %dma_start3A_402 = tpu.memref_squeeze %dma_start3A_401 : memref<1x128x32xf32, #tpu.memory_space<vmem>> -> memref<128x32xf32, #tpu.memory_space<vmem>>
      %dma_start3A_403 = arith.constant 0 : i32
      %dma_start3A_404 = tpu.memref_slice %arg7[%add3A_397, %dma_start3A_403] : memref<104x128xi32, #tpu.memory_space<vmem>> -> memref<1x128xi32, #tpu.memory_space<vmem>>
      %dma_start3A_405 = tpu.memref_squeeze %dma_start3A_404 : memref<1x128xi32, #tpu.memory_space<vmem>> -> memref<128xi32, #tpu.memory_space<vmem>>
      %dma_start3A_406 = arith.constant 0 : i32
      %dma_start3A_407 = arith.constant 0 : i32
      %dma_start3A_408 = tpu.memref_slice %arg2[%dma_start3A_406, %dma_start3A_407] : memref<25000x32xf32, #tpu.memory_space<hbm>> -> memref<25000x32xf32, #tpu.memory_space<hbm>>
      tpu.enqueue_indirect_dma source(%dma_start3A_408 : memref<25000x32xf32, #tpu.memory_space<hbm>>) target(%dma_start3A_402 : memref<128x32xf32, #tpu.memory_space<vmem>>) offsets(%dma_start3A_405 : memref<128xi32, #tpu.memory_space<vmem>>) semaphore(%arg16 : memref<!tpu.dma_semaphore, #tpu.memory_space<semaphore_mem>>)
      %add3A_409 = arith.constant 6 : i32
      %add3A_410 = arith.addi %mul3A_222, %add3A_409 : i32
      %dma_wait3A_411 = arith.constant 6 : i32
      %dma_wait3A_412 = arith.constant 0 : i32
      %dma_wait3A_413 = arith.constant 0 : i32
      %dma_wait3A_414 = tpu.memref_slice %arg9[%dma_wait3A_411, %dma_wait3A_412, %dma_wait3A_413] : memref<8x128x32xf32, #tpu.memory_space<vmem>> -> memref<1x128x32xf32, #tpu.memory_space<vmem>>
      %dma_wait3A_415 = tpu.memref_squeeze %dma_wait3A_414 : memref<1x128x32xf32, #tpu.memory_space<vmem>> -> memref<128x32xf32, #tpu.memory_space<vmem>>
      %dma_wait3A_416 = arith.constant 0 : i32
      %dma_wait3A_417 = tpu.memref_slice %arg7[%add3A_410, %dma_wait3A_416] : memref<104x128xi32, #tpu.memory_space<vmem>> -> memref<1x128xi32, #tpu.memory_space<vmem>>
      %dma_wait3A_418 = tpu.memref_squeeze %dma_wait3A_417 : memref<1x128xi32, #tpu.memory_space<vmem>> -> memref<128xi32, #tpu.memory_space<vmem>>
      %dma_wait3A_419 = arith.constant 0 : i32
      %dma_wait3A_420 = arith.constant 0 : i32
      %dma_wait3A_421 = tpu.memref_slice %arg2[%dma_wait3A_419, %dma_wait3A_420] : memref<25000x32xf32, #tpu.memory_space<hbm>> -> memref<25000x32xf32, #tpu.memory_space<hbm>>
      tpu.wait_indirect_dma semaphore(%arg17 : memref<!tpu.dma_semaphore, #tpu.memory_space<semaphore_mem>>) src(%dma_wait3A_421 : memref<25000x32xf32, #tpu.memory_space<hbm>>) dst(%dma_wait3A_415 : memref<128x32xf32, #tpu.memory_space<vmem>>)
      %add3A_422 = arith.constant 6 : i32
      %add3A_423 = arith.addi %mul3A_222, %add3A_422 : i32
      %run_scoped3A_424 = arith.constant 6 : i32
      "tpu.region"() ({
        %run_scoped3A_471 = tpu.sem_alloc : memref<!tpu.dma_semaphore, #tpu.memory_space<semaphore_mem>>
        %dma_start3A_472 = arith.constant 0 : i32
        %dma_start3A_473 = arith.constant 0 : i32
        %dma_start3A_474 = tpu.memref_slice %arg9[%run_scoped3A_424, %dma_start3A_472, %dma_start3A_473] : memref<8x128x32xf32, #tpu.memory_space<vmem>> -> memref<1x128x32xf32, #tpu.memory_space<vmem>>
        %dma_start3A_475 = tpu.memref_squeeze %dma_start3A_474 : memref<1x128x32xf32, #tpu.memory_space<vmem>> -> memref<128x32xf32, #tpu.memory_space<vmem>>
        %dma_start3A_476 = arith.constant 0 : i32
        %dma_start3A_477 = tpu.memref_slice %arg8[%add3A_423, %dma_start3A_476] : memref<104x128xi32, #tpu.memory_space<vmem>> -> memref<1x128xi32, #tpu.memory_space<vmem>>
        %dma_start3A_478 = tpu.memref_squeeze %dma_start3A_477 : memref<1x128xi32, #tpu.memory_space<vmem>> -> memref<128xi32, #tpu.memory_space<vmem>>
        %dma_start3A_479 = arith.constant 0 : i32
        %dma_start3A_480 = arith.constant 0 : i32
        %dma_start3A_481 = tpu.memref_slice %arg10[%dma_start3A_479, %dma_start3A_480] : memref<25088x32xf32, #tpu.memory_space<vmem_shared>> -> memref<25088x32xf32, #tpu.memory_space<vmem_shared>>
        tpu.enqueue_indirect_dma source(%dma_start3A_475 : memref<128x32xf32, #tpu.memory_space<vmem>>) target(%dma_start3A_481 : memref<25088x32xf32, #tpu.memory_space<vmem_shared>>) offsets(%dma_start3A_478 : memref<128xi32, #tpu.memory_space<vmem>>) semaphore(%run_scoped3A_471 : memref<!tpu.dma_semaphore, #tpu.memory_space<semaphore_mem>>) {add = true}
        %dma_wait3A_482 = arith.constant 0 : i32
        %dma_wait3A_483 = arith.constant 0 : i32
        %dma_wait3A_484 = tpu.memref_slice %arg9[%run_scoped3A_424, %dma_wait3A_482, %dma_wait3A_483] : memref<8x128x32xf32, #tpu.memory_space<vmem>> -> memref<1x128x32xf32, #tpu.memory_space<vmem>>
        %dma_wait3A_485 = tpu.memref_squeeze %dma_wait3A_484 : memref<1x128x32xf32, #tpu.memory_space<vmem>> -> memref<128x32xf32, #tpu.memory_space<vmem>>
        %dma_wait3A_486 = arith.constant 0 : i32
        %dma_wait3A_487 = tpu.memref_slice %arg8[%add3A_423, %dma_wait3A_486] : memref<104x128xi32, #tpu.memory_space<vmem>> -> memref<1x128xi32, #tpu.memory_space<vmem>>
        %dma_wait3A_488 = tpu.memref_squeeze %dma_wait3A_487 : memref<1x128xi32, #tpu.memory_space<vmem>> -> memref<128xi32, #tpu.memory_space<vmem>>
        %dma_wait3A_489 = arith.constant 0 : i32
        %dma_wait3A_490 = arith.constant 0 : i32
        %dma_wait3A_491 = tpu.memref_slice %arg10[%dma_wait3A_489, %dma_wait3A_490] : memref<25088x32xf32, #tpu.memory_space<vmem_shared>> -> memref<25088x32xf32, #tpu.memory_space<vmem_shared>>
        tpu.wait_indirect_dma semaphore(%run_scoped3A_471 : memref<!tpu.dma_semaphore, #tpu.memory_space<semaphore_mem>>) src(%dma_wait3A_485 : memref<128x32xf32, #tpu.memory_space<vmem>>) dst(%dma_wait3A_491 : memref<25088x32xf32, #tpu.memory_space<vmem_shared>>)
        tpu.yield
      }) : () -> ()
      %add3A_425 = arith.constant 6 : i32
      %add3A_426 = arith.addi %mul3A_222, %add3A_425 : i32
      %add3A_427 = arith.constant 8 : i32
      %add3A_428 = arith.addi %add3A_426, %add3A_427 : i32
      %dma_start3A_429 = arith.constant 6 : i32
      %dma_start3A_430 = arith.constant 0 : i32
      %dma_start3A_431 = arith.constant 0 : i32
      %dma_start3A_432 = tpu.memref_slice %arg9[%dma_start3A_429, %dma_start3A_430, %dma_start3A_431] : memref<8x128x32xf32, #tpu.memory_space<vmem>> -> memref<1x128x32xf32, #tpu.memory_space<vmem>>
      %dma_start3A_433 = tpu.memref_squeeze %dma_start3A_432 : memref<1x128x32xf32, #tpu.memory_space<vmem>> -> memref<128x32xf32, #tpu.memory_space<vmem>>
      %dma_start3A_434 = arith.constant 0 : i32
      %dma_start3A_435 = tpu.memref_slice %arg7[%add3A_428, %dma_start3A_434] : memref<104x128xi32, #tpu.memory_space<vmem>> -> memref<1x128xi32, #tpu.memory_space<vmem>>
      %dma_start3A_436 = tpu.memref_squeeze %dma_start3A_435 : memref<1x128xi32, #tpu.memory_space<vmem>> -> memref<128xi32, #tpu.memory_space<vmem>>
      %dma_start3A_437 = arith.constant 0 : i32
      %dma_start3A_438 = arith.constant 0 : i32
      %dma_start3A_439 = tpu.memref_slice %arg2[%dma_start3A_437, %dma_start3A_438] : memref<25000x32xf32, #tpu.memory_space<hbm>> -> memref<25000x32xf32, #tpu.memory_space<hbm>>
      tpu.enqueue_indirect_dma source(%dma_start3A_439 : memref<25000x32xf32, #tpu.memory_space<hbm>>) target(%dma_start3A_433 : memref<128x32xf32, #tpu.memory_space<vmem>>) offsets(%dma_start3A_436 : memref<128xi32, #tpu.memory_space<vmem>>) semaphore(%arg17 : memref<!tpu.dma_semaphore, #tpu.memory_space<semaphore_mem>>)
      %add3A_440 = arith.constant 7 : i32
      %add3A_441 = arith.addi %mul3A_222, %add3A_440 : i32
      %dma_wait3A_442 = arith.constant 7 : i32
      %dma_wait3A_443 = arith.constant 0 : i32
      %dma_wait3A_444 = arith.constant 0 : i32
      %dma_wait3A_445 = tpu.memref_slice %arg9[%dma_wait3A_442, %dma_wait3A_443, %dma_wait3A_444] : memref<8x128x32xf32, #tpu.memory_space<vmem>> -> memref<1x128x32xf32, #tpu.memory_space<vmem>>
      %dma_wait3A_446 = tpu.memref_squeeze %dma_wait3A_445 : memref<1x128x32xf32, #tpu.memory_space<vmem>> -> memref<128x32xf32, #tpu.memory_space<vmem>>
      %dma_wait3A_447 = arith.constant 0 : i32
      %dma_wait3A_448 = tpu.memref_slice %arg7[%add3A_441, %dma_wait3A_447] : memref<104x128xi32, #tpu.memory_space<vmem>> -> memref<1x128xi32, #tpu.memory_space<vmem>>
      %dma_wait3A_449 = tpu.memref_squeeze %dma_wait3A_448 : memref<1x128xi32, #tpu.memory_space<vmem>> -> memref<128xi32, #tpu.memory_space<vmem>>
      %dma_wait3A_450 = arith.constant 0 : i32
      %dma_wait3A_451 = arith.constant 0 : i32
      %dma_wait3A_452 = tpu.memref_slice %arg2[%dma_wait3A_450, %dma_wait3A_451] : memref<25000x32xf32, #tpu.memory_space<hbm>> -> memref<25000x32xf32, #tpu.memory_space<hbm>>
      tpu.wait_indirect_dma semaphore(%arg18 : memref<!tpu.dma_semaphore, #tpu.memory_space<semaphore_mem>>) src(%dma_wait3A_452 : memref<25000x32xf32, #tpu.memory_space<hbm>>) dst(%dma_wait3A_446 : memref<128x32xf32, #tpu.memory_space<vmem>>)
      %add3A_453 = arith.constant 7 : i32
      %add3A_454 = arith.addi %mul3A_222, %add3A_453 : i32
      %run_scoped3A_455 = arith.constant 7 : i32
      "tpu.region"() ({
        %run_scoped3A_471 = tpu.sem_alloc : memref<!tpu.dma_semaphore, #tpu.memory_space<semaphore_mem>>
        %dma_start3A_472 = arith.constant 0 : i32
        %dma_start3A_473 = arith.constant 0 : i32
        %dma_start3A_474 = tpu.memref_slice %arg9[%run_scoped3A_455, %dma_start3A_472, %dma_start3A_473] : memref<8x128x32xf32, #tpu.memory_space<vmem>> -> memref<1x128x32xf32, #tpu.memory_space<vmem>>
        %dma_start3A_475 = tpu.memref_squeeze %dma_start3A_474 : memref<1x128x32xf32, #tpu.memory_space<vmem>> -> memref<128x32xf32, #tpu.memory_space<vmem>>
        %dma_start3A_476 = arith.constant 0 : i32
        %dma_start3A_477 = tpu.memref_slice %arg8[%add3A_454, %dma_start3A_476] : memref<104x128xi32, #tpu.memory_space<vmem>> -> memref<1x128xi32, #tpu.memory_space<vmem>>
        %dma_start3A_478 = tpu.memref_squeeze %dma_start3A_477 : memref<1x128xi32, #tpu.memory_space<vmem>> -> memref<128xi32, #tpu.memory_space<vmem>>
        %dma_start3A_479 = arith.constant 0 : i32
        %dma_start3A_480 = arith.constant 0 : i32
        %dma_start3A_481 = tpu.memref_slice %arg10[%dma_start3A_479, %dma_start3A_480] : memref<25088x32xf32, #tpu.memory_space<vmem_shared>> -> memref<25088x32xf32, #tpu.memory_space<vmem_shared>>
        tpu.enqueue_indirect_dma source(%dma_start3A_475 : memref<128x32xf32, #tpu.memory_space<vmem>>) target(%dma_start3A_481 : memref<25088x32xf32, #tpu.memory_space<vmem_shared>>) offsets(%dma_start3A_478 : memref<128xi32, #tpu.memory_space<vmem>>) semaphore(%run_scoped3A_471 : memref<!tpu.dma_semaphore, #tpu.memory_space<semaphore_mem>>) {add = true}
        %dma_wait3A_482 = arith.constant 0 : i32
        %dma_wait3A_483 = arith.constant 0 : i32
        %dma_wait3A_484 = tpu.memref_slice %arg9[%run_scoped3A_455, %dma_wait3A_482, %dma_wait3A_483] : memref<8x128x32xf32, #tpu.memory_space<vmem>> -> memref<1x128x32xf32, #tpu.memory_space<vmem>>
        %dma_wait3A_485 = tpu.memref_squeeze %dma_wait3A_484 : memref<1x128x32xf32, #tpu.memory_space<vmem>> -> memref<128x32xf32, #tpu.memory_space<vmem>>
        %dma_wait3A_486 = arith.constant 0 : i32
        %dma_wait3A_487 = tpu.memref_slice %arg8[%add3A_454, %dma_wait3A_486] : memref<104x128xi32, #tpu.memory_space<vmem>> -> memref<1x128xi32, #tpu.memory_space<vmem>>
        %dma_wait3A_488 = tpu.memref_squeeze %dma_wait3A_487 : memref<1x128xi32, #tpu.memory_space<vmem>> -> memref<128xi32, #tpu.memory_space<vmem>>
        %dma_wait3A_489 = arith.constant 0 : i32
        %dma_wait3A_490 = arith.constant 0 : i32
        %dma_wait3A_491 = tpu.memref_slice %arg10[%dma_wait3A_489, %dma_wait3A_490] : memref<25088x32xf32, #tpu.memory_space<vmem_shared>> -> memref<25088x32xf32, #tpu.memory_space<vmem_shared>>
        tpu.wait_indirect_dma semaphore(%run_scoped3A_471 : memref<!tpu.dma_semaphore, #tpu.memory_space<semaphore_mem>>) src(%dma_wait3A_485 : memref<128x32xf32, #tpu.memory_space<vmem>>) dst(%dma_wait3A_491 : memref<25088x32xf32, #tpu.memory_space<vmem_shared>>)
        tpu.yield
      }) : () -> ()
      %add3A_456 = arith.constant 7 : i32
      %add3A_457 = arith.addi %mul3A_222, %add3A_456 : i32
      %add3A_458 = arith.constant 8 : i32
      %add3A_459 = arith.addi %add3A_457, %add3A_458 : i32
      %dma_start3A_460 = arith.constant 7 : i32
      %dma_start3A_461 = arith.constant 0 : i32
      %dma_start3A_462 = arith.constant 0 : i32
      %dma_start3A_463 = tpu.memref_slice %arg9[%dma_start3A_460, %dma_start3A_461, %dma_start3A_462] : memref<8x128x32xf32, #tpu.memory_space<vmem>> -> memref<1x128x32xf32, #tpu.memory_space<vmem>>
      %dma_start3A_464 = tpu.memref_squeeze %dma_start3A_463 : memref<1x128x32xf32, #tpu.memory_space<vmem>> -> memref<128x32xf32, #tpu.memory_space<vmem>>
      %dma_start3A_465 = arith.constant 0 : i32
      %dma_start3A_466 = tpu.memref_slice %arg7[%add3A_459, %dma_start3A_465] : memref<104x128xi32, #tpu.memory_space<vmem>> -> memref<1x128xi32, #tpu.memory_space<vmem>>
      %dma_start3A_467 = tpu.memref_squeeze %dma_start3A_466 : memref<1x128xi32, #tpu.memory_space<vmem>> -> memref<128xi32, #tpu.memory_space<vmem>>
      %dma_start3A_468 = arith.constant 0 : i32
      %dma_start3A_469 = arith.constant 0 : i32
      %dma_start3A_470 = tpu.memref_slice %arg2[%dma_start3A_468, %dma_start3A_469] : memref<25000x32xf32, #tpu.memory_space<hbm>> -> memref<25000x32xf32, #tpu.memory_space<hbm>>
      tpu.enqueue_indirect_dma source(%dma_start3A_470 : memref<25000x32xf32, #tpu.memory_space<hbm>>) target(%dma_start3A_464 : memref<128x32xf32, #tpu.memory_space<vmem>>) offsets(%dma_start3A_467 : memref<128xi32, #tpu.memory_space<vmem>>) semaphore(%arg18 : memref<!tpu.dma_semaphore, #tpu.memory_space<semaphore_mem>>)
    }
    %scan3A_104 = arith.constant 12 : i32
    %dma_wait3A = arith.constant 96 : i32
    %dma_wait3A_105 = arith.constant 0 : i32
    %dma_wait3A_106 = arith.constant 0 : i32
    %dma_wait3A_107 = arith.constant 0 : i32
    %dma_wait3A_108 = tpu.memref_slice %arg9[%dma_wait3A_105, %dma_wait3A_106, %dma_wait3A_107] : memref<8x128x32xf32, #tpu.memory_space<vmem>> -> memref<1x128x32xf32, #tpu.memory_space<vmem>>
    %dma_wait3A_109 = tpu.memref_squeeze %dma_wait3A_108 : memref<1x128x32xf32, #tpu.memory_space<vmem>> -> memref<128x32xf32, #tpu.memory_space<vmem>>
    %dma_wait3A_110 = arith.constant 0 : i32
    %dma_wait3A_111 = tpu.memref_slice %arg7[%dma_wait3A, %dma_wait3A_110] : memref<104x128xi32, #tpu.memory_space<vmem>> -> memref<1x128xi32, #tpu.memory_space<vmem>>
    %dma_wait3A_112 = tpu.memref_squeeze %dma_wait3A_111 : memref<1x128xi32, #tpu.memory_space<vmem>> -> memref<128xi32, #tpu.memory_space<vmem>>
    %dma_wait3A_113 = arith.constant 0 : i32
    %dma_wait3A_114 = arith.constant 0 : i32
    %dma_wait3A_115 = tpu.memref_slice %arg2[%dma_wait3A_113, %dma_wait3A_114] : memref<25000x32xf32, #tpu.memory_space<hbm>> -> memref<25000x32xf32, #tpu.memory_space<hbm>>
    tpu.wait_indirect_dma semaphore(%arg11 : memref<!tpu.dma_semaphore, #tpu.memory_space<semaphore_mem>>) src(%dma_wait3A_115 : memref<25000x32xf32, #tpu.memory_space<hbm>>) dst(%dma_wait3A_109 : memref<128x32xf32, #tpu.memory_space<vmem>>)
    %run_scoped3A = arith.constant 0 : i32
    %run_scoped3A_116 = arith.constant 96 : i32
    "tpu.region"() ({
      %run_scoped3A_220 = tpu.sem_alloc : memref<!tpu.dma_semaphore, #tpu.memory_space<semaphore_mem>>
      %dma_start3A_221 = arith.constant 0 : i32
      %dma_start3A_222 = arith.constant 0 : i32
      %dma_start3A_223 = tpu.memref_slice %arg9[%run_scoped3A, %dma_start3A_221, %dma_start3A_222] : memref<8x128x32xf32, #tpu.memory_space<vmem>> -> memref<1x128x32xf32, #tpu.memory_space<vmem>>
      %dma_start3A_224 = tpu.memref_squeeze %dma_start3A_223 : memref<1x128x32xf32, #tpu.memory_space<vmem>> -> memref<128x32xf32, #tpu.memory_space<vmem>>
      %dma_start3A_225 = arith.constant 0 : i32
      %dma_start3A_226 = tpu.memref_slice %arg8[%run_scoped3A_116, %dma_start3A_225] : memref<104x128xi32, #tpu.memory_space<vmem>> -> memref<1x128xi32, #tpu.memory_space<vmem>>
      %dma_start3A_227 = tpu.memref_squeeze %dma_start3A_226 : memref<1x128xi32, #tpu.memory_space<vmem>> -> memref<128xi32, #tpu.memory_space<vmem>>
      %dma_start3A_228 = arith.constant 0 : i32
      %dma_start3A_229 = arith.constant 0 : i32
      %dma_start3A_230 = tpu.memref_slice %arg10[%dma_start3A_228, %dma_start3A_229] : memref<25088x32xf32, #tpu.memory_space<vmem_shared>> -> memref<25088x32xf32, #tpu.memory_space<vmem_shared>>
      tpu.enqueue_indirect_dma source(%dma_start3A_224 : memref<128x32xf32, #tpu.memory_space<vmem>>) target(%dma_start3A_230 : memref<25088x32xf32, #tpu.memory_space<vmem_shared>>) offsets(%dma_start3A_227 : memref<128xi32, #tpu.memory_space<vmem>>) semaphore(%run_scoped3A_220 : memref<!tpu.dma_semaphore, #tpu.memory_space<semaphore_mem>>) {add = true}
      %dma_wait3A_231 = arith.constant 0 : i32
      %dma_wait3A_232 = arith.constant 0 : i32
      %dma_wait3A_233 = tpu.memref_slice %arg9[%run_scoped3A, %dma_wait3A_231, %dma_wait3A_232] : memref<8x128x32xf32, #tpu.memory_space<vmem>> -> memref<1x128x32xf32, #tpu.memory_space<vmem>>
      %dma_wait3A_234 = tpu.memref_squeeze %dma_wait3A_233 : memref<1x128x32xf32, #tpu.memory_space<vmem>> -> memref<128x32xf32, #tpu.memory_space<vmem>>
      %dma_wait3A_235 = arith.constant 0 : i32
      %dma_wait3A_236 = tpu.memref_slice %arg8[%run_scoped3A_116, %dma_wait3A_235] : memref<104x128xi32, #tpu.memory_space<vmem>> -> memref<1x128xi32, #tpu.memory_space<vmem>>
      %dma_wait3A_237 = tpu.memref_squeeze %dma_wait3A_236 : memref<1x128xi32, #tpu.memory_space<vmem>> -> memref<128xi32, #tpu.memory_space<vmem>>
      %dma_wait3A_238 = arith.constant 0 : i32
      %dma_wait3A_239 = arith.constant 0 : i32
      %dma_wait3A_240 = tpu.memref_slice %arg10[%dma_wait3A_238, %dma_wait3A_239] : memref<25088x32xf32, #tpu.memory_space<vmem_shared>> -> memref<25088x32xf32, #tpu.memory_space<vmem_shared>>
      tpu.wait_indirect_dma semaphore(%run_scoped3A_220 : memref<!tpu.dma_semaphore, #tpu.memory_space<semaphore_mem>>) src(%dma_wait3A_234 : memref<128x32xf32, #tpu.memory_space<vmem>>) dst(%dma_wait3A_240 : memref<25088x32xf32, #tpu.memory_space<vmem_shared>>)
      tpu.yield
    }) : () -> ()
    %dma_wait3A_117 = arith.constant 97 : i32
    %dma_wait3A_118 = arith.constant 1 : i32
    %dma_wait3A_119 = arith.constant 0 : i32
    %dma_wait3A_120 = arith.constant 0 : i32
    %dma_wait3A_121 = tpu.memref_slice %arg9[%dma_wait3A_118, %dma_wait3A_119, %dma_wait3A_120] : memref<8x128x32xf32, #tpu.memory_space<vmem>> -> memref<1x128x32xf32, #tpu.memory_space<vmem>>
    %dma_wait3A_122 = tpu.memref_squeeze %dma_wait3A_121 : memref<1x128x32xf32, #tpu.memory_space<vmem>> -> memref<128x32xf32, #tpu.memory_space<vmem>>
    %dma_wait3A_123 = arith.constant 0 : i32
    %dma_wait3A_124 = tpu.memref_slice %arg7[%dma_wait3A_117, %dma_wait3A_123] : memref<104x128xi32, #tpu.memory_space<vmem>> -> memref<1x128xi32, #tpu.memory_space<vmem>>
    %dma_wait3A_125 = tpu.memref_squeeze %dma_wait3A_124 : memref<1x128xi32, #tpu.memory_space<vmem>> -> memref<128xi32, #tpu.memory_space<vmem>>
    %dma_wait3A_126 = arith.constant 0 : i32
    %dma_wait3A_127 = arith.constant 0 : i32
    %dma_wait3A_128 = tpu.memref_slice %arg2[%dma_wait3A_126, %dma_wait3A_127] : memref<25000x32xf32, #tpu.memory_space<hbm>> -> memref<25000x32xf32, #tpu.memory_space<hbm>>
    tpu.wait_indirect_dma semaphore(%arg12 : memref<!tpu.dma_semaphore, #tpu.memory_space<semaphore_mem>>) src(%dma_wait3A_128 : memref<25000x32xf32, #tpu.memory_space<hbm>>) dst(%dma_wait3A_122 : memref<128x32xf32, #tpu.memory_space<vmem>>)
    %run_scoped3A_129 = arith.constant 1 : i32
    %run_scoped3A_130 = arith.constant 97 : i32
    "tpu.region"() ({
      %run_scoped3A_220 = tpu.sem_alloc : memref<!tpu.dma_semaphore, #tpu.memory_space<semaphore_mem>>
      %dma_start3A_221 = arith.constant 0 : i32
      %dma_start3A_222 = arith.constant 0 : i32
      %dma_start3A_223 = tpu.memref_slice %arg9[%run_scoped3A_129, %dma_start3A_221, %dma_start3A_222] : memref<8x128x32xf32, #tpu.memory_space<vmem>> -> memref<1x128x32xf32, #tpu.memory_space<vmem>>
      %dma_start3A_224 = tpu.memref_squeeze %dma_start3A_223 : memref<1x128x32xf32, #tpu.memory_space<vmem>> -> memref<128x32xf32, #tpu.memory_space<vmem>>
      %dma_start3A_225 = arith.constant 0 : i32
      %dma_start3A_226 = tpu.memref_slice %arg8[%run_scoped3A_130, %dma_start3A_225] : memref<104x128xi32, #tpu.memory_space<vmem>> -> memref<1x128xi32, #tpu.memory_space<vmem>>
      %dma_start3A_227 = tpu.memref_squeeze %dma_start3A_226 : memref<1x128xi32, #tpu.memory_space<vmem>> -> memref<128xi32, #tpu.memory_space<vmem>>
      %dma_start3A_228 = arith.constant 0 : i32
      %dma_start3A_229 = arith.constant 0 : i32
      %dma_start3A_230 = tpu.memref_slice %arg10[%dma_start3A_228, %dma_start3A_229] : memref<25088x32xf32, #tpu.memory_space<vmem_shared>> -> memref<25088x32xf32, #tpu.memory_space<vmem_shared>>
      tpu.enqueue_indirect_dma source(%dma_start3A_224 : memref<128x32xf32, #tpu.memory_space<vmem>>) target(%dma_start3A_230 : memref<25088x32xf32, #tpu.memory_space<vmem_shared>>) offsets(%dma_start3A_227 : memref<128xi32, #tpu.memory_space<vmem>>) semaphore(%run_scoped3A_220 : memref<!tpu.dma_semaphore, #tpu.memory_space<semaphore_mem>>) {add = true}
      %dma_wait3A_231 = arith.constant 0 : i32
      %dma_wait3A_232 = arith.constant 0 : i32
      %dma_wait3A_233 = tpu.memref_slice %arg9[%run_scoped3A_129, %dma_wait3A_231, %dma_wait3A_232] : memref<8x128x32xf32, #tpu.memory_space<vmem>> -> memref<1x128x32xf32, #tpu.memory_space<vmem>>
      %dma_wait3A_234 = tpu.memref_squeeze %dma_wait3A_233 : memref<1x128x32xf32, #tpu.memory_space<vmem>> -> memref<128x32xf32, #tpu.memory_space<vmem>>
      %dma_wait3A_235 = arith.constant 0 : i32
      %dma_wait3A_236 = tpu.memref_slice %arg8[%run_scoped3A_130, %dma_wait3A_235] : memref<104x128xi32, #tpu.memory_space<vmem>> -> memref<1x128xi32, #tpu.memory_space<vmem>>
      %dma_wait3A_237 = tpu.memref_squeeze %dma_wait3A_236 : memref<1x128xi32, #tpu.memory_space<vmem>> -> memref<128xi32, #tpu.memory_space<vmem>>
      %dma_wait3A_238 = arith.constant 0 : i32
      %dma_wait3A_239 = arith.constant 0 : i32
      %dma_wait3A_240 = tpu.memref_slice %arg10[%dma_wait3A_238, %dma_wait3A_239] : memref<25088x32xf32, #tpu.memory_space<vmem_shared>> -> memref<25088x32xf32, #tpu.memory_space<vmem_shared>>
      tpu.wait_indirect_dma semaphore(%run_scoped3A_220 : memref<!tpu.dma_semaphore, #tpu.memory_space<semaphore_mem>>) src(%dma_wait3A_234 : memref<128x32xf32, #tpu.memory_space<vmem>>) dst(%dma_wait3A_240 : memref<25088x32xf32, #tpu.memory_space<vmem_shared>>)
      tpu.yield
    }) : () -> ()
    %dma_wait3A_131 = arith.constant 98 : i32
    %dma_wait3A_132 = arith.constant 2 : i32
    %dma_wait3A_133 = arith.constant 0 : i32
    %dma_wait3A_134 = arith.constant 0 : i32
    %dma_wait3A_135 = tpu.memref_slice %arg9[%dma_wait3A_132, %dma_wait3A_133, %dma_wait3A_134] : memref<8x128x32xf32, #tpu.memory_space<vmem>> -> memref<1x128x32xf32, #tpu.memory_space<vmem>>
    %dma_wait3A_136 = tpu.memref_squeeze %dma_wait3A_135 : memref<1x128x32xf32, #tpu.memory_space<vmem>> -> memref<128x32xf32, #tpu.memory_space<vmem>>
    %dma_wait3A_137 = arith.constant 0 : i32
    %dma_wait3A_138 = tpu.memref_slice %arg7[%dma_wait3A_131, %dma_wait3A_137] : memref<104x128xi32, #tpu.memory_space<vmem>> -> memref<1x128xi32, #tpu.memory_space<vmem>>
    %dma_wait3A_139 = tpu.memref_squeeze %dma_wait3A_138 : memref<1x128xi32, #tpu.memory_space<vmem>> -> memref<128xi32, #tpu.memory_space<vmem>>
    %dma_wait3A_140 = arith.constant 0 : i32
    %dma_wait3A_141 = arith.constant 0 : i32
    %dma_wait3A_142 = tpu.memref_slice %arg2[%dma_wait3A_140, %dma_wait3A_141] : memref<25000x32xf32, #tpu.memory_space<hbm>> -> memref<25000x32xf32, #tpu.memory_space<hbm>>
    tpu.wait_indirect_dma semaphore(%arg13 : memref<!tpu.dma_semaphore, #tpu.memory_space<semaphore_mem>>) src(%dma_wait3A_142 : memref<25000x32xf32, #tpu.memory_space<hbm>>) dst(%dma_wait3A_136 : memref<128x32xf32, #tpu.memory_space<vmem>>)
    %run_scoped3A_143 = arith.constant 2 : i32
    %run_scoped3A_144 = arith.constant 98 : i32
    "tpu.region"() ({
      %run_scoped3A_220 = tpu.sem_alloc : memref<!tpu.dma_semaphore, #tpu.memory_space<semaphore_mem>>
      %dma_start3A_221 = arith.constant 0 : i32
      %dma_start3A_222 = arith.constant 0 : i32
      %dma_start3A_223 = tpu.memref_slice %arg9[%run_scoped3A_143, %dma_start3A_221, %dma_start3A_222] : memref<8x128x32xf32, #tpu.memory_space<vmem>> -> memref<1x128x32xf32, #tpu.memory_space<vmem>>
      %dma_start3A_224 = tpu.memref_squeeze %dma_start3A_223 : memref<1x128x32xf32, #tpu.memory_space<vmem>> -> memref<128x32xf32, #tpu.memory_space<vmem>>
      %dma_start3A_225 = arith.constant 0 : i32
      %dma_start3A_226 = tpu.memref_slice %arg8[%run_scoped3A_144, %dma_start3A_225] : memref<104x128xi32, #tpu.memory_space<vmem>> -> memref<1x128xi32, #tpu.memory_space<vmem>>
      %dma_start3A_227 = tpu.memref_squeeze %dma_start3A_226 : memref<1x128xi32, #tpu.memory_space<vmem>> -> memref<128xi32, #tpu.memory_space<vmem>>
      %dma_start3A_228 = arith.constant 0 : i32
      %dma_start3A_229 = arith.constant 0 : i32
      %dma_start3A_230 = tpu.memref_slice %arg10[%dma_start3A_228, %dma_start3A_229] : memref<25088x32xf32, #tpu.memory_space<vmem_shared>> -> memref<25088x32xf32, #tpu.memory_space<vmem_shared>>
      tpu.enqueue_indirect_dma source(%dma_start3A_224 : memref<128x32xf32, #tpu.memory_space<vmem>>) target(%dma_start3A_230 : memref<25088x32xf32, #tpu.memory_space<vmem_shared>>) offsets(%dma_start3A_227 : memref<128xi32, #tpu.memory_space<vmem>>) semaphore(%run_scoped3A_220 : memref<!tpu.dma_semaphore, #tpu.memory_space<semaphore_mem>>) {add = true}
      %dma_wait3A_231 = arith.constant 0 : i32
      %dma_wait3A_232 = arith.constant 0 : i32
      %dma_wait3A_233 = tpu.memref_slice %arg9[%run_scoped3A_143, %dma_wait3A_231, %dma_wait3A_232] : memref<8x128x32xf32, #tpu.memory_space<vmem>> -> memref<1x128x32xf32, #tpu.memory_space<vmem>>
      %dma_wait3A_234 = tpu.memref_squeeze %dma_wait3A_233 : memref<1x128x32xf32, #tpu.memory_space<vmem>> -> memref<128x32xf32, #tpu.memory_space<vmem>>
      %dma_wait3A_235 = arith.constant 0 : i32
      %dma_wait3A_236 = tpu.memref_slice %arg8[%run_scoped3A_144, %dma_wait3A_235] : memref<104x128xi32, #tpu.memory_space<vmem>> -> memref<1x128xi32, #tpu.memory_space<vmem>>
      %dma_wait3A_237 = tpu.memref_squeeze %dma_wait3A_236 : memref<1x128xi32, #tpu.memory_space<vmem>> -> memref<128xi32, #tpu.memory_space<vmem>>
      %dma_wait3A_238 = arith.constant 0 : i32
      %dma_wait3A_239 = arith.constant 0 : i32
      %dma_wait3A_240 = tpu.memref_slice %arg10[%dma_wait3A_238, %dma_wait3A_239] : memref<25088x32xf32, #tpu.memory_space<vmem_shared>> -> memref<25088x32xf32, #tpu.memory_space<vmem_shared>>
      tpu.wait_indirect_dma semaphore(%run_scoped3A_220 : memref<!tpu.dma_semaphore, #tpu.memory_space<semaphore_mem>>) src(%dma_wait3A_234 : memref<128x32xf32, #tpu.memory_space<vmem>>) dst(%dma_wait3A_240 : memref<25088x32xf32, #tpu.memory_space<vmem_shared>>)
      tpu.yield
    }) : () -> ()
    %dma_wait3A_145 = arith.constant 99 : i32
    %dma_wait3A_146 = arith.constant 3 : i32
    %dma_wait3A_147 = arith.constant 0 : i32
    %dma_wait3A_148 = arith.constant 0 : i32
    %dma_wait3A_149 = tpu.memref_slice %arg9[%dma_wait3A_146, %dma_wait3A_147, %dma_wait3A_148] : memref<8x128x32xf32, #tpu.memory_space<vmem>> -> memref<1x128x32xf32, #tpu.memory_space<vmem>>
    %dma_wait3A_150 = tpu.memref_squeeze %dma_wait3A_149 : memref<1x128x32xf32, #tpu.memory_space<vmem>> -> memref<128x32xf32, #tpu.memory_space<vmem>>
    %dma_wait3A_151 = arith.constant 0 : i32
    %dma_wait3A_152 = tpu.memref_slice %arg7[%dma_wait3A_145, %dma_wait3A_151] : memref<104x128xi32, #tpu.memory_space<vmem>> -> memref<1x128xi32, #tpu.memory_space<vmem>>
    %dma_wait3A_153 = tpu.memref_squeeze %dma_wait3A_152 : memref<1x128xi32, #tpu.memory_space<vmem>> -> memref<128xi32, #tpu.memory_space<vmem>>
    %dma_wait3A_154 = arith.constant 0 : i32
    %dma_wait3A_155 = arith.constant 0 : i32
    %dma_wait3A_156 = tpu.memref_slice %arg2[%dma_wait3A_154, %dma_wait3A_155] : memref<25000x32xf32, #tpu.memory_space<hbm>> -> memref<25000x32xf32, #tpu.memory_space<hbm>>
    tpu.wait_indirect_dma semaphore(%arg14 : memref<!tpu.dma_semaphore, #tpu.memory_space<semaphore_mem>>) src(%dma_wait3A_156 : memref<25000x32xf32, #tpu.memory_space<hbm>>) dst(%dma_wait3A_150 : memref<128x32xf32, #tpu.memory_space<vmem>>)
    %run_scoped3A_157 = arith.constant 3 : i32
    %run_scoped3A_158 = arith.constant 99 : i32
    "tpu.region"() ({
      %run_scoped3A_220 = tpu.sem_alloc : memref<!tpu.dma_semaphore, #tpu.memory_space<semaphore_mem>>
      %dma_start3A_221 = arith.constant 0 : i32
      %dma_start3A_222 = arith.constant 0 : i32
      %dma_start3A_223 = tpu.memref_slice %arg9[%run_scoped3A_157, %dma_start3A_221, %dma_start3A_222] : memref<8x128x32xf32, #tpu.memory_space<vmem>> -> memref<1x128x32xf32, #tpu.memory_space<vmem>>
      %dma_start3A_224 = tpu.memref_squeeze %dma_start3A_223 : memref<1x128x32xf32, #tpu.memory_space<vmem>> -> memref<128x32xf32, #tpu.memory_space<vmem>>
      %dma_start3A_225 = arith.constant 0 : i32
      %dma_start3A_226 = tpu.memref_slice %arg8[%run_scoped3A_158, %dma_start3A_225] : memref<104x128xi32, #tpu.memory_space<vmem>> -> memref<1x128xi32, #tpu.memory_space<vmem>>
      %dma_start3A_227 = tpu.memref_squeeze %dma_start3A_226 : memref<1x128xi32, #tpu.memory_space<vmem>> -> memref<128xi32, #tpu.memory_space<vmem>>
      %dma_start3A_228 = arith.constant 0 : i32
      %dma_start3A_229 = arith.constant 0 : i32
      %dma_start3A_230 = tpu.memref_slice %arg10[%dma_start3A_228, %dma_start3A_229] : memref<25088x32xf32, #tpu.memory_space<vmem_shared>> -> memref<25088x32xf32, #tpu.memory_space<vmem_shared>>
      tpu.enqueue_indirect_dma source(%dma_start3A_224 : memref<128x32xf32, #tpu.memory_space<vmem>>) target(%dma_start3A_230 : memref<25088x32xf32, #tpu.memory_space<vmem_shared>>) offsets(%dma_start3A_227 : memref<128xi32, #tpu.memory_space<vmem>>) semaphore(%run_scoped3A_220 : memref<!tpu.dma_semaphore, #tpu.memory_space<semaphore_mem>>) {add = true}
      %dma_wait3A_231 = arith.constant 0 : i32
      %dma_wait3A_232 = arith.constant 0 : i32
      %dma_wait3A_233 = tpu.memref_slice %arg9[%run_scoped3A_157, %dma_wait3A_231, %dma_wait3A_232] : memref<8x128x32xf32, #tpu.memory_space<vmem>> -> memref<1x128x32xf32, #tpu.memory_space<vmem>>
      %dma_wait3A_234 = tpu.memref_squeeze %dma_wait3A_233 : memref<1x128x32xf32, #tpu.memory_space<vmem>> -> memref<128x32xf32, #tpu.memory_space<vmem>>
      %dma_wait3A_235 = arith.constant 0 : i32
      %dma_wait3A_236 = tpu.memref_slice %arg8[%run_scoped3A_158, %dma_wait3A_235] : memref<104x128xi32, #tpu.memory_space<vmem>> -> memref<1x128xi32, #tpu.memory_space<vmem>>
      %dma_wait3A_237 = tpu.memref_squeeze %dma_wait3A_236 : memref<1x128xi32, #tpu.memory_space<vmem>> -> memref<128xi32, #tpu.memory_space<vmem>>
      %dma_wait3A_238 = arith.constant 0 : i32
      %dma_wait3A_239 = arith.constant 0 : i32
      %dma_wait3A_240 = tpu.memref_slice %arg10[%dma_wait3A_238, %dma_wait3A_239] : memref<25088x32xf32, #tpu.memory_space<vmem_shared>> -> memref<25088x32xf32, #tpu.memory_space<vmem_shared>>
      tpu.wait_indirect_dma semaphore(%run_scoped3A_220 : memref<!tpu.dma_semaphore, #tpu.memory_space<semaphore_mem>>) src(%dma_wait3A_234 : memref<128x32xf32, #tpu.memory_space<vmem>>) dst(%dma_wait3A_240 : memref<25088x32xf32, #tpu.memory_space<vmem_shared>>)
      tpu.yield
    }) : () -> ()
    %dma_wait3A_159 = arith.constant 100 : i32
    %dma_wait3A_160 = arith.constant 4 : i32
    %dma_wait3A_161 = arith.constant 0 : i32
    %dma_wait3A_162 = arith.constant 0 : i32
    %dma_wait3A_163 = tpu.memref_slice %arg9[%dma_wait3A_160, %dma_wait3A_161, %dma_wait3A_162] : memref<8x128x32xf32, #tpu.memory_space<vmem>> -> memref<1x128x32xf32, #tpu.memory_space<vmem>>
    %dma_wait3A_164 = tpu.memref_squeeze %dma_wait3A_163 : memref<1x128x32xf32, #tpu.memory_space<vmem>> -> memref<128x32xf32, #tpu.memory_space<vmem>>
    %dma_wait3A_165 = arith.constant 0 : i32
    %dma_wait3A_166 = tpu.memref_slice %arg7[%dma_wait3A_159, %dma_wait3A_165] : memref<104x128xi32, #tpu.memory_space<vmem>> -> memref<1x128xi32, #tpu.memory_space<vmem>>
    %dma_wait3A_167 = tpu.memref_squeeze %dma_wait3A_166 : memref<1x128xi32, #tpu.memory_space<vmem>> -> memref<128xi32, #tpu.memory_space<vmem>>
    %dma_wait3A_168 = arith.constant 0 : i32
    %dma_wait3A_169 = arith.constant 0 : i32
    %dma_wait3A_170 = tpu.memref_slice %arg2[%dma_wait3A_168, %dma_wait3A_169] : memref<25000x32xf32, #tpu.memory_space<hbm>> -> memref<25000x32xf32, #tpu.memory_space<hbm>>
    tpu.wait_indirect_dma semaphore(%arg15 : memref<!tpu.dma_semaphore, #tpu.memory_space<semaphore_mem>>) src(%dma_wait3A_170 : memref<25000x32xf32, #tpu.memory_space<hbm>>) dst(%dma_wait3A_164 : memref<128x32xf32, #tpu.memory_space<vmem>>)
    %run_scoped3A_171 = arith.constant 4 : i32
    %run_scoped3A_172 = arith.constant 100 : i32
    "tpu.region"() ({
      %run_scoped3A_220 = tpu.sem_alloc : memref<!tpu.dma_semaphore, #tpu.memory_space<semaphore_mem>>
      %dma_start3A_221 = arith.constant 0 : i32
      %dma_start3A_222 = arith.constant 0 : i32
      %dma_start3A_223 = tpu.memref_slice %arg9[%run_scoped3A_171, %dma_start3A_221, %dma_start3A_222] : memref<8x128x32xf32, #tpu.memory_space<vmem>> -> memref<1x128x32xf32, #tpu.memory_space<vmem>>
      %dma_start3A_224 = tpu.memref_squeeze %dma_start3A_223 : memref<1x128x32xf32, #tpu.memory_space<vmem>> -> memref<128x32xf32, #tpu.memory_space<vmem>>
      %dma_start3A_225 = arith.constant 0 : i32
      %dma_start3A_226 = tpu.memref_slice %arg8[%run_scoped3A_172, %dma_start3A_225] : memref<104x128xi32, #tpu.memory_space<vmem>> -> memref<1x128xi32, #tpu.memory_space<vmem>>
      %dma_start3A_227 = tpu.memref_squeeze %dma_start3A_226 : memref<1x128xi32, #tpu.memory_space<vmem>> -> memref<128xi32, #tpu.memory_space<vmem>>
      %dma_start3A_228 = arith.constant 0 : i32
      %dma_start3A_229 = arith.constant 0 : i32
      %dma_start3A_230 = tpu.memref_slice %arg10[%dma_start3A_228, %dma_start3A_229] : memref<25088x32xf32, #tpu.memory_space<vmem_shared>> -> memref<25088x32xf32, #tpu.memory_space<vmem_shared>>
      tpu.enqueue_indirect_dma source(%dma_start3A_224 : memref<128x32xf32, #tpu.memory_space<vmem>>) target(%dma_start3A_230 : memref<25088x32xf32, #tpu.memory_space<vmem_shared>>) offsets(%dma_start3A_227 : memref<128xi32, #tpu.memory_space<vmem>>) semaphore(%run_scoped3A_220 : memref<!tpu.dma_semaphore, #tpu.memory_space<semaphore_mem>>) {add = true}
      %dma_wait3A_231 = arith.constant 0 : i32
      %dma_wait3A_232 = arith.constant 0 : i32
      %dma_wait3A_233 = tpu.memref_slice %arg9[%run_scoped3A_171, %dma_wait3A_231, %dma_wait3A_232] : memref<8x128x32xf32, #tpu.memory_space<vmem>> -> memref<1x128x32xf32, #tpu.memory_space<vmem>>
      %dma_wait3A_234 = tpu.memref_squeeze %dma_wait3A_233 : memref<1x128x32xf32, #tpu.memory_space<vmem>> -> memref<128x32xf32, #tpu.memory_space<vmem>>
      %dma_wait3A_235 = arith.constant 0 : i32
      %dma_wait3A_236 = tpu.memref_slice %arg8[%run_scoped3A_172, %dma_wait3A_235] : memref<104x128xi32, #tpu.memory_space<vmem>> -> memref<1x128xi32, #tpu.memory_space<vmem>>
      %dma_wait3A_237 = tpu.memref_squeeze %dma_wait3A_236 : memref<1x128xi32, #tpu.memory_space<vmem>> -> memref<128xi32, #tpu.memory_space<vmem>>
      %dma_wait3A_238 = arith.constant 0 : i32
      %dma_wait3A_239 = arith.constant 0 : i32
      %dma_wait3A_240 = tpu.memref_slice %arg10[%dma_wait3A_238, %dma_wait3A_239] : memref<25088x32xf32, #tpu.memory_space<vmem_shared>> -> memref<25088x32xf32, #tpu.memory_space<vmem_shared>>
      tpu.wait_indirect_dma semaphore(%run_scoped3A_220 : memref<!tpu.dma_semaphore, #tpu.memory_space<semaphore_mem>>) src(%dma_wait3A_234 : memref<128x32xf32, #tpu.memory_space<vmem>>) dst(%dma_wait3A_240 : memref<25088x32xf32, #tpu.memory_space<vmem_shared>>)
      tpu.yield
    }) : () -> ()
    %dma_wait3A_173 = arith.constant 101 : i32
    %dma_wait3A_174 = arith.constant 5 : i32
    %dma_wait3A_175 = arith.constant 0 : i32
    %dma_wait3A_176 = arith.constant 0 : i32
    %dma_wait3A_177 = tpu.memref_slice %arg9[%dma_wait3A_174, %dma_wait3A_175, %dma_wait3A_176] : memref<8x128x32xf32, #tpu.memory_space<vmem>> -> memref<1x128x32xf32, #tpu.memory_space<vmem>>
    %dma_wait3A_178 = tpu.memref_squeeze %dma_wait3A_177 : memref<1x128x32xf32, #tpu.memory_space<vmem>> -> memref<128x32xf32, #tpu.memory_space<vmem>>
    %dma_wait3A_179 = arith.constant 0 : i32
    %dma_wait3A_180 = tpu.memref_slice %arg7[%dma_wait3A_173, %dma_wait3A_179] : memref<104x128xi32, #tpu.memory_space<vmem>> -> memref<1x128xi32, #tpu.memory_space<vmem>>
    %dma_wait3A_181 = tpu.memref_squeeze %dma_wait3A_180 : memref<1x128xi32, #tpu.memory_space<vmem>> -> memref<128xi32, #tpu.memory_space<vmem>>
    %dma_wait3A_182 = arith.constant 0 : i32
    %dma_wait3A_183 = arith.constant 0 : i32
    %dma_wait3A_184 = tpu.memref_slice %arg2[%dma_wait3A_182, %dma_wait3A_183] : memref<25000x32xf32, #tpu.memory_space<hbm>> -> memref<25000x32xf32, #tpu.memory_space<hbm>>
    tpu.wait_indirect_dma semaphore(%arg16 : memref<!tpu.dma_semaphore, #tpu.memory_space<semaphore_mem>>) src(%dma_wait3A_184 : memref<25000x32xf32, #tpu.memory_space<hbm>>) dst(%dma_wait3A_178 : memref<128x32xf32, #tpu.memory_space<vmem>>)
    %run_scoped3A_185 = arith.constant 5 : i32
    %run_scoped3A_186 = arith.constant 101 : i32
    "tpu.region"() ({
      %run_scoped3A_220 = tpu.sem_alloc : memref<!tpu.dma_semaphore, #tpu.memory_space<semaphore_mem>>
      %dma_start3A_221 = arith.constant 0 : i32
      %dma_start3A_222 = arith.constant 0 : i32
      %dma_start3A_223 = tpu.memref_slice %arg9[%run_scoped3A_185, %dma_start3A_221, %dma_start3A_222] : memref<8x128x32xf32, #tpu.memory_space<vmem>> -> memref<1x128x32xf32, #tpu.memory_space<vmem>>
      %dma_start3A_224 = tpu.memref_squeeze %dma_start3A_223 : memref<1x128x32xf32, #tpu.memory_space<vmem>> -> memref<128x32xf32, #tpu.memory_space<vmem>>
      %dma_start3A_225 = arith.constant 0 : i32
      %dma_start3A_226 = tpu.memref_slice %arg8[%run_scoped3A_186, %dma_start3A_225] : memref<104x128xi32, #tpu.memory_space<vmem>> -> memref<1x128xi32, #tpu.memory_space<vmem>>
      %dma_start3A_227 = tpu.memref_squeeze %dma_start3A_226 : memref<1x128xi32, #tpu.memory_space<vmem>> -> memref<128xi32, #tpu.memory_space<vmem>>
      %dma_start3A_228 = arith.constant 0 : i32
      %dma_start3A_229 = arith.constant 0 : i32
      %dma_start3A_230 = tpu.memref_slice %arg10[%dma_start3A_228, %dma_start3A_229] : memref<25088x32xf32, #tpu.memory_space<vmem_shared>> -> memref<25088x32xf32, #tpu.memory_space<vmem_shared>>
      tpu.enqueue_indirect_dma source(%dma_start3A_224 : memref<128x32xf32, #tpu.memory_space<vmem>>) target(%dma_start3A_230 : memref<25088x32xf32, #tpu.memory_space<vmem_shared>>) offsets(%dma_start3A_227 : memref<128xi32, #tpu.memory_space<vmem>>) semaphore(%run_scoped3A_220 : memref<!tpu.dma_semaphore, #tpu.memory_space<semaphore_mem>>) {add = true}
      %dma_wait3A_231 = arith.constant 0 : i32
      %dma_wait3A_232 = arith.constant 0 : i32
      %dma_wait3A_233 = tpu.memref_slice %arg9[%run_scoped3A_185, %dma_wait3A_231, %dma_wait3A_232] : memref<8x128x32xf32, #tpu.memory_space<vmem>> -> memref<1x128x32xf32, #tpu.memory_space<vmem>>
      %dma_wait3A_234 = tpu.memref_squeeze %dma_wait3A_233 : memref<1x128x32xf32, #tpu.memory_space<vmem>> -> memref<128x32xf32, #tpu.memory_space<vmem>>
      %dma_wait3A_235 = arith.constant 0 : i32
      %dma_wait3A_236 = tpu.memref_slice %arg8[%run_scoped3A_186, %dma_wait3A_235] : memref<104x128xi32, #tpu.memory_space<vmem>> -> memref<1x128xi32, #tpu.memory_space<vmem>>
      %dma_wait3A_237 = tpu.memref_squeeze %dma_wait3A_236 : memref<1x128xi32, #tpu.memory_space<vmem>> -> memref<128xi32, #tpu.memory_space<vmem>>
      %dma_wait3A_238 = arith.constant 0 : i32
      %dma_wait3A_239 = arith.constant 0 : i32
      %dma_wait3A_240 = tpu.memref_slice %arg10[%dma_wait3A_238, %dma_wait3A_239] : memref<25088x32xf32, #tpu.memory_space<vmem_shared>> -> memref<25088x32xf32, #tpu.memory_space<vmem_shared>>
      tpu.wait_indirect_dma semaphore(%run_scoped3A_220 : memref<!tpu.dma_semaphore, #tpu.memory_space<semaphore_mem>>) src(%dma_wait3A_234 : memref<128x32xf32, #tpu.memory_space<vmem>>) dst(%dma_wait3A_240 : memref<25088x32xf32, #tpu.memory_space<vmem_shared>>)
      tpu.yield
    }) : () -> ()
    %dma_wait3A_187 = arith.constant 102 : i32
    %dma_wait3A_188 = arith.constant 6 : i32
    %dma_wait3A_189 = arith.constant 0 : i32
    %dma_wait3A_190 = arith.constant 0 : i32
    %dma_wait3A_191 = tpu.memref_slice %arg9[%dma_wait3A_188, %dma_wait3A_189, %dma_wait3A_190] : memref<8x128x32xf32, #tpu.memory_space<vmem>> -> memref<1x128x32xf32, #tpu.memory_space<vmem>>
    %dma_wait3A_192 = tpu.memref_squeeze %dma_wait3A_191 : memref<1x128x32xf32, #tpu.memory_space<vmem>> -> memref<128x32xf32, #tpu.memory_space<vmem>>
    %dma_wait3A_193 = arith.constant 0 : i32
    %dma_wait3A_194 = tpu.memref_slice %arg7[%dma_wait3A_187, %dma_wait3A_193] : memref<104x128xi32, #tpu.memory_space<vmem>> -> memref<1x128xi32, #tpu.memory_space<vmem>>
    %dma_wait3A_195 = tpu.memref_squeeze %dma_wait3A_194 : memref<1x128xi32, #tpu.memory_space<vmem>> -> memref<128xi32, #tpu.memory_space<vmem>>
    %dma_wait3A_196 = arith.constant 0 : i32
    %dma_wait3A_197 = arith.constant 0 : i32
    %dma_wait3A_198 = tpu.memref_slice %arg2[%dma_wait3A_196, %dma_wait3A_197] : memref<25000x32xf32, #tpu.memory_space<hbm>> -> memref<25000x32xf32, #tpu.memory_space<hbm>>
    tpu.wait_indirect_dma semaphore(%arg17 : memref<!tpu.dma_semaphore, #tpu.memory_space<semaphore_mem>>) src(%dma_wait3A_198 : memref<25000x32xf32, #tpu.memory_space<hbm>>) dst(%dma_wait3A_192 : memref<128x32xf32, #tpu.memory_space<vmem>>)
    %run_scoped3A_199 = arith.constant 6 : i32
    %run_scoped3A_200 = arith.constant 102 : i32
    "tpu.region"() ({
      %run_scoped3A_220 = tpu.sem_alloc : memref<!tpu.dma_semaphore, #tpu.memory_space<semaphore_mem>>
      %dma_start3A_221 = arith.constant 0 : i32
      %dma_start3A_222 = arith.constant 0 : i32
      %dma_start3A_223 = tpu.memref_slice %arg9[%run_scoped3A_199, %dma_start3A_221, %dma_start3A_222] : memref<8x128x32xf32, #tpu.memory_space<vmem>> -> memref<1x128x32xf32, #tpu.memory_space<vmem>>
      %dma_start3A_224 = tpu.memref_squeeze %dma_start3A_223 : memref<1x128x32xf32, #tpu.memory_space<vmem>> -> memref<128x32xf32, #tpu.memory_space<vmem>>
      %dma_start3A_225 = arith.constant 0 : i32
      %dma_start3A_226 = tpu.memref_slice %arg8[%run_scoped3A_200, %dma_start3A_225] : memref<104x128xi32, #tpu.memory_space<vmem>> -> memref<1x128xi32, #tpu.memory_space<vmem>>
      %dma_start3A_227 = tpu.memref_squeeze %dma_start3A_226 : memref<1x128xi32, #tpu.memory_space<vmem>> -> memref<128xi32, #tpu.memory_space<vmem>>
      %dma_start3A_228 = arith.constant 0 : i32
      %dma_start3A_229 = arith.constant 0 : i32
      %dma_start3A_230 = tpu.memref_slice %arg10[%dma_start3A_228, %dma_start3A_229] : memref<25088x32xf32, #tpu.memory_space<vmem_shared>> -> memref<25088x32xf32, #tpu.memory_space<vmem_shared>>
      tpu.enqueue_indirect_dma source(%dma_start3A_224 : memref<128x32xf32, #tpu.memory_space<vmem>>) target(%dma_start3A_230 : memref<25088x32xf32, #tpu.memory_space<vmem_shared>>) offsets(%dma_start3A_227 : memref<128xi32, #tpu.memory_space<vmem>>) semaphore(%run_scoped3A_220 : memref<!tpu.dma_semaphore, #tpu.memory_space<semaphore_mem>>) {add = true}
      %dma_wait3A_231 = arith.constant 0 : i32
      %dma_wait3A_232 = arith.constant 0 : i32
      %dma_wait3A_233 = tpu.memref_slice %arg9[%run_scoped3A_199, %dma_wait3A_231, %dma_wait3A_232] : memref<8x128x32xf32, #tpu.memory_space<vmem>> -> memref<1x128x32xf32, #tpu.memory_space<vmem>>
      %dma_wait3A_234 = tpu.memref_squeeze %dma_wait3A_233 : memref<1x128x32xf32, #tpu.memory_space<vmem>> -> memref<128x32xf32, #tpu.memory_space<vmem>>
      %dma_wait3A_235 = arith.constant 0 : i32
      %dma_wait3A_236 = tpu.memref_slice %arg8[%run_scoped3A_200, %dma_wait3A_235] : memref<104x128xi32, #tpu.memory_space<vmem>> -> memref<1x128xi32, #tpu.memory_space<vmem>>
      %dma_wait3A_237 = tpu.memref_squeeze %dma_wait3A_236 : memref<1x128xi32, #tpu.memory_space<vmem>> -> memref<128xi32, #tpu.memory_space<vmem>>
      %dma_wait3A_238 = arith.constant 0 : i32
      %dma_wait3A_239 = arith.constant 0 : i32
      %dma_wait3A_240 = tpu.memref_slice %arg10[%dma_wait3A_238, %dma_wait3A_239] : memref<25088x32xf32, #tpu.memory_space<vmem_shared>> -> memref<25088x32xf32, #tpu.memory_space<vmem_shared>>
      tpu.wait_indirect_dma semaphore(%run_scoped3A_220 : memref<!tpu.dma_semaphore, #tpu.memory_space<semaphore_mem>>) src(%dma_wait3A_234 : memref<128x32xf32, #tpu.memory_space<vmem>>) dst(%dma_wait3A_240 : memref<25088x32xf32, #tpu.memory_space<vmem_shared>>)
      tpu.yield
    }) : () -> ()
    %dma_wait3A_201 = arith.constant 103 : i32
    %dma_wait3A_202 = arith.constant 7 : i32
    %dma_wait3A_203 = arith.constant 0 : i32
    %dma_wait3A_204 = arith.constant 0 : i32
    %dma_wait3A_205 = tpu.memref_slice %arg9[%dma_wait3A_202, %dma_wait3A_203, %dma_wait3A_204] : memref<8x128x32xf32, #tpu.memory_space<vmem>> -> memref<1x128x32xf32, #tpu.memory_space<vmem>>
    %dma_wait3A_206 = tpu.memref_squeeze %dma_wait3A_205 : memref<1x128x32xf32, #tpu.memory_space<vmem>> -> memref<128x32xf32, #tpu.memory_space<vmem>>
    %dma_wait3A_207 = arith.constant 0 : i32
    %dma_wait3A_208 = tpu.memref_slice %arg7[%dma_wait3A_201, %dma_wait3A_207] : memref<104x128xi32, #tpu.memory_space<vmem>> -> memref<1x128xi32, #tpu.memory_space<vmem>>
    %dma_wait3A_209 = tpu.memref_squeeze %dma_wait3A_208 : memref<1x128xi32, #tpu.memory_space<vmem>> -> memref<128xi32, #tpu.memory_space<vmem>>
    %dma_wait3A_210 = arith.constant 0 : i32
    %dma_wait3A_211 = arith.constant 0 : i32
    %dma_wait3A_212 = tpu.memref_slice %arg2[%dma_wait3A_210, %dma_wait3A_211] : memref<25000x32xf32, #tpu.memory_space<hbm>> -> memref<25000x32xf32, #tpu.memory_space<hbm>>
    tpu.wait_indirect_dma semaphore(%arg18 : memref<!tpu.dma_semaphore, #tpu.memory_space<semaphore_mem>>) src(%dma_wait3A_212 : memref<25000x32xf32, #tpu.memory_space<hbm>>) dst(%dma_wait3A_206 : memref<128x32xf32, #tpu.memory_space<vmem>>)
    %run_scoped3A_213 = arith.constant 7 : i32
    %run_scoped3A_214 = arith.constant 103 : i32
    "tpu.region"() ({
      %run_scoped3A_220 = tpu.sem_alloc : memref<!tpu.dma_semaphore, #tpu.memory_space<semaphore_mem>>
      %dma_start3A_221 = arith.constant 0 : i32
      %dma_start3A_222 = arith.constant 0 : i32
      %dma_start3A_223 = tpu.memref_slice %arg9[%run_scoped3A_213, %dma_start3A_221, %dma_start3A_222] : memref<8x128x32xf32, #tpu.memory_space<vmem>> -> memref<1x128x32xf32, #tpu.memory_space<vmem>>
      %dma_start3A_224 = tpu.memref_squeeze %dma_start3A_223 : memref<1x128x32xf32, #tpu.memory_space<vmem>> -> memref<128x32xf32, #tpu.memory_space<vmem>>
      %dma_start3A_225 = arith.constant 0 : i32
      %dma_start3A_226 = tpu.memref_slice %arg8[%run_scoped3A_214, %dma_start3A_225] : memref<104x128xi32, #tpu.memory_space<vmem>> -> memref<1x128xi32, #tpu.memory_space<vmem>>
      %dma_start3A_227 = tpu.memref_squeeze %dma_start3A_226 : memref<1x128xi32, #tpu.memory_space<vmem>> -> memref<128xi32, #tpu.memory_space<vmem>>
      %dma_start3A_228 = arith.constant 0 : i32
      %dma_start3A_229 = arith.constant 0 : i32
      %dma_start3A_230 = tpu.memref_slice %arg10[%dma_start3A_228, %dma_start3A_229] : memref<25088x32xf32, #tpu.memory_space<vmem_shared>> -> memref<25088x32xf32, #tpu.memory_space<vmem_shared>>
      tpu.enqueue_indirect_dma source(%dma_start3A_224 : memref<128x32xf32, #tpu.memory_space<vmem>>) target(%dma_start3A_230 : memref<25088x32xf32, #tpu.memory_space<vmem_shared>>) offsets(%dma_start3A_227 : memref<128xi32, #tpu.memory_space<vmem>>) semaphore(%run_scoped3A_220 : memref<!tpu.dma_semaphore, #tpu.memory_space<semaphore_mem>>) {add = true}
      %dma_wait3A_231 = arith.constant 0 : i32
      %dma_wait3A_232 = arith.constant 0 : i32
      %dma_wait3A_233 = tpu.memref_slice %arg9[%run_scoped3A_213, %dma_wait3A_231, %dma_wait3A_232] : memref<8x128x32xf32, #tpu.memory_space<vmem>> -> memref<1x128x32xf32, #tpu.memory_space<vmem>>
      %dma_wait3A_234 = tpu.memref_squeeze %dma_wait3A_233 : memref<1x128x32xf32, #tpu.memory_space<vmem>> -> memref<128x32xf32, #tpu.memory_space<vmem>>
      %dma_wait3A_235 = arith.constant 0 : i32
      %dma_wait3A_236 = tpu.memref_slice %arg8[%run_scoped3A_214, %dma_wait3A_235] : memref<104x128xi32, #tpu.memory_space<vmem>> -> memref<1x128xi32, #tpu.memory_space<vmem>>
      %dma_wait3A_237 = tpu.memref_squeeze %dma_wait3A_236 : memref<1x128xi32, #tpu.memory_space<vmem>> -> memref<128xi32, #tpu.memory_space<vmem>>
      %dma_wait3A_238 = arith.constant 0 : i32
      %dma_wait3A_239 = arith.constant 0 : i32
      %dma_wait3A_240 = tpu.memref_slice %arg10[%dma_wait3A_238, %dma_wait3A_239] : memref<25088x32xf32, #tpu.memory_space<vmem_shared>> -> memref<25088x32xf32, #tpu.memory_space<vmem_shared>>
      tpu.wait_indirect_dma semaphore(%run_scoped3A_220 : memref<!tpu.dma_semaphore, #tpu.memory_space<semaphore_mem>>) src(%dma_wait3A_234 : memref<128x32xf32, #tpu.memory_space<vmem>>) dst(%dma_wait3A_240 : memref<25088x32xf32, #tpu.memory_space<vmem_shared>>)
      tpu.yield
    }) : () -> ()
    %barrier3A_215 = arith.constant 0 : index
    tpu.barrier barrier_id(%barrier3A_215)
    %mul3A_216 = arith.constant 1568 : i32
    %mul3A_217 = arith.muli %arg1, %mul3A_216 : i32
    %mul3A_218 = arith.constant 1568 : i32
    %mul3A_219 = arith.muli %arg1, %mul3A_218 : i32
    "tpu.region"() ({
      %run_scoped3A_220 = tpu.sem_alloc : memref<!tpu.dma_semaphore, #tpu.memory_space<semaphore_mem>>
      %dma_start3A_221 = arith.constant 0 : i32
      %dma_start3A_222 = tpu.memref_slice %arg6[%arg0, %mul3A_219, %dma_start3A_221] : memref<2x25088x32xf32, #tpu.memory_space<hbm>> -> memref<1x1568x32xf32, #tpu.memory_space<hbm>>
      %dma_start3A_223 = tpu.memref_squeeze %dma_start3A_222 : memref<1x1568x32xf32, #tpu.memory_space<hbm>> -> memref<1568x32xf32, #tpu.memory_space<hbm>>
      %dma_start3A_224 = arith.constant 0 : i32
      %dma_start3A_225 = tpu.memref_slice %arg10[%mul3A_217, %dma_start3A_224] : memref<25088x32xf32, #tpu.memory_space<vmem_shared>> -> memref<1568x32xf32, #tpu.memory_space<vmem_shared>>
      tpu.enqueue_dma source(%dma_start3A_225 : memref<1568x32xf32, #tpu.memory_space<vmem_shared>>) target(%dma_start3A_223 : memref<1568x32xf32, #tpu.memory_space<hbm>>) target_semaphore(%run_scoped3A_220 : memref<!tpu.dma_semaphore, #tpu.memory_space<semaphore_mem>>)
      %dma_wait3A_226 = arith.constant 0 : i32
      %dma_wait3A_227 = tpu.memref_slice %arg6[%arg0, %mul3A_219, %dma_wait3A_226] : memref<2x25088x32xf32, #tpu.memory_space<hbm>> -> memref<1x1568x32xf32, #tpu.memory_space<hbm>>
      %dma_wait3A_228 = tpu.memref_squeeze %dma_wait3A_227 : memref<1x1568x32xf32, #tpu.memory_space<hbm>> -> memref<1568x32xf32, #tpu.memory_space<hbm>>
      %dma_wait3A_229 = arith.constant 0 : i32
      %dma_wait3A_230 = tpu.memref_slice %arg10[%mul3A_217, %dma_wait3A_229] : memref<25088x32xf32, #tpu.memory_space<vmem_shared>> -> memref<1568x32xf32, #tpu.memory_space<vmem_shared>>
      tpu.wait_dma2 semaphore(%run_scoped3A_220 : memref<!tpu.dma_semaphore, #tpu.memory_space<semaphore_mem>>) src(%dma_wait3A_230 : memref<1568x32xf32, #tpu.memory_space<vmem_shared>>) dst(%dma_wait3A_228 : memref<1568x32xf32, #tpu.memory_space<hbm>>)
      tpu.yield
    }) : () -> ()
    return
  }
}

#map = affine_map<(d0, d1) -> (0, 0)>
#map1 = affine_map<(d0, d1) -> (0, 0, 0)>
module attributes {stable_mosaic.version = 14 : i64} {
  func.func @seg_sum(%arg0: i32, %arg1: i32, %arg2: memref<50000x8xf32, #tpu.memory_space<hbm>>, %arg3: memref<32x200x128xi32, #tpu.memory_space<hbm>>, %arg4: memref<32x200x128xi32, #tpu.memory_space<hbm>>, %arg5: memref<50176x8xf32, #tpu.memory_space<hbm>>, %arg6: memref<2x50176x8xf32, #tpu.memory_space<hbm>>, %arg7: memref<200x128xi32, #tpu.memory_space<vmem>>, %arg8: memref<200x128xi32, #tpu.memory_space<vmem>>, %arg9: memref<8x128x8xf32, #tpu.memory_space<vmem>>, %arg10: memref<50176x8xf32, #tpu.memory_space<vmem_shared>>, %arg11: memref<!tpu.dma_semaphore, #tpu.memory_space<semaphore_mem>>, %arg12: memref<!tpu.dma_semaphore, #tpu.memory_space<semaphore_mem>>, %arg13: memref<!tpu.dma_semaphore, #tpu.memory_space<semaphore_mem>>, %arg14: memref<!tpu.dma_semaphore, #tpu.memory_space<semaphore_mem>>, %arg15: memref<!tpu.dma_semaphore, #tpu.memory_space<semaphore_mem>>, %arg16: memref<!tpu.dma_semaphore, #tpu.memory_space<semaphore_mem>>, %arg17: memref<!tpu.dma_semaphore, #tpu.memory_space<semaphore_mem>>, %arg18: memref<!tpu.dma_semaphore, #tpu.memory_space<semaphore_mem>>) attributes {dimension_semantics = [#tpu.dimension_semantics<core_parallel>, #tpu.dimension_semantics<subcore_parallel>], iteration_bounds = array<i64: 2, 16>, scalar_prefetch = 0 : i64, scratch_operands = 12 : i64, tpu.core_type = #tpu.core_type<sc_vector_subcore>, window_params = [{transform_indices = #map}, {transform_indices = #map1}, {transform_indices = #map1}, {transform_indices = #map}, {transform_indices = #map1}]} {
    %mul3A = arith.constant 16 : i32
    %mul3A_0 = arith.muli %arg0, %mul3A : i32
    %add3A = arith.addi %mul3A_0, %arg1 : i32
    %mul3A_1 = arith.constant 3136 : i32
    %mul3A_2 = arith.muli %arg1, %mul3A_1 : i32
    %mul3A_3 = arith.constant 3136 : i32
    %mul3A_4 = arith.muli %arg1, %mul3A_3 : i32
    "tpu.region"() ({
      %run_scoped3A_220 = tpu.sem_alloc : memref<!tpu.dma_semaphore, #tpu.memory_space<semaphore_mem>>
      %dma_start3A_221 = arith.constant 0 : i32
      %dma_start3A_222 = tpu.memref_slice %arg10[%mul3A_4, %dma_start3A_221] : memref<50176x8xf32, #tpu.memory_space<vmem_shared>> -> memref<3136x8xf32, #tpu.memory_space<vmem_shared>>
      %dma_start3A_223 = arith.constant 0 : i32
      %dma_start3A_224 = tpu.memref_slice %arg5[%mul3A_2, %dma_start3A_223] : memref<50176x8xf32, #tpu.memory_space<hbm>> -> memref<3136x8xf32, #tpu.memory_space<hbm>>
      tpu.enqueue_dma source(%dma_start3A_224 : memref<3136x8xf32, #tpu.memory_space<hbm>>) target(%dma_start3A_222 : memref<3136x8xf32, #tpu.memory_space<vmem_shared>>) target_semaphore(%run_scoped3A_220 : memref<!tpu.dma_semaphore, #tpu.memory_space<semaphore_mem>>)
      %dma_wait3A_225 = arith.constant 0 : i32
      %dma_wait3A_226 = tpu.memref_slice %arg10[%mul3A_4, %dma_wait3A_225] : memref<50176x8xf32, #tpu.memory_space<vmem_shared>> -> memref<3136x8xf32, #tpu.memory_space<vmem_shared>>
      %dma_wait3A_227 = arith.constant 0 : i32
      %dma_wait3A_228 = tpu.memref_slice %arg5[%mul3A_2, %dma_wait3A_227] : memref<50176x8xf32, #tpu.memory_space<hbm>> -> memref<3136x8xf32, #tpu.memory_space<hbm>>
      tpu.wait_dma2 semaphore(%run_scoped3A_220 : memref<!tpu.dma_semaphore, #tpu.memory_space<semaphore_mem>>) src(%dma_wait3A_228 : memref<3136x8xf32, #tpu.memory_space<hbm>>) dst(%dma_wait3A_226 : memref<3136x8xf32, #tpu.memory_space<vmem_shared>>)
      tpu.yield
    }) : () -> ()
    "tpu.region"() ({
      %run_scoped3A_220 = tpu.sem_alloc : memref<!tpu.dma_semaphore, #tpu.memory_space<semaphore_mem>>
      %dma_start3A_221 = arith.constant 0 : i32
      %dma_start3A_222 = arith.constant 0 : i32
      %dma_start3A_223 = tpu.memref_slice %arg3[%add3A, %dma_start3A_221, %dma_start3A_222] : memref<32x200x128xi32, #tpu.memory_space<hbm>> -> memref<1x200x128xi32, #tpu.memory_space<hbm>>
      %dma_start3A_224 = tpu.memref_squeeze %dma_start3A_223 : memref<1x200x128xi32, #tpu.memory_space<hbm>> -> memref<200x128xi32, #tpu.memory_space<hbm>>
      %dma_start3A_225 = arith.constant 0 : i32
      %dma_start3A_226 = arith.constant 0 : i32
      %dma_start3A_227 = tpu.memref_slice %arg3[%add3A, %dma_start3A_225, %dma_start3A_226] : memref<32x200x128xi32, #tpu.memory_space<hbm>> -> memref<1x200x128xi32, #tpu.memory_space<hbm>>
      %dma_start3A_228 = tpu.memref_squeeze %dma_start3A_227 : memref<1x200x128xi32, #tpu.memory_space<hbm>> -> memref<200x128xi32, #tpu.memory_space<hbm>>
      tpu.enqueue_dma source(%dma_start3A_228 : memref<200x128xi32, #tpu.memory_space<hbm>>) target(%arg7 : memref<200x128xi32, #tpu.memory_space<vmem>>) target_semaphore(%run_scoped3A_220 : memref<!tpu.dma_semaphore, #tpu.memory_space<semaphore_mem>>)
      %dma_wait3A_229 = arith.constant 0 : i32
      %dma_wait3A_230 = arith.constant 0 : i32
      %dma_wait3A_231 = tpu.memref_slice %arg3[%add3A, %dma_wait3A_229, %dma_wait3A_230] : memref<32x200x128xi32, #tpu.memory_space<hbm>> -> memref<1x200x128xi32, #tpu.memory_space<hbm>>
      %dma_wait3A_232 = tpu.memref_squeeze %dma_wait3A_231 : memref<1x200x128xi32, #tpu.memory_space<hbm>> -> memref<200x128xi32, #tpu.memory_space<hbm>>
      %dma_wait3A_233 = arith.constant 0 : i32
      %dma_wait3A_234 = arith.constant 0 : i32
      %dma_wait3A_235 = tpu.memref_slice %arg3[%add3A, %dma_wait3A_233, %dma_wait3A_234] : memref<32x200x128xi32, #tpu.memory_space<hbm>> -> memref<1x200x128xi32, #tpu.memory_space<hbm>>
      %dma_wait3A_236 = tpu.memref_squeeze %dma_wait3A_235 : memref<1x200x128xi32, #tpu.memory_space<hbm>> -> memref<200x128xi32, #tpu.memory_space<hbm>>
      tpu.wait_dma2 semaphore(%run_scoped3A_220 : memref<!tpu.dma_semaphore, #tpu.memory_space<semaphore_mem>>) src(%dma_wait3A_236 : memref<200x128xi32, #tpu.memory_space<hbm>>) dst(%arg7 : memref<200x128xi32, #tpu.memory_space<vmem>>)
      tpu.yield
    }) : () -> ()
    "tpu.region"() ({
      %run_scoped3A_220 = tpu.sem_alloc : memref<!tpu.dma_semaphore, #tpu.memory_space<semaphore_mem>>
      %dma_start3A_221 = arith.constant 0 : i32
      %dma_start3A_222 = arith.constant 0 : i32
      %dma_start3A_223 = tpu.memref_slice %arg4[%add3A, %dma_start3A_221, %dma_start3A_222] : memref<32x200x128xi32, #tpu.memory_space<hbm>> -> memref<1x200x128xi32, #tpu.memory_space<hbm>>
      %dma_start3A_224 = tpu.memref_squeeze %dma_start3A_223 : memref<1x200x128xi32, #tpu.memory_space<hbm>> -> memref<200x128xi32, #tpu.memory_space<hbm>>
      %dma_start3A_225 = arith.constant 0 : i32
      %dma_start3A_226 = arith.constant 0 : i32
      %dma_start3A_227 = tpu.memref_slice %arg4[%add3A, %dma_start3A_225, %dma_start3A_226] : memref<32x200x128xi32, #tpu.memory_space<hbm>> -> memref<1x200x128xi32, #tpu.memory_space<hbm>>
      %dma_start3A_228 = tpu.memref_squeeze %dma_start3A_227 : memref<1x200x128xi32, #tpu.memory_space<hbm>> -> memref<200x128xi32, #tpu.memory_space<hbm>>
      tpu.enqueue_dma source(%dma_start3A_228 : memref<200x128xi32, #tpu.memory_space<hbm>>) target(%arg8 : memref<200x128xi32, #tpu.memory_space<vmem>>) target_semaphore(%run_scoped3A_220 : memref<!tpu.dma_semaphore, #tpu.memory_space<semaphore_mem>>)
      %dma_wait3A_229 = arith.constant 0 : i32
      %dma_wait3A_230 = arith.constant 0 : i32
      %dma_wait3A_231 = tpu.memref_slice %arg4[%add3A, %dma_wait3A_229, %dma_wait3A_230] : memref<32x200x128xi32, #tpu.memory_space<hbm>> -> memref<1x200x128xi32, #tpu.memory_space<hbm>>
      %dma_wait3A_232 = tpu.memref_squeeze %dma_wait3A_231 : memref<1x200x128xi32, #tpu.memory_space<hbm>> -> memref<200x128xi32, #tpu.memory_space<hbm>>
      %dma_wait3A_233 = arith.constant 0 : i32
      %dma_wait3A_234 = arith.constant 0 : i32
      %dma_wait3A_235 = tpu.memref_slice %arg4[%add3A, %dma_wait3A_233, %dma_wait3A_234] : memref<32x200x128xi32, #tpu.memory_space<hbm>> -> memref<1x200x128xi32, #tpu.memory_space<hbm>>
      %dma_wait3A_236 = tpu.memref_squeeze %dma_wait3A_235 : memref<1x200x128xi32, #tpu.memory_space<hbm>> -> memref<200x128xi32, #tpu.memory_space<hbm>>
      tpu.wait_dma2 semaphore(%run_scoped3A_220 : memref<!tpu.dma_semaphore, #tpu.memory_space<semaphore_mem>>) src(%dma_wait3A_236 : memref<200x128xi32, #tpu.memory_space<hbm>>) dst(%arg8 : memref<200x128xi32, #tpu.memory_space<vmem>>)
      tpu.yield
    }) : () -> ()
    %barrier3A = arith.constant 0 : index
    tpu.barrier barrier_id(%barrier3A)
    %dma_start3A = arith.constant 0 : i32
    %dma_start3A_5 = arith.constant 0 : i32
    %dma_start3A_6 = arith.constant 0 : i32
    %dma_start3A_7 = arith.constant 0 : i32
    %dma_start3A_8 = tpu.memref_slice %arg9[%dma_start3A_5, %dma_start3A_6, %dma_start3A_7] : memref<8x128x8xf32, #tpu.memory_space<vmem>> -> memref<1x128x8xf32, #tpu.memory_space<vmem>>
    %dma_start3A_9 = tpu.memref_squeeze %dma_start3A_8 : memref<1x128x8xf32, #tpu.memory_space<vmem>> -> memref<128x8xf32, #tpu.memory_space<vmem>>
    %dma_start3A_10 = arith.constant 0 : i32
    %dma_start3A_11 = tpu.memref_slice %arg7[%dma_start3A, %dma_start3A_10] : memref<200x128xi32, #tpu.memory_space<vmem>> -> memref<1x128xi32, #tpu.memory_space<vmem>>
    %dma_start3A_12 = tpu.memref_squeeze %dma_start3A_11 : memref<1x128xi32, #tpu.memory_space<vmem>> -> memref<128xi32, #tpu.memory_space<vmem>>
    %dma_start3A_13 = arith.constant 0 : i32
    %dma_start3A_14 = arith.constant 0 : i32
    %dma_start3A_15 = tpu.memref_slice %arg2[%dma_start3A_13, %dma_start3A_14] : memref<50000x8xf32, #tpu.memory_space<hbm>> -> memref<50000x8xf32, #tpu.memory_space<hbm>>
    tpu.enqueue_indirect_dma source(%dma_start3A_15 : memref<50000x8xf32, #tpu.memory_space<hbm>>) target(%dma_start3A_9 : memref<128x8xf32, #tpu.memory_space<vmem>>) offsets(%dma_start3A_12 : memref<128xi32, #tpu.memory_space<vmem>>) semaphore(%arg11 : memref<!tpu.dma_semaphore, #tpu.memory_space<semaphore_mem>>)
    %dma_start3A_16 = arith.constant 1 : i32
    %dma_start3A_17 = arith.constant 1 : i32
    %dma_start3A_18 = arith.constant 0 : i32
    %dma_start3A_19 = arith.constant 0 : i32
    %dma_start3A_20 = tpu.memref_slice %arg9[%dma_start3A_17, %dma_start3A_18, %dma_start3A_19] : memref<8x128x8xf32, #tpu.memory_space<vmem>> -> memref<1x128x8xf32, #tpu.memory_space<vmem>>
    %dma_start3A_21 = tpu.memref_squeeze %dma_start3A_20 : memref<1x128x8xf32, #tpu.memory_space<vmem>> -> memref<128x8xf32, #tpu.memory_space<vmem>>
    %dma_start3A_22 = arith.constant 0 : i32
    %dma_start3A_23 = tpu.memref_slice %arg7[%dma_start3A_16, %dma_start3A_22] : memref<200x128xi32, #tpu.memory_space<vmem>> -> memref<1x128xi32, #tpu.memory_space<vmem>>
    %dma_start3A_24 = tpu.memref_squeeze %dma_start3A_23 : memref<1x128xi32, #tpu.memory_space<vmem>> -> memref<128xi32, #tpu.memory_space<vmem>>
    %dma_start3A_25 = arith.constant 0 : i32
    %dma_start3A_26 = arith.constant 0 : i32
    %dma_start3A_27 = tpu.memref_slice %arg2[%dma_start3A_25, %dma_start3A_26] : memref<50000x8xf32, #tpu.memory_space<hbm>> -> memref<50000x8xf32, #tpu.memory_space<hbm>>
    tpu.enqueue_indirect_dma source(%dma_start3A_27 : memref<50000x8xf32, #tpu.memory_space<hbm>>) target(%dma_start3A_21 : memref<128x8xf32, #tpu.memory_space<vmem>>) offsets(%dma_start3A_24 : memref<128xi32, #tpu.memory_space<vmem>>) semaphore(%arg12 : memref<!tpu.dma_semaphore, #tpu.memory_space<semaphore_mem>>)
    %dma_start3A_28 = arith.constant 2 : i32
    %dma_start3A_29 = arith.constant 2 : i32
    %dma_start3A_30 = arith.constant 0 : i32
    %dma_start3A_31 = arith.constant 0 : i32
    %dma_start3A_32 = tpu.memref_slice %arg9[%dma_start3A_29, %dma_start3A_30, %dma_start3A_31] : memref<8x128x8xf32, #tpu.memory_space<vmem>> -> memref<1x128x8xf32, #tpu.memory_space<vmem>>
    %dma_start3A_33 = tpu.memref_squeeze %dma_start3A_32 : memref<1x128x8xf32, #tpu.memory_space<vmem>> -> memref<128x8xf32, #tpu.memory_space<vmem>>
    %dma_start3A_34 = arith.constant 0 : i32
    %dma_start3A_35 = tpu.memref_slice %arg7[%dma_start3A_28, %dma_start3A_34] : memref<200x128xi32, #tpu.memory_space<vmem>> -> memref<1x128xi32, #tpu.memory_space<vmem>>
    %dma_start3A_36 = tpu.memref_squeeze %dma_start3A_35 : memref<1x128xi32, #tpu.memory_space<vmem>> -> memref<128xi32, #tpu.memory_space<vmem>>
    %dma_start3A_37 = arith.constant 0 : i32
    %dma_start3A_38 = arith.constant 0 : i32
    %dma_start3A_39 = tpu.memref_slice %arg2[%dma_start3A_37, %dma_start3A_38] : memref<50000x8xf32, #tpu.memory_space<hbm>> -> memref<50000x8xf32, #tpu.memory_space<hbm>>
    tpu.enqueue_indirect_dma source(%dma_start3A_39 : memref<50000x8xf32, #tpu.memory_space<hbm>>) target(%dma_start3A_33 : memref<128x8xf32, #tpu.memory_space<vmem>>) offsets(%dma_start3A_36 : memref<128xi32, #tpu.memory_space<vmem>>) semaphore(%arg13 : memref<!tpu.dma_semaphore, #tpu.memory_space<semaphore_mem>>)
    %dma_start3A_40 = arith.constant 3 : i32
    %dma_start3A_41 = arith.constant 3 : i32
    %dma_start3A_42 = arith.constant 0 : i32
    %dma_start3A_43 = arith.constant 0 : i32
    %dma_start3A_44 = tpu.memref_slice %arg9[%dma_start3A_41, %dma_start3A_42, %dma_start3A_43] : memref<8x128x8xf32, #tpu.memory_space<vmem>> -> memref<1x128x8xf32, #tpu.memory_space<vmem>>
    %dma_start3A_45 = tpu.memref_squeeze %dma_start3A_44 : memref<1x128x8xf32, #tpu.memory_space<vmem>> -> memref<128x8xf32, #tpu.memory_space<vmem>>
    %dma_start3A_46 = arith.constant 0 : i32
    %dma_start3A_47 = tpu.memref_slice %arg7[%dma_start3A_40, %dma_start3A_46] : memref<200x128xi32, #tpu.memory_space<vmem>> -> memref<1x128xi32, #tpu.memory_space<vmem>>
    %dma_start3A_48 = tpu.memref_squeeze %dma_start3A_47 : memref<1x128xi32, #tpu.memory_space<vmem>> -> memref<128xi32, #tpu.memory_space<vmem>>
    %dma_start3A_49 = arith.constant 0 : i32
    %dma_start3A_50 = arith.constant 0 : i32
    %dma_start3A_51 = tpu.memref_slice %arg2[%dma_start3A_49, %dma_start3A_50] : memref<50000x8xf32, #tpu.memory_space<hbm>> -> memref<50000x8xf32, #tpu.memory_space<hbm>>
    tpu.enqueue_indirect_dma source(%dma_start3A_51 : memref<50000x8xf32, #tpu.memory_space<hbm>>) target(%dma_start3A_45 : memref<128x8xf32, #tpu.memory_space<vmem>>) offsets(%dma_start3A_48 : memref<128xi32, #tpu.memory_space<vmem>>) semaphore(%arg14 : memref<!tpu.dma_semaphore, #tpu.memory_space<semaphore_mem>>)
    %dma_start3A_52 = arith.constant 4 : i32
    %dma_start3A_53 = arith.constant 4 : i32
    %dma_start3A_54 = arith.constant 0 : i32
    %dma_start3A_55 = arith.constant 0 : i32
    %dma_start3A_56 = tpu.memref_slice %arg9[%dma_start3A_53, %dma_start3A_54, %dma_start3A_55] : memref<8x128x8xf32, #tpu.memory_space<vmem>> -> memref<1x128x8xf32, #tpu.memory_space<vmem>>
    %dma_start3A_57 = tpu.memref_squeeze %dma_start3A_56 : memref<1x128x8xf32, #tpu.memory_space<vmem>> -> memref<128x8xf32, #tpu.memory_space<vmem>>
    %dma_start3A_58 = arith.constant 0 : i32
    %dma_start3A_59 = tpu.memref_slice %arg7[%dma_start3A_52, %dma_start3A_58] : memref<200x128xi32, #tpu.memory_space<vmem>> -> memref<1x128xi32, #tpu.memory_space<vmem>>
    %dma_start3A_60 = tpu.memref_squeeze %dma_start3A_59 : memref<1x128xi32, #tpu.memory_space<vmem>> -> memref<128xi32, #tpu.memory_space<vmem>>
    %dma_start3A_61 = arith.constant 0 : i32
    %dma_start3A_62 = arith.constant 0 : i32
    %dma_start3A_63 = tpu.memref_slice %arg2[%dma_start3A_61, %dma_start3A_62] : memref<50000x8xf32, #tpu.memory_space<hbm>> -> memref<50000x8xf32, #tpu.memory_space<hbm>>
    tpu.enqueue_indirect_dma source(%dma_start3A_63 : memref<50000x8xf32, #tpu.memory_space<hbm>>) target(%dma_start3A_57 : memref<128x8xf32, #tpu.memory_space<vmem>>) offsets(%dma_start3A_60 : memref<128xi32, #tpu.memory_space<vmem>>) semaphore(%arg15 : memref<!tpu.dma_semaphore, #tpu.memory_space<semaphore_mem>>)
    %dma_start3A_64 = arith.constant 5 : i32
    %dma_start3A_65 = arith.constant 5 : i32
    %dma_start3A_66 = arith.constant 0 : i32
    %dma_start3A_67 = arith.constant 0 : i32
    %dma_start3A_68 = tpu.memref_slice %arg9[%dma_start3A_65, %dma_start3A_66, %dma_start3A_67] : memref<8x128x8xf32, #tpu.memory_space<vmem>> -> memref<1x128x8xf32, #tpu.memory_space<vmem>>
    %dma_start3A_69 = tpu.memref_squeeze %dma_start3A_68 : memref<1x128x8xf32, #tpu.memory_space<vmem>> -> memref<128x8xf32, #tpu.memory_space<vmem>>
    %dma_start3A_70 = arith.constant 0 : i32
    %dma_start3A_71 = tpu.memref_slice %arg7[%dma_start3A_64, %dma_start3A_70] : memref<200x128xi32, #tpu.memory_space<vmem>> -> memref<1x128xi32, #tpu.memory_space<vmem>>
    %dma_start3A_72 = tpu.memref_squeeze %dma_start3A_71 : memref<1x128xi32, #tpu.memory_space<vmem>> -> memref<128xi32, #tpu.memory_space<vmem>>
    %dma_start3A_73 = arith.constant 0 : i32
    %dma_start3A_74 = arith.constant 0 : i32
    %dma_start3A_75 = tpu.memref_slice %arg2[%dma_start3A_73, %dma_start3A_74] : memref<50000x8xf32, #tpu.memory_space<hbm>> -> memref<50000x8xf32, #tpu.memory_space<hbm>>
    tpu.enqueue_indirect_dma source(%dma_start3A_75 : memref<50000x8xf32, #tpu.memory_space<hbm>>) target(%dma_start3A_69 : memref<128x8xf32, #tpu.memory_space<vmem>>) offsets(%dma_start3A_72 : memref<128xi32, #tpu.memory_space<vmem>>) semaphore(%arg16 : memref<!tpu.dma_semaphore, #tpu.memory_space<semaphore_mem>>)
    %dma_start3A_76 = arith.constant 6 : i32
    %dma_start3A_77 = arith.constant 6 : i32
    %dma_start3A_78 = arith.constant 0 : i32
    %dma_start3A_79 = arith.constant 0 : i32
    %dma_start3A_80 = tpu.memref_slice %arg9[%dma_start3A_77, %dma_start3A_78, %dma_start3A_79] : memref<8x128x8xf32, #tpu.memory_space<vmem>> -> memref<1x128x8xf32, #tpu.memory_space<vmem>>
    %dma_start3A_81 = tpu.memref_squeeze %dma_start3A_80 : memref<1x128x8xf32, #tpu.memory_space<vmem>> -> memref<128x8xf32, #tpu.memory_space<vmem>>
    %dma_start3A_82 = arith.constant 0 : i32
    %dma_start3A_83 = tpu.memref_slice %arg7[%dma_start3A_76, %dma_start3A_82] : memref<200x128xi32, #tpu.memory_space<vmem>> -> memref<1x128xi32, #tpu.memory_space<vmem>>
    %dma_start3A_84 = tpu.memref_squeeze %dma_start3A_83 : memref<1x128xi32, #tpu.memory_space<vmem>> -> memref<128xi32, #tpu.memory_space<vmem>>
    %dma_start3A_85 = arith.constant 0 : i32
    %dma_start3A_86 = arith.constant 0 : i32
    %dma_start3A_87 = tpu.memref_slice %arg2[%dma_start3A_85, %dma_start3A_86] : memref<50000x8xf32, #tpu.memory_space<hbm>> -> memref<50000x8xf32, #tpu.memory_space<hbm>>
    tpu.enqueue_indirect_dma source(%dma_start3A_87 : memref<50000x8xf32, #tpu.memory_space<hbm>>) target(%dma_start3A_81 : memref<128x8xf32, #tpu.memory_space<vmem>>) offsets(%dma_start3A_84 : memref<128xi32, #tpu.memory_space<vmem>>) semaphore(%arg17 : memref<!tpu.dma_semaphore, #tpu.memory_space<semaphore_mem>>)
    %dma_start3A_88 = arith.constant 7 : i32
    %dma_start3A_89 = arith.constant 7 : i32
    %dma_start3A_90 = arith.constant 0 : i32
    %dma_start3A_91 = arith.constant 0 : i32
    %dma_start3A_92 = tpu.memref_slice %arg9[%dma_start3A_89, %dma_start3A_90, %dma_start3A_91] : memref<8x128x8xf32, #tpu.memory_space<vmem>> -> memref<1x128x8xf32, #tpu.memory_space<vmem>>
    %dma_start3A_93 = tpu.memref_squeeze %dma_start3A_92 : memref<1x128x8xf32, #tpu.memory_space<vmem>> -> memref<128x8xf32, #tpu.memory_space<vmem>>
    %dma_start3A_94 = arith.constant 0 : i32
    %dma_start3A_95 = tpu.memref_slice %arg7[%dma_start3A_88, %dma_start3A_94] : memref<200x128xi32, #tpu.memory_space<vmem>> -> memref<1x128xi32, #tpu.memory_space<vmem>>
    %dma_start3A_96 = tpu.memref_squeeze %dma_start3A_95 : memref<1x128xi32, #tpu.memory_space<vmem>> -> memref<128xi32, #tpu.memory_space<vmem>>
    %dma_start3A_97 = arith.constant 0 : i32
    %dma_start3A_98 = arith.constant 0 : i32
    %dma_start3A_99 = tpu.memref_slice %arg2[%dma_start3A_97, %dma_start3A_98] : memref<50000x8xf32, #tpu.memory_space<hbm>> -> memref<50000x8xf32, #tpu.memory_space<hbm>>
    tpu.enqueue_indirect_dma source(%dma_start3A_99 : memref<50000x8xf32, #tpu.memory_space<hbm>>) target(%dma_start3A_93 : memref<128x8xf32, #tpu.memory_space<vmem>>) offsets(%dma_start3A_96 : memref<128xi32, #tpu.memory_space<vmem>>) semaphore(%arg18 : memref<!tpu.dma_semaphore, #tpu.memory_space<semaphore_mem>>)
    %scan3A = arith.constant 0 : i32
    %scan3A_100 = arith.constant 0 : i32
    %scan3A_101 = arith.constant 24 : i32
    %scan3A_102 = arith.addi %scan3A_100, %scan3A_101 : i32
    %scan3A_103 = arith.constant 1 : i32
    scf.for %scan3A_220 = %scan3A_100 to %scan3A_102 step %scan3A_103  : i32 {
      %mul3A_221 = arith.constant 8 : i32
      %mul3A_222 = arith.muli %scan3A_220, %mul3A_221 : i32
      %add3A_223 = arith.constant 0 : i32
      %add3A_224 = arith.addi %mul3A_222, %add3A_223 : i32
      %dma_wait3A_225 = arith.constant 0 : i32
      %dma_wait3A_226 = arith.constant 0 : i32
      %dma_wait3A_227 = arith.constant 0 : i32
      %dma_wait3A_228 = tpu.memref_slice %arg9[%dma_wait3A_225, %dma_wait3A_226, %dma_wait3A_227] : memref<8x128x8xf32, #tpu.memory_space<vmem>> -> memref<1x128x8xf32, #tpu.memory_space<vmem>>
      %dma_wait3A_229 = tpu.memref_squeeze %dma_wait3A_228 : memref<1x128x8xf32, #tpu.memory_space<vmem>> -> memref<128x8xf32, #tpu.memory_space<vmem>>
      %dma_wait3A_230 = arith.constant 0 : i32
      %dma_wait3A_231 = tpu.memref_slice %arg7[%add3A_224, %dma_wait3A_230] : memref<200x128xi32, #tpu.memory_space<vmem>> -> memref<1x128xi32, #tpu.memory_space<vmem>>
      %dma_wait3A_232 = tpu.memref_squeeze %dma_wait3A_231 : memref<1x128xi32, #tpu.memory_space<vmem>> -> memref<128xi32, #tpu.memory_space<vmem>>
      %dma_wait3A_233 = arith.constant 0 : i32
      %dma_wait3A_234 = arith.constant 0 : i32
      %dma_wait3A_235 = tpu.memref_slice %arg2[%dma_wait3A_233, %dma_wait3A_234] : memref<50000x8xf32, #tpu.memory_space<hbm>> -> memref<50000x8xf32, #tpu.memory_space<hbm>>
      tpu.wait_indirect_dma semaphore(%arg11 : memref<!tpu.dma_semaphore, #tpu.memory_space<semaphore_mem>>) src(%dma_wait3A_235 : memref<50000x8xf32, #tpu.memory_space<hbm>>) dst(%dma_wait3A_229 : memref<128x8xf32, #tpu.memory_space<vmem>>)
      %add3A_236 = arith.constant 0 : i32
      %add3A_237 = arith.addi %mul3A_222, %add3A_236 : i32
      %run_scoped3A_238 = arith.constant 0 : i32
      "tpu.region"() ({
        %run_scoped3A_471 = tpu.sem_alloc : memref<!tpu.dma_semaphore, #tpu.memory_space<semaphore_mem>>
        %dma_start3A_472 = arith.constant 0 : i32
        %dma_start3A_473 = arith.constant 0 : i32
        %dma_start3A_474 = tpu.memref_slice %arg9[%run_scoped3A_238, %dma_start3A_472, %dma_start3A_473] : memref<8x128x8xf32, #tpu.memory_space<vmem>> -> memref<1x128x8xf32, #tpu.memory_space<vmem>>
        %dma_start3A_475 = tpu.memref_squeeze %dma_start3A_474 : memref<1x128x8xf32, #tpu.memory_space<vmem>> -> memref<128x8xf32, #tpu.memory_space<vmem>>
        %dma_start3A_476 = arith.constant 0 : i32
        %dma_start3A_477 = tpu.memref_slice %arg8[%add3A_237, %dma_start3A_476] : memref<200x128xi32, #tpu.memory_space<vmem>> -> memref<1x128xi32, #tpu.memory_space<vmem>>
        %dma_start3A_478 = tpu.memref_squeeze %dma_start3A_477 : memref<1x128xi32, #tpu.memory_space<vmem>> -> memref<128xi32, #tpu.memory_space<vmem>>
        %dma_start3A_479 = arith.constant 0 : i32
        %dma_start3A_480 = arith.constant 0 : i32
        %dma_start3A_481 = tpu.memref_slice %arg10[%dma_start3A_479, %dma_start3A_480] : memref<50176x8xf32, #tpu.memory_space<vmem_shared>> -> memref<50176x8xf32, #tpu.memory_space<vmem_shared>>
        tpu.enqueue_indirect_dma source(%dma_start3A_475 : memref<128x8xf32, #tpu.memory_space<vmem>>) target(%dma_start3A_481 : memref<50176x8xf32, #tpu.memory_space<vmem_shared>>) offsets(%dma_start3A_478 : memref<128xi32, #tpu.memory_space<vmem>>) semaphore(%run_scoped3A_471 : memref<!tpu.dma_semaphore, #tpu.memory_space<semaphore_mem>>) {add = true}
        %dma_wait3A_482 = arith.constant 0 : i32
        %dma_wait3A_483 = arith.constant 0 : i32
        %dma_wait3A_484 = tpu.memref_slice %arg9[%run_scoped3A_238, %dma_wait3A_482, %dma_wait3A_483] : memref<8x128x8xf32, #tpu.memory_space<vmem>> -> memref<1x128x8xf32, #tpu.memory_space<vmem>>
        %dma_wait3A_485 = tpu.memref_squeeze %dma_wait3A_484 : memref<1x128x8xf32, #tpu.memory_space<vmem>> -> memref<128x8xf32, #tpu.memory_space<vmem>>
        %dma_wait3A_486 = arith.constant 0 : i32
        %dma_wait3A_487 = tpu.memref_slice %arg8[%add3A_237, %dma_wait3A_486] : memref<200x128xi32, #tpu.memory_space<vmem>> -> memref<1x128xi32, #tpu.memory_space<vmem>>
        %dma_wait3A_488 = tpu.memref_squeeze %dma_wait3A_487 : memref<1x128xi32, #tpu.memory_space<vmem>> -> memref<128xi32, #tpu.memory_space<vmem>>
        %dma_wait3A_489 = arith.constant 0 : i32
        %dma_wait3A_490 = arith.constant 0 : i32
        %dma_wait3A_491 = tpu.memref_slice %arg10[%dma_wait3A_489, %dma_wait3A_490] : memref<50176x8xf32, #tpu.memory_space<vmem_shared>> -> memref<50176x8xf32, #tpu.memory_space<vmem_shared>>
        tpu.wait_indirect_dma semaphore(%run_scoped3A_471 : memref<!tpu.dma_semaphore, #tpu.memory_space<semaphore_mem>>) src(%dma_wait3A_485 : memref<128x8xf32, #tpu.memory_space<vmem>>) dst(%dma_wait3A_491 : memref<50176x8xf32, #tpu.memory_space<vmem_shared>>)
        tpu.yield
      }) : () -> ()
      %add3A_239 = arith.constant 0 : i32
      %add3A_240 = arith.addi %mul3A_222, %add3A_239 : i32
      %add3A_241 = arith.constant 8 : i32
      %add3A_242 = arith.addi %add3A_240, %add3A_241 : i32
      %dma_start3A_243 = arith.constant 0 : i32
      %dma_start3A_244 = arith.constant 0 : i32
      %dma_start3A_245 = arith.constant 0 : i32
      %dma_start3A_246 = tpu.memref_slice %arg9[%dma_start3A_243, %dma_start3A_244, %dma_start3A_245] : memref<8x128x8xf32, #tpu.memory_space<vmem>> -> memref<1x128x8xf32, #tpu.memory_space<vmem>>
      %dma_start3A_247 = tpu.memref_squeeze %dma_start3A_246 : memref<1x128x8xf32, #tpu.memory_space<vmem>> -> memref<128x8xf32, #tpu.memory_space<vmem>>
      %dma_start3A_248 = arith.constant 0 : i32
      %dma_start3A_249 = tpu.memref_slice %arg7[%add3A_242, %dma_start3A_248] : memref<200x128xi32, #tpu.memory_space<vmem>> -> memref<1x128xi32, #tpu.memory_space<vmem>>
      %dma_start3A_250 = tpu.memref_squeeze %dma_start3A_249 : memref<1x128xi32, #tpu.memory_space<vmem>> -> memref<128xi32, #tpu.memory_space<vmem>>
      %dma_start3A_251 = arith.constant 0 : i32
      %dma_start3A_252 = arith.constant 0 : i32
      %dma_start3A_253 = tpu.memref_slice %arg2[%dma_start3A_251, %dma_start3A_252] : memref<50000x8xf32, #tpu.memory_space<hbm>> -> memref<50000x8xf32, #tpu.memory_space<hbm>>
      tpu.enqueue_indirect_dma source(%dma_start3A_253 : memref<50000x8xf32, #tpu.memory_space<hbm>>) target(%dma_start3A_247 : memref<128x8xf32, #tpu.memory_space<vmem>>) offsets(%dma_start3A_250 : memref<128xi32, #tpu.memory_space<vmem>>) semaphore(%arg11 : memref<!tpu.dma_semaphore, #tpu.memory_space<semaphore_mem>>)
      %add3A_254 = arith.constant 1 : i32
      %add3A_255 = arith.addi %mul3A_222, %add3A_254 : i32
      %dma_wait3A_256 = arith.constant 1 : i32
      %dma_wait3A_257 = arith.constant 0 : i32
      %dma_wait3A_258 = arith.constant 0 : i32
      %dma_wait3A_259 = tpu.memref_slice %arg9[%dma_wait3A_256, %dma_wait3A_257, %dma_wait3A_258] : memref<8x128x8xf32, #tpu.memory_space<vmem>> -> memref<1x128x8xf32, #tpu.memory_space<vmem>>
      %dma_wait3A_260 = tpu.memref_squeeze %dma_wait3A_259 : memref<1x128x8xf32, #tpu.memory_space<vmem>> -> memref<128x8xf32, #tpu.memory_space<vmem>>
      %dma_wait3A_261 = arith.constant 0 : i32
      %dma_wait3A_262 = tpu.memref_slice %arg7[%add3A_255, %dma_wait3A_261] : memref<200x128xi32, #tpu.memory_space<vmem>> -> memref<1x128xi32, #tpu.memory_space<vmem>>
      %dma_wait3A_263 = tpu.memref_squeeze %dma_wait3A_262 : memref<1x128xi32, #tpu.memory_space<vmem>> -> memref<128xi32, #tpu.memory_space<vmem>>
      %dma_wait3A_264 = arith.constant 0 : i32
      %dma_wait3A_265 = arith.constant 0 : i32
      %dma_wait3A_266 = tpu.memref_slice %arg2[%dma_wait3A_264, %dma_wait3A_265] : memref<50000x8xf32, #tpu.memory_space<hbm>> -> memref<50000x8xf32, #tpu.memory_space<hbm>>
      tpu.wait_indirect_dma semaphore(%arg12 : memref<!tpu.dma_semaphore, #tpu.memory_space<semaphore_mem>>) src(%dma_wait3A_266 : memref<50000x8xf32, #tpu.memory_space<hbm>>) dst(%dma_wait3A_260 : memref<128x8xf32, #tpu.memory_space<vmem>>)
      %add3A_267 = arith.constant 1 : i32
      %add3A_268 = arith.addi %mul3A_222, %add3A_267 : i32
      %run_scoped3A_269 = arith.constant 1 : i32
      "tpu.region"() ({
        %run_scoped3A_471 = tpu.sem_alloc : memref<!tpu.dma_semaphore, #tpu.memory_space<semaphore_mem>>
        %dma_start3A_472 = arith.constant 0 : i32
        %dma_start3A_473 = arith.constant 0 : i32
        %dma_start3A_474 = tpu.memref_slice %arg9[%run_scoped3A_269, %dma_start3A_472, %dma_start3A_473] : memref<8x128x8xf32, #tpu.memory_space<vmem>> -> memref<1x128x8xf32, #tpu.memory_space<vmem>>
        %dma_start3A_475 = tpu.memref_squeeze %dma_start3A_474 : memref<1x128x8xf32, #tpu.memory_space<vmem>> -> memref<128x8xf32, #tpu.memory_space<vmem>>
        %dma_start3A_476 = arith.constant 0 : i32
        %dma_start3A_477 = tpu.memref_slice %arg8[%add3A_268, %dma_start3A_476] : memref<200x128xi32, #tpu.memory_space<vmem>> -> memref<1x128xi32, #tpu.memory_space<vmem>>
        %dma_start3A_478 = tpu.memref_squeeze %dma_start3A_477 : memref<1x128xi32, #tpu.memory_space<vmem>> -> memref<128xi32, #tpu.memory_space<vmem>>
        %dma_start3A_479 = arith.constant 0 : i32
        %dma_start3A_480 = arith.constant 0 : i32
        %dma_start3A_481 = tpu.memref_slice %arg10[%dma_start3A_479, %dma_start3A_480] : memref<50176x8xf32, #tpu.memory_space<vmem_shared>> -> memref<50176x8xf32, #tpu.memory_space<vmem_shared>>
        tpu.enqueue_indirect_dma source(%dma_start3A_475 : memref<128x8xf32, #tpu.memory_space<vmem>>) target(%dma_start3A_481 : memref<50176x8xf32, #tpu.memory_space<vmem_shared>>) offsets(%dma_start3A_478 : memref<128xi32, #tpu.memory_space<vmem>>) semaphore(%run_scoped3A_471 : memref<!tpu.dma_semaphore, #tpu.memory_space<semaphore_mem>>) {add = true}
        %dma_wait3A_482 = arith.constant 0 : i32
        %dma_wait3A_483 = arith.constant 0 : i32
        %dma_wait3A_484 = tpu.memref_slice %arg9[%run_scoped3A_269, %dma_wait3A_482, %dma_wait3A_483] : memref<8x128x8xf32, #tpu.memory_space<vmem>> -> memref<1x128x8xf32, #tpu.memory_space<vmem>>
        %dma_wait3A_485 = tpu.memref_squeeze %dma_wait3A_484 : memref<1x128x8xf32, #tpu.memory_space<vmem>> -> memref<128x8xf32, #tpu.memory_space<vmem>>
        %dma_wait3A_486 = arith.constant 0 : i32
        %dma_wait3A_487 = tpu.memref_slice %arg8[%add3A_268, %dma_wait3A_486] : memref<200x128xi32, #tpu.memory_space<vmem>> -> memref<1x128xi32, #tpu.memory_space<vmem>>
        %dma_wait3A_488 = tpu.memref_squeeze %dma_wait3A_487 : memref<1x128xi32, #tpu.memory_space<vmem>> -> memref<128xi32, #tpu.memory_space<vmem>>
        %dma_wait3A_489 = arith.constant 0 : i32
        %dma_wait3A_490 = arith.constant 0 : i32
        %dma_wait3A_491 = tpu.memref_slice %arg10[%dma_wait3A_489, %dma_wait3A_490] : memref<50176x8xf32, #tpu.memory_space<vmem_shared>> -> memref<50176x8xf32, #tpu.memory_space<vmem_shared>>
        tpu.wait_indirect_dma semaphore(%run_scoped3A_471 : memref<!tpu.dma_semaphore, #tpu.memory_space<semaphore_mem>>) src(%dma_wait3A_485 : memref<128x8xf32, #tpu.memory_space<vmem>>) dst(%dma_wait3A_491 : memref<50176x8xf32, #tpu.memory_space<vmem_shared>>)
        tpu.yield
      }) : () -> ()
      %add3A_270 = arith.constant 1 : i32
      %add3A_271 = arith.addi %mul3A_222, %add3A_270 : i32
      %add3A_272 = arith.constant 8 : i32
      %add3A_273 = arith.addi %add3A_271, %add3A_272 : i32
      %dma_start3A_274 = arith.constant 1 : i32
      %dma_start3A_275 = arith.constant 0 : i32
      %dma_start3A_276 = arith.constant 0 : i32
      %dma_start3A_277 = tpu.memref_slice %arg9[%dma_start3A_274, %dma_start3A_275, %dma_start3A_276] : memref<8x128x8xf32, #tpu.memory_space<vmem>> -> memref<1x128x8xf32, #tpu.memory_space<vmem>>
      %dma_start3A_278 = tpu.memref_squeeze %dma_start3A_277 : memref<1x128x8xf32, #tpu.memory_space<vmem>> -> memref<128x8xf32, #tpu.memory_space<vmem>>
      %dma_start3A_279 = arith.constant 0 : i32
      %dma_start3A_280 = tpu.memref_slice %arg7[%add3A_273, %dma_start3A_279] : memref<200x128xi32, #tpu.memory_space<vmem>> -> memref<1x128xi32, #tpu.memory_space<vmem>>
      %dma_start3A_281 = tpu.memref_squeeze %dma_start3A_280 : memref<1x128xi32, #tpu.memory_space<vmem>> -> memref<128xi32, #tpu.memory_space<vmem>>
      %dma_start3A_282 = arith.constant 0 : i32
      %dma_start3A_283 = arith.constant 0 : i32
      %dma_start3A_284 = tpu.memref_slice %arg2[%dma_start3A_282, %dma_start3A_283] : memref<50000x8xf32, #tpu.memory_space<hbm>> -> memref<50000x8xf32, #tpu.memory_space<hbm>>
      tpu.enqueue_indirect_dma source(%dma_start3A_284 : memref<50000x8xf32, #tpu.memory_space<hbm>>) target(%dma_start3A_278 : memref<128x8xf32, #tpu.memory_space<vmem>>) offsets(%dma_start3A_281 : memref<128xi32, #tpu.memory_space<vmem>>) semaphore(%arg12 : memref<!tpu.dma_semaphore, #tpu.memory_space<semaphore_mem>>)
      %add3A_285 = arith.constant 2 : i32
      %add3A_286 = arith.addi %mul3A_222, %add3A_285 : i32
      %dma_wait3A_287 = arith.constant 2 : i32
      %dma_wait3A_288 = arith.constant 0 : i32
      %dma_wait3A_289 = arith.constant 0 : i32
      %dma_wait3A_290 = tpu.memref_slice %arg9[%dma_wait3A_287, %dma_wait3A_288, %dma_wait3A_289] : memref<8x128x8xf32, #tpu.memory_space<vmem>> -> memref<1x128x8xf32, #tpu.memory_space<vmem>>
      %dma_wait3A_291 = tpu.memref_squeeze %dma_wait3A_290 : memref<1x128x8xf32, #tpu.memory_space<vmem>> -> memref<128x8xf32, #tpu.memory_space<vmem>>
      %dma_wait3A_292 = arith.constant 0 : i32
      %dma_wait3A_293 = tpu.memref_slice %arg7[%add3A_286, %dma_wait3A_292] : memref<200x128xi32, #tpu.memory_space<vmem>> -> memref<1x128xi32, #tpu.memory_space<vmem>>
      %dma_wait3A_294 = tpu.memref_squeeze %dma_wait3A_293 : memref<1x128xi32, #tpu.memory_space<vmem>> -> memref<128xi32, #tpu.memory_space<vmem>>
      %dma_wait3A_295 = arith.constant 0 : i32
      %dma_wait3A_296 = arith.constant 0 : i32
      %dma_wait3A_297 = tpu.memref_slice %arg2[%dma_wait3A_295, %dma_wait3A_296] : memref<50000x8xf32, #tpu.memory_space<hbm>> -> memref<50000x8xf32, #tpu.memory_space<hbm>>
      tpu.wait_indirect_dma semaphore(%arg13 : memref<!tpu.dma_semaphore, #tpu.memory_space<semaphore_mem>>) src(%dma_wait3A_297 : memref<50000x8xf32, #tpu.memory_space<hbm>>) dst(%dma_wait3A_291 : memref<128x8xf32, #tpu.memory_space<vmem>>)
      %add3A_298 = arith.constant 2 : i32
      %add3A_299 = arith.addi %mul3A_222, %add3A_298 : i32
      %run_scoped3A_300 = arith.constant 2 : i32
      "tpu.region"() ({
        %run_scoped3A_471 = tpu.sem_alloc : memref<!tpu.dma_semaphore, #tpu.memory_space<semaphore_mem>>
        %dma_start3A_472 = arith.constant 0 : i32
        %dma_start3A_473 = arith.constant 0 : i32
        %dma_start3A_474 = tpu.memref_slice %arg9[%run_scoped3A_300, %dma_start3A_472, %dma_start3A_473] : memref<8x128x8xf32, #tpu.memory_space<vmem>> -> memref<1x128x8xf32, #tpu.memory_space<vmem>>
        %dma_start3A_475 = tpu.memref_squeeze %dma_start3A_474 : memref<1x128x8xf32, #tpu.memory_space<vmem>> -> memref<128x8xf32, #tpu.memory_space<vmem>>
        %dma_start3A_476 = arith.constant 0 : i32
        %dma_start3A_477 = tpu.memref_slice %arg8[%add3A_299, %dma_start3A_476] : memref<200x128xi32, #tpu.memory_space<vmem>> -> memref<1x128xi32, #tpu.memory_space<vmem>>
        %dma_start3A_478 = tpu.memref_squeeze %dma_start3A_477 : memref<1x128xi32, #tpu.memory_space<vmem>> -> memref<128xi32, #tpu.memory_space<vmem>>
        %dma_start3A_479 = arith.constant 0 : i32
        %dma_start3A_480 = arith.constant 0 : i32
        %dma_start3A_481 = tpu.memref_slice %arg10[%dma_start3A_479, %dma_start3A_480] : memref<50176x8xf32, #tpu.memory_space<vmem_shared>> -> memref<50176x8xf32, #tpu.memory_space<vmem_shared>>
        tpu.enqueue_indirect_dma source(%dma_start3A_475 : memref<128x8xf32, #tpu.memory_space<vmem>>) target(%dma_start3A_481 : memref<50176x8xf32, #tpu.memory_space<vmem_shared>>) offsets(%dma_start3A_478 : memref<128xi32, #tpu.memory_space<vmem>>) semaphore(%run_scoped3A_471 : memref<!tpu.dma_semaphore, #tpu.memory_space<semaphore_mem>>) {add = true}
        %dma_wait3A_482 = arith.constant 0 : i32
        %dma_wait3A_483 = arith.constant 0 : i32
        %dma_wait3A_484 = tpu.memref_slice %arg9[%run_scoped3A_300, %dma_wait3A_482, %dma_wait3A_483] : memref<8x128x8xf32, #tpu.memory_space<vmem>> -> memref<1x128x8xf32, #tpu.memory_space<vmem>>
        %dma_wait3A_485 = tpu.memref_squeeze %dma_wait3A_484 : memref<1x128x8xf32, #tpu.memory_space<vmem>> -> memref<128x8xf32, #tpu.memory_space<vmem>>
        %dma_wait3A_486 = arith.constant 0 : i32
        %dma_wait3A_487 = tpu.memref_slice %arg8[%add3A_299, %dma_wait3A_486] : memref<200x128xi32, #tpu.memory_space<vmem>> -> memref<1x128xi32, #tpu.memory_space<vmem>>
        %dma_wait3A_488 = tpu.memref_squeeze %dma_wait3A_487 : memref<1x128xi32, #tpu.memory_space<vmem>> -> memref<128xi32, #tpu.memory_space<vmem>>
        %dma_wait3A_489 = arith.constant 0 : i32
        %dma_wait3A_490 = arith.constant 0 : i32
        %dma_wait3A_491 = tpu.memref_slice %arg10[%dma_wait3A_489, %dma_wait3A_490] : memref<50176x8xf32, #tpu.memory_space<vmem_shared>> -> memref<50176x8xf32, #tpu.memory_space<vmem_shared>>
        tpu.wait_indirect_dma semaphore(%run_scoped3A_471 : memref<!tpu.dma_semaphore, #tpu.memory_space<semaphore_mem>>) src(%dma_wait3A_485 : memref<128x8xf32, #tpu.memory_space<vmem>>) dst(%dma_wait3A_491 : memref<50176x8xf32, #tpu.memory_space<vmem_shared>>)
        tpu.yield
      }) : () -> ()
      %add3A_301 = arith.constant 2 : i32
      %add3A_302 = arith.addi %mul3A_222, %add3A_301 : i32
      %add3A_303 = arith.constant 8 : i32
      %add3A_304 = arith.addi %add3A_302, %add3A_303 : i32
      %dma_start3A_305 = arith.constant 2 : i32
      %dma_start3A_306 = arith.constant 0 : i32
      %dma_start3A_307 = arith.constant 0 : i32
      %dma_start3A_308 = tpu.memref_slice %arg9[%dma_start3A_305, %dma_start3A_306, %dma_start3A_307] : memref<8x128x8xf32, #tpu.memory_space<vmem>> -> memref<1x128x8xf32, #tpu.memory_space<vmem>>
      %dma_start3A_309 = tpu.memref_squeeze %dma_start3A_308 : memref<1x128x8xf32, #tpu.memory_space<vmem>> -> memref<128x8xf32, #tpu.memory_space<vmem>>
      %dma_start3A_310 = arith.constant 0 : i32
      %dma_start3A_311 = tpu.memref_slice %arg7[%add3A_304, %dma_start3A_310] : memref<200x128xi32, #tpu.memory_space<vmem>> -> memref<1x128xi32, #tpu.memory_space<vmem>>
      %dma_start3A_312 = tpu.memref_squeeze %dma_start3A_311 : memref<1x128xi32, #tpu.memory_space<vmem>> -> memref<128xi32, #tpu.memory_space<vmem>>
      %dma_start3A_313 = arith.constant 0 : i32
      %dma_start3A_314 = arith.constant 0 : i32
      %dma_start3A_315 = tpu.memref_slice %arg2[%dma_start3A_313, %dma_start3A_314] : memref<50000x8xf32, #tpu.memory_space<hbm>> -> memref<50000x8xf32, #tpu.memory_space<hbm>>
      tpu.enqueue_indirect_dma source(%dma_start3A_315 : memref<50000x8xf32, #tpu.memory_space<hbm>>) target(%dma_start3A_309 : memref<128x8xf32, #tpu.memory_space<vmem>>) offsets(%dma_start3A_312 : memref<128xi32, #tpu.memory_space<vmem>>) semaphore(%arg13 : memref<!tpu.dma_semaphore, #tpu.memory_space<semaphore_mem>>)
      %add3A_316 = arith.constant 3 : i32
      %add3A_317 = arith.addi %mul3A_222, %add3A_316 : i32
      %dma_wait3A_318 = arith.constant 3 : i32
      %dma_wait3A_319 = arith.constant 0 : i32
      %dma_wait3A_320 = arith.constant 0 : i32
      %dma_wait3A_321 = tpu.memref_slice %arg9[%dma_wait3A_318, %dma_wait3A_319, %dma_wait3A_320] : memref<8x128x8xf32, #tpu.memory_space<vmem>> -> memref<1x128x8xf32, #tpu.memory_space<vmem>>
      %dma_wait3A_322 = tpu.memref_squeeze %dma_wait3A_321 : memref<1x128x8xf32, #tpu.memory_space<vmem>> -> memref<128x8xf32, #tpu.memory_space<vmem>>
      %dma_wait3A_323 = arith.constant 0 : i32
      %dma_wait3A_324 = tpu.memref_slice %arg7[%add3A_317, %dma_wait3A_323] : memref<200x128xi32, #tpu.memory_space<vmem>> -> memref<1x128xi32, #tpu.memory_space<vmem>>
      %dma_wait3A_325 = tpu.memref_squeeze %dma_wait3A_324 : memref<1x128xi32, #tpu.memory_space<vmem>> -> memref<128xi32, #tpu.memory_space<vmem>>
      %dma_wait3A_326 = arith.constant 0 : i32
      %dma_wait3A_327 = arith.constant 0 : i32
      %dma_wait3A_328 = tpu.memref_slice %arg2[%dma_wait3A_326, %dma_wait3A_327] : memref<50000x8xf32, #tpu.memory_space<hbm>> -> memref<50000x8xf32, #tpu.memory_space<hbm>>
      tpu.wait_indirect_dma semaphore(%arg14 : memref<!tpu.dma_semaphore, #tpu.memory_space<semaphore_mem>>) src(%dma_wait3A_328 : memref<50000x8xf32, #tpu.memory_space<hbm>>) dst(%dma_wait3A_322 : memref<128x8xf32, #tpu.memory_space<vmem>>)
      %add3A_329 = arith.constant 3 : i32
      %add3A_330 = arith.addi %mul3A_222, %add3A_329 : i32
      %run_scoped3A_331 = arith.constant 3 : i32
      "tpu.region"() ({
        %run_scoped3A_471 = tpu.sem_alloc : memref<!tpu.dma_semaphore, #tpu.memory_space<semaphore_mem>>
        %dma_start3A_472 = arith.constant 0 : i32
        %dma_start3A_473 = arith.constant 0 : i32
        %dma_start3A_474 = tpu.memref_slice %arg9[%run_scoped3A_331, %dma_start3A_472, %dma_start3A_473] : memref<8x128x8xf32, #tpu.memory_space<vmem>> -> memref<1x128x8xf32, #tpu.memory_space<vmem>>
        %dma_start3A_475 = tpu.memref_squeeze %dma_start3A_474 : memref<1x128x8xf32, #tpu.memory_space<vmem>> -> memref<128x8xf32, #tpu.memory_space<vmem>>
        %dma_start3A_476 = arith.constant 0 : i32
        %dma_start3A_477 = tpu.memref_slice %arg8[%add3A_330, %dma_start3A_476] : memref<200x128xi32, #tpu.memory_space<vmem>> -> memref<1x128xi32, #tpu.memory_space<vmem>>
        %dma_start3A_478 = tpu.memref_squeeze %dma_start3A_477 : memref<1x128xi32, #tpu.memory_space<vmem>> -> memref<128xi32, #tpu.memory_space<vmem>>
        %dma_start3A_479 = arith.constant 0 : i32
        %dma_start3A_480 = arith.constant 0 : i32
        %dma_start3A_481 = tpu.memref_slice %arg10[%dma_start3A_479, %dma_start3A_480] : memref<50176x8xf32, #tpu.memory_space<vmem_shared>> -> memref<50176x8xf32, #tpu.memory_space<vmem_shared>>
        tpu.enqueue_indirect_dma source(%dma_start3A_475 : memref<128x8xf32, #tpu.memory_space<vmem>>) target(%dma_start3A_481 : memref<50176x8xf32, #tpu.memory_space<vmem_shared>>) offsets(%dma_start3A_478 : memref<128xi32, #tpu.memory_space<vmem>>) semaphore(%run_scoped3A_471 : memref<!tpu.dma_semaphore, #tpu.memory_space<semaphore_mem>>) {add = true}
        %dma_wait3A_482 = arith.constant 0 : i32
        %dma_wait3A_483 = arith.constant 0 : i32
        %dma_wait3A_484 = tpu.memref_slice %arg9[%run_scoped3A_331, %dma_wait3A_482, %dma_wait3A_483] : memref<8x128x8xf32, #tpu.memory_space<vmem>> -> memref<1x128x8xf32, #tpu.memory_space<vmem>>
        %dma_wait3A_485 = tpu.memref_squeeze %dma_wait3A_484 : memref<1x128x8xf32, #tpu.memory_space<vmem>> -> memref<128x8xf32, #tpu.memory_space<vmem>>
        %dma_wait3A_486 = arith.constant 0 : i32
        %dma_wait3A_487 = tpu.memref_slice %arg8[%add3A_330, %dma_wait3A_486] : memref<200x128xi32, #tpu.memory_space<vmem>> -> memref<1x128xi32, #tpu.memory_space<vmem>>
        %dma_wait3A_488 = tpu.memref_squeeze %dma_wait3A_487 : memref<1x128xi32, #tpu.memory_space<vmem>> -> memref<128xi32, #tpu.memory_space<vmem>>
        %dma_wait3A_489 = arith.constant 0 : i32
        %dma_wait3A_490 = arith.constant 0 : i32
        %dma_wait3A_491 = tpu.memref_slice %arg10[%dma_wait3A_489, %dma_wait3A_490] : memref<50176x8xf32, #tpu.memory_space<vmem_shared>> -> memref<50176x8xf32, #tpu.memory_space<vmem_shared>>
        tpu.wait_indirect_dma semaphore(%run_scoped3A_471 : memref<!tpu.dma_semaphore, #tpu.memory_space<semaphore_mem>>) src(%dma_wait3A_485 : memref<128x8xf32, #tpu.memory_space<vmem>>) dst(%dma_wait3A_491 : memref<50176x8xf32, #tpu.memory_space<vmem_shared>>)
        tpu.yield
      }) : () -> ()
      %add3A_332 = arith.constant 3 : i32
      %add3A_333 = arith.addi %mul3A_222, %add3A_332 : i32
      %add3A_334 = arith.constant 8 : i32
      %add3A_335 = arith.addi %add3A_333, %add3A_334 : i32
      %dma_start3A_336 = arith.constant 3 : i32
      %dma_start3A_337 = arith.constant 0 : i32
      %dma_start3A_338 = arith.constant 0 : i32
      %dma_start3A_339 = tpu.memref_slice %arg9[%dma_start3A_336, %dma_start3A_337, %dma_start3A_338] : memref<8x128x8xf32, #tpu.memory_space<vmem>> -> memref<1x128x8xf32, #tpu.memory_space<vmem>>
      %dma_start3A_340 = tpu.memref_squeeze %dma_start3A_339 : memref<1x128x8xf32, #tpu.memory_space<vmem>> -> memref<128x8xf32, #tpu.memory_space<vmem>>
      %dma_start3A_341 = arith.constant 0 : i32
      %dma_start3A_342 = tpu.memref_slice %arg7[%add3A_335, %dma_start3A_341] : memref<200x128xi32, #tpu.memory_space<vmem>> -> memref<1x128xi32, #tpu.memory_space<vmem>>
      %dma_start3A_343 = tpu.memref_squeeze %dma_start3A_342 : memref<1x128xi32, #tpu.memory_space<vmem>> -> memref<128xi32, #tpu.memory_space<vmem>>
      %dma_start3A_344 = arith.constant 0 : i32
      %dma_start3A_345 = arith.constant 0 : i32
      %dma_start3A_346 = tpu.memref_slice %arg2[%dma_start3A_344, %dma_start3A_345] : memref<50000x8xf32, #tpu.memory_space<hbm>> -> memref<50000x8xf32, #tpu.memory_space<hbm>>
      tpu.enqueue_indirect_dma source(%dma_start3A_346 : memref<50000x8xf32, #tpu.memory_space<hbm>>) target(%dma_start3A_340 : memref<128x8xf32, #tpu.memory_space<vmem>>) offsets(%dma_start3A_343 : memref<128xi32, #tpu.memory_space<vmem>>) semaphore(%arg14 : memref<!tpu.dma_semaphore, #tpu.memory_space<semaphore_mem>>)
      %add3A_347 = arith.constant 4 : i32
      %add3A_348 = arith.addi %mul3A_222, %add3A_347 : i32
      %dma_wait3A_349 = arith.constant 4 : i32
      %dma_wait3A_350 = arith.constant 0 : i32
      %dma_wait3A_351 = arith.constant 0 : i32
      %dma_wait3A_352 = tpu.memref_slice %arg9[%dma_wait3A_349, %dma_wait3A_350, %dma_wait3A_351] : memref<8x128x8xf32, #tpu.memory_space<vmem>> -> memref<1x128x8xf32, #tpu.memory_space<vmem>>
      %dma_wait3A_353 = tpu.memref_squeeze %dma_wait3A_352 : memref<1x128x8xf32, #tpu.memory_space<vmem>> -> memref<128x8xf32, #tpu.memory_space<vmem>>
      %dma_wait3A_354 = arith.constant 0 : i32
      %dma_wait3A_355 = tpu.memref_slice %arg7[%add3A_348, %dma_wait3A_354] : memref<200x128xi32, #tpu.memory_space<vmem>> -> memref<1x128xi32, #tpu.memory_space<vmem>>
      %dma_wait3A_356 = tpu.memref_squeeze %dma_wait3A_355 : memref<1x128xi32, #tpu.memory_space<vmem>> -> memref<128xi32, #tpu.memory_space<vmem>>
      %dma_wait3A_357 = arith.constant 0 : i32
      %dma_wait3A_358 = arith.constant 0 : i32
      %dma_wait3A_359 = tpu.memref_slice %arg2[%dma_wait3A_357, %dma_wait3A_358] : memref<50000x8xf32, #tpu.memory_space<hbm>> -> memref<50000x8xf32, #tpu.memory_space<hbm>>
      tpu.wait_indirect_dma semaphore(%arg15 : memref<!tpu.dma_semaphore, #tpu.memory_space<semaphore_mem>>) src(%dma_wait3A_359 : memref<50000x8xf32, #tpu.memory_space<hbm>>) dst(%dma_wait3A_353 : memref<128x8xf32, #tpu.memory_space<vmem>>)
      %add3A_360 = arith.constant 4 : i32
      %add3A_361 = arith.addi %mul3A_222, %add3A_360 : i32
      %run_scoped3A_362 = arith.constant 4 : i32
      "tpu.region"() ({
        %run_scoped3A_471 = tpu.sem_alloc : memref<!tpu.dma_semaphore, #tpu.memory_space<semaphore_mem>>
        %dma_start3A_472 = arith.constant 0 : i32
        %dma_start3A_473 = arith.constant 0 : i32
        %dma_start3A_474 = tpu.memref_slice %arg9[%run_scoped3A_362, %dma_start3A_472, %dma_start3A_473] : memref<8x128x8xf32, #tpu.memory_space<vmem>> -> memref<1x128x8xf32, #tpu.memory_space<vmem>>
        %dma_start3A_475 = tpu.memref_squeeze %dma_start3A_474 : memref<1x128x8xf32, #tpu.memory_space<vmem>> -> memref<128x8xf32, #tpu.memory_space<vmem>>
        %dma_start3A_476 = arith.constant 0 : i32
        %dma_start3A_477 = tpu.memref_slice %arg8[%add3A_361, %dma_start3A_476] : memref<200x128xi32, #tpu.memory_space<vmem>> -> memref<1x128xi32, #tpu.memory_space<vmem>>
        %dma_start3A_478 = tpu.memref_squeeze %dma_start3A_477 : memref<1x128xi32, #tpu.memory_space<vmem>> -> memref<128xi32, #tpu.memory_space<vmem>>
        %dma_start3A_479 = arith.constant 0 : i32
        %dma_start3A_480 = arith.constant 0 : i32
        %dma_start3A_481 = tpu.memref_slice %arg10[%dma_start3A_479, %dma_start3A_480] : memref<50176x8xf32, #tpu.memory_space<vmem_shared>> -> memref<50176x8xf32, #tpu.memory_space<vmem_shared>>
        tpu.enqueue_indirect_dma source(%dma_start3A_475 : memref<128x8xf32, #tpu.memory_space<vmem>>) target(%dma_start3A_481 : memref<50176x8xf32, #tpu.memory_space<vmem_shared>>) offsets(%dma_start3A_478 : memref<128xi32, #tpu.memory_space<vmem>>) semaphore(%run_scoped3A_471 : memref<!tpu.dma_semaphore, #tpu.memory_space<semaphore_mem>>) {add = true}
        %dma_wait3A_482 = arith.constant 0 : i32
        %dma_wait3A_483 = arith.constant 0 : i32
        %dma_wait3A_484 = tpu.memref_slice %arg9[%run_scoped3A_362, %dma_wait3A_482, %dma_wait3A_483] : memref<8x128x8xf32, #tpu.memory_space<vmem>> -> memref<1x128x8xf32, #tpu.memory_space<vmem>>
        %dma_wait3A_485 = tpu.memref_squeeze %dma_wait3A_484 : memref<1x128x8xf32, #tpu.memory_space<vmem>> -> memref<128x8xf32, #tpu.memory_space<vmem>>
        %dma_wait3A_486 = arith.constant 0 : i32
        %dma_wait3A_487 = tpu.memref_slice %arg8[%add3A_361, %dma_wait3A_486] : memref<200x128xi32, #tpu.memory_space<vmem>> -> memref<1x128xi32, #tpu.memory_space<vmem>>
        %dma_wait3A_488 = tpu.memref_squeeze %dma_wait3A_487 : memref<1x128xi32, #tpu.memory_space<vmem>> -> memref<128xi32, #tpu.memory_space<vmem>>
        %dma_wait3A_489 = arith.constant 0 : i32
        %dma_wait3A_490 = arith.constant 0 : i32
        %dma_wait3A_491 = tpu.memref_slice %arg10[%dma_wait3A_489, %dma_wait3A_490] : memref<50176x8xf32, #tpu.memory_space<vmem_shared>> -> memref<50176x8xf32, #tpu.memory_space<vmem_shared>>
        tpu.wait_indirect_dma semaphore(%run_scoped3A_471 : memref<!tpu.dma_semaphore, #tpu.memory_space<semaphore_mem>>) src(%dma_wait3A_485 : memref<128x8xf32, #tpu.memory_space<vmem>>) dst(%dma_wait3A_491 : memref<50176x8xf32, #tpu.memory_space<vmem_shared>>)
        tpu.yield
      }) : () -> ()
      %add3A_363 = arith.constant 4 : i32
      %add3A_364 = arith.addi %mul3A_222, %add3A_363 : i32
      %add3A_365 = arith.constant 8 : i32
      %add3A_366 = arith.addi %add3A_364, %add3A_365 : i32
      %dma_start3A_367 = arith.constant 4 : i32
      %dma_start3A_368 = arith.constant 0 : i32
      %dma_start3A_369 = arith.constant 0 : i32
      %dma_start3A_370 = tpu.memref_slice %arg9[%dma_start3A_367, %dma_start3A_368, %dma_start3A_369] : memref<8x128x8xf32, #tpu.memory_space<vmem>> -> memref<1x128x8xf32, #tpu.memory_space<vmem>>
      %dma_start3A_371 = tpu.memref_squeeze %dma_start3A_370 : memref<1x128x8xf32, #tpu.memory_space<vmem>> -> memref<128x8xf32, #tpu.memory_space<vmem>>
      %dma_start3A_372 = arith.constant 0 : i32
      %dma_start3A_373 = tpu.memref_slice %arg7[%add3A_366, %dma_start3A_372] : memref<200x128xi32, #tpu.memory_space<vmem>> -> memref<1x128xi32, #tpu.memory_space<vmem>>
      %dma_start3A_374 = tpu.memref_squeeze %dma_start3A_373 : memref<1x128xi32, #tpu.memory_space<vmem>> -> memref<128xi32, #tpu.memory_space<vmem>>
      %dma_start3A_375 = arith.constant 0 : i32
      %dma_start3A_376 = arith.constant 0 : i32
      %dma_start3A_377 = tpu.memref_slice %arg2[%dma_start3A_375, %dma_start3A_376] : memref<50000x8xf32, #tpu.memory_space<hbm>> -> memref<50000x8xf32, #tpu.memory_space<hbm>>
      tpu.enqueue_indirect_dma source(%dma_start3A_377 : memref<50000x8xf32, #tpu.memory_space<hbm>>) target(%dma_start3A_371 : memref<128x8xf32, #tpu.memory_space<vmem>>) offsets(%dma_start3A_374 : memref<128xi32, #tpu.memory_space<vmem>>) semaphore(%arg15 : memref<!tpu.dma_semaphore, #tpu.memory_space<semaphore_mem>>)
      %add3A_378 = arith.constant 5 : i32
      %add3A_379 = arith.addi %mul3A_222, %add3A_378 : i32
      %dma_wait3A_380 = arith.constant 5 : i32
      %dma_wait3A_381 = arith.constant 0 : i32
      %dma_wait3A_382 = arith.constant 0 : i32
      %dma_wait3A_383 = tpu.memref_slice %arg9[%dma_wait3A_380, %dma_wait3A_381, %dma_wait3A_382] : memref<8x128x8xf32, #tpu.memory_space<vmem>> -> memref<1x128x8xf32, #tpu.memory_space<vmem>>
      %dma_wait3A_384 = tpu.memref_squeeze %dma_wait3A_383 : memref<1x128x8xf32, #tpu.memory_space<vmem>> -> memref<128x8xf32, #tpu.memory_space<vmem>>
      %dma_wait3A_385 = arith.constant 0 : i32
      %dma_wait3A_386 = tpu.memref_slice %arg7[%add3A_379, %dma_wait3A_385] : memref<200x128xi32, #tpu.memory_space<vmem>> -> memref<1x128xi32, #tpu.memory_space<vmem>>
      %dma_wait3A_387 = tpu.memref_squeeze %dma_wait3A_386 : memref<1x128xi32, #tpu.memory_space<vmem>> -> memref<128xi32, #tpu.memory_space<vmem>>
      %dma_wait3A_388 = arith.constant 0 : i32
      %dma_wait3A_389 = arith.constant 0 : i32
      %dma_wait3A_390 = tpu.memref_slice %arg2[%dma_wait3A_388, %dma_wait3A_389] : memref<50000x8xf32, #tpu.memory_space<hbm>> -> memref<50000x8xf32, #tpu.memory_space<hbm>>
      tpu.wait_indirect_dma semaphore(%arg16 : memref<!tpu.dma_semaphore, #tpu.memory_space<semaphore_mem>>) src(%dma_wait3A_390 : memref<50000x8xf32, #tpu.memory_space<hbm>>) dst(%dma_wait3A_384 : memref<128x8xf32, #tpu.memory_space<vmem>>)
      %add3A_391 = arith.constant 5 : i32
      %add3A_392 = arith.addi %mul3A_222, %add3A_391 : i32
      %run_scoped3A_393 = arith.constant 5 : i32
      "tpu.region"() ({
        %run_scoped3A_471 = tpu.sem_alloc : memref<!tpu.dma_semaphore, #tpu.memory_space<semaphore_mem>>
        %dma_start3A_472 = arith.constant 0 : i32
        %dma_start3A_473 = arith.constant 0 : i32
        %dma_start3A_474 = tpu.memref_slice %arg9[%run_scoped3A_393, %dma_start3A_472, %dma_start3A_473] : memref<8x128x8xf32, #tpu.memory_space<vmem>> -> memref<1x128x8xf32, #tpu.memory_space<vmem>>
        %dma_start3A_475 = tpu.memref_squeeze %dma_start3A_474 : memref<1x128x8xf32, #tpu.memory_space<vmem>> -> memref<128x8xf32, #tpu.memory_space<vmem>>
        %dma_start3A_476 = arith.constant 0 : i32
        %dma_start3A_477 = tpu.memref_slice %arg8[%add3A_392, %dma_start3A_476] : memref<200x128xi32, #tpu.memory_space<vmem>> -> memref<1x128xi32, #tpu.memory_space<vmem>>
        %dma_start3A_478 = tpu.memref_squeeze %dma_start3A_477 : memref<1x128xi32, #tpu.memory_space<vmem>> -> memref<128xi32, #tpu.memory_space<vmem>>
        %dma_start3A_479 = arith.constant 0 : i32
        %dma_start3A_480 = arith.constant 0 : i32
        %dma_start3A_481 = tpu.memref_slice %arg10[%dma_start3A_479, %dma_start3A_480] : memref<50176x8xf32, #tpu.memory_space<vmem_shared>> -> memref<50176x8xf32, #tpu.memory_space<vmem_shared>>
        tpu.enqueue_indirect_dma source(%dma_start3A_475 : memref<128x8xf32, #tpu.memory_space<vmem>>) target(%dma_start3A_481 : memref<50176x8xf32, #tpu.memory_space<vmem_shared>>) offsets(%dma_start3A_478 : memref<128xi32, #tpu.memory_space<vmem>>) semaphore(%run_scoped3A_471 : memref<!tpu.dma_semaphore, #tpu.memory_space<semaphore_mem>>) {add = true}
        %dma_wait3A_482 = arith.constant 0 : i32
        %dma_wait3A_483 = arith.constant 0 : i32
        %dma_wait3A_484 = tpu.memref_slice %arg9[%run_scoped3A_393, %dma_wait3A_482, %dma_wait3A_483] : memref<8x128x8xf32, #tpu.memory_space<vmem>> -> memref<1x128x8xf32, #tpu.memory_space<vmem>>
        %dma_wait3A_485 = tpu.memref_squeeze %dma_wait3A_484 : memref<1x128x8xf32, #tpu.memory_space<vmem>> -> memref<128x8xf32, #tpu.memory_space<vmem>>
        %dma_wait3A_486 = arith.constant 0 : i32
        %dma_wait3A_487 = tpu.memref_slice %arg8[%add3A_392, %dma_wait3A_486] : memref<200x128xi32, #tpu.memory_space<vmem>> -> memref<1x128xi32, #tpu.memory_space<vmem>>
        %dma_wait3A_488 = tpu.memref_squeeze %dma_wait3A_487 : memref<1x128xi32, #tpu.memory_space<vmem>> -> memref<128xi32, #tpu.memory_space<vmem>>
        %dma_wait3A_489 = arith.constant 0 : i32
        %dma_wait3A_490 = arith.constant 0 : i32
        %dma_wait3A_491 = tpu.memref_slice %arg10[%dma_wait3A_489, %dma_wait3A_490] : memref<50176x8xf32, #tpu.memory_space<vmem_shared>> -> memref<50176x8xf32, #tpu.memory_space<vmem_shared>>
        tpu.wait_indirect_dma semaphore(%run_scoped3A_471 : memref<!tpu.dma_semaphore, #tpu.memory_space<semaphore_mem>>) src(%dma_wait3A_485 : memref<128x8xf32, #tpu.memory_space<vmem>>) dst(%dma_wait3A_491 : memref<50176x8xf32, #tpu.memory_space<vmem_shared>>)
        tpu.yield
      }) : () -> ()
      %add3A_394 = arith.constant 5 : i32
      %add3A_395 = arith.addi %mul3A_222, %add3A_394 : i32
      %add3A_396 = arith.constant 8 : i32
      %add3A_397 = arith.addi %add3A_395, %add3A_396 : i32
      %dma_start3A_398 = arith.constant 5 : i32
      %dma_start3A_399 = arith.constant 0 : i32
      %dma_start3A_400 = arith.constant 0 : i32
      %dma_start3A_401 = tpu.memref_slice %arg9[%dma_start3A_398, %dma_start3A_399, %dma_start3A_400] : memref<8x128x8xf32, #tpu.memory_space<vmem>> -> memref<1x128x8xf32, #tpu.memory_space<vmem>>
      %dma_start3A_402 = tpu.memref_squeeze %dma_start3A_401 : memref<1x128x8xf32, #tpu.memory_space<vmem>> -> memref<128x8xf32, #tpu.memory_space<vmem>>
      %dma_start3A_403 = arith.constant 0 : i32
      %dma_start3A_404 = tpu.memref_slice %arg7[%add3A_397, %dma_start3A_403] : memref<200x128xi32, #tpu.memory_space<vmem>> -> memref<1x128xi32, #tpu.memory_space<vmem>>
      %dma_start3A_405 = tpu.memref_squeeze %dma_start3A_404 : memref<1x128xi32, #tpu.memory_space<vmem>> -> memref<128xi32, #tpu.memory_space<vmem>>
      %dma_start3A_406 = arith.constant 0 : i32
      %dma_start3A_407 = arith.constant 0 : i32
      %dma_start3A_408 = tpu.memref_slice %arg2[%dma_start3A_406, %dma_start3A_407] : memref<50000x8xf32, #tpu.memory_space<hbm>> -> memref<50000x8xf32, #tpu.memory_space<hbm>>
      tpu.enqueue_indirect_dma source(%dma_start3A_408 : memref<50000x8xf32, #tpu.memory_space<hbm>>) target(%dma_start3A_402 : memref<128x8xf32, #tpu.memory_space<vmem>>) offsets(%dma_start3A_405 : memref<128xi32, #tpu.memory_space<vmem>>) semaphore(%arg16 : memref<!tpu.dma_semaphore, #tpu.memory_space<semaphore_mem>>)
      %add3A_409 = arith.constant 6 : i32
      %add3A_410 = arith.addi %mul3A_222, %add3A_409 : i32
      %dma_wait3A_411 = arith.constant 6 : i32
      %dma_wait3A_412 = arith.constant 0 : i32
      %dma_wait3A_413 = arith.constant 0 : i32
      %dma_wait3A_414 = tpu.memref_slice %arg9[%dma_wait3A_411, %dma_wait3A_412, %dma_wait3A_413] : memref<8x128x8xf32, #tpu.memory_space<vmem>> -> memref<1x128x8xf32, #tpu.memory_space<vmem>>
      %dma_wait3A_415 = tpu.memref_squeeze %dma_wait3A_414 : memref<1x128x8xf32, #tpu.memory_space<vmem>> -> memref<128x8xf32, #tpu.memory_space<vmem>>
      %dma_wait3A_416 = arith.constant 0 : i32
      %dma_wait3A_417 = tpu.memref_slice %arg7[%add3A_410, %dma_wait3A_416] : memref<200x128xi32, #tpu.memory_space<vmem>> -> memref<1x128xi32, #tpu.memory_space<vmem>>
      %dma_wait3A_418 = tpu.memref_squeeze %dma_wait3A_417 : memref<1x128xi32, #tpu.memory_space<vmem>> -> memref<128xi32, #tpu.memory_space<vmem>>
      %dma_wait3A_419 = arith.constant 0 : i32
      %dma_wait3A_420 = arith.constant 0 : i32
      %dma_wait3A_421 = tpu.memref_slice %arg2[%dma_wait3A_419, %dma_wait3A_420] : memref<50000x8xf32, #tpu.memory_space<hbm>> -> memref<50000x8xf32, #tpu.memory_space<hbm>>
      tpu.wait_indirect_dma semaphore(%arg17 : memref<!tpu.dma_semaphore, #tpu.memory_space<semaphore_mem>>) src(%dma_wait3A_421 : memref<50000x8xf32, #tpu.memory_space<hbm>>) dst(%dma_wait3A_415 : memref<128x8xf32, #tpu.memory_space<vmem>>)
      %add3A_422 = arith.constant 6 : i32
      %add3A_423 = arith.addi %mul3A_222, %add3A_422 : i32
      %run_scoped3A_424 = arith.constant 6 : i32
      "tpu.region"() ({
        %run_scoped3A_471 = tpu.sem_alloc : memref<!tpu.dma_semaphore, #tpu.memory_space<semaphore_mem>>
        %dma_start3A_472 = arith.constant 0 : i32
        %dma_start3A_473 = arith.constant 0 : i32
        %dma_start3A_474 = tpu.memref_slice %arg9[%run_scoped3A_424, %dma_start3A_472, %dma_start3A_473] : memref<8x128x8xf32, #tpu.memory_space<vmem>> -> memref<1x128x8xf32, #tpu.memory_space<vmem>>
        %dma_start3A_475 = tpu.memref_squeeze %dma_start3A_474 : memref<1x128x8xf32, #tpu.memory_space<vmem>> -> memref<128x8xf32, #tpu.memory_space<vmem>>
        %dma_start3A_476 = arith.constant 0 : i32
        %dma_start3A_477 = tpu.memref_slice %arg8[%add3A_423, %dma_start3A_476] : memref<200x128xi32, #tpu.memory_space<vmem>> -> memref<1x128xi32, #tpu.memory_space<vmem>>
        %dma_start3A_478 = tpu.memref_squeeze %dma_start3A_477 : memref<1x128xi32, #tpu.memory_space<vmem>> -> memref<128xi32, #tpu.memory_space<vmem>>
        %dma_start3A_479 = arith.constant 0 : i32
        %dma_start3A_480 = arith.constant 0 : i32
        %dma_start3A_481 = tpu.memref_slice %arg10[%dma_start3A_479, %dma_start3A_480] : memref<50176x8xf32, #tpu.memory_space<vmem_shared>> -> memref<50176x8xf32, #tpu.memory_space<vmem_shared>>
        tpu.enqueue_indirect_dma source(%dma_start3A_475 : memref<128x8xf32, #tpu.memory_space<vmem>>) target(%dma_start3A_481 : memref<50176x8xf32, #tpu.memory_space<vmem_shared>>) offsets(%dma_start3A_478 : memref<128xi32, #tpu.memory_space<vmem>>) semaphore(%run_scoped3A_471 : memref<!tpu.dma_semaphore, #tpu.memory_space<semaphore_mem>>) {add = true}
        %dma_wait3A_482 = arith.constant 0 : i32
        %dma_wait3A_483 = arith.constant 0 : i32
        %dma_wait3A_484 = tpu.memref_slice %arg9[%run_scoped3A_424, %dma_wait3A_482, %dma_wait3A_483] : memref<8x128x8xf32, #tpu.memory_space<vmem>> -> memref<1x128x8xf32, #tpu.memory_space<vmem>>
        %dma_wait3A_485 = tpu.memref_squeeze %dma_wait3A_484 : memref<1x128x8xf32, #tpu.memory_space<vmem>> -> memref<128x8xf32, #tpu.memory_space<vmem>>
        %dma_wait3A_486 = arith.constant 0 : i32
        %dma_wait3A_487 = tpu.memref_slice %arg8[%add3A_423, %dma_wait3A_486] : memref<200x128xi32, #tpu.memory_space<vmem>> -> memref<1x128xi32, #tpu.memory_space<vmem>>
        %dma_wait3A_488 = tpu.memref_squeeze %dma_wait3A_487 : memref<1x128xi32, #tpu.memory_space<vmem>> -> memref<128xi32, #tpu.memory_space<vmem>>
        %dma_wait3A_489 = arith.constant 0 : i32
        %dma_wait3A_490 = arith.constant 0 : i32
        %dma_wait3A_491 = tpu.memref_slice %arg10[%dma_wait3A_489, %dma_wait3A_490] : memref<50176x8xf32, #tpu.memory_space<vmem_shared>> -> memref<50176x8xf32, #tpu.memory_space<vmem_shared>>
        tpu.wait_indirect_dma semaphore(%run_scoped3A_471 : memref<!tpu.dma_semaphore, #tpu.memory_space<semaphore_mem>>) src(%dma_wait3A_485 : memref<128x8xf32, #tpu.memory_space<vmem>>) dst(%dma_wait3A_491 : memref<50176x8xf32, #tpu.memory_space<vmem_shared>>)
        tpu.yield
      }) : () -> ()
      %add3A_425 = arith.constant 6 : i32
      %add3A_426 = arith.addi %mul3A_222, %add3A_425 : i32
      %add3A_427 = arith.constant 8 : i32
      %add3A_428 = arith.addi %add3A_426, %add3A_427 : i32
      %dma_start3A_429 = arith.constant 6 : i32
      %dma_start3A_430 = arith.constant 0 : i32
      %dma_start3A_431 = arith.constant 0 : i32
      %dma_start3A_432 = tpu.memref_slice %arg9[%dma_start3A_429, %dma_start3A_430, %dma_start3A_431] : memref<8x128x8xf32, #tpu.memory_space<vmem>> -> memref<1x128x8xf32, #tpu.memory_space<vmem>>
      %dma_start3A_433 = tpu.memref_squeeze %dma_start3A_432 : memref<1x128x8xf32, #tpu.memory_space<vmem>> -> memref<128x8xf32, #tpu.memory_space<vmem>>
      %dma_start3A_434 = arith.constant 0 : i32
      %dma_start3A_435 = tpu.memref_slice %arg7[%add3A_428, %dma_start3A_434] : memref<200x128xi32, #tpu.memory_space<vmem>> -> memref<1x128xi32, #tpu.memory_space<vmem>>
      %dma_start3A_436 = tpu.memref_squeeze %dma_start3A_435 : memref<1x128xi32, #tpu.memory_space<vmem>> -> memref<128xi32, #tpu.memory_space<vmem>>
      %dma_start3A_437 = arith.constant 0 : i32
      %dma_start3A_438 = arith.constant 0 : i32
      %dma_start3A_439 = tpu.memref_slice %arg2[%dma_start3A_437, %dma_start3A_438] : memref<50000x8xf32, #tpu.memory_space<hbm>> -> memref<50000x8xf32, #tpu.memory_space<hbm>>
      tpu.enqueue_indirect_dma source(%dma_start3A_439 : memref<50000x8xf32, #tpu.memory_space<hbm>>) target(%dma_start3A_433 : memref<128x8xf32, #tpu.memory_space<vmem>>) offsets(%dma_start3A_436 : memref<128xi32, #tpu.memory_space<vmem>>) semaphore(%arg17 : memref<!tpu.dma_semaphore, #tpu.memory_space<semaphore_mem>>)
      %add3A_440 = arith.constant 7 : i32
      %add3A_441 = arith.addi %mul3A_222, %add3A_440 : i32
      %dma_wait3A_442 = arith.constant 7 : i32
      %dma_wait3A_443 = arith.constant 0 : i32
      %dma_wait3A_444 = arith.constant 0 : i32
      %dma_wait3A_445 = tpu.memref_slice %arg9[%dma_wait3A_442, %dma_wait3A_443, %dma_wait3A_444] : memref<8x128x8xf32, #tpu.memory_space<vmem>> -> memref<1x128x8xf32, #tpu.memory_space<vmem>>
      %dma_wait3A_446 = tpu.memref_squeeze %dma_wait3A_445 : memref<1x128x8xf32, #tpu.memory_space<vmem>> -> memref<128x8xf32, #tpu.memory_space<vmem>>
      %dma_wait3A_447 = arith.constant 0 : i32
      %dma_wait3A_448 = tpu.memref_slice %arg7[%add3A_441, %dma_wait3A_447] : memref<200x128xi32, #tpu.memory_space<vmem>> -> memref<1x128xi32, #tpu.memory_space<vmem>>
      %dma_wait3A_449 = tpu.memref_squeeze %dma_wait3A_448 : memref<1x128xi32, #tpu.memory_space<vmem>> -> memref<128xi32, #tpu.memory_space<vmem>>
      %dma_wait3A_450 = arith.constant 0 : i32
      %dma_wait3A_451 = arith.constant 0 : i32
      %dma_wait3A_452 = tpu.memref_slice %arg2[%dma_wait3A_450, %dma_wait3A_451] : memref<50000x8xf32, #tpu.memory_space<hbm>> -> memref<50000x8xf32, #tpu.memory_space<hbm>>
      tpu.wait_indirect_dma semaphore(%arg18 : memref<!tpu.dma_semaphore, #tpu.memory_space<semaphore_mem>>) src(%dma_wait3A_452 : memref<50000x8xf32, #tpu.memory_space<hbm>>) dst(%dma_wait3A_446 : memref<128x8xf32, #tpu.memory_space<vmem>>)
      %add3A_453 = arith.constant 7 : i32
      %add3A_454 = arith.addi %mul3A_222, %add3A_453 : i32
      %run_scoped3A_455 = arith.constant 7 : i32
      "tpu.region"() ({
        %run_scoped3A_471 = tpu.sem_alloc : memref<!tpu.dma_semaphore, #tpu.memory_space<semaphore_mem>>
        %dma_start3A_472 = arith.constant 0 : i32
        %dma_start3A_473 = arith.constant 0 : i32
        %dma_start3A_474 = tpu.memref_slice %arg9[%run_scoped3A_455, %dma_start3A_472, %dma_start3A_473] : memref<8x128x8xf32, #tpu.memory_space<vmem>> -> memref<1x128x8xf32, #tpu.memory_space<vmem>>
        %dma_start3A_475 = tpu.memref_squeeze %dma_start3A_474 : memref<1x128x8xf32, #tpu.memory_space<vmem>> -> memref<128x8xf32, #tpu.memory_space<vmem>>
        %dma_start3A_476 = arith.constant 0 : i32
        %dma_start3A_477 = tpu.memref_slice %arg8[%add3A_454, %dma_start3A_476] : memref<200x128xi32, #tpu.memory_space<vmem>> -> memref<1x128xi32, #tpu.memory_space<vmem>>
        %dma_start3A_478 = tpu.memref_squeeze %dma_start3A_477 : memref<1x128xi32, #tpu.memory_space<vmem>> -> memref<128xi32, #tpu.memory_space<vmem>>
        %dma_start3A_479 = arith.constant 0 : i32
        %dma_start3A_480 = arith.constant 0 : i32
        %dma_start3A_481 = tpu.memref_slice %arg10[%dma_start3A_479, %dma_start3A_480] : memref<50176x8xf32, #tpu.memory_space<vmem_shared>> -> memref<50176x8xf32, #tpu.memory_space<vmem_shared>>
        tpu.enqueue_indirect_dma source(%dma_start3A_475 : memref<128x8xf32, #tpu.memory_space<vmem>>) target(%dma_start3A_481 : memref<50176x8xf32, #tpu.memory_space<vmem_shared>>) offsets(%dma_start3A_478 : memref<128xi32, #tpu.memory_space<vmem>>) semaphore(%run_scoped3A_471 : memref<!tpu.dma_semaphore, #tpu.memory_space<semaphore_mem>>) {add = true}
        %dma_wait3A_482 = arith.constant 0 : i32
        %dma_wait3A_483 = arith.constant 0 : i32
        %dma_wait3A_484 = tpu.memref_slice %arg9[%run_scoped3A_455, %dma_wait3A_482, %dma_wait3A_483] : memref<8x128x8xf32, #tpu.memory_space<vmem>> -> memref<1x128x8xf32, #tpu.memory_space<vmem>>
        %dma_wait3A_485 = tpu.memref_squeeze %dma_wait3A_484 : memref<1x128x8xf32, #tpu.memory_space<vmem>> -> memref<128x8xf32, #tpu.memory_space<vmem>>
        %dma_wait3A_486 = arith.constant 0 : i32
        %dma_wait3A_487 = tpu.memref_slice %arg8[%add3A_454, %dma_wait3A_486] : memref<200x128xi32, #tpu.memory_space<vmem>> -> memref<1x128xi32, #tpu.memory_space<vmem>>
        %dma_wait3A_488 = tpu.memref_squeeze %dma_wait3A_487 : memref<1x128xi32, #tpu.memory_space<vmem>> -> memref<128xi32, #tpu.memory_space<vmem>>
        %dma_wait3A_489 = arith.constant 0 : i32
        %dma_wait3A_490 = arith.constant 0 : i32
        %dma_wait3A_491 = tpu.memref_slice %arg10[%dma_wait3A_489, %dma_wait3A_490] : memref<50176x8xf32, #tpu.memory_space<vmem_shared>> -> memref<50176x8xf32, #tpu.memory_space<vmem_shared>>
        tpu.wait_indirect_dma semaphore(%run_scoped3A_471 : memref<!tpu.dma_semaphore, #tpu.memory_space<semaphore_mem>>) src(%dma_wait3A_485 : memref<128x8xf32, #tpu.memory_space<vmem>>) dst(%dma_wait3A_491 : memref<50176x8xf32, #tpu.memory_space<vmem_shared>>)
        tpu.yield
      }) : () -> ()
      %add3A_456 = arith.constant 7 : i32
      %add3A_457 = arith.addi %mul3A_222, %add3A_456 : i32
      %add3A_458 = arith.constant 8 : i32
      %add3A_459 = arith.addi %add3A_457, %add3A_458 : i32
      %dma_start3A_460 = arith.constant 7 : i32
      %dma_start3A_461 = arith.constant 0 : i32
      %dma_start3A_462 = arith.constant 0 : i32
      %dma_start3A_463 = tpu.memref_slice %arg9[%dma_start3A_460, %dma_start3A_461, %dma_start3A_462] : memref<8x128x8xf32, #tpu.memory_space<vmem>> -> memref<1x128x8xf32, #tpu.memory_space<vmem>>
      %dma_start3A_464 = tpu.memref_squeeze %dma_start3A_463 : memref<1x128x8xf32, #tpu.memory_space<vmem>> -> memref<128x8xf32, #tpu.memory_space<vmem>>
      %dma_start3A_465 = arith.constant 0 : i32
      %dma_start3A_466 = tpu.memref_slice %arg7[%add3A_459, %dma_start3A_465] : memref<200x128xi32, #tpu.memory_space<vmem>> -> memref<1x128xi32, #tpu.memory_space<vmem>>
      %dma_start3A_467 = tpu.memref_squeeze %dma_start3A_466 : memref<1x128xi32, #tpu.memory_space<vmem>> -> memref<128xi32, #tpu.memory_space<vmem>>
      %dma_start3A_468 = arith.constant 0 : i32
      %dma_start3A_469 = arith.constant 0 : i32
      %dma_start3A_470 = tpu.memref_slice %arg2[%dma_start3A_468, %dma_start3A_469] : memref<50000x8xf32, #tpu.memory_space<hbm>> -> memref<50000x8xf32, #tpu.memory_space<hbm>>
      tpu.enqueue_indirect_dma source(%dma_start3A_470 : memref<50000x8xf32, #tpu.memory_space<hbm>>) target(%dma_start3A_464 : memref<128x8xf32, #tpu.memory_space<vmem>>) offsets(%dma_start3A_467 : memref<128xi32, #tpu.memory_space<vmem>>) semaphore(%arg18 : memref<!tpu.dma_semaphore, #tpu.memory_space<semaphore_mem>>)
    }
    %scan3A_104 = arith.constant 24 : i32
    %dma_wait3A = arith.constant 192 : i32
    %dma_wait3A_105 = arith.constant 0 : i32
    %dma_wait3A_106 = arith.constant 0 : i32
    %dma_wait3A_107 = arith.constant 0 : i32
    %dma_wait3A_108 = tpu.memref_slice %arg9[%dma_wait3A_105, %dma_wait3A_106, %dma_wait3A_107] : memref<8x128x8xf32, #tpu.memory_space<vmem>> -> memref<1x128x8xf32, #tpu.memory_space<vmem>>
    %dma_wait3A_109 = tpu.memref_squeeze %dma_wait3A_108 : memref<1x128x8xf32, #tpu.memory_space<vmem>> -> memref<128x8xf32, #tpu.memory_space<vmem>>
    %dma_wait3A_110 = arith.constant 0 : i32
    %dma_wait3A_111 = tpu.memref_slice %arg7[%dma_wait3A, %dma_wait3A_110] : memref<200x128xi32, #tpu.memory_space<vmem>> -> memref<1x128xi32, #tpu.memory_space<vmem>>
    %dma_wait3A_112 = tpu.memref_squeeze %dma_wait3A_111 : memref<1x128xi32, #tpu.memory_space<vmem>> -> memref<128xi32, #tpu.memory_space<vmem>>
    %dma_wait3A_113 = arith.constant 0 : i32
    %dma_wait3A_114 = arith.constant 0 : i32
    %dma_wait3A_115 = tpu.memref_slice %arg2[%dma_wait3A_113, %dma_wait3A_114] : memref<50000x8xf32, #tpu.memory_space<hbm>> -> memref<50000x8xf32, #tpu.memory_space<hbm>>
    tpu.wait_indirect_dma semaphore(%arg11 : memref<!tpu.dma_semaphore, #tpu.memory_space<semaphore_mem>>) src(%dma_wait3A_115 : memref<50000x8xf32, #tpu.memory_space<hbm>>) dst(%dma_wait3A_109 : memref<128x8xf32, #tpu.memory_space<vmem>>)
    %run_scoped3A = arith.constant 0 : i32
    %run_scoped3A_116 = arith.constant 192 : i32
    "tpu.region"() ({
      %run_scoped3A_220 = tpu.sem_alloc : memref<!tpu.dma_semaphore, #tpu.memory_space<semaphore_mem>>
      %dma_start3A_221 = arith.constant 0 : i32
      %dma_start3A_222 = arith.constant 0 : i32
      %dma_start3A_223 = tpu.memref_slice %arg9[%run_scoped3A, %dma_start3A_221, %dma_start3A_222] : memref<8x128x8xf32, #tpu.memory_space<vmem>> -> memref<1x128x8xf32, #tpu.memory_space<vmem>>
      %dma_start3A_224 = tpu.memref_squeeze %dma_start3A_223 : memref<1x128x8xf32, #tpu.memory_space<vmem>> -> memref<128x8xf32, #tpu.memory_space<vmem>>
      %dma_start3A_225 = arith.constant 0 : i32
      %dma_start3A_226 = tpu.memref_slice %arg8[%run_scoped3A_116, %dma_start3A_225] : memref<200x128xi32, #tpu.memory_space<vmem>> -> memref<1x128xi32, #tpu.memory_space<vmem>>
      %dma_start3A_227 = tpu.memref_squeeze %dma_start3A_226 : memref<1x128xi32, #tpu.memory_space<vmem>> -> memref<128xi32, #tpu.memory_space<vmem>>
      %dma_start3A_228 = arith.constant 0 : i32
      %dma_start3A_229 = arith.constant 0 : i32
      %dma_start3A_230 = tpu.memref_slice %arg10[%dma_start3A_228, %dma_start3A_229] : memref<50176x8xf32, #tpu.memory_space<vmem_shared>> -> memref<50176x8xf32, #tpu.memory_space<vmem_shared>>
      tpu.enqueue_indirect_dma source(%dma_start3A_224 : memref<128x8xf32, #tpu.memory_space<vmem>>) target(%dma_start3A_230 : memref<50176x8xf32, #tpu.memory_space<vmem_shared>>) offsets(%dma_start3A_227 : memref<128xi32, #tpu.memory_space<vmem>>) semaphore(%run_scoped3A_220 : memref<!tpu.dma_semaphore, #tpu.memory_space<semaphore_mem>>) {add = true}
      %dma_wait3A_231 = arith.constant 0 : i32
      %dma_wait3A_232 = arith.constant 0 : i32
      %dma_wait3A_233 = tpu.memref_slice %arg9[%run_scoped3A, %dma_wait3A_231, %dma_wait3A_232] : memref<8x128x8xf32, #tpu.memory_space<vmem>> -> memref<1x128x8xf32, #tpu.memory_space<vmem>>
      %dma_wait3A_234 = tpu.memref_squeeze %dma_wait3A_233 : memref<1x128x8xf32, #tpu.memory_space<vmem>> -> memref<128x8xf32, #tpu.memory_space<vmem>>
      %dma_wait3A_235 = arith.constant 0 : i32
      %dma_wait3A_236 = tpu.memref_slice %arg8[%run_scoped3A_116, %dma_wait3A_235] : memref<200x128xi32, #tpu.memory_space<vmem>> -> memref<1x128xi32, #tpu.memory_space<vmem>>
      %dma_wait3A_237 = tpu.memref_squeeze %dma_wait3A_236 : memref<1x128xi32, #tpu.memory_space<vmem>> -> memref<128xi32, #tpu.memory_space<vmem>>
      %dma_wait3A_238 = arith.constant 0 : i32
      %dma_wait3A_239 = arith.constant 0 : i32
      %dma_wait3A_240 = tpu.memref_slice %arg10[%dma_wait3A_238, %dma_wait3A_239] : memref<50176x8xf32, #tpu.memory_space<vmem_shared>> -> memref<50176x8xf32, #tpu.memory_space<vmem_shared>>
      tpu.wait_indirect_dma semaphore(%run_scoped3A_220 : memref<!tpu.dma_semaphore, #tpu.memory_space<semaphore_mem>>) src(%dma_wait3A_234 : memref<128x8xf32, #tpu.memory_space<vmem>>) dst(%dma_wait3A_240 : memref<50176x8xf32, #tpu.memory_space<vmem_shared>>)
      tpu.yield
    }) : () -> ()
    %dma_wait3A_117 = arith.constant 193 : i32
    %dma_wait3A_118 = arith.constant 1 : i32
    %dma_wait3A_119 = arith.constant 0 : i32
    %dma_wait3A_120 = arith.constant 0 : i32
    %dma_wait3A_121 = tpu.memref_slice %arg9[%dma_wait3A_118, %dma_wait3A_119, %dma_wait3A_120] : memref<8x128x8xf32, #tpu.memory_space<vmem>> -> memref<1x128x8xf32, #tpu.memory_space<vmem>>
    %dma_wait3A_122 = tpu.memref_squeeze %dma_wait3A_121 : memref<1x128x8xf32, #tpu.memory_space<vmem>> -> memref<128x8xf32, #tpu.memory_space<vmem>>
    %dma_wait3A_123 = arith.constant 0 : i32
    %dma_wait3A_124 = tpu.memref_slice %arg7[%dma_wait3A_117, %dma_wait3A_123] : memref<200x128xi32, #tpu.memory_space<vmem>> -> memref<1x128xi32, #tpu.memory_space<vmem>>
    %dma_wait3A_125 = tpu.memref_squeeze %dma_wait3A_124 : memref<1x128xi32, #tpu.memory_space<vmem>> -> memref<128xi32, #tpu.memory_space<vmem>>
    %dma_wait3A_126 = arith.constant 0 : i32
    %dma_wait3A_127 = arith.constant 0 : i32
    %dma_wait3A_128 = tpu.memref_slice %arg2[%dma_wait3A_126, %dma_wait3A_127] : memref<50000x8xf32, #tpu.memory_space<hbm>> -> memref<50000x8xf32, #tpu.memory_space<hbm>>
    tpu.wait_indirect_dma semaphore(%arg12 : memref<!tpu.dma_semaphore, #tpu.memory_space<semaphore_mem>>) src(%dma_wait3A_128 : memref<50000x8xf32, #tpu.memory_space<hbm>>) dst(%dma_wait3A_122 : memref<128x8xf32, #tpu.memory_space<vmem>>)
    %run_scoped3A_129 = arith.constant 1 : i32
    %run_scoped3A_130 = arith.constant 193 : i32
    "tpu.region"() ({
      %run_scoped3A_220 = tpu.sem_alloc : memref<!tpu.dma_semaphore, #tpu.memory_space<semaphore_mem>>
      %dma_start3A_221 = arith.constant 0 : i32
      %dma_start3A_222 = arith.constant 0 : i32
      %dma_start3A_223 = tpu.memref_slice %arg9[%run_scoped3A_129, %dma_start3A_221, %dma_start3A_222] : memref<8x128x8xf32, #tpu.memory_space<vmem>> -> memref<1x128x8xf32, #tpu.memory_space<vmem>>
      %dma_start3A_224 = tpu.memref_squeeze %dma_start3A_223 : memref<1x128x8xf32, #tpu.memory_space<vmem>> -> memref<128x8xf32, #tpu.memory_space<vmem>>
      %dma_start3A_225 = arith.constant 0 : i32
      %dma_start3A_226 = tpu.memref_slice %arg8[%run_scoped3A_130, %dma_start3A_225] : memref<200x128xi32, #tpu.memory_space<vmem>> -> memref<1x128xi32, #tpu.memory_space<vmem>>
      %dma_start3A_227 = tpu.memref_squeeze %dma_start3A_226 : memref<1x128xi32, #tpu.memory_space<vmem>> -> memref<128xi32, #tpu.memory_space<vmem>>
      %dma_start3A_228 = arith.constant 0 : i32
      %dma_start3A_229 = arith.constant 0 : i32
      %dma_start3A_230 = tpu.memref_slice %arg10[%dma_start3A_228, %dma_start3A_229] : memref<50176x8xf32, #tpu.memory_space<vmem_shared>> -> memref<50176x8xf32, #tpu.memory_space<vmem_shared>>
      tpu.enqueue_indirect_dma source(%dma_start3A_224 : memref<128x8xf32, #tpu.memory_space<vmem>>) target(%dma_start3A_230 : memref<50176x8xf32, #tpu.memory_space<vmem_shared>>) offsets(%dma_start3A_227 : memref<128xi32, #tpu.memory_space<vmem>>) semaphore(%run_scoped3A_220 : memref<!tpu.dma_semaphore, #tpu.memory_space<semaphore_mem>>) {add = true}
      %dma_wait3A_231 = arith.constant 0 : i32
      %dma_wait3A_232 = arith.constant 0 : i32
      %dma_wait3A_233 = tpu.memref_slice %arg9[%run_scoped3A_129, %dma_wait3A_231, %dma_wait3A_232] : memref<8x128x8xf32, #tpu.memory_space<vmem>> -> memref<1x128x8xf32, #tpu.memory_space<vmem>>
      %dma_wait3A_234 = tpu.memref_squeeze %dma_wait3A_233 : memref<1x128x8xf32, #tpu.memory_space<vmem>> -> memref<128x8xf32, #tpu.memory_space<vmem>>
      %dma_wait3A_235 = arith.constant 0 : i32
      %dma_wait3A_236 = tpu.memref_slice %arg8[%run_scoped3A_130, %dma_wait3A_235] : memref<200x128xi32, #tpu.memory_space<vmem>> -> memref<1x128xi32, #tpu.memory_space<vmem>>
      %dma_wait3A_237 = tpu.memref_squeeze %dma_wait3A_236 : memref<1x128xi32, #tpu.memory_space<vmem>> -> memref<128xi32, #tpu.memory_space<vmem>>
      %dma_wait3A_238 = arith.constant 0 : i32
      %dma_wait3A_239 = arith.constant 0 : i32
      %dma_wait3A_240 = tpu.memref_slice %arg10[%dma_wait3A_238, %dma_wait3A_239] : memref<50176x8xf32, #tpu.memory_space<vmem_shared>> -> memref<50176x8xf32, #tpu.memory_space<vmem_shared>>
      tpu.wait_indirect_dma semaphore(%run_scoped3A_220 : memref<!tpu.dma_semaphore, #tpu.memory_space<semaphore_mem>>) src(%dma_wait3A_234 : memref<128x8xf32, #tpu.memory_space<vmem>>) dst(%dma_wait3A_240 : memref<50176x8xf32, #tpu.memory_space<vmem_shared>>)
      tpu.yield
    }) : () -> ()
    %dma_wait3A_131 = arith.constant 194 : i32
    %dma_wait3A_132 = arith.constant 2 : i32
    %dma_wait3A_133 = arith.constant 0 : i32
    %dma_wait3A_134 = arith.constant 0 : i32
    %dma_wait3A_135 = tpu.memref_slice %arg9[%dma_wait3A_132, %dma_wait3A_133, %dma_wait3A_134] : memref<8x128x8xf32, #tpu.memory_space<vmem>> -> memref<1x128x8xf32, #tpu.memory_space<vmem>>
    %dma_wait3A_136 = tpu.memref_squeeze %dma_wait3A_135 : memref<1x128x8xf32, #tpu.memory_space<vmem>> -> memref<128x8xf32, #tpu.memory_space<vmem>>
    %dma_wait3A_137 = arith.constant 0 : i32
    %dma_wait3A_138 = tpu.memref_slice %arg7[%dma_wait3A_131, %dma_wait3A_137] : memref<200x128xi32, #tpu.memory_space<vmem>> -> memref<1x128xi32, #tpu.memory_space<vmem>>
    %dma_wait3A_139 = tpu.memref_squeeze %dma_wait3A_138 : memref<1x128xi32, #tpu.memory_space<vmem>> -> memref<128xi32, #tpu.memory_space<vmem>>
    %dma_wait3A_140 = arith.constant 0 : i32
    %dma_wait3A_141 = arith.constant 0 : i32
    %dma_wait3A_142 = tpu.memref_slice %arg2[%dma_wait3A_140, %dma_wait3A_141] : memref<50000x8xf32, #tpu.memory_space<hbm>> -> memref<50000x8xf32, #tpu.memory_space<hbm>>
    tpu.wait_indirect_dma semaphore(%arg13 : memref<!tpu.dma_semaphore, #tpu.memory_space<semaphore_mem>>) src(%dma_wait3A_142 : memref<50000x8xf32, #tpu.memory_space<hbm>>) dst(%dma_wait3A_136 : memref<128x8xf32, #tpu.memory_space<vmem>>)
    %run_scoped3A_143 = arith.constant 2 : i32
    %run_scoped3A_144 = arith.constant 194 : i32
    "tpu.region"() ({
      %run_scoped3A_220 = tpu.sem_alloc : memref<!tpu.dma_semaphore, #tpu.memory_space<semaphore_mem>>
      %dma_start3A_221 = arith.constant 0 : i32
      %dma_start3A_222 = arith.constant 0 : i32
      %dma_start3A_223 = tpu.memref_slice %arg9[%run_scoped3A_143, %dma_start3A_221, %dma_start3A_222] : memref<8x128x8xf32, #tpu.memory_space<vmem>> -> memref<1x128x8xf32, #tpu.memory_space<vmem>>
      %dma_start3A_224 = tpu.memref_squeeze %dma_start3A_223 : memref<1x128x8xf32, #tpu.memory_space<vmem>> -> memref<128x8xf32, #tpu.memory_space<vmem>>
      %dma_start3A_225 = arith.constant 0 : i32
      %dma_start3A_226 = tpu.memref_slice %arg8[%run_scoped3A_144, %dma_start3A_225] : memref<200x128xi32, #tpu.memory_space<vmem>> -> memref<1x128xi32, #tpu.memory_space<vmem>>
      %dma_start3A_227 = tpu.memref_squeeze %dma_start3A_226 : memref<1x128xi32, #tpu.memory_space<vmem>> -> memref<128xi32, #tpu.memory_space<vmem>>
      %dma_start3A_228 = arith.constant 0 : i32
      %dma_start3A_229 = arith.constant 0 : i32
      %dma_start3A_230 = tpu.memref_slice %arg10[%dma_start3A_228, %dma_start3A_229] : memref<50176x8xf32, #tpu.memory_space<vmem_shared>> -> memref<50176x8xf32, #tpu.memory_space<vmem_shared>>
      tpu.enqueue_indirect_dma source(%dma_start3A_224 : memref<128x8xf32, #tpu.memory_space<vmem>>) target(%dma_start3A_230 : memref<50176x8xf32, #tpu.memory_space<vmem_shared>>) offsets(%dma_start3A_227 : memref<128xi32, #tpu.memory_space<vmem>>) semaphore(%run_scoped3A_220 : memref<!tpu.dma_semaphore, #tpu.memory_space<semaphore_mem>>) {add = true}
      %dma_wait3A_231 = arith.constant 0 : i32
      %dma_wait3A_232 = arith.constant 0 : i32
      %dma_wait3A_233 = tpu.memref_slice %arg9[%run_scoped3A_143, %dma_wait3A_231, %dma_wait3A_232] : memref<8x128x8xf32, #tpu.memory_space<vmem>> -> memref<1x128x8xf32, #tpu.memory_space<vmem>>
      %dma_wait3A_234 = tpu.memref_squeeze %dma_wait3A_233 : memref<1x128x8xf32, #tpu.memory_space<vmem>> -> memref<128x8xf32, #tpu.memory_space<vmem>>
      %dma_wait3A_235 = arith.constant 0 : i32
      %dma_wait3A_236 = tpu.memref_slice %arg8[%run_scoped3A_144, %dma_wait3A_235] : memref<200x128xi32, #tpu.memory_space<vmem>> -> memref<1x128xi32, #tpu.memory_space<vmem>>
      %dma_wait3A_237 = tpu.memref_squeeze %dma_wait3A_236 : memref<1x128xi32, #tpu.memory_space<vmem>> -> memref<128xi32, #tpu.memory_space<vmem>>
      %dma_wait3A_238 = arith.constant 0 : i32
      %dma_wait3A_239 = arith.constant 0 : i32
      %dma_wait3A_240 = tpu.memref_slice %arg10[%dma_wait3A_238, %dma_wait3A_239] : memref<50176x8xf32, #tpu.memory_space<vmem_shared>> -> memref<50176x8xf32, #tpu.memory_space<vmem_shared>>
      tpu.wait_indirect_dma semaphore(%run_scoped3A_220 : memref<!tpu.dma_semaphore, #tpu.memory_space<semaphore_mem>>) src(%dma_wait3A_234 : memref<128x8xf32, #tpu.memory_space<vmem>>) dst(%dma_wait3A_240 : memref<50176x8xf32, #tpu.memory_space<vmem_shared>>)
      tpu.yield
    }) : () -> ()
    %dma_wait3A_145 = arith.constant 195 : i32
    %dma_wait3A_146 = arith.constant 3 : i32
    %dma_wait3A_147 = arith.constant 0 : i32
    %dma_wait3A_148 = arith.constant 0 : i32
    %dma_wait3A_149 = tpu.memref_slice %arg9[%dma_wait3A_146, %dma_wait3A_147, %dma_wait3A_148] : memref<8x128x8xf32, #tpu.memory_space<vmem>> -> memref<1x128x8xf32, #tpu.memory_space<vmem>>
    %dma_wait3A_150 = tpu.memref_squeeze %dma_wait3A_149 : memref<1x128x8xf32, #tpu.memory_space<vmem>> -> memref<128x8xf32, #tpu.memory_space<vmem>>
    %dma_wait3A_151 = arith.constant 0 : i32
    %dma_wait3A_152 = tpu.memref_slice %arg7[%dma_wait3A_145, %dma_wait3A_151] : memref<200x128xi32, #tpu.memory_space<vmem>> -> memref<1x128xi32, #tpu.memory_space<vmem>>
    %dma_wait3A_153 = tpu.memref_squeeze %dma_wait3A_152 : memref<1x128xi32, #tpu.memory_space<vmem>> -> memref<128xi32, #tpu.memory_space<vmem>>
    %dma_wait3A_154 = arith.constant 0 : i32
    %dma_wait3A_155 = arith.constant 0 : i32
    %dma_wait3A_156 = tpu.memref_slice %arg2[%dma_wait3A_154, %dma_wait3A_155] : memref<50000x8xf32, #tpu.memory_space<hbm>> -> memref<50000x8xf32, #tpu.memory_space<hbm>>
    tpu.wait_indirect_dma semaphore(%arg14 : memref<!tpu.dma_semaphore, #tpu.memory_space<semaphore_mem>>) src(%dma_wait3A_156 : memref<50000x8xf32, #tpu.memory_space<hbm>>) dst(%dma_wait3A_150 : memref<128x8xf32, #tpu.memory_space<vmem>>)
    %run_scoped3A_157 = arith.constant 3 : i32
    %run_scoped3A_158 = arith.constant 195 : i32
    "tpu.region"() ({
      %run_scoped3A_220 = tpu.sem_alloc : memref<!tpu.dma_semaphore, #tpu.memory_space<semaphore_mem>>
      %dma_start3A_221 = arith.constant 0 : i32
      %dma_start3A_222 = arith.constant 0 : i32
      %dma_start3A_223 = tpu.memref_slice %arg9[%run_scoped3A_157, %dma_start3A_221, %dma_start3A_222] : memref<8x128x8xf32, #tpu.memory_space<vmem>> -> memref<1x128x8xf32, #tpu.memory_space<vmem>>
      %dma_start3A_224 = tpu.memref_squeeze %dma_start3A_223 : memref<1x128x8xf32, #tpu.memory_space<vmem>> -> memref<128x8xf32, #tpu.memory_space<vmem>>
      %dma_start3A_225 = arith.constant 0 : i32
      %dma_start3A_226 = tpu.memref_slice %arg8[%run_scoped3A_158, %dma_start3A_225] : memref<200x128xi32, #tpu.memory_space<vmem>> -> memref<1x128xi32, #tpu.memory_space<vmem>>
      %dma_start3A_227 = tpu.memref_squeeze %dma_start3A_226 : memref<1x128xi32, #tpu.memory_space<vmem>> -> memref<128xi32, #tpu.memory_space<vmem>>
      %dma_start3A_228 = arith.constant 0 : i32
      %dma_start3A_229 = arith.constant 0 : i32
      %dma_start3A_230 = tpu.memref_slice %arg10[%dma_start3A_228, %dma_start3A_229] : memref<50176x8xf32, #tpu.memory_space<vmem_shared>> -> memref<50176x8xf32, #tpu.memory_space<vmem_shared>>
      tpu.enqueue_indirect_dma source(%dma_start3A_224 : memref<128x8xf32, #tpu.memory_space<vmem>>) target(%dma_start3A_230 : memref<50176x8xf32, #tpu.memory_space<vmem_shared>>) offsets(%dma_start3A_227 : memref<128xi32, #tpu.memory_space<vmem>>) semaphore(%run_scoped3A_220 : memref<!tpu.dma_semaphore, #tpu.memory_space<semaphore_mem>>) {add = true}
      %dma_wait3A_231 = arith.constant 0 : i32
      %dma_wait3A_232 = arith.constant 0 : i32
      %dma_wait3A_233 = tpu.memref_slice %arg9[%run_scoped3A_157, %dma_wait3A_231, %dma_wait3A_232] : memref<8x128x8xf32, #tpu.memory_space<vmem>> -> memref<1x128x8xf32, #tpu.memory_space<vmem>>
      %dma_wait3A_234 = tpu.memref_squeeze %dma_wait3A_233 : memref<1x128x8xf32, #tpu.memory_space<vmem>> -> memref<128x8xf32, #tpu.memory_space<vmem>>
      %dma_wait3A_235 = arith.constant 0 : i32
      %dma_wait3A_236 = tpu.memref_slice %arg8[%run_scoped3A_158, %dma_wait3A_235] : memref<200x128xi32, #tpu.memory_space<vmem>> -> memref<1x128xi32, #tpu.memory_space<vmem>>
      %dma_wait3A_237 = tpu.memref_squeeze %dma_wait3A_236 : memref<1x128xi32, #tpu.memory_space<vmem>> -> memref<128xi32, #tpu.memory_space<vmem>>
      %dma_wait3A_238 = arith.constant 0 : i32
      %dma_wait3A_239 = arith.constant 0 : i32
      %dma_wait3A_240 = tpu.memref_slice %arg10[%dma_wait3A_238, %dma_wait3A_239] : memref<50176x8xf32, #tpu.memory_space<vmem_shared>> -> memref<50176x8xf32, #tpu.memory_space<vmem_shared>>
      tpu.wait_indirect_dma semaphore(%run_scoped3A_220 : memref<!tpu.dma_semaphore, #tpu.memory_space<semaphore_mem>>) src(%dma_wait3A_234 : memref<128x8xf32, #tpu.memory_space<vmem>>) dst(%dma_wait3A_240 : memref<50176x8xf32, #tpu.memory_space<vmem_shared>>)
      tpu.yield
    }) : () -> ()
    %dma_wait3A_159 = arith.constant 196 : i32
    %dma_wait3A_160 = arith.constant 4 : i32
    %dma_wait3A_161 = arith.constant 0 : i32
    %dma_wait3A_162 = arith.constant 0 : i32
    %dma_wait3A_163 = tpu.memref_slice %arg9[%dma_wait3A_160, %dma_wait3A_161, %dma_wait3A_162] : memref<8x128x8xf32, #tpu.memory_space<vmem>> -> memref<1x128x8xf32, #tpu.memory_space<vmem>>
    %dma_wait3A_164 = tpu.memref_squeeze %dma_wait3A_163 : memref<1x128x8xf32, #tpu.memory_space<vmem>> -> memref<128x8xf32, #tpu.memory_space<vmem>>
    %dma_wait3A_165 = arith.constant 0 : i32
    %dma_wait3A_166 = tpu.memref_slice %arg7[%dma_wait3A_159, %dma_wait3A_165] : memref<200x128xi32, #tpu.memory_space<vmem>> -> memref<1x128xi32, #tpu.memory_space<vmem>>
    %dma_wait3A_167 = tpu.memref_squeeze %dma_wait3A_166 : memref<1x128xi32, #tpu.memory_space<vmem>> -> memref<128xi32, #tpu.memory_space<vmem>>
    %dma_wait3A_168 = arith.constant 0 : i32
    %dma_wait3A_169 = arith.constant 0 : i32
    %dma_wait3A_170 = tpu.memref_slice %arg2[%dma_wait3A_168, %dma_wait3A_169] : memref<50000x8xf32, #tpu.memory_space<hbm>> -> memref<50000x8xf32, #tpu.memory_space<hbm>>
    tpu.wait_indirect_dma semaphore(%arg15 : memref<!tpu.dma_semaphore, #tpu.memory_space<semaphore_mem>>) src(%dma_wait3A_170 : memref<50000x8xf32, #tpu.memory_space<hbm>>) dst(%dma_wait3A_164 : memref<128x8xf32, #tpu.memory_space<vmem>>)
    %run_scoped3A_171 = arith.constant 4 : i32
    %run_scoped3A_172 = arith.constant 196 : i32
    "tpu.region"() ({
      %run_scoped3A_220 = tpu.sem_alloc : memref<!tpu.dma_semaphore, #tpu.memory_space<semaphore_mem>>
      %dma_start3A_221 = arith.constant 0 : i32
      %dma_start3A_222 = arith.constant 0 : i32
      %dma_start3A_223 = tpu.memref_slice %arg9[%run_scoped3A_171, %dma_start3A_221, %dma_start3A_222] : memref<8x128x8xf32, #tpu.memory_space<vmem>> -> memref<1x128x8xf32, #tpu.memory_space<vmem>>
      %dma_start3A_224 = tpu.memref_squeeze %dma_start3A_223 : memref<1x128x8xf32, #tpu.memory_space<vmem>> -> memref<128x8xf32, #tpu.memory_space<vmem>>
      %dma_start3A_225 = arith.constant 0 : i32
      %dma_start3A_226 = tpu.memref_slice %arg8[%run_scoped3A_172, %dma_start3A_225] : memref<200x128xi32, #tpu.memory_space<vmem>> -> memref<1x128xi32, #tpu.memory_space<vmem>>
      %dma_start3A_227 = tpu.memref_squeeze %dma_start3A_226 : memref<1x128xi32, #tpu.memory_space<vmem>> -> memref<128xi32, #tpu.memory_space<vmem>>
      %dma_start3A_228 = arith.constant 0 : i32
      %dma_start3A_229 = arith.constant 0 : i32
      %dma_start3A_230 = tpu.memref_slice %arg10[%dma_start3A_228, %dma_start3A_229] : memref<50176x8xf32, #tpu.memory_space<vmem_shared>> -> memref<50176x8xf32, #tpu.memory_space<vmem_shared>>
      tpu.enqueue_indirect_dma source(%dma_start3A_224 : memref<128x8xf32, #tpu.memory_space<vmem>>) target(%dma_start3A_230 : memref<50176x8xf32, #tpu.memory_space<vmem_shared>>) offsets(%dma_start3A_227 : memref<128xi32, #tpu.memory_space<vmem>>) semaphore(%run_scoped3A_220 : memref<!tpu.dma_semaphore, #tpu.memory_space<semaphore_mem>>) {add = true}
      %dma_wait3A_231 = arith.constant 0 : i32
      %dma_wait3A_232 = arith.constant 0 : i32
      %dma_wait3A_233 = tpu.memref_slice %arg9[%run_scoped3A_171, %dma_wait3A_231, %dma_wait3A_232] : memref<8x128x8xf32, #tpu.memory_space<vmem>> -> memref<1x128x8xf32, #tpu.memory_space<vmem>>
      %dma_wait3A_234 = tpu.memref_squeeze %dma_wait3A_233 : memref<1x128x8xf32, #tpu.memory_space<vmem>> -> memref<128x8xf32, #tpu.memory_space<vmem>>
      %dma_wait3A_235 = arith.constant 0 : i32
      %dma_wait3A_236 = tpu.memref_slice %arg8[%run_scoped3A_172, %dma_wait3A_235] : memref<200x128xi32, #tpu.memory_space<vmem>> -> memref<1x128xi32, #tpu.memory_space<vmem>>
      %dma_wait3A_237 = tpu.memref_squeeze %dma_wait3A_236 : memref<1x128xi32, #tpu.memory_space<vmem>> -> memref<128xi32, #tpu.memory_space<vmem>>
      %dma_wait3A_238 = arith.constant 0 : i32
      %dma_wait3A_239 = arith.constant 0 : i32
      %dma_wait3A_240 = tpu.memref_slice %arg10[%dma_wait3A_238, %dma_wait3A_239] : memref<50176x8xf32, #tpu.memory_space<vmem_shared>> -> memref<50176x8xf32, #tpu.memory_space<vmem_shared>>
      tpu.wait_indirect_dma semaphore(%run_scoped3A_220 : memref<!tpu.dma_semaphore, #tpu.memory_space<semaphore_mem>>) src(%dma_wait3A_234 : memref<128x8xf32, #tpu.memory_space<vmem>>) dst(%dma_wait3A_240 : memref<50176x8xf32, #tpu.memory_space<vmem_shared>>)
      tpu.yield
    }) : () -> ()
    %dma_wait3A_173 = arith.constant 197 : i32
    %dma_wait3A_174 = arith.constant 5 : i32
    %dma_wait3A_175 = arith.constant 0 : i32
    %dma_wait3A_176 = arith.constant 0 : i32
    %dma_wait3A_177 = tpu.memref_slice %arg9[%dma_wait3A_174, %dma_wait3A_175, %dma_wait3A_176] : memref<8x128x8xf32, #tpu.memory_space<vmem>> -> memref<1x128x8xf32, #tpu.memory_space<vmem>>
    %dma_wait3A_178 = tpu.memref_squeeze %dma_wait3A_177 : memref<1x128x8xf32, #tpu.memory_space<vmem>> -> memref<128x8xf32, #tpu.memory_space<vmem>>
    %dma_wait3A_179 = arith.constant 0 : i32
    %dma_wait3A_180 = tpu.memref_slice %arg7[%dma_wait3A_173, %dma_wait3A_179] : memref<200x128xi32, #tpu.memory_space<vmem>> -> memref<1x128xi32, #tpu.memory_space<vmem>>
    %dma_wait3A_181 = tpu.memref_squeeze %dma_wait3A_180 : memref<1x128xi32, #tpu.memory_space<vmem>> -> memref<128xi32, #tpu.memory_space<vmem>>
    %dma_wait3A_182 = arith.constant 0 : i32
    %dma_wait3A_183 = arith.constant 0 : i32
    %dma_wait3A_184 = tpu.memref_slice %arg2[%dma_wait3A_182, %dma_wait3A_183] : memref<50000x8xf32, #tpu.memory_space<hbm>> -> memref<50000x8xf32, #tpu.memory_space<hbm>>
    tpu.wait_indirect_dma semaphore(%arg16 : memref<!tpu.dma_semaphore, #tpu.memory_space<semaphore_mem>>) src(%dma_wait3A_184 : memref<50000x8xf32, #tpu.memory_space<hbm>>) dst(%dma_wait3A_178 : memref<128x8xf32, #tpu.memory_space<vmem>>)
    %run_scoped3A_185 = arith.constant 5 : i32
    %run_scoped3A_186 = arith.constant 197 : i32
    "tpu.region"() ({
      %run_scoped3A_220 = tpu.sem_alloc : memref<!tpu.dma_semaphore, #tpu.memory_space<semaphore_mem>>
      %dma_start3A_221 = arith.constant 0 : i32
      %dma_start3A_222 = arith.constant 0 : i32
      %dma_start3A_223 = tpu.memref_slice %arg9[%run_scoped3A_185, %dma_start3A_221, %dma_start3A_222] : memref<8x128x8xf32, #tpu.memory_space<vmem>> -> memref<1x128x8xf32, #tpu.memory_space<vmem>>
      %dma_start3A_224 = tpu.memref_squeeze %dma_start3A_223 : memref<1x128x8xf32, #tpu.memory_space<vmem>> -> memref<128x8xf32, #tpu.memory_space<vmem>>
      %dma_start3A_225 = arith.constant 0 : i32
      %dma_start3A_226 = tpu.memref_slice %arg8[%run_scoped3A_186, %dma_start3A_225] : memref<200x128xi32, #tpu.memory_space<vmem>> -> memref<1x128xi32, #tpu.memory_space<vmem>>
      %dma_start3A_227 = tpu.memref_squeeze %dma_start3A_226 : memref<1x128xi32, #tpu.memory_space<vmem>> -> memref<128xi32, #tpu.memory_space<vmem>>
      %dma_start3A_228 = arith.constant 0 : i32
      %dma_start3A_229 = arith.constant 0 : i32
      %dma_start3A_230 = tpu.memref_slice %arg10[%dma_start3A_228, %dma_start3A_229] : memref<50176x8xf32, #tpu.memory_space<vmem_shared>> -> memref<50176x8xf32, #tpu.memory_space<vmem_shared>>
      tpu.enqueue_indirect_dma source(%dma_start3A_224 : memref<128x8xf32, #tpu.memory_space<vmem>>) target(%dma_start3A_230 : memref<50176x8xf32, #tpu.memory_space<vmem_shared>>) offsets(%dma_start3A_227 : memref<128xi32, #tpu.memory_space<vmem>>) semaphore(%run_scoped3A_220 : memref<!tpu.dma_semaphore, #tpu.memory_space<semaphore_mem>>) {add = true}
      %dma_wait3A_231 = arith.constant 0 : i32
      %dma_wait3A_232 = arith.constant 0 : i32
      %dma_wait3A_233 = tpu.memref_slice %arg9[%run_scoped3A_185, %dma_wait3A_231, %dma_wait3A_232] : memref<8x128x8xf32, #tpu.memory_space<vmem>> -> memref<1x128x8xf32, #tpu.memory_space<vmem>>
      %dma_wait3A_234 = tpu.memref_squeeze %dma_wait3A_233 : memref<1x128x8xf32, #tpu.memory_space<vmem>> -> memref<128x8xf32, #tpu.memory_space<vmem>>
      %dma_wait3A_235 = arith.constant 0 : i32
      %dma_wait3A_236 = tpu.memref_slice %arg8[%run_scoped3A_186, %dma_wait3A_235] : memref<200x128xi32, #tpu.memory_space<vmem>> -> memref<1x128xi32, #tpu.memory_space<vmem>>
      %dma_wait3A_237 = tpu.memref_squeeze %dma_wait3A_236 : memref<1x128xi32, #tpu.memory_space<vmem>> -> memref<128xi32, #tpu.memory_space<vmem>>
      %dma_wait3A_238 = arith.constant 0 : i32
      %dma_wait3A_239 = arith.constant 0 : i32
      %dma_wait3A_240 = tpu.memref_slice %arg10[%dma_wait3A_238, %dma_wait3A_239] : memref<50176x8xf32, #tpu.memory_space<vmem_shared>> -> memref<50176x8xf32, #tpu.memory_space<vmem_shared>>
      tpu.wait_indirect_dma semaphore(%run_scoped3A_220 : memref<!tpu.dma_semaphore, #tpu.memory_space<semaphore_mem>>) src(%dma_wait3A_234 : memref<128x8xf32, #tpu.memory_space<vmem>>) dst(%dma_wait3A_240 : memref<50176x8xf32, #tpu.memory_space<vmem_shared>>)
      tpu.yield
    }) : () -> ()
    %dma_wait3A_187 = arith.constant 198 : i32
    %dma_wait3A_188 = arith.constant 6 : i32
    %dma_wait3A_189 = arith.constant 0 : i32
    %dma_wait3A_190 = arith.constant 0 : i32
    %dma_wait3A_191 = tpu.memref_slice %arg9[%dma_wait3A_188, %dma_wait3A_189, %dma_wait3A_190] : memref<8x128x8xf32, #tpu.memory_space<vmem>> -> memref<1x128x8xf32, #tpu.memory_space<vmem>>
    %dma_wait3A_192 = tpu.memref_squeeze %dma_wait3A_191 : memref<1x128x8xf32, #tpu.memory_space<vmem>> -> memref<128x8xf32, #tpu.memory_space<vmem>>
    %dma_wait3A_193 = arith.constant 0 : i32
    %dma_wait3A_194 = tpu.memref_slice %arg7[%dma_wait3A_187, %dma_wait3A_193] : memref<200x128xi32, #tpu.memory_space<vmem>> -> memref<1x128xi32, #tpu.memory_space<vmem>>
    %dma_wait3A_195 = tpu.memref_squeeze %dma_wait3A_194 : memref<1x128xi32, #tpu.memory_space<vmem>> -> memref<128xi32, #tpu.memory_space<vmem>>
    %dma_wait3A_196 = arith.constant 0 : i32
    %dma_wait3A_197 = arith.constant 0 : i32
    %dma_wait3A_198 = tpu.memref_slice %arg2[%dma_wait3A_196, %dma_wait3A_197] : memref<50000x8xf32, #tpu.memory_space<hbm>> -> memref<50000x8xf32, #tpu.memory_space<hbm>>
    tpu.wait_indirect_dma semaphore(%arg17 : memref<!tpu.dma_semaphore, #tpu.memory_space<semaphore_mem>>) src(%dma_wait3A_198 : memref<50000x8xf32, #tpu.memory_space<hbm>>) dst(%dma_wait3A_192 : memref<128x8xf32, #tpu.memory_space<vmem>>)
    %run_scoped3A_199 = arith.constant 6 : i32
    %run_scoped3A_200 = arith.constant 198 : i32
    "tpu.region"() ({
      %run_scoped3A_220 = tpu.sem_alloc : memref<!tpu.dma_semaphore, #tpu.memory_space<semaphore_mem>>
      %dma_start3A_221 = arith.constant 0 : i32
      %dma_start3A_222 = arith.constant 0 : i32
      %dma_start3A_223 = tpu.memref_slice %arg9[%run_scoped3A_199, %dma_start3A_221, %dma_start3A_222] : memref<8x128x8xf32, #tpu.memory_space<vmem>> -> memref<1x128x8xf32, #tpu.memory_space<vmem>>
      %dma_start3A_224 = tpu.memref_squeeze %dma_start3A_223 : memref<1x128x8xf32, #tpu.memory_space<vmem>> -> memref<128x8xf32, #tpu.memory_space<vmem>>
      %dma_start3A_225 = arith.constant 0 : i32
      %dma_start3A_226 = tpu.memref_slice %arg8[%run_scoped3A_200, %dma_start3A_225] : memref<200x128xi32, #tpu.memory_space<vmem>> -> memref<1x128xi32, #tpu.memory_space<vmem>>
      %dma_start3A_227 = tpu.memref_squeeze %dma_start3A_226 : memref<1x128xi32, #tpu.memory_space<vmem>> -> memref<128xi32, #tpu.memory_space<vmem>>
      %dma_start3A_228 = arith.constant 0 : i32
      %dma_start3A_229 = arith.constant 0 : i32
      %dma_start3A_230 = tpu.memref_slice %arg10[%dma_start3A_228, %dma_start3A_229] : memref<50176x8xf32, #tpu.memory_space<vmem_shared>> -> memref<50176x8xf32, #tpu.memory_space<vmem_shared>>
      tpu.enqueue_indirect_dma source(%dma_start3A_224 : memref<128x8xf32, #tpu.memory_space<vmem>>) target(%dma_start3A_230 : memref<50176x8xf32, #tpu.memory_space<vmem_shared>>) offsets(%dma_start3A_227 : memref<128xi32, #tpu.memory_space<vmem>>) semaphore(%run_scoped3A_220 : memref<!tpu.dma_semaphore, #tpu.memory_space<semaphore_mem>>) {add = true}
      %dma_wait3A_231 = arith.constant 0 : i32
      %dma_wait3A_232 = arith.constant 0 : i32
      %dma_wait3A_233 = tpu.memref_slice %arg9[%run_scoped3A_199, %dma_wait3A_231, %dma_wait3A_232] : memref<8x128x8xf32, #tpu.memory_space<vmem>> -> memref<1x128x8xf32, #tpu.memory_space<vmem>>
      %dma_wait3A_234 = tpu.memref_squeeze %dma_wait3A_233 : memref<1x128x8xf32, #tpu.memory_space<vmem>> -> memref<128x8xf32, #tpu.memory_space<vmem>>
      %dma_wait3A_235 = arith.constant 0 : i32
      %dma_wait3A_236 = tpu.memref_slice %arg8[%run_scoped3A_200, %dma_wait3A_235] : memref<200x128xi32, #tpu.memory_space<vmem>> -> memref<1x128xi32, #tpu.memory_space<vmem>>
      %dma_wait3A_237 = tpu.memref_squeeze %dma_wait3A_236 : memref<1x128xi32, #tpu.memory_space<vmem>> -> memref<128xi32, #tpu.memory_space<vmem>>
      %dma_wait3A_238 = arith.constant 0 : i32
      %dma_wait3A_239 = arith.constant 0 : i32
      %dma_wait3A_240 = tpu.memref_slice %arg10[%dma_wait3A_238, %dma_wait3A_239] : memref<50176x8xf32, #tpu.memory_space<vmem_shared>> -> memref<50176x8xf32, #tpu.memory_space<vmem_shared>>
      tpu.wait_indirect_dma semaphore(%run_scoped3A_220 : memref<!tpu.dma_semaphore, #tpu.memory_space<semaphore_mem>>) src(%dma_wait3A_234 : memref<128x8xf32, #tpu.memory_space<vmem>>) dst(%dma_wait3A_240 : memref<50176x8xf32, #tpu.memory_space<vmem_shared>>)
      tpu.yield
    }) : () -> ()
    %dma_wait3A_201 = arith.constant 199 : i32
    %dma_wait3A_202 = arith.constant 7 : i32
    %dma_wait3A_203 = arith.constant 0 : i32
    %dma_wait3A_204 = arith.constant 0 : i32
    %dma_wait3A_205 = tpu.memref_slice %arg9[%dma_wait3A_202, %dma_wait3A_203, %dma_wait3A_204] : memref<8x128x8xf32, #tpu.memory_space<vmem>> -> memref<1x128x8xf32, #tpu.memory_space<vmem>>
    %dma_wait3A_206 = tpu.memref_squeeze %dma_wait3A_205 : memref<1x128x8xf32, #tpu.memory_space<vmem>> -> memref<128x8xf32, #tpu.memory_space<vmem>>
    %dma_wait3A_207 = arith.constant 0 : i32
    %dma_wait3A_208 = tpu.memref_slice %arg7[%dma_wait3A_201, %dma_wait3A_207] : memref<200x128xi32, #tpu.memory_space<vmem>> -> memref<1x128xi32, #tpu.memory_space<vmem>>
    %dma_wait3A_209 = tpu.memref_squeeze %dma_wait3A_208 : memref<1x128xi32, #tpu.memory_space<vmem>> -> memref<128xi32, #tpu.memory_space<vmem>>
    %dma_wait3A_210 = arith.constant 0 : i32
    %dma_wait3A_211 = arith.constant 0 : i32
    %dma_wait3A_212 = tpu.memref_slice %arg2[%dma_wait3A_210, %dma_wait3A_211] : memref<50000x8xf32, #tpu.memory_space<hbm>> -> memref<50000x8xf32, #tpu.memory_space<hbm>>
    tpu.wait_indirect_dma semaphore(%arg18 : memref<!tpu.dma_semaphore, #tpu.memory_space<semaphore_mem>>) src(%dma_wait3A_212 : memref<50000x8xf32, #tpu.memory_space<hbm>>) dst(%dma_wait3A_206 : memref<128x8xf32, #tpu.memory_space<vmem>>)
    %run_scoped3A_213 = arith.constant 7 : i32
    %run_scoped3A_214 = arith.constant 199 : i32
    "tpu.region"() ({
      %run_scoped3A_220 = tpu.sem_alloc : memref<!tpu.dma_semaphore, #tpu.memory_space<semaphore_mem>>
      %dma_start3A_221 = arith.constant 0 : i32
      %dma_start3A_222 = arith.constant 0 : i32
      %dma_start3A_223 = tpu.memref_slice %arg9[%run_scoped3A_213, %dma_start3A_221, %dma_start3A_222] : memref<8x128x8xf32, #tpu.memory_space<vmem>> -> memref<1x128x8xf32, #tpu.memory_space<vmem>>
      %dma_start3A_224 = tpu.memref_squeeze %dma_start3A_223 : memref<1x128x8xf32, #tpu.memory_space<vmem>> -> memref<128x8xf32, #tpu.memory_space<vmem>>
      %dma_start3A_225 = arith.constant 0 : i32
      %dma_start3A_226 = tpu.memref_slice %arg8[%run_scoped3A_214, %dma_start3A_225] : memref<200x128xi32, #tpu.memory_space<vmem>> -> memref<1x128xi32, #tpu.memory_space<vmem>>
      %dma_start3A_227 = tpu.memref_squeeze %dma_start3A_226 : memref<1x128xi32, #tpu.memory_space<vmem>> -> memref<128xi32, #tpu.memory_space<vmem>>
      %dma_start3A_228 = arith.constant 0 : i32
      %dma_start3A_229 = arith.constant 0 : i32
      %dma_start3A_230 = tpu.memref_slice %arg10[%dma_start3A_228, %dma_start3A_229] : memref<50176x8xf32, #tpu.memory_space<vmem_shared>> -> memref<50176x8xf32, #tpu.memory_space<vmem_shared>>
      tpu.enqueue_indirect_dma source(%dma_start3A_224 : memref<128x8xf32, #tpu.memory_space<vmem>>) target(%dma_start3A_230 : memref<50176x8xf32, #tpu.memory_space<vmem_shared>>) offsets(%dma_start3A_227 : memref<128xi32, #tpu.memory_space<vmem>>) semaphore(%run_scoped3A_220 : memref<!tpu.dma_semaphore, #tpu.memory_space<semaphore_mem>>) {add = true}
      %dma_wait3A_231 = arith.constant 0 : i32
      %dma_wait3A_232 = arith.constant 0 : i32
      %dma_wait3A_233 = tpu.memref_slice %arg9[%run_scoped3A_213, %dma_wait3A_231, %dma_wait3A_232] : memref<8x128x8xf32, #tpu.memory_space<vmem>> -> memref<1x128x8xf32, #tpu.memory_space<vmem>>
      %dma_wait3A_234 = tpu.memref_squeeze %dma_wait3A_233 : memref<1x128x8xf32, #tpu.memory_space<vmem>> -> memref<128x8xf32, #tpu.memory_space<vmem>>
      %dma_wait3A_235 = arith.constant 0 : i32
      %dma_wait3A_236 = tpu.memref_slice %arg8[%run_scoped3A_214, %dma_wait3A_235] : memref<200x128xi32, #tpu.memory_space<vmem>> -> memref<1x128xi32, #tpu.memory_space<vmem>>
      %dma_wait3A_237 = tpu.memref_squeeze %dma_wait3A_236 : memref<1x128xi32, #tpu.memory_space<vmem>> -> memref<128xi32, #tpu.memory_space<vmem>>
      %dma_wait3A_238 = arith.constant 0 : i32
      %dma_wait3A_239 = arith.constant 0 : i32
      %dma_wait3A_240 = tpu.memref_slice %arg10[%dma_wait3A_238, %dma_wait3A_239] : memref<50176x8xf32, #tpu.memory_space<vmem_shared>> -> memref<50176x8xf32, #tpu.memory_space<vmem_shared>>
      tpu.wait_indirect_dma semaphore(%run_scoped3A_220 : memref<!tpu.dma_semaphore, #tpu.memory_space<semaphore_mem>>) src(%dma_wait3A_234 : memref<128x8xf32, #tpu.memory_space<vmem>>) dst(%dma_wait3A_240 : memref<50176x8xf32, #tpu.memory_space<vmem_shared>>)
      tpu.yield
    }) : () -> ()
    %barrier3A_215 = arith.constant 0 : index
    tpu.barrier barrier_id(%barrier3A_215)
    %mul3A_216 = arith.constant 3136 : i32
    %mul3A_217 = arith.muli %arg1, %mul3A_216 : i32
    %mul3A_218 = arith.constant 3136 : i32
    %mul3A_219 = arith.muli %arg1, %mul3A_218 : i32
    "tpu.region"() ({
      %run_scoped3A_220 = tpu.sem_alloc : memref<!tpu.dma_semaphore, #tpu.memory_space<semaphore_mem>>
      %dma_start3A_221 = arith.constant 0 : i32
      %dma_start3A_222 = tpu.memref_slice %arg6[%arg0, %mul3A_219, %dma_start3A_221] : memref<2x50176x8xf32, #tpu.memory_space<hbm>> -> memref<1x3136x8xf32, #tpu.memory_space<hbm>>
      %dma_start3A_223 = tpu.memref_squeeze %dma_start3A_222 : memref<1x3136x8xf32, #tpu.memory_space<hbm>> -> memref<3136x8xf32, #tpu.memory_space<hbm>>
      %dma_start3A_224 = arith.constant 0 : i32
      %dma_start3A_225 = tpu.memref_slice %arg10[%mul3A_217, %dma_start3A_224] : memref<50176x8xf32, #tpu.memory_space<vmem_shared>> -> memref<3136x8xf32, #tpu.memory_space<vmem_shared>>
      tpu.enqueue_dma source(%dma_start3A_225 : memref<3136x8xf32, #tpu.memory_space<vmem_shared>>) target(%dma_start3A_223 : memref<3136x8xf32, #tpu.memory_space<hbm>>) target_semaphore(%run_scoped3A_220 : memref<!tpu.dma_semaphore, #tpu.memory_space<semaphore_mem>>)
      %dma_wait3A_226 = arith.constant 0 : i32
      %dma_wait3A_227 = tpu.memref_slice %arg6[%arg0, %mul3A_219, %dma_wait3A_226] : memref<2x50176x8xf32, #tpu.memory_space<hbm>> -> memref<1x3136x8xf32, #tpu.memory_space<hbm>>
      %dma_wait3A_228 = tpu.memref_squeeze %dma_wait3A_227 : memref<1x3136x8xf32, #tpu.memory_space<hbm>> -> memref<3136x8xf32, #tpu.memory_space<hbm>>
      %dma_wait3A_229 = arith.constant 0 : i32
      %dma_wait3A_230 = tpu.memref_slice %arg10[%mul3A_217, %dma_wait3A_229] : memref<50176x8xf32, #tpu.memory_space<vmem_shared>> -> memref<3136x8xf32, #tpu.memory_space<vmem_shared>>
      tpu.wait_dma2 semaphore(%run_scoped3A_220 : memref<!tpu.dma_semaphore, #tpu.memory_space<semaphore_mem>>) src(%dma_wait3A_230 : memref<3136x8xf32, #tpu.memory_space<vmem_shared>>) dst(%dma_wait3A_228 : memref<3136x8xf32, #tpu.memory_space<hbm>>)
      tpu.yield
    }) : () -> ()
    return
  }
}

#map = affine_map<(d0, d1) -> (0, 0)>
#map1 = affine_map<(d0, d1) -> (0, 0, 0)>
module attributes {stable_mosaic.version = 14 : i64} {
  func.func @seg_sum(%arg0: i32, %arg1: i32, %arg2: memref<12500x64xf32, #tpu.memory_space<hbm>>, %arg3: memref<32x56x128xi32, #tpu.memory_space<hbm>>, %arg4: memref<32x56x128xi32, #tpu.memory_space<hbm>>, %arg5: memref<12544x64xf32, #tpu.memory_space<hbm>>, %arg6: memref<2x12544x64xf32, #tpu.memory_space<hbm>>, %arg7: memref<56x128xi32, #tpu.memory_space<vmem>>, %arg8: memref<56x128xi32, #tpu.memory_space<vmem>>, %arg9: memref<8x128x64xf32, #tpu.memory_space<vmem>>, %arg10: memref<12544x64xf32, #tpu.memory_space<vmem_shared>>, %arg11: memref<!tpu.dma_semaphore, #tpu.memory_space<semaphore_mem>>, %arg12: memref<!tpu.dma_semaphore, #tpu.memory_space<semaphore_mem>>, %arg13: memref<!tpu.dma_semaphore, #tpu.memory_space<semaphore_mem>>, %arg14: memref<!tpu.dma_semaphore, #tpu.memory_space<semaphore_mem>>, %arg15: memref<!tpu.dma_semaphore, #tpu.memory_space<semaphore_mem>>, %arg16: memref<!tpu.dma_semaphore, #tpu.memory_space<semaphore_mem>>, %arg17: memref<!tpu.dma_semaphore, #tpu.memory_space<semaphore_mem>>, %arg18: memref<!tpu.dma_semaphore, #tpu.memory_space<semaphore_mem>>) attributes {dimension_semantics = [#tpu.dimension_semantics<core_parallel>, #tpu.dimension_semantics<subcore_parallel>], iteration_bounds = array<i64: 2, 16>, scalar_prefetch = 0 : i64, scratch_operands = 12 : i64, tpu.core_type = #tpu.core_type<sc_vector_subcore>, window_params = [{transform_indices = #map}, {transform_indices = #map1}, {transform_indices = #map1}, {transform_indices = #map}, {transform_indices = #map1}]} {
    %mul3A = arith.constant 16 : i32
    %mul3A_0 = arith.muli %arg0, %mul3A : i32
    %add3A = arith.addi %mul3A_0, %arg1 : i32
    %mul3A_1 = arith.constant 784 : i32
    %mul3A_2 = arith.muli %arg1, %mul3A_1 : i32
    %mul3A_3 = arith.constant 784 : i32
    %mul3A_4 = arith.muli %arg1, %mul3A_3 : i32
    "tpu.region"() ({
      %run_scoped3A_220 = tpu.sem_alloc : memref<!tpu.dma_semaphore, #tpu.memory_space<semaphore_mem>>
      %dma_start3A_221 = arith.constant 0 : i32
      %dma_start3A_222 = tpu.memref_slice %arg10[%mul3A_4, %dma_start3A_221] : memref<12544x64xf32, #tpu.memory_space<vmem_shared>> -> memref<784x64xf32, #tpu.memory_space<vmem_shared>>
      %dma_start3A_223 = arith.constant 0 : i32
      %dma_start3A_224 = tpu.memref_slice %arg5[%mul3A_2, %dma_start3A_223] : memref<12544x64xf32, #tpu.memory_space<hbm>> -> memref<784x64xf32, #tpu.memory_space<hbm>>
      tpu.enqueue_dma source(%dma_start3A_224 : memref<784x64xf32, #tpu.memory_space<hbm>>) target(%dma_start3A_222 : memref<784x64xf32, #tpu.memory_space<vmem_shared>>) target_semaphore(%run_scoped3A_220 : memref<!tpu.dma_semaphore, #tpu.memory_space<semaphore_mem>>)
      %dma_wait3A_225 = arith.constant 0 : i32
      %dma_wait3A_226 = tpu.memref_slice %arg10[%mul3A_4, %dma_wait3A_225] : memref<12544x64xf32, #tpu.memory_space<vmem_shared>> -> memref<784x64xf32, #tpu.memory_space<vmem_shared>>
      %dma_wait3A_227 = arith.constant 0 : i32
      %dma_wait3A_228 = tpu.memref_slice %arg5[%mul3A_2, %dma_wait3A_227] : memref<12544x64xf32, #tpu.memory_space<hbm>> -> memref<784x64xf32, #tpu.memory_space<hbm>>
      tpu.wait_dma2 semaphore(%run_scoped3A_220 : memref<!tpu.dma_semaphore, #tpu.memory_space<semaphore_mem>>) src(%dma_wait3A_228 : memref<784x64xf32, #tpu.memory_space<hbm>>) dst(%dma_wait3A_226 : memref<784x64xf32, #tpu.memory_space<vmem_shared>>)
      tpu.yield
    }) : () -> ()
    "tpu.region"() ({
      %run_scoped3A_220 = tpu.sem_alloc : memref<!tpu.dma_semaphore, #tpu.memory_space<semaphore_mem>>
      %dma_start3A_221 = arith.constant 0 : i32
      %dma_start3A_222 = arith.constant 0 : i32
      %dma_start3A_223 = tpu.memref_slice %arg3[%add3A, %dma_start3A_221, %dma_start3A_222] : memref<32x56x128xi32, #tpu.memory_space<hbm>> -> memref<1x56x128xi32, #tpu.memory_space<hbm>>
      %dma_start3A_224 = tpu.memref_squeeze %dma_start3A_223 : memref<1x56x128xi32, #tpu.memory_space<hbm>> -> memref<56x128xi32, #tpu.memory_space<hbm>>
      %dma_start3A_225 = arith.constant 0 : i32
      %dma_start3A_226 = arith.constant 0 : i32
      %dma_start3A_227 = tpu.memref_slice %arg3[%add3A, %dma_start3A_225, %dma_start3A_226] : memref<32x56x128xi32, #tpu.memory_space<hbm>> -> memref<1x56x128xi32, #tpu.memory_space<hbm>>
      %dma_start3A_228 = tpu.memref_squeeze %dma_start3A_227 : memref<1x56x128xi32, #tpu.memory_space<hbm>> -> memref<56x128xi32, #tpu.memory_space<hbm>>
      tpu.enqueue_dma source(%dma_start3A_228 : memref<56x128xi32, #tpu.memory_space<hbm>>) target(%arg7 : memref<56x128xi32, #tpu.memory_space<vmem>>) target_semaphore(%run_scoped3A_220 : memref<!tpu.dma_semaphore, #tpu.memory_space<semaphore_mem>>)
      %dma_wait3A_229 = arith.constant 0 : i32
      %dma_wait3A_230 = arith.constant 0 : i32
      %dma_wait3A_231 = tpu.memref_slice %arg3[%add3A, %dma_wait3A_229, %dma_wait3A_230] : memref<32x56x128xi32, #tpu.memory_space<hbm>> -> memref<1x56x128xi32, #tpu.memory_space<hbm>>
      %dma_wait3A_232 = tpu.memref_squeeze %dma_wait3A_231 : memref<1x56x128xi32, #tpu.memory_space<hbm>> -> memref<56x128xi32, #tpu.memory_space<hbm>>
      %dma_wait3A_233 = arith.constant 0 : i32
      %dma_wait3A_234 = arith.constant 0 : i32
      %dma_wait3A_235 = tpu.memref_slice %arg3[%add3A, %dma_wait3A_233, %dma_wait3A_234] : memref<32x56x128xi32, #tpu.memory_space<hbm>> -> memref<1x56x128xi32, #tpu.memory_space<hbm>>
      %dma_wait3A_236 = tpu.memref_squeeze %dma_wait3A_235 : memref<1x56x128xi32, #tpu.memory_space<hbm>> -> memref<56x128xi32, #tpu.memory_space<hbm>>
      tpu.wait_dma2 semaphore(%run_scoped3A_220 : memref<!tpu.dma_semaphore, #tpu.memory_space<semaphore_mem>>) src(%dma_wait3A_236 : memref<56x128xi32, #tpu.memory_space<hbm>>) dst(%arg7 : memref<56x128xi32, #tpu.memory_space<vmem>>)
      tpu.yield
    }) : () -> ()
    "tpu.region"() ({
      %run_scoped3A_220 = tpu.sem_alloc : memref<!tpu.dma_semaphore, #tpu.memory_space<semaphore_mem>>
      %dma_start3A_221 = arith.constant 0 : i32
      %dma_start3A_222 = arith.constant 0 : i32
      %dma_start3A_223 = tpu.memref_slice %arg4[%add3A, %dma_start3A_221, %dma_start3A_222] : memref<32x56x128xi32, #tpu.memory_space<hbm>> -> memref<1x56x128xi32, #tpu.memory_space<hbm>>
      %dma_start3A_224 = tpu.memref_squeeze %dma_start3A_223 : memref<1x56x128xi32, #tpu.memory_space<hbm>> -> memref<56x128xi32, #tpu.memory_space<hbm>>
      %dma_start3A_225 = arith.constant 0 : i32
      %dma_start3A_226 = arith.constant 0 : i32
      %dma_start3A_227 = tpu.memref_slice %arg4[%add3A, %dma_start3A_225, %dma_start3A_226] : memref<32x56x128xi32, #tpu.memory_space<hbm>> -> memref<1x56x128xi32, #tpu.memory_space<hbm>>
      %dma_start3A_228 = tpu.memref_squeeze %dma_start3A_227 : memref<1x56x128xi32, #tpu.memory_space<hbm>> -> memref<56x128xi32, #tpu.memory_space<hbm>>
      tpu.enqueue_dma source(%dma_start3A_228 : memref<56x128xi32, #tpu.memory_space<hbm>>) target(%arg8 : memref<56x128xi32, #tpu.memory_space<vmem>>) target_semaphore(%run_scoped3A_220 : memref<!tpu.dma_semaphore, #tpu.memory_space<semaphore_mem>>)
      %dma_wait3A_229 = arith.constant 0 : i32
      %dma_wait3A_230 = arith.constant 0 : i32
      %dma_wait3A_231 = tpu.memref_slice %arg4[%add3A, %dma_wait3A_229, %dma_wait3A_230] : memref<32x56x128xi32, #tpu.memory_space<hbm>> -> memref<1x56x128xi32, #tpu.memory_space<hbm>>
      %dma_wait3A_232 = tpu.memref_squeeze %dma_wait3A_231 : memref<1x56x128xi32, #tpu.memory_space<hbm>> -> memref<56x128xi32, #tpu.memory_space<hbm>>
      %dma_wait3A_233 = arith.constant 0 : i32
      %dma_wait3A_234 = arith.constant 0 : i32
      %dma_wait3A_235 = tpu.memref_slice %arg4[%add3A, %dma_wait3A_233, %dma_wait3A_234] : memref<32x56x128xi32, #tpu.memory_space<hbm>> -> memref<1x56x128xi32, #tpu.memory_space<hbm>>
      %dma_wait3A_236 = tpu.memref_squeeze %dma_wait3A_235 : memref<1x56x128xi32, #tpu.memory_space<hbm>> -> memref<56x128xi32, #tpu.memory_space<hbm>>
      tpu.wait_dma2 semaphore(%run_scoped3A_220 : memref<!tpu.dma_semaphore, #tpu.memory_space<semaphore_mem>>) src(%dma_wait3A_236 : memref<56x128xi32, #tpu.memory_space<hbm>>) dst(%arg8 : memref<56x128xi32, #tpu.memory_space<vmem>>)
      tpu.yield
    }) : () -> ()
    %barrier3A = arith.constant 0 : index
    tpu.barrier barrier_id(%barrier3A)
    %dma_start3A = arith.constant 0 : i32
    %dma_start3A_5 = arith.constant 0 : i32
    %dma_start3A_6 = arith.constant 0 : i32
    %dma_start3A_7 = arith.constant 0 : i32
    %dma_start3A_8 = tpu.memref_slice %arg9[%dma_start3A_5, %dma_start3A_6, %dma_start3A_7] : memref<8x128x64xf32, #tpu.memory_space<vmem>> -> memref<1x128x64xf32, #tpu.memory_space<vmem>>
    %dma_start3A_9 = tpu.memref_squeeze %dma_start3A_8 : memref<1x128x64xf32, #tpu.memory_space<vmem>> -> memref<128x64xf32, #tpu.memory_space<vmem>>
    %dma_start3A_10 = arith.constant 0 : i32
    %dma_start3A_11 = tpu.memref_slice %arg7[%dma_start3A, %dma_start3A_10] : memref<56x128xi32, #tpu.memory_space<vmem>> -> memref<1x128xi32, #tpu.memory_space<vmem>>
    %dma_start3A_12 = tpu.memref_squeeze %dma_start3A_11 : memref<1x128xi32, #tpu.memory_space<vmem>> -> memref<128xi32, #tpu.memory_space<vmem>>
    %dma_start3A_13 = arith.constant 0 : i32
    %dma_start3A_14 = arith.constant 0 : i32
    %dma_start3A_15 = tpu.memref_slice %arg2[%dma_start3A_13, %dma_start3A_14] : memref<12500x64xf32, #tpu.memory_space<hbm>> -> memref<12500x64xf32, #tpu.memory_space<hbm>>
    tpu.enqueue_indirect_dma source(%dma_start3A_15 : memref<12500x64xf32, #tpu.memory_space<hbm>>) target(%dma_start3A_9 : memref<128x64xf32, #tpu.memory_space<vmem>>) offsets(%dma_start3A_12 : memref<128xi32, #tpu.memory_space<vmem>>) semaphore(%arg11 : memref<!tpu.dma_semaphore, #tpu.memory_space<semaphore_mem>>)
    %dma_start3A_16 = arith.constant 1 : i32
    %dma_start3A_17 = arith.constant 1 : i32
    %dma_start3A_18 = arith.constant 0 : i32
    %dma_start3A_19 = arith.constant 0 : i32
    %dma_start3A_20 = tpu.memref_slice %arg9[%dma_start3A_17, %dma_start3A_18, %dma_start3A_19] : memref<8x128x64xf32, #tpu.memory_space<vmem>> -> memref<1x128x64xf32, #tpu.memory_space<vmem>>
    %dma_start3A_21 = tpu.memref_squeeze %dma_start3A_20 : memref<1x128x64xf32, #tpu.memory_space<vmem>> -> memref<128x64xf32, #tpu.memory_space<vmem>>
    %dma_start3A_22 = arith.constant 0 : i32
    %dma_start3A_23 = tpu.memref_slice %arg7[%dma_start3A_16, %dma_start3A_22] : memref<56x128xi32, #tpu.memory_space<vmem>> -> memref<1x128xi32, #tpu.memory_space<vmem>>
    %dma_start3A_24 = tpu.memref_squeeze %dma_start3A_23 : memref<1x128xi32, #tpu.memory_space<vmem>> -> memref<128xi32, #tpu.memory_space<vmem>>
    %dma_start3A_25 = arith.constant 0 : i32
    %dma_start3A_26 = arith.constant 0 : i32
    %dma_start3A_27 = tpu.memref_slice %arg2[%dma_start3A_25, %dma_start3A_26] : memref<12500x64xf32, #tpu.memory_space<hbm>> -> memref<12500x64xf32, #tpu.memory_space<hbm>>
    tpu.enqueue_indirect_dma source(%dma_start3A_27 : memref<12500x64xf32, #tpu.memory_space<hbm>>) target(%dma_start3A_21 : memref<128x64xf32, #tpu.memory_space<vmem>>) offsets(%dma_start3A_24 : memref<128xi32, #tpu.memory_space<vmem>>) semaphore(%arg12 : memref<!tpu.dma_semaphore, #tpu.memory_space<semaphore_mem>>)
    %dma_start3A_28 = arith.constant 2 : i32
    %dma_start3A_29 = arith.constant 2 : i32
    %dma_start3A_30 = arith.constant 0 : i32
    %dma_start3A_31 = arith.constant 0 : i32
    %dma_start3A_32 = tpu.memref_slice %arg9[%dma_start3A_29, %dma_start3A_30, %dma_start3A_31] : memref<8x128x64xf32, #tpu.memory_space<vmem>> -> memref<1x128x64xf32, #tpu.memory_space<vmem>>
    %dma_start3A_33 = tpu.memref_squeeze %dma_start3A_32 : memref<1x128x64xf32, #tpu.memory_space<vmem>> -> memref<128x64xf32, #tpu.memory_space<vmem>>
    %dma_start3A_34 = arith.constant 0 : i32
    %dma_start3A_35 = tpu.memref_slice %arg7[%dma_start3A_28, %dma_start3A_34] : memref<56x128xi32, #tpu.memory_space<vmem>> -> memref<1x128xi32, #tpu.memory_space<vmem>>
    %dma_start3A_36 = tpu.memref_squeeze %dma_start3A_35 : memref<1x128xi32, #tpu.memory_space<vmem>> -> memref<128xi32, #tpu.memory_space<vmem>>
    %dma_start3A_37 = arith.constant 0 : i32
    %dma_start3A_38 = arith.constant 0 : i32
    %dma_start3A_39 = tpu.memref_slice %arg2[%dma_start3A_37, %dma_start3A_38] : memref<12500x64xf32, #tpu.memory_space<hbm>> -> memref<12500x64xf32, #tpu.memory_space<hbm>>
    tpu.enqueue_indirect_dma source(%dma_start3A_39 : memref<12500x64xf32, #tpu.memory_space<hbm>>) target(%dma_start3A_33 : memref<128x64xf32, #tpu.memory_space<vmem>>) offsets(%dma_start3A_36 : memref<128xi32, #tpu.memory_space<vmem>>) semaphore(%arg13 : memref<!tpu.dma_semaphore, #tpu.memory_space<semaphore_mem>>)
    %dma_start3A_40 = arith.constant 3 : i32
    %dma_start3A_41 = arith.constant 3 : i32
    %dma_start3A_42 = arith.constant 0 : i32
    %dma_start3A_43 = arith.constant 0 : i32
    %dma_start3A_44 = tpu.memref_slice %arg9[%dma_start3A_41, %dma_start3A_42, %dma_start3A_43] : memref<8x128x64xf32, #tpu.memory_space<vmem>> -> memref<1x128x64xf32, #tpu.memory_space<vmem>>
    %dma_start3A_45 = tpu.memref_squeeze %dma_start3A_44 : memref<1x128x64xf32, #tpu.memory_space<vmem>> -> memref<128x64xf32, #tpu.memory_space<vmem>>
    %dma_start3A_46 = arith.constant 0 : i32
    %dma_start3A_47 = tpu.memref_slice %arg7[%dma_start3A_40, %dma_start3A_46] : memref<56x128xi32, #tpu.memory_space<vmem>> -> memref<1x128xi32, #tpu.memory_space<vmem>>
    %dma_start3A_48 = tpu.memref_squeeze %dma_start3A_47 : memref<1x128xi32, #tpu.memory_space<vmem>> -> memref<128xi32, #tpu.memory_space<vmem>>
    %dma_start3A_49 = arith.constant 0 : i32
    %dma_start3A_50 = arith.constant 0 : i32
    %dma_start3A_51 = tpu.memref_slice %arg2[%dma_start3A_49, %dma_start3A_50] : memref<12500x64xf32, #tpu.memory_space<hbm>> -> memref<12500x64xf32, #tpu.memory_space<hbm>>
    tpu.enqueue_indirect_dma source(%dma_start3A_51 : memref<12500x64xf32, #tpu.memory_space<hbm>>) target(%dma_start3A_45 : memref<128x64xf32, #tpu.memory_space<vmem>>) offsets(%dma_start3A_48 : memref<128xi32, #tpu.memory_space<vmem>>) semaphore(%arg14 : memref<!tpu.dma_semaphore, #tpu.memory_space<semaphore_mem>>)
    %dma_start3A_52 = arith.constant 4 : i32
    %dma_start3A_53 = arith.constant 4 : i32
    %dma_start3A_54 = arith.constant 0 : i32
    %dma_start3A_55 = arith.constant 0 : i32
    %dma_start3A_56 = tpu.memref_slice %arg9[%dma_start3A_53, %dma_start3A_54, %dma_start3A_55] : memref<8x128x64xf32, #tpu.memory_space<vmem>> -> memref<1x128x64xf32, #tpu.memory_space<vmem>>
    %dma_start3A_57 = tpu.memref_squeeze %dma_start3A_56 : memref<1x128x64xf32, #tpu.memory_space<vmem>> -> memref<128x64xf32, #tpu.memory_space<vmem>>
    %dma_start3A_58 = arith.constant 0 : i32
    %dma_start3A_59 = tpu.memref_slice %arg7[%dma_start3A_52, %dma_start3A_58] : memref<56x128xi32, #tpu.memory_space<vmem>> -> memref<1x128xi32, #tpu.memory_space<vmem>>
    %dma_start3A_60 = tpu.memref_squeeze %dma_start3A_59 : memref<1x128xi32, #tpu.memory_space<vmem>> -> memref<128xi32, #tpu.memory_space<vmem>>
    %dma_start3A_61 = arith.constant 0 : i32
    %dma_start3A_62 = arith.constant 0 : i32
    %dma_start3A_63 = tpu.memref_slice %arg2[%dma_start3A_61, %dma_start3A_62] : memref<12500x64xf32, #tpu.memory_space<hbm>> -> memref<12500x64xf32, #tpu.memory_space<hbm>>
    tpu.enqueue_indirect_dma source(%dma_start3A_63 : memref<12500x64xf32, #tpu.memory_space<hbm>>) target(%dma_start3A_57 : memref<128x64xf32, #tpu.memory_space<vmem>>) offsets(%dma_start3A_60 : memref<128xi32, #tpu.memory_space<vmem>>) semaphore(%arg15 : memref<!tpu.dma_semaphore, #tpu.memory_space<semaphore_mem>>)
    %dma_start3A_64 = arith.constant 5 : i32
    %dma_start3A_65 = arith.constant 5 : i32
    %dma_start3A_66 = arith.constant 0 : i32
    %dma_start3A_67 = arith.constant 0 : i32
    %dma_start3A_68 = tpu.memref_slice %arg9[%dma_start3A_65, %dma_start3A_66, %dma_start3A_67] : memref<8x128x64xf32, #tpu.memory_space<vmem>> -> memref<1x128x64xf32, #tpu.memory_space<vmem>>
    %dma_start3A_69 = tpu.memref_squeeze %dma_start3A_68 : memref<1x128x64xf32, #tpu.memory_space<vmem>> -> memref<128x64xf32, #tpu.memory_space<vmem>>
    %dma_start3A_70 = arith.constant 0 : i32
    %dma_start3A_71 = tpu.memref_slice %arg7[%dma_start3A_64, %dma_start3A_70] : memref<56x128xi32, #tpu.memory_space<vmem>> -> memref<1x128xi32, #tpu.memory_space<vmem>>
    %dma_start3A_72 = tpu.memref_squeeze %dma_start3A_71 : memref<1x128xi32, #tpu.memory_space<vmem>> -> memref<128xi32, #tpu.memory_space<vmem>>
    %dma_start3A_73 = arith.constant 0 : i32
    %dma_start3A_74 = arith.constant 0 : i32
    %dma_start3A_75 = tpu.memref_slice %arg2[%dma_start3A_73, %dma_start3A_74] : memref<12500x64xf32, #tpu.memory_space<hbm>> -> memref<12500x64xf32, #tpu.memory_space<hbm>>
    tpu.enqueue_indirect_dma source(%dma_start3A_75 : memref<12500x64xf32, #tpu.memory_space<hbm>>) target(%dma_start3A_69 : memref<128x64xf32, #tpu.memory_space<vmem>>) offsets(%dma_start3A_72 : memref<128xi32, #tpu.memory_space<vmem>>) semaphore(%arg16 : memref<!tpu.dma_semaphore, #tpu.memory_space<semaphore_mem>>)
    %dma_start3A_76 = arith.constant 6 : i32
    %dma_start3A_77 = arith.constant 6 : i32
    %dma_start3A_78 = arith.constant 0 : i32
    %dma_start3A_79 = arith.constant 0 : i32
    %dma_start3A_80 = tpu.memref_slice %arg9[%dma_start3A_77, %dma_start3A_78, %dma_start3A_79] : memref<8x128x64xf32, #tpu.memory_space<vmem>> -> memref<1x128x64xf32, #tpu.memory_space<vmem>>
    %dma_start3A_81 = tpu.memref_squeeze %dma_start3A_80 : memref<1x128x64xf32, #tpu.memory_space<vmem>> -> memref<128x64xf32, #tpu.memory_space<vmem>>
    %dma_start3A_82 = arith.constant 0 : i32
    %dma_start3A_83 = tpu.memref_slice %arg7[%dma_start3A_76, %dma_start3A_82] : memref<56x128xi32, #tpu.memory_space<vmem>> -> memref<1x128xi32, #tpu.memory_space<vmem>>
    %dma_start3A_84 = tpu.memref_squeeze %dma_start3A_83 : memref<1x128xi32, #tpu.memory_space<vmem>> -> memref<128xi32, #tpu.memory_space<vmem>>
    %dma_start3A_85 = arith.constant 0 : i32
    %dma_start3A_86 = arith.constant 0 : i32
    %dma_start3A_87 = tpu.memref_slice %arg2[%dma_start3A_85, %dma_start3A_86] : memref<12500x64xf32, #tpu.memory_space<hbm>> -> memref<12500x64xf32, #tpu.memory_space<hbm>>
    tpu.enqueue_indirect_dma source(%dma_start3A_87 : memref<12500x64xf32, #tpu.memory_space<hbm>>) target(%dma_start3A_81 : memref<128x64xf32, #tpu.memory_space<vmem>>) offsets(%dma_start3A_84 : memref<128xi32, #tpu.memory_space<vmem>>) semaphore(%arg17 : memref<!tpu.dma_semaphore, #tpu.memory_space<semaphore_mem>>)
    %dma_start3A_88 = arith.constant 7 : i32
    %dma_start3A_89 = arith.constant 7 : i32
    %dma_start3A_90 = arith.constant 0 : i32
    %dma_start3A_91 = arith.constant 0 : i32
    %dma_start3A_92 = tpu.memref_slice %arg9[%dma_start3A_89, %dma_start3A_90, %dma_start3A_91] : memref<8x128x64xf32, #tpu.memory_space<vmem>> -> memref<1x128x64xf32, #tpu.memory_space<vmem>>
    %dma_start3A_93 = tpu.memref_squeeze %dma_start3A_92 : memref<1x128x64xf32, #tpu.memory_space<vmem>> -> memref<128x64xf32, #tpu.memory_space<vmem>>
    %dma_start3A_94 = arith.constant 0 : i32
    %dma_start3A_95 = tpu.memref_slice %arg7[%dma_start3A_88, %dma_start3A_94] : memref<56x128xi32, #tpu.memory_space<vmem>> -> memref<1x128xi32, #tpu.memory_space<vmem>>
    %dma_start3A_96 = tpu.memref_squeeze %dma_start3A_95 : memref<1x128xi32, #tpu.memory_space<vmem>> -> memref<128xi32, #tpu.memory_space<vmem>>
    %dma_start3A_97 = arith.constant 0 : i32
    %dma_start3A_98 = arith.constant 0 : i32
    %dma_start3A_99 = tpu.memref_slice %arg2[%dma_start3A_97, %dma_start3A_98] : memref<12500x64xf32, #tpu.memory_space<hbm>> -> memref<12500x64xf32, #tpu.memory_space<hbm>>
    tpu.enqueue_indirect_dma source(%dma_start3A_99 : memref<12500x64xf32, #tpu.memory_space<hbm>>) target(%dma_start3A_93 : memref<128x64xf32, #tpu.memory_space<vmem>>) offsets(%dma_start3A_96 : memref<128xi32, #tpu.memory_space<vmem>>) semaphore(%arg18 : memref<!tpu.dma_semaphore, #tpu.memory_space<semaphore_mem>>)
    %scan3A = arith.constant 0 : i32
    %scan3A_100 = arith.constant 0 : i32
    %scan3A_101 = arith.constant 6 : i32
    %scan3A_102 = arith.addi %scan3A_100, %scan3A_101 : i32
    %scan3A_103 = arith.constant 1 : i32
    scf.for %scan3A_220 = %scan3A_100 to %scan3A_102 step %scan3A_103  : i32 {
      %mul3A_221 = arith.constant 8 : i32
      %mul3A_222 = arith.muli %scan3A_220, %mul3A_221 : i32
      %add3A_223 = arith.constant 0 : i32
      %add3A_224 = arith.addi %mul3A_222, %add3A_223 : i32
      %dma_wait3A_225 = arith.constant 0 : i32
      %dma_wait3A_226 = arith.constant 0 : i32
      %dma_wait3A_227 = arith.constant 0 : i32
      %dma_wait3A_228 = tpu.memref_slice %arg9[%dma_wait3A_225, %dma_wait3A_226, %dma_wait3A_227] : memref<8x128x64xf32, #tpu.memory_space<vmem>> -> memref<1x128x64xf32, #tpu.memory_space<vmem>>
      %dma_wait3A_229 = tpu.memref_squeeze %dma_wait3A_228 : memref<1x128x64xf32, #tpu.memory_space<vmem>> -> memref<128x64xf32, #tpu.memory_space<vmem>>
      %dma_wait3A_230 = arith.constant 0 : i32
      %dma_wait3A_231 = tpu.memref_slice %arg7[%add3A_224, %dma_wait3A_230] : memref<56x128xi32, #tpu.memory_space<vmem>> -> memref<1x128xi32, #tpu.memory_space<vmem>>
      %dma_wait3A_232 = tpu.memref_squeeze %dma_wait3A_231 : memref<1x128xi32, #tpu.memory_space<vmem>> -> memref<128xi32, #tpu.memory_space<vmem>>
      %dma_wait3A_233 = arith.constant 0 : i32
      %dma_wait3A_234 = arith.constant 0 : i32
      %dma_wait3A_235 = tpu.memref_slice %arg2[%dma_wait3A_233, %dma_wait3A_234] : memref<12500x64xf32, #tpu.memory_space<hbm>> -> memref<12500x64xf32, #tpu.memory_space<hbm>>
      tpu.wait_indirect_dma semaphore(%arg11 : memref<!tpu.dma_semaphore, #tpu.memory_space<semaphore_mem>>) src(%dma_wait3A_235 : memref<12500x64xf32, #tpu.memory_space<hbm>>) dst(%dma_wait3A_229 : memref<128x64xf32, #tpu.memory_space<vmem>>)
      %add3A_236 = arith.constant 0 : i32
      %add3A_237 = arith.addi %mul3A_222, %add3A_236 : i32
      %run_scoped3A_238 = arith.constant 0 : i32
      "tpu.region"() ({
        %run_scoped3A_471 = tpu.sem_alloc : memref<!tpu.dma_semaphore, #tpu.memory_space<semaphore_mem>>
        %dma_start3A_472 = arith.constant 0 : i32
        %dma_start3A_473 = arith.constant 0 : i32
        %dma_start3A_474 = tpu.memref_slice %arg9[%run_scoped3A_238, %dma_start3A_472, %dma_start3A_473] : memref<8x128x64xf32, #tpu.memory_space<vmem>> -> memref<1x128x64xf32, #tpu.memory_space<vmem>>
        %dma_start3A_475 = tpu.memref_squeeze %dma_start3A_474 : memref<1x128x64xf32, #tpu.memory_space<vmem>> -> memref<128x64xf32, #tpu.memory_space<vmem>>
        %dma_start3A_476 = arith.constant 0 : i32
        %dma_start3A_477 = tpu.memref_slice %arg8[%add3A_237, %dma_start3A_476] : memref<56x128xi32, #tpu.memory_space<vmem>> -> memref<1x128xi32, #tpu.memory_space<vmem>>
        %dma_start3A_478 = tpu.memref_squeeze %dma_start3A_477 : memref<1x128xi32, #tpu.memory_space<vmem>> -> memref<128xi32, #tpu.memory_space<vmem>>
        %dma_start3A_479 = arith.constant 0 : i32
        %dma_start3A_480 = arith.constant 0 : i32
        %dma_start3A_481 = tpu.memref_slice %arg10[%dma_start3A_479, %dma_start3A_480] : memref<12544x64xf32, #tpu.memory_space<vmem_shared>> -> memref<12544x64xf32, #tpu.memory_space<vmem_shared>>
        tpu.enqueue_indirect_dma source(%dma_start3A_475 : memref<128x64xf32, #tpu.memory_space<vmem>>) target(%dma_start3A_481 : memref<12544x64xf32, #tpu.memory_space<vmem_shared>>) offsets(%dma_start3A_478 : memref<128xi32, #tpu.memory_space<vmem>>) semaphore(%run_scoped3A_471 : memref<!tpu.dma_semaphore, #tpu.memory_space<semaphore_mem>>) {add = true}
        %dma_wait3A_482 = arith.constant 0 : i32
        %dma_wait3A_483 = arith.constant 0 : i32
        %dma_wait3A_484 = tpu.memref_slice %arg9[%run_scoped3A_238, %dma_wait3A_482, %dma_wait3A_483] : memref<8x128x64xf32, #tpu.memory_space<vmem>> -> memref<1x128x64xf32, #tpu.memory_space<vmem>>
        %dma_wait3A_485 = tpu.memref_squeeze %dma_wait3A_484 : memref<1x128x64xf32, #tpu.memory_space<vmem>> -> memref<128x64xf32, #tpu.memory_space<vmem>>
        %dma_wait3A_486 = arith.constant 0 : i32
        %dma_wait3A_487 = tpu.memref_slice %arg8[%add3A_237, %dma_wait3A_486] : memref<56x128xi32, #tpu.memory_space<vmem>> -> memref<1x128xi32, #tpu.memory_space<vmem>>
        %dma_wait3A_488 = tpu.memref_squeeze %dma_wait3A_487 : memref<1x128xi32, #tpu.memory_space<vmem>> -> memref<128xi32, #tpu.memory_space<vmem>>
        %dma_wait3A_489 = arith.constant 0 : i32
        %dma_wait3A_490 = arith.constant 0 : i32
        %dma_wait3A_491 = tpu.memref_slice %arg10[%dma_wait3A_489, %dma_wait3A_490] : memref<12544x64xf32, #tpu.memory_space<vmem_shared>> -> memref<12544x64xf32, #tpu.memory_space<vmem_shared>>
        tpu.wait_indirect_dma semaphore(%run_scoped3A_471 : memref<!tpu.dma_semaphore, #tpu.memory_space<semaphore_mem>>) src(%dma_wait3A_485 : memref<128x64xf32, #tpu.memory_space<vmem>>) dst(%dma_wait3A_491 : memref<12544x64xf32, #tpu.memory_space<vmem_shared>>)
        tpu.yield
      }) : () -> ()
      %add3A_239 = arith.constant 0 : i32
      %add3A_240 = arith.addi %mul3A_222, %add3A_239 : i32
      %add3A_241 = arith.constant 8 : i32
      %add3A_242 = arith.addi %add3A_240, %add3A_241 : i32
      %dma_start3A_243 = arith.constant 0 : i32
      %dma_start3A_244 = arith.constant 0 : i32
      %dma_start3A_245 = arith.constant 0 : i32
      %dma_start3A_246 = tpu.memref_slice %arg9[%dma_start3A_243, %dma_start3A_244, %dma_start3A_245] : memref<8x128x64xf32, #tpu.memory_space<vmem>> -> memref<1x128x64xf32, #tpu.memory_space<vmem>>
      %dma_start3A_247 = tpu.memref_squeeze %dma_start3A_246 : memref<1x128x64xf32, #tpu.memory_space<vmem>> -> memref<128x64xf32, #tpu.memory_space<vmem>>
      %dma_start3A_248 = arith.constant 0 : i32
      %dma_start3A_249 = tpu.memref_slice %arg7[%add3A_242, %dma_start3A_248] : memref<56x128xi32, #tpu.memory_space<vmem>> -> memref<1x128xi32, #tpu.memory_space<vmem>>
      %dma_start3A_250 = tpu.memref_squeeze %dma_start3A_249 : memref<1x128xi32, #tpu.memory_space<vmem>> -> memref<128xi32, #tpu.memory_space<vmem>>
      %dma_start3A_251 = arith.constant 0 : i32
      %dma_start3A_252 = arith.constant 0 : i32
      %dma_start3A_253 = tpu.memref_slice %arg2[%dma_start3A_251, %dma_start3A_252] : memref<12500x64xf32, #tpu.memory_space<hbm>> -> memref<12500x64xf32, #tpu.memory_space<hbm>>
      tpu.enqueue_indirect_dma source(%dma_start3A_253 : memref<12500x64xf32, #tpu.memory_space<hbm>>) target(%dma_start3A_247 : memref<128x64xf32, #tpu.memory_space<vmem>>) offsets(%dma_start3A_250 : memref<128xi32, #tpu.memory_space<vmem>>) semaphore(%arg11 : memref<!tpu.dma_semaphore, #tpu.memory_space<semaphore_mem>>)
      %add3A_254 = arith.constant 1 : i32
      %add3A_255 = arith.addi %mul3A_222, %add3A_254 : i32
      %dma_wait3A_256 = arith.constant 1 : i32
      %dma_wait3A_257 = arith.constant 0 : i32
      %dma_wait3A_258 = arith.constant 0 : i32
      %dma_wait3A_259 = tpu.memref_slice %arg9[%dma_wait3A_256, %dma_wait3A_257, %dma_wait3A_258] : memref<8x128x64xf32, #tpu.memory_space<vmem>> -> memref<1x128x64xf32, #tpu.memory_space<vmem>>
      %dma_wait3A_260 = tpu.memref_squeeze %dma_wait3A_259 : memref<1x128x64xf32, #tpu.memory_space<vmem>> -> memref<128x64xf32, #tpu.memory_space<vmem>>
      %dma_wait3A_261 = arith.constant 0 : i32
      %dma_wait3A_262 = tpu.memref_slice %arg7[%add3A_255, %dma_wait3A_261] : memref<56x128xi32, #tpu.memory_space<vmem>> -> memref<1x128xi32, #tpu.memory_space<vmem>>
      %dma_wait3A_263 = tpu.memref_squeeze %dma_wait3A_262 : memref<1x128xi32, #tpu.memory_space<vmem>> -> memref<128xi32, #tpu.memory_space<vmem>>
      %dma_wait3A_264 = arith.constant 0 : i32
      %dma_wait3A_265 = arith.constant 0 : i32
      %dma_wait3A_266 = tpu.memref_slice %arg2[%dma_wait3A_264, %dma_wait3A_265] : memref<12500x64xf32, #tpu.memory_space<hbm>> -> memref<12500x64xf32, #tpu.memory_space<hbm>>
      tpu.wait_indirect_dma semaphore(%arg12 : memref<!tpu.dma_semaphore, #tpu.memory_space<semaphore_mem>>) src(%dma_wait3A_266 : memref<12500x64xf32, #tpu.memory_space<hbm>>) dst(%dma_wait3A_260 : memref<128x64xf32, #tpu.memory_space<vmem>>)
      %add3A_267 = arith.constant 1 : i32
      %add3A_268 = arith.addi %mul3A_222, %add3A_267 : i32
      %run_scoped3A_269 = arith.constant 1 : i32
      "tpu.region"() ({
        %run_scoped3A_471 = tpu.sem_alloc : memref<!tpu.dma_semaphore, #tpu.memory_space<semaphore_mem>>
        %dma_start3A_472 = arith.constant 0 : i32
        %dma_start3A_473 = arith.constant 0 : i32
        %dma_start3A_474 = tpu.memref_slice %arg9[%run_scoped3A_269, %dma_start3A_472, %dma_start3A_473] : memref<8x128x64xf32, #tpu.memory_space<vmem>> -> memref<1x128x64xf32, #tpu.memory_space<vmem>>
        %dma_start3A_475 = tpu.memref_squeeze %dma_start3A_474 : memref<1x128x64xf32, #tpu.memory_space<vmem>> -> memref<128x64xf32, #tpu.memory_space<vmem>>
        %dma_start3A_476 = arith.constant 0 : i32
        %dma_start3A_477 = tpu.memref_slice %arg8[%add3A_268, %dma_start3A_476] : memref<56x128xi32, #tpu.memory_space<vmem>> -> memref<1x128xi32, #tpu.memory_space<vmem>>
        %dma_start3A_478 = tpu.memref_squeeze %dma_start3A_477 : memref<1x128xi32, #tpu.memory_space<vmem>> -> memref<128xi32, #tpu.memory_space<vmem>>
        %dma_start3A_479 = arith.constant 0 : i32
        %dma_start3A_480 = arith.constant 0 : i32
        %dma_start3A_481 = tpu.memref_slice %arg10[%dma_start3A_479, %dma_start3A_480] : memref<12544x64xf32, #tpu.memory_space<vmem_shared>> -> memref<12544x64xf32, #tpu.memory_space<vmem_shared>>
        tpu.enqueue_indirect_dma source(%dma_start3A_475 : memref<128x64xf32, #tpu.memory_space<vmem>>) target(%dma_start3A_481 : memref<12544x64xf32, #tpu.memory_space<vmem_shared>>) offsets(%dma_start3A_478 : memref<128xi32, #tpu.memory_space<vmem>>) semaphore(%run_scoped3A_471 : memref<!tpu.dma_semaphore, #tpu.memory_space<semaphore_mem>>) {add = true}
        %dma_wait3A_482 = arith.constant 0 : i32
        %dma_wait3A_483 = arith.constant 0 : i32
        %dma_wait3A_484 = tpu.memref_slice %arg9[%run_scoped3A_269, %dma_wait3A_482, %dma_wait3A_483] : memref<8x128x64xf32, #tpu.memory_space<vmem>> -> memref<1x128x64xf32, #tpu.memory_space<vmem>>
        %dma_wait3A_485 = tpu.memref_squeeze %dma_wait3A_484 : memref<1x128x64xf32, #tpu.memory_space<vmem>> -> memref<128x64xf32, #tpu.memory_space<vmem>>
        %dma_wait3A_486 = arith.constant 0 : i32
        %dma_wait3A_487 = tpu.memref_slice %arg8[%add3A_268, %dma_wait3A_486] : memref<56x128xi32, #tpu.memory_space<vmem>> -> memref<1x128xi32, #tpu.memory_space<vmem>>
        %dma_wait3A_488 = tpu.memref_squeeze %dma_wait3A_487 : memref<1x128xi32, #tpu.memory_space<vmem>> -> memref<128xi32, #tpu.memory_space<vmem>>
        %dma_wait3A_489 = arith.constant 0 : i32
        %dma_wait3A_490 = arith.constant 0 : i32
        %dma_wait3A_491 = tpu.memref_slice %arg10[%dma_wait3A_489, %dma_wait3A_490] : memref<12544x64xf32, #tpu.memory_space<vmem_shared>> -> memref<12544x64xf32, #tpu.memory_space<vmem_shared>>
        tpu.wait_indirect_dma semaphore(%run_scoped3A_471 : memref<!tpu.dma_semaphore, #tpu.memory_space<semaphore_mem>>) src(%dma_wait3A_485 : memref<128x64xf32, #tpu.memory_space<vmem>>) dst(%dma_wait3A_491 : memref<12544x64xf32, #tpu.memory_space<vmem_shared>>)
        tpu.yield
      }) : () -> ()
      %add3A_270 = arith.constant 1 : i32
      %add3A_271 = arith.addi %mul3A_222, %add3A_270 : i32
      %add3A_272 = arith.constant 8 : i32
      %add3A_273 = arith.addi %add3A_271, %add3A_272 : i32
      %dma_start3A_274 = arith.constant 1 : i32
      %dma_start3A_275 = arith.constant 0 : i32
      %dma_start3A_276 = arith.constant 0 : i32
      %dma_start3A_277 = tpu.memref_slice %arg9[%dma_start3A_274, %dma_start3A_275, %dma_start3A_276] : memref<8x128x64xf32, #tpu.memory_space<vmem>> -> memref<1x128x64xf32, #tpu.memory_space<vmem>>
      %dma_start3A_278 = tpu.memref_squeeze %dma_start3A_277 : memref<1x128x64xf32, #tpu.memory_space<vmem>> -> memref<128x64xf32, #tpu.memory_space<vmem>>
      %dma_start3A_279 = arith.constant 0 : i32
      %dma_start3A_280 = tpu.memref_slice %arg7[%add3A_273, %dma_start3A_279] : memref<56x128xi32, #tpu.memory_space<vmem>> -> memref<1x128xi32, #tpu.memory_space<vmem>>
      %dma_start3A_281 = tpu.memref_squeeze %dma_start3A_280 : memref<1x128xi32, #tpu.memory_space<vmem>> -> memref<128xi32, #tpu.memory_space<vmem>>
      %dma_start3A_282 = arith.constant 0 : i32
      %dma_start3A_283 = arith.constant 0 : i32
      %dma_start3A_284 = tpu.memref_slice %arg2[%dma_start3A_282, %dma_start3A_283] : memref<12500x64xf32, #tpu.memory_space<hbm>> -> memref<12500x64xf32, #tpu.memory_space<hbm>>
      tpu.enqueue_indirect_dma source(%dma_start3A_284 : memref<12500x64xf32, #tpu.memory_space<hbm>>) target(%dma_start3A_278 : memref<128x64xf32, #tpu.memory_space<vmem>>) offsets(%dma_start3A_281 : memref<128xi32, #tpu.memory_space<vmem>>) semaphore(%arg12 : memref<!tpu.dma_semaphore, #tpu.memory_space<semaphore_mem>>)
      %add3A_285 = arith.constant 2 : i32
      %add3A_286 = arith.addi %mul3A_222, %add3A_285 : i32
      %dma_wait3A_287 = arith.constant 2 : i32
      %dma_wait3A_288 = arith.constant 0 : i32
      %dma_wait3A_289 = arith.constant 0 : i32
      %dma_wait3A_290 = tpu.memref_slice %arg9[%dma_wait3A_287, %dma_wait3A_288, %dma_wait3A_289] : memref<8x128x64xf32, #tpu.memory_space<vmem>> -> memref<1x128x64xf32, #tpu.memory_space<vmem>>
      %dma_wait3A_291 = tpu.memref_squeeze %dma_wait3A_290 : memref<1x128x64xf32, #tpu.memory_space<vmem>> -> memref<128x64xf32, #tpu.memory_space<vmem>>
      %dma_wait3A_292 = arith.constant 0 : i32
      %dma_wait3A_293 = tpu.memref_slice %arg7[%add3A_286, %dma_wait3A_292] : memref<56x128xi32, #tpu.memory_space<vmem>> -> memref<1x128xi32, #tpu.memory_space<vmem>>
      %dma_wait3A_294 = tpu.memref_squeeze %dma_wait3A_293 : memref<1x128xi32, #tpu.memory_space<vmem>> -> memref<128xi32, #tpu.memory_space<vmem>>
      %dma_wait3A_295 = arith.constant 0 : i32
      %dma_wait3A_296 = arith.constant 0 : i32
      %dma_wait3A_297 = tpu.memref_slice %arg2[%dma_wait3A_295, %dma_wait3A_296] : memref<12500x64xf32, #tpu.memory_space<hbm>> -> memref<12500x64xf32, #tpu.memory_space<hbm>>
      tpu.wait_indirect_dma semaphore(%arg13 : memref<!tpu.dma_semaphore, #tpu.memory_space<semaphore_mem>>) src(%dma_wait3A_297 : memref<12500x64xf32, #tpu.memory_space<hbm>>) dst(%dma_wait3A_291 : memref<128x64xf32, #tpu.memory_space<vmem>>)
      %add3A_298 = arith.constant 2 : i32
      %add3A_299 = arith.addi %mul3A_222, %add3A_298 : i32
      %run_scoped3A_300 = arith.constant 2 : i32
      "tpu.region"() ({
        %run_scoped3A_471 = tpu.sem_alloc : memref<!tpu.dma_semaphore, #tpu.memory_space<semaphore_mem>>
        %dma_start3A_472 = arith.constant 0 : i32
        %dma_start3A_473 = arith.constant 0 : i32
        %dma_start3A_474 = tpu.memref_slice %arg9[%run_scoped3A_300, %dma_start3A_472, %dma_start3A_473] : memref<8x128x64xf32, #tpu.memory_space<vmem>> -> memref<1x128x64xf32, #tpu.memory_space<vmem>>
        %dma_start3A_475 = tpu.memref_squeeze %dma_start3A_474 : memref<1x128x64xf32, #tpu.memory_space<vmem>> -> memref<128x64xf32, #tpu.memory_space<vmem>>
        %dma_start3A_476 = arith.constant 0 : i32
        %dma_start3A_477 = tpu.memref_slice %arg8[%add3A_299, %dma_start3A_476] : memref<56x128xi32, #tpu.memory_space<vmem>> -> memref<1x128xi32, #tpu.memory_space<vmem>>
        %dma_start3A_478 = tpu.memref_squeeze %dma_start3A_477 : memref<1x128xi32, #tpu.memory_space<vmem>> -> memref<128xi32, #tpu.memory_space<vmem>>
        %dma_start3A_479 = arith.constant 0 : i32
        %dma_start3A_480 = arith.constant 0 : i32
        %dma_start3A_481 = tpu.memref_slice %arg10[%dma_start3A_479, %dma_start3A_480] : memref<12544x64xf32, #tpu.memory_space<vmem_shared>> -> memref<12544x64xf32, #tpu.memory_space<vmem_shared>>
        tpu.enqueue_indirect_dma source(%dma_start3A_475 : memref<128x64xf32, #tpu.memory_space<vmem>>) target(%dma_start3A_481 : memref<12544x64xf32, #tpu.memory_space<vmem_shared>>) offsets(%dma_start3A_478 : memref<128xi32, #tpu.memory_space<vmem>>) semaphore(%run_scoped3A_471 : memref<!tpu.dma_semaphore, #tpu.memory_space<semaphore_mem>>) {add = true}
        %dma_wait3A_482 = arith.constant 0 : i32
        %dma_wait3A_483 = arith.constant 0 : i32
        %dma_wait3A_484 = tpu.memref_slice %arg9[%run_scoped3A_300, %dma_wait3A_482, %dma_wait3A_483] : memref<8x128x64xf32, #tpu.memory_space<vmem>> -> memref<1x128x64xf32, #tpu.memory_space<vmem>>
        %dma_wait3A_485 = tpu.memref_squeeze %dma_wait3A_484 : memref<1x128x64xf32, #tpu.memory_space<vmem>> -> memref<128x64xf32, #tpu.memory_space<vmem>>
        %dma_wait3A_486 = arith.constant 0 : i32
        %dma_wait3A_487 = tpu.memref_slice %arg8[%add3A_299, %dma_wait3A_486] : memref<56x128xi32, #tpu.memory_space<vmem>> -> memref<1x128xi32, #tpu.memory_space<vmem>>
        %dma_wait3A_488 = tpu.memref_squeeze %dma_wait3A_487 : memref<1x128xi32, #tpu.memory_space<vmem>> -> memref<128xi32, #tpu.memory_space<vmem>>
        %dma_wait3A_489 = arith.constant 0 : i32
        %dma_wait3A_490 = arith.constant 0 : i32
        %dma_wait3A_491 = tpu.memref_slice %arg10[%dma_wait3A_489, %dma_wait3A_490] : memref<12544x64xf32, #tpu.memory_space<vmem_shared>> -> memref<12544x64xf32, #tpu.memory_space<vmem_shared>>
        tpu.wait_indirect_dma semaphore(%run_scoped3A_471 : memref<!tpu.dma_semaphore, #tpu.memory_space<semaphore_mem>>) src(%dma_wait3A_485 : memref<128x64xf32, #tpu.memory_space<vmem>>) dst(%dma_wait3A_491 : memref<12544x64xf32, #tpu.memory_space<vmem_shared>>)
        tpu.yield
      }) : () -> ()
      %add3A_301 = arith.constant 2 : i32
      %add3A_302 = arith.addi %mul3A_222, %add3A_301 : i32
      %add3A_303 = arith.constant 8 : i32
      %add3A_304 = arith.addi %add3A_302, %add3A_303 : i32
      %dma_start3A_305 = arith.constant 2 : i32
      %dma_start3A_306 = arith.constant 0 : i32
      %dma_start3A_307 = arith.constant 0 : i32
      %dma_start3A_308 = tpu.memref_slice %arg9[%dma_start3A_305, %dma_start3A_306, %dma_start3A_307] : memref<8x128x64xf32, #tpu.memory_space<vmem>> -> memref<1x128x64xf32, #tpu.memory_space<vmem>>
      %dma_start3A_309 = tpu.memref_squeeze %dma_start3A_308 : memref<1x128x64xf32, #tpu.memory_space<vmem>> -> memref<128x64xf32, #tpu.memory_space<vmem>>
      %dma_start3A_310 = arith.constant 0 : i32
      %dma_start3A_311 = tpu.memref_slice %arg7[%add3A_304, %dma_start3A_310] : memref<56x128xi32, #tpu.memory_space<vmem>> -> memref<1x128xi32, #tpu.memory_space<vmem>>
      %dma_start3A_312 = tpu.memref_squeeze %dma_start3A_311 : memref<1x128xi32, #tpu.memory_space<vmem>> -> memref<128xi32, #tpu.memory_space<vmem>>
      %dma_start3A_313 = arith.constant 0 : i32
      %dma_start3A_314 = arith.constant 0 : i32
      %dma_start3A_315 = tpu.memref_slice %arg2[%dma_start3A_313, %dma_start3A_314] : memref<12500x64xf32, #tpu.memory_space<hbm>> -> memref<12500x64xf32, #tpu.memory_space<hbm>>
      tpu.enqueue_indirect_dma source(%dma_start3A_315 : memref<12500x64xf32, #tpu.memory_space<hbm>>) target(%dma_start3A_309 : memref<128x64xf32, #tpu.memory_space<vmem>>) offsets(%dma_start3A_312 : memref<128xi32, #tpu.memory_space<vmem>>) semaphore(%arg13 : memref<!tpu.dma_semaphore, #tpu.memory_space<semaphore_mem>>)
      %add3A_316 = arith.constant 3 : i32
      %add3A_317 = arith.addi %mul3A_222, %add3A_316 : i32
      %dma_wait3A_318 = arith.constant 3 : i32
      %dma_wait3A_319 = arith.constant 0 : i32
      %dma_wait3A_320 = arith.constant 0 : i32
      %dma_wait3A_321 = tpu.memref_slice %arg9[%dma_wait3A_318, %dma_wait3A_319, %dma_wait3A_320] : memref<8x128x64xf32, #tpu.memory_space<vmem>> -> memref<1x128x64xf32, #tpu.memory_space<vmem>>
      %dma_wait3A_322 = tpu.memref_squeeze %dma_wait3A_321 : memref<1x128x64xf32, #tpu.memory_space<vmem>> -> memref<128x64xf32, #tpu.memory_space<vmem>>
      %dma_wait3A_323 = arith.constant 0 : i32
      %dma_wait3A_324 = tpu.memref_slice %arg7[%add3A_317, %dma_wait3A_323] : memref<56x128xi32, #tpu.memory_space<vmem>> -> memref<1x128xi32, #tpu.memory_space<vmem>>
      %dma_wait3A_325 = tpu.memref_squeeze %dma_wait3A_324 : memref<1x128xi32, #tpu.memory_space<vmem>> -> memref<128xi32, #tpu.memory_space<vmem>>
      %dma_wait3A_326 = arith.constant 0 : i32
      %dma_wait3A_327 = arith.constant 0 : i32
      %dma_wait3A_328 = tpu.memref_slice %arg2[%dma_wait3A_326, %dma_wait3A_327] : memref<12500x64xf32, #tpu.memory_space<hbm>> -> memref<12500x64xf32, #tpu.memory_space<hbm>>
      tpu.wait_indirect_dma semaphore(%arg14 : memref<!tpu.dma_semaphore, #tpu.memory_space<semaphore_mem>>) src(%dma_wait3A_328 : memref<12500x64xf32, #tpu.memory_space<hbm>>) dst(%dma_wait3A_322 : memref<128x64xf32, #tpu.memory_space<vmem>>)
      %add3A_329 = arith.constant 3 : i32
      %add3A_330 = arith.addi %mul3A_222, %add3A_329 : i32
      %run_scoped3A_331 = arith.constant 3 : i32
      "tpu.region"() ({
        %run_scoped3A_471 = tpu.sem_alloc : memref<!tpu.dma_semaphore, #tpu.memory_space<semaphore_mem>>
        %dma_start3A_472 = arith.constant 0 : i32
        %dma_start3A_473 = arith.constant 0 : i32
        %dma_start3A_474 = tpu.memref_slice %arg9[%run_scoped3A_331, %dma_start3A_472, %dma_start3A_473] : memref<8x128x64xf32, #tpu.memory_space<vmem>> -> memref<1x128x64xf32, #tpu.memory_space<vmem>>
        %dma_start3A_475 = tpu.memref_squeeze %dma_start3A_474 : memref<1x128x64xf32, #tpu.memory_space<vmem>> -> memref<128x64xf32, #tpu.memory_space<vmem>>
        %dma_start3A_476 = arith.constant 0 : i32
        %dma_start3A_477 = tpu.memref_slice %arg8[%add3A_330, %dma_start3A_476] : memref<56x128xi32, #tpu.memory_space<vmem>> -> memref<1x128xi32, #tpu.memory_space<vmem>>
        %dma_start3A_478 = tpu.memref_squeeze %dma_start3A_477 : memref<1x128xi32, #tpu.memory_space<vmem>> -> memref<128xi32, #tpu.memory_space<vmem>>
        %dma_start3A_479 = arith.constant 0 : i32
        %dma_start3A_480 = arith.constant 0 : i32
        %dma_start3A_481 = tpu.memref_slice %arg10[%dma_start3A_479, %dma_start3A_480] : memref<12544x64xf32, #tpu.memory_space<vmem_shared>> -> memref<12544x64xf32, #tpu.memory_space<vmem_shared>>
        tpu.enqueue_indirect_dma source(%dma_start3A_475 : memref<128x64xf32, #tpu.memory_space<vmem>>) target(%dma_start3A_481 : memref<12544x64xf32, #tpu.memory_space<vmem_shared>>) offsets(%dma_start3A_478 : memref<128xi32, #tpu.memory_space<vmem>>) semaphore(%run_scoped3A_471 : memref<!tpu.dma_semaphore, #tpu.memory_space<semaphore_mem>>) {add = true}
        %dma_wait3A_482 = arith.constant 0 : i32
        %dma_wait3A_483 = arith.constant 0 : i32
        %dma_wait3A_484 = tpu.memref_slice %arg9[%run_scoped3A_331, %dma_wait3A_482, %dma_wait3A_483] : memref<8x128x64xf32, #tpu.memory_space<vmem>> -> memref<1x128x64xf32, #tpu.memory_space<vmem>>
        %dma_wait3A_485 = tpu.memref_squeeze %dma_wait3A_484 : memref<1x128x64xf32, #tpu.memory_space<vmem>> -> memref<128x64xf32, #tpu.memory_space<vmem>>
        %dma_wait3A_486 = arith.constant 0 : i32
        %dma_wait3A_487 = tpu.memref_slice %arg8[%add3A_330, %dma_wait3A_486] : memref<56x128xi32, #tpu.memory_space<vmem>> -> memref<1x128xi32, #tpu.memory_space<vmem>>
        %dma_wait3A_488 = tpu.memref_squeeze %dma_wait3A_487 : memref<1x128xi32, #tpu.memory_space<vmem>> -> memref<128xi32, #tpu.memory_space<vmem>>
        %dma_wait3A_489 = arith.constant 0 : i32
        %dma_wait3A_490 = arith.constant 0 : i32
        %dma_wait3A_491 = tpu.memref_slice %arg10[%dma_wait3A_489, %dma_wait3A_490] : memref<12544x64xf32, #tpu.memory_space<vmem_shared>> -> memref<12544x64xf32, #tpu.memory_space<vmem_shared>>
        tpu.wait_indirect_dma semaphore(%run_scoped3A_471 : memref<!tpu.dma_semaphore, #tpu.memory_space<semaphore_mem>>) src(%dma_wait3A_485 : memref<128x64xf32, #tpu.memory_space<vmem>>) dst(%dma_wait3A_491 : memref<12544x64xf32, #tpu.memory_space<vmem_shared>>)
        tpu.yield
      }) : () -> ()
      %add3A_332 = arith.constant 3 : i32
      %add3A_333 = arith.addi %mul3A_222, %add3A_332 : i32
      %add3A_334 = arith.constant 8 : i32
      %add3A_335 = arith.addi %add3A_333, %add3A_334 : i32
      %dma_start3A_336 = arith.constant 3 : i32
      %dma_start3A_337 = arith.constant 0 : i32
      %dma_start3A_338 = arith.constant 0 : i32
      %dma_start3A_339 = tpu.memref_slice %arg9[%dma_start3A_336, %dma_start3A_337, %dma_start3A_338] : memref<8x128x64xf32, #tpu.memory_space<vmem>> -> memref<1x128x64xf32, #tpu.memory_space<vmem>>
      %dma_start3A_340 = tpu.memref_squeeze %dma_start3A_339 : memref<1x128x64xf32, #tpu.memory_space<vmem>> -> memref<128x64xf32, #tpu.memory_space<vmem>>
      %dma_start3A_341 = arith.constant 0 : i32
      %dma_start3A_342 = tpu.memref_slice %arg7[%add3A_335, %dma_start3A_341] : memref<56x128xi32, #tpu.memory_space<vmem>> -> memref<1x128xi32, #tpu.memory_space<vmem>>
      %dma_start3A_343 = tpu.memref_squeeze %dma_start3A_342 : memref<1x128xi32, #tpu.memory_space<vmem>> -> memref<128xi32, #tpu.memory_space<vmem>>
      %dma_start3A_344 = arith.constant 0 : i32
      %dma_start3A_345 = arith.constant 0 : i32
      %dma_start3A_346 = tpu.memref_slice %arg2[%dma_start3A_344, %dma_start3A_345] : memref<12500x64xf32, #tpu.memory_space<hbm>> -> memref<12500x64xf32, #tpu.memory_space<hbm>>
      tpu.enqueue_indirect_dma source(%dma_start3A_346 : memref<12500x64xf32, #tpu.memory_space<hbm>>) target(%dma_start3A_340 : memref<128x64xf32, #tpu.memory_space<vmem>>) offsets(%dma_start3A_343 : memref<128xi32, #tpu.memory_space<vmem>>) semaphore(%arg14 : memref<!tpu.dma_semaphore, #tpu.memory_space<semaphore_mem>>)
      %add3A_347 = arith.constant 4 : i32
      %add3A_348 = arith.addi %mul3A_222, %add3A_347 : i32
      %dma_wait3A_349 = arith.constant 4 : i32
      %dma_wait3A_350 = arith.constant 0 : i32
      %dma_wait3A_351 = arith.constant 0 : i32
      %dma_wait3A_352 = tpu.memref_slice %arg9[%dma_wait3A_349, %dma_wait3A_350, %dma_wait3A_351] : memref<8x128x64xf32, #tpu.memory_space<vmem>> -> memref<1x128x64xf32, #tpu.memory_space<vmem>>
      %dma_wait3A_353 = tpu.memref_squeeze %dma_wait3A_352 : memref<1x128x64xf32, #tpu.memory_space<vmem>> -> memref<128x64xf32, #tpu.memory_space<vmem>>
      %dma_wait3A_354 = arith.constant 0 : i32
      %dma_wait3A_355 = tpu.memref_slice %arg7[%add3A_348, %dma_wait3A_354] : memref<56x128xi32, #tpu.memory_space<vmem>> -> memref<1x128xi32, #tpu.memory_space<vmem>>
      %dma_wait3A_356 = tpu.memref_squeeze %dma_wait3A_355 : memref<1x128xi32, #tpu.memory_space<vmem>> -> memref<128xi32, #tpu.memory_space<vmem>>
      %dma_wait3A_357 = arith.constant 0 : i32
      %dma_wait3A_358 = arith.constant 0 : i32
      %dma_wait3A_359 = tpu.memref_slice %arg2[%dma_wait3A_357, %dma_wait3A_358] : memref<12500x64xf32, #tpu.memory_space<hbm>> -> memref<12500x64xf32, #tpu.memory_space<hbm>>
      tpu.wait_indirect_dma semaphore(%arg15 : memref<!tpu.dma_semaphore, #tpu.memory_space<semaphore_mem>>) src(%dma_wait3A_359 : memref<12500x64xf32, #tpu.memory_space<hbm>>) dst(%dma_wait3A_353 : memref<128x64xf32, #tpu.memory_space<vmem>>)
      %add3A_360 = arith.constant 4 : i32
      %add3A_361 = arith.addi %mul3A_222, %add3A_360 : i32
      %run_scoped3A_362 = arith.constant 4 : i32
      "tpu.region"() ({
        %run_scoped3A_471 = tpu.sem_alloc : memref<!tpu.dma_semaphore, #tpu.memory_space<semaphore_mem>>
        %dma_start3A_472 = arith.constant 0 : i32
        %dma_start3A_473 = arith.constant 0 : i32
        %dma_start3A_474 = tpu.memref_slice %arg9[%run_scoped3A_362, %dma_start3A_472, %dma_start3A_473] : memref<8x128x64xf32, #tpu.memory_space<vmem>> -> memref<1x128x64xf32, #tpu.memory_space<vmem>>
        %dma_start3A_475 = tpu.memref_squeeze %dma_start3A_474 : memref<1x128x64xf32, #tpu.memory_space<vmem>> -> memref<128x64xf32, #tpu.memory_space<vmem>>
        %dma_start3A_476 = arith.constant 0 : i32
        %dma_start3A_477 = tpu.memref_slice %arg8[%add3A_361, %dma_start3A_476] : memref<56x128xi32, #tpu.memory_space<vmem>> -> memref<1x128xi32, #tpu.memory_space<vmem>>
        %dma_start3A_478 = tpu.memref_squeeze %dma_start3A_477 : memref<1x128xi32, #tpu.memory_space<vmem>> -> memref<128xi32, #tpu.memory_space<vmem>>
        %dma_start3A_479 = arith.constant 0 : i32
        %dma_start3A_480 = arith.constant 0 : i32
        %dma_start3A_481 = tpu.memref_slice %arg10[%dma_start3A_479, %dma_start3A_480] : memref<12544x64xf32, #tpu.memory_space<vmem_shared>> -> memref<12544x64xf32, #tpu.memory_space<vmem_shared>>
        tpu.enqueue_indirect_dma source(%dma_start3A_475 : memref<128x64xf32, #tpu.memory_space<vmem>>) target(%dma_start3A_481 : memref<12544x64xf32, #tpu.memory_space<vmem_shared>>) offsets(%dma_start3A_478 : memref<128xi32, #tpu.memory_space<vmem>>) semaphore(%run_scoped3A_471 : memref<!tpu.dma_semaphore, #tpu.memory_space<semaphore_mem>>) {add = true}
        %dma_wait3A_482 = arith.constant 0 : i32
        %dma_wait3A_483 = arith.constant 0 : i32
        %dma_wait3A_484 = tpu.memref_slice %arg9[%run_scoped3A_362, %dma_wait3A_482, %dma_wait3A_483] : memref<8x128x64xf32, #tpu.memory_space<vmem>> -> memref<1x128x64xf32, #tpu.memory_space<vmem>>
        %dma_wait3A_485 = tpu.memref_squeeze %dma_wait3A_484 : memref<1x128x64xf32, #tpu.memory_space<vmem>> -> memref<128x64xf32, #tpu.memory_space<vmem>>
        %dma_wait3A_486 = arith.constant 0 : i32
        %dma_wait3A_487 = tpu.memref_slice %arg8[%add3A_361, %dma_wait3A_486] : memref<56x128xi32, #tpu.memory_space<vmem>> -> memref<1x128xi32, #tpu.memory_space<vmem>>
        %dma_wait3A_488 = tpu.memref_squeeze %dma_wait3A_487 : memref<1x128xi32, #tpu.memory_space<vmem>> -> memref<128xi32, #tpu.memory_space<vmem>>
        %dma_wait3A_489 = arith.constant 0 : i32
        %dma_wait3A_490 = arith.constant 0 : i32
        %dma_wait3A_491 = tpu.memref_slice %arg10[%dma_wait3A_489, %dma_wait3A_490] : memref<12544x64xf32, #tpu.memory_space<vmem_shared>> -> memref<12544x64xf32, #tpu.memory_space<vmem_shared>>
        tpu.wait_indirect_dma semaphore(%run_scoped3A_471 : memref<!tpu.dma_semaphore, #tpu.memory_space<semaphore_mem>>) src(%dma_wait3A_485 : memref<128x64xf32, #tpu.memory_space<vmem>>) dst(%dma_wait3A_491 : memref<12544x64xf32, #tpu.memory_space<vmem_shared>>)
        tpu.yield
      }) : () -> ()
      %add3A_363 = arith.constant 4 : i32
      %add3A_364 = arith.addi %mul3A_222, %add3A_363 : i32
      %add3A_365 = arith.constant 8 : i32
      %add3A_366 = arith.addi %add3A_364, %add3A_365 : i32
      %dma_start3A_367 = arith.constant 4 : i32
      %dma_start3A_368 = arith.constant 0 : i32
      %dma_start3A_369 = arith.constant 0 : i32
      %dma_start3A_370 = tpu.memref_slice %arg9[%dma_start3A_367, %dma_start3A_368, %dma_start3A_369] : memref<8x128x64xf32, #tpu.memory_space<vmem>> -> memref<1x128x64xf32, #tpu.memory_space<vmem>>
      %dma_start3A_371 = tpu.memref_squeeze %dma_start3A_370 : memref<1x128x64xf32, #tpu.memory_space<vmem>> -> memref<128x64xf32, #tpu.memory_space<vmem>>
      %dma_start3A_372 = arith.constant 0 : i32
      %dma_start3A_373 = tpu.memref_slice %arg7[%add3A_366, %dma_start3A_372] : memref<56x128xi32, #tpu.memory_space<vmem>> -> memref<1x128xi32, #tpu.memory_space<vmem>>
      %dma_start3A_374 = tpu.memref_squeeze %dma_start3A_373 : memref<1x128xi32, #tpu.memory_space<vmem>> -> memref<128xi32, #tpu.memory_space<vmem>>
      %dma_start3A_375 = arith.constant 0 : i32
      %dma_start3A_376 = arith.constant 0 : i32
      %dma_start3A_377 = tpu.memref_slice %arg2[%dma_start3A_375, %dma_start3A_376] : memref<12500x64xf32, #tpu.memory_space<hbm>> -> memref<12500x64xf32, #tpu.memory_space<hbm>>
      tpu.enqueue_indirect_dma source(%dma_start3A_377 : memref<12500x64xf32, #tpu.memory_space<hbm>>) target(%dma_start3A_371 : memref<128x64xf32, #tpu.memory_space<vmem>>) offsets(%dma_start3A_374 : memref<128xi32, #tpu.memory_space<vmem>>) semaphore(%arg15 : memref<!tpu.dma_semaphore, #tpu.memory_space<semaphore_mem>>)
      %add3A_378 = arith.constant 5 : i32
      %add3A_379 = arith.addi %mul3A_222, %add3A_378 : i32
      %dma_wait3A_380 = arith.constant 5 : i32
      %dma_wait3A_381 = arith.constant 0 : i32
      %dma_wait3A_382 = arith.constant 0 : i32
      %dma_wait3A_383 = tpu.memref_slice %arg9[%dma_wait3A_380, %dma_wait3A_381, %dma_wait3A_382] : memref<8x128x64xf32, #tpu.memory_space<vmem>> -> memref<1x128x64xf32, #tpu.memory_space<vmem>>
      %dma_wait3A_384 = tpu.memref_squeeze %dma_wait3A_383 : memref<1x128x64xf32, #tpu.memory_space<vmem>> -> memref<128x64xf32, #tpu.memory_space<vmem>>
      %dma_wait3A_385 = arith.constant 0 : i32
      %dma_wait3A_386 = tpu.memref_slice %arg7[%add3A_379, %dma_wait3A_385] : memref<56x128xi32, #tpu.memory_space<vmem>> -> memref<1x128xi32, #tpu.memory_space<vmem>>
      %dma_wait3A_387 = tpu.memref_squeeze %dma_wait3A_386 : memref<1x128xi32, #tpu.memory_space<vmem>> -> memref<128xi32, #tpu.memory_space<vmem>>
      %dma_wait3A_388 = arith.constant 0 : i32
      %dma_wait3A_389 = arith.constant 0 : i32
      %dma_wait3A_390 = tpu.memref_slice %arg2[%dma_wait3A_388, %dma_wait3A_389] : memref<12500x64xf32, #tpu.memory_space<hbm>> -> memref<12500x64xf32, #tpu.memory_space<hbm>>
      tpu.wait_indirect_dma semaphore(%arg16 : memref<!tpu.dma_semaphore, #tpu.memory_space<semaphore_mem>>) src(%dma_wait3A_390 : memref<12500x64xf32, #tpu.memory_space<hbm>>) dst(%dma_wait3A_384 : memref<128x64xf32, #tpu.memory_space<vmem>>)
      %add3A_391 = arith.constant 5 : i32
      %add3A_392 = arith.addi %mul3A_222, %add3A_391 : i32
      %run_scoped3A_393 = arith.constant 5 : i32
      "tpu.region"() ({
        %run_scoped3A_471 = tpu.sem_alloc : memref<!tpu.dma_semaphore, #tpu.memory_space<semaphore_mem>>
        %dma_start3A_472 = arith.constant 0 : i32
        %dma_start3A_473 = arith.constant 0 : i32
        %dma_start3A_474 = tpu.memref_slice %arg9[%run_scoped3A_393, %dma_start3A_472, %dma_start3A_473] : memref<8x128x64xf32, #tpu.memory_space<vmem>> -> memref<1x128x64xf32, #tpu.memory_space<vmem>>
        %dma_start3A_475 = tpu.memref_squeeze %dma_start3A_474 : memref<1x128x64xf32, #tpu.memory_space<vmem>> -> memref<128x64xf32, #tpu.memory_space<vmem>>
        %dma_start3A_476 = arith.constant 0 : i32
        %dma_start3A_477 = tpu.memref_slice %arg8[%add3A_392, %dma_start3A_476] : memref<56x128xi32, #tpu.memory_space<vmem>> -> memref<1x128xi32, #tpu.memory_space<vmem>>
        %dma_start3A_478 = tpu.memref_squeeze %dma_start3A_477 : memref<1x128xi32, #tpu.memory_space<vmem>> -> memref<128xi32, #tpu.memory_space<vmem>>
        %dma_start3A_479 = arith.constant 0 : i32
        %dma_start3A_480 = arith.constant 0 : i32
        %dma_start3A_481 = tpu.memref_slice %arg10[%dma_start3A_479, %dma_start3A_480] : memref<12544x64xf32, #tpu.memory_space<vmem_shared>> -> memref<12544x64xf32, #tpu.memory_space<vmem_shared>>
        tpu.enqueue_indirect_dma source(%dma_start3A_475 : memref<128x64xf32, #tpu.memory_space<vmem>>) target(%dma_start3A_481 : memref<12544x64xf32, #tpu.memory_space<vmem_shared>>) offsets(%dma_start3A_478 : memref<128xi32, #tpu.memory_space<vmem>>) semaphore(%run_scoped3A_471 : memref<!tpu.dma_semaphore, #tpu.memory_space<semaphore_mem>>) {add = true}
        %dma_wait3A_482 = arith.constant 0 : i32
        %dma_wait3A_483 = arith.constant 0 : i32
        %dma_wait3A_484 = tpu.memref_slice %arg9[%run_scoped3A_393, %dma_wait3A_482, %dma_wait3A_483] : memref<8x128x64xf32, #tpu.memory_space<vmem>> -> memref<1x128x64xf32, #tpu.memory_space<vmem>>
        %dma_wait3A_485 = tpu.memref_squeeze %dma_wait3A_484 : memref<1x128x64xf32, #tpu.memory_space<vmem>> -> memref<128x64xf32, #tpu.memory_space<vmem>>
        %dma_wait3A_486 = arith.constant 0 : i32
        %dma_wait3A_487 = tpu.memref_slice %arg8[%add3A_392, %dma_wait3A_486] : memref<56x128xi32, #tpu.memory_space<vmem>> -> memref<1x128xi32, #tpu.memory_space<vmem>>
        %dma_wait3A_488 = tpu.memref_squeeze %dma_wait3A_487 : memref<1x128xi32, #tpu.memory_space<vmem>> -> memref<128xi32, #tpu.memory_space<vmem>>
        %dma_wait3A_489 = arith.constant 0 : i32
        %dma_wait3A_490 = arith.constant 0 : i32
        %dma_wait3A_491 = tpu.memref_slice %arg10[%dma_wait3A_489, %dma_wait3A_490] : memref<12544x64xf32, #tpu.memory_space<vmem_shared>> -> memref<12544x64xf32, #tpu.memory_space<vmem_shared>>
        tpu.wait_indirect_dma semaphore(%run_scoped3A_471 : memref<!tpu.dma_semaphore, #tpu.memory_space<semaphore_mem>>) src(%dma_wait3A_485 : memref<128x64xf32, #tpu.memory_space<vmem>>) dst(%dma_wait3A_491 : memref<12544x64xf32, #tpu.memory_space<vmem_shared>>)
        tpu.yield
      }) : () -> ()
      %add3A_394 = arith.constant 5 : i32
      %add3A_395 = arith.addi %mul3A_222, %add3A_394 : i32
      %add3A_396 = arith.constant 8 : i32
      %add3A_397 = arith.addi %add3A_395, %add3A_396 : i32
      %dma_start3A_398 = arith.constant 5 : i32
      %dma_start3A_399 = arith.constant 0 : i32
      %dma_start3A_400 = arith.constant 0 : i32
      %dma_start3A_401 = tpu.memref_slice %arg9[%dma_start3A_398, %dma_start3A_399, %dma_start3A_400] : memref<8x128x64xf32, #tpu.memory_space<vmem>> -> memref<1x128x64xf32, #tpu.memory_space<vmem>>
      %dma_start3A_402 = tpu.memref_squeeze %dma_start3A_401 : memref<1x128x64xf32, #tpu.memory_space<vmem>> -> memref<128x64xf32, #tpu.memory_space<vmem>>
      %dma_start3A_403 = arith.constant 0 : i32
      %dma_start3A_404 = tpu.memref_slice %arg7[%add3A_397, %dma_start3A_403] : memref<56x128xi32, #tpu.memory_space<vmem>> -> memref<1x128xi32, #tpu.memory_space<vmem>>
      %dma_start3A_405 = tpu.memref_squeeze %dma_start3A_404 : memref<1x128xi32, #tpu.memory_space<vmem>> -> memref<128xi32, #tpu.memory_space<vmem>>
      %dma_start3A_406 = arith.constant 0 : i32
      %dma_start3A_407 = arith.constant 0 : i32
      %dma_start3A_408 = tpu.memref_slice %arg2[%dma_start3A_406, %dma_start3A_407] : memref<12500x64xf32, #tpu.memory_space<hbm>> -> memref<12500x64xf32, #tpu.memory_space<hbm>>
      tpu.enqueue_indirect_dma source(%dma_start3A_408 : memref<12500x64xf32, #tpu.memory_space<hbm>>) target(%dma_start3A_402 : memref<128x64xf32, #tpu.memory_space<vmem>>) offsets(%dma_start3A_405 : memref<128xi32, #tpu.memory_space<vmem>>) semaphore(%arg16 : memref<!tpu.dma_semaphore, #tpu.memory_space<semaphore_mem>>)
      %add3A_409 = arith.constant 6 : i32
      %add3A_410 = arith.addi %mul3A_222, %add3A_409 : i32
      %dma_wait3A_411 = arith.constant 6 : i32
      %dma_wait3A_412 = arith.constant 0 : i32
      %dma_wait3A_413 = arith.constant 0 : i32
      %dma_wait3A_414 = tpu.memref_slice %arg9[%dma_wait3A_411, %dma_wait3A_412, %dma_wait3A_413] : memref<8x128x64xf32, #tpu.memory_space<vmem>> -> memref<1x128x64xf32, #tpu.memory_space<vmem>>
      %dma_wait3A_415 = tpu.memref_squeeze %dma_wait3A_414 : memref<1x128x64xf32, #tpu.memory_space<vmem>> -> memref<128x64xf32, #tpu.memory_space<vmem>>
      %dma_wait3A_416 = arith.constant 0 : i32
      %dma_wait3A_417 = tpu.memref_slice %arg7[%add3A_410, %dma_wait3A_416] : memref<56x128xi32, #tpu.memory_space<vmem>> -> memref<1x128xi32, #tpu.memory_space<vmem>>
      %dma_wait3A_418 = tpu.memref_squeeze %dma_wait3A_417 : memref<1x128xi32, #tpu.memory_space<vmem>> -> memref<128xi32, #tpu.memory_space<vmem>>
      %dma_wait3A_419 = arith.constant 0 : i32
      %dma_wait3A_420 = arith.constant 0 : i32
      %dma_wait3A_421 = tpu.memref_slice %arg2[%dma_wait3A_419, %dma_wait3A_420] : memref<12500x64xf32, #tpu.memory_space<hbm>> -> memref<12500x64xf32, #tpu.memory_space<hbm>>
      tpu.wait_indirect_dma semaphore(%arg17 : memref<!tpu.dma_semaphore, #tpu.memory_space<semaphore_mem>>) src(%dma_wait3A_421 : memref<12500x64xf32, #tpu.memory_space<hbm>>) dst(%dma_wait3A_415 : memref<128x64xf32, #tpu.memory_space<vmem>>)
      %add3A_422 = arith.constant 6 : i32
      %add3A_423 = arith.addi %mul3A_222, %add3A_422 : i32
      %run_scoped3A_424 = arith.constant 6 : i32
      "tpu.region"() ({
        %run_scoped3A_471 = tpu.sem_alloc : memref<!tpu.dma_semaphore, #tpu.memory_space<semaphore_mem>>
        %dma_start3A_472 = arith.constant 0 : i32
        %dma_start3A_473 = arith.constant 0 : i32
        %dma_start3A_474 = tpu.memref_slice %arg9[%run_scoped3A_424, %dma_start3A_472, %dma_start3A_473] : memref<8x128x64xf32, #tpu.memory_space<vmem>> -> memref<1x128x64xf32, #tpu.memory_space<vmem>>
        %dma_start3A_475 = tpu.memref_squeeze %dma_start3A_474 : memref<1x128x64xf32, #tpu.memory_space<vmem>> -> memref<128x64xf32, #tpu.memory_space<vmem>>
        %dma_start3A_476 = arith.constant 0 : i32
        %dma_start3A_477 = tpu.memref_slice %arg8[%add3A_423, %dma_start3A_476] : memref<56x128xi32, #tpu.memory_space<vmem>> -> memref<1x128xi32, #tpu.memory_space<vmem>>
        %dma_start3A_478 = tpu.memref_squeeze %dma_start3A_477 : memref<1x128xi32, #tpu.memory_space<vmem>> -> memref<128xi32, #tpu.memory_space<vmem>>
        %dma_start3A_479 = arith.constant 0 : i32
        %dma_start3A_480 = arith.constant 0 : i32
        %dma_start3A_481 = tpu.memref_slice %arg10[%dma_start3A_479, %dma_start3A_480] : memref<12544x64xf32, #tpu.memory_space<vmem_shared>> -> memref<12544x64xf32, #tpu.memory_space<vmem_shared>>
        tpu.enqueue_indirect_dma source(%dma_start3A_475 : memref<128x64xf32, #tpu.memory_space<vmem>>) target(%dma_start3A_481 : memref<12544x64xf32, #tpu.memory_space<vmem_shared>>) offsets(%dma_start3A_478 : memref<128xi32, #tpu.memory_space<vmem>>) semaphore(%run_scoped3A_471 : memref<!tpu.dma_semaphore, #tpu.memory_space<semaphore_mem>>) {add = true}
        %dma_wait3A_482 = arith.constant 0 : i32
        %dma_wait3A_483 = arith.constant 0 : i32
        %dma_wait3A_484 = tpu.memref_slice %arg9[%run_scoped3A_424, %dma_wait3A_482, %dma_wait3A_483] : memref<8x128x64xf32, #tpu.memory_space<vmem>> -> memref<1x128x64xf32, #tpu.memory_space<vmem>>
        %dma_wait3A_485 = tpu.memref_squeeze %dma_wait3A_484 : memref<1x128x64xf32, #tpu.memory_space<vmem>> -> memref<128x64xf32, #tpu.memory_space<vmem>>
        %dma_wait3A_486 = arith.constant 0 : i32
        %dma_wait3A_487 = tpu.memref_slice %arg8[%add3A_423, %dma_wait3A_486] : memref<56x128xi32, #tpu.memory_space<vmem>> -> memref<1x128xi32, #tpu.memory_space<vmem>>
        %dma_wait3A_488 = tpu.memref_squeeze %dma_wait3A_487 : memref<1x128xi32, #tpu.memory_space<vmem>> -> memref<128xi32, #tpu.memory_space<vmem>>
        %dma_wait3A_489 = arith.constant 0 : i32
        %dma_wait3A_490 = arith.constant 0 : i32
        %dma_wait3A_491 = tpu.memref_slice %arg10[%dma_wait3A_489, %dma_wait3A_490] : memref<12544x64xf32, #tpu.memory_space<vmem_shared>> -> memref<12544x64xf32, #tpu.memory_space<vmem_shared>>
        tpu.wait_indirect_dma semaphore(%run_scoped3A_471 : memref<!tpu.dma_semaphore, #tpu.memory_space<semaphore_mem>>) src(%dma_wait3A_485 : memref<128x64xf32, #tpu.memory_space<vmem>>) dst(%dma_wait3A_491 : memref<12544x64xf32, #tpu.memory_space<vmem_shared>>)
        tpu.yield
      }) : () -> ()
      %add3A_425 = arith.constant 6 : i32
      %add3A_426 = arith.addi %mul3A_222, %add3A_425 : i32
      %add3A_427 = arith.constant 8 : i32
      %add3A_428 = arith.addi %add3A_426, %add3A_427 : i32
      %dma_start3A_429 = arith.constant 6 : i32
      %dma_start3A_430 = arith.constant 0 : i32
      %dma_start3A_431 = arith.constant 0 : i32
      %dma_start3A_432 = tpu.memref_slice %arg9[%dma_start3A_429, %dma_start3A_430, %dma_start3A_431] : memref<8x128x64xf32, #tpu.memory_space<vmem>> -> memref<1x128x64xf32, #tpu.memory_space<vmem>>
      %dma_start3A_433 = tpu.memref_squeeze %dma_start3A_432 : memref<1x128x64xf32, #tpu.memory_space<vmem>> -> memref<128x64xf32, #tpu.memory_space<vmem>>
      %dma_start3A_434 = arith.constant 0 : i32
      %dma_start3A_435 = tpu.memref_slice %arg7[%add3A_428, %dma_start3A_434] : memref<56x128xi32, #tpu.memory_space<vmem>> -> memref<1x128xi32, #tpu.memory_space<vmem>>
      %dma_start3A_436 = tpu.memref_squeeze %dma_start3A_435 : memref<1x128xi32, #tpu.memory_space<vmem>> -> memref<128xi32, #tpu.memory_space<vmem>>
      %dma_start3A_437 = arith.constant 0 : i32
      %dma_start3A_438 = arith.constant 0 : i32
      %dma_start3A_439 = tpu.memref_slice %arg2[%dma_start3A_437, %dma_start3A_438] : memref<12500x64xf32, #tpu.memory_space<hbm>> -> memref<12500x64xf32, #tpu.memory_space<hbm>>
      tpu.enqueue_indirect_dma source(%dma_start3A_439 : memref<12500x64xf32, #tpu.memory_space<hbm>>) target(%dma_start3A_433 : memref<128x64xf32, #tpu.memory_space<vmem>>) offsets(%dma_start3A_436 : memref<128xi32, #tpu.memory_space<vmem>>) semaphore(%arg17 : memref<!tpu.dma_semaphore, #tpu.memory_space<semaphore_mem>>)
      %add3A_440 = arith.constant 7 : i32
      %add3A_441 = arith.addi %mul3A_222, %add3A_440 : i32
      %dma_wait3A_442 = arith.constant 7 : i32
      %dma_wait3A_443 = arith.constant 0 : i32
      %dma_wait3A_444 = arith.constant 0 : i32
      %dma_wait3A_445 = tpu.memref_slice %arg9[%dma_wait3A_442, %dma_wait3A_443, %dma_wait3A_444] : memref<8x128x64xf32, #tpu.memory_space<vmem>> -> memref<1x128x64xf32, #tpu.memory_space<vmem>>
      %dma_wait3A_446 = tpu.memref_squeeze %dma_wait3A_445 : memref<1x128x64xf32, #tpu.memory_space<vmem>> -> memref<128x64xf32, #tpu.memory_space<vmem>>
      %dma_wait3A_447 = arith.constant 0 : i32
      %dma_wait3A_448 = tpu.memref_slice %arg7[%add3A_441, %dma_wait3A_447] : memref<56x128xi32, #tpu.memory_space<vmem>> -> memref<1x128xi32, #tpu.memory_space<vmem>>
      %dma_wait3A_449 = tpu.memref_squeeze %dma_wait3A_448 : memref<1x128xi32, #tpu.memory_space<vmem>> -> memref<128xi32, #tpu.memory_space<vmem>>
      %dma_wait3A_450 = arith.constant 0 : i32
      %dma_wait3A_451 = arith.constant 0 : i32
      %dma_wait3A_452 = tpu.memref_slice %arg2[%dma_wait3A_450, %dma_wait3A_451] : memref<12500x64xf32, #tpu.memory_space<hbm>> -> memref<12500x64xf32, #tpu.memory_space<hbm>>
      tpu.wait_indirect_dma semaphore(%arg18 : memref<!tpu.dma_semaphore, #tpu.memory_space<semaphore_mem>>) src(%dma_wait3A_452 : memref<12500x64xf32, #tpu.memory_space<hbm>>) dst(%dma_wait3A_446 : memref<128x64xf32, #tpu.memory_space<vmem>>)
      %add3A_453 = arith.constant 7 : i32
      %add3A_454 = arith.addi %mul3A_222, %add3A_453 : i32
      %run_scoped3A_455 = arith.constant 7 : i32
      "tpu.region"() ({
        %run_scoped3A_471 = tpu.sem_alloc : memref<!tpu.dma_semaphore, #tpu.memory_space<semaphore_mem>>
        %dma_start3A_472 = arith.constant 0 : i32
        %dma_start3A_473 = arith.constant 0 : i32
        %dma_start3A_474 = tpu.memref_slice %arg9[%run_scoped3A_455, %dma_start3A_472, %dma_start3A_473] : memref<8x128x64xf32, #tpu.memory_space<vmem>> -> memref<1x128x64xf32, #tpu.memory_space<vmem>>
        %dma_start3A_475 = tpu.memref_squeeze %dma_start3A_474 : memref<1x128x64xf32, #tpu.memory_space<vmem>> -> memref<128x64xf32, #tpu.memory_space<vmem>>
        %dma_start3A_476 = arith.constant 0 : i32
        %dma_start3A_477 = tpu.memref_slice %arg8[%add3A_454, %dma_start3A_476] : memref<56x128xi32, #tpu.memory_space<vmem>> -> memref<1x128xi32, #tpu.memory_space<vmem>>
        %dma_start3A_478 = tpu.memref_squeeze %dma_start3A_477 : memref<1x128xi32, #tpu.memory_space<vmem>> -> memref<128xi32, #tpu.memory_space<vmem>>
        %dma_start3A_479 = arith.constant 0 : i32
        %dma_start3A_480 = arith.constant 0 : i32
        %dma_start3A_481 = tpu.memref_slice %arg10[%dma_start3A_479, %dma_start3A_480] : memref<12544x64xf32, #tpu.memory_space<vmem_shared>> -> memref<12544x64xf32, #tpu.memory_space<vmem_shared>>
        tpu.enqueue_indirect_dma source(%dma_start3A_475 : memref<128x64xf32, #tpu.memory_space<vmem>>) target(%dma_start3A_481 : memref<12544x64xf32, #tpu.memory_space<vmem_shared>>) offsets(%dma_start3A_478 : memref<128xi32, #tpu.memory_space<vmem>>) semaphore(%run_scoped3A_471 : memref<!tpu.dma_semaphore, #tpu.memory_space<semaphore_mem>>) {add = true}
        %dma_wait3A_482 = arith.constant 0 : i32
        %dma_wait3A_483 = arith.constant 0 : i32
        %dma_wait3A_484 = tpu.memref_slice %arg9[%run_scoped3A_455, %dma_wait3A_482, %dma_wait3A_483] : memref<8x128x64xf32, #tpu.memory_space<vmem>> -> memref<1x128x64xf32, #tpu.memory_space<vmem>>
        %dma_wait3A_485 = tpu.memref_squeeze %dma_wait3A_484 : memref<1x128x64xf32, #tpu.memory_space<vmem>> -> memref<128x64xf32, #tpu.memory_space<vmem>>
        %dma_wait3A_486 = arith.constant 0 : i32
        %dma_wait3A_487 = tpu.memref_slice %arg8[%add3A_454, %dma_wait3A_486] : memref<56x128xi32, #tpu.memory_space<vmem>> -> memref<1x128xi32, #tpu.memory_space<vmem>>
        %dma_wait3A_488 = tpu.memref_squeeze %dma_wait3A_487 : memref<1x128xi32, #tpu.memory_space<vmem>> -> memref<128xi32, #tpu.memory_space<vmem>>
        %dma_wait3A_489 = arith.constant 0 : i32
        %dma_wait3A_490 = arith.constant 0 : i32
        %dma_wait3A_491 = tpu.memref_slice %arg10[%dma_wait3A_489, %dma_wait3A_490] : memref<12544x64xf32, #tpu.memory_space<vmem_shared>> -> memref<12544x64xf32, #tpu.memory_space<vmem_shared>>
        tpu.wait_indirect_dma semaphore(%run_scoped3A_471 : memref<!tpu.dma_semaphore, #tpu.memory_space<semaphore_mem>>) src(%dma_wait3A_485 : memref<128x64xf32, #tpu.memory_space<vmem>>) dst(%dma_wait3A_491 : memref<12544x64xf32, #tpu.memory_space<vmem_shared>>)
        tpu.yield
      }) : () -> ()
      %add3A_456 = arith.constant 7 : i32
      %add3A_457 = arith.addi %mul3A_222, %add3A_456 : i32
      %add3A_458 = arith.constant 8 : i32
      %add3A_459 = arith.addi %add3A_457, %add3A_458 : i32
      %dma_start3A_460 = arith.constant 7 : i32
      %dma_start3A_461 = arith.constant 0 : i32
      %dma_start3A_462 = arith.constant 0 : i32
      %dma_start3A_463 = tpu.memref_slice %arg9[%dma_start3A_460, %dma_start3A_461, %dma_start3A_462] : memref<8x128x64xf32, #tpu.memory_space<vmem>> -> memref<1x128x64xf32, #tpu.memory_space<vmem>>
      %dma_start3A_464 = tpu.memref_squeeze %dma_start3A_463 : memref<1x128x64xf32, #tpu.memory_space<vmem>> -> memref<128x64xf32, #tpu.memory_space<vmem>>
      %dma_start3A_465 = arith.constant 0 : i32
      %dma_start3A_466 = tpu.memref_slice %arg7[%add3A_459, %dma_start3A_465] : memref<56x128xi32, #tpu.memory_space<vmem>> -> memref<1x128xi32, #tpu.memory_space<vmem>>
      %dma_start3A_467 = tpu.memref_squeeze %dma_start3A_466 : memref<1x128xi32, #tpu.memory_space<vmem>> -> memref<128xi32, #tpu.memory_space<vmem>>
      %dma_start3A_468 = arith.constant 0 : i32
      %dma_start3A_469 = arith.constant 0 : i32
      %dma_start3A_470 = tpu.memref_slice %arg2[%dma_start3A_468, %dma_start3A_469] : memref<12500x64xf32, #tpu.memory_space<hbm>> -> memref<12500x64xf32, #tpu.memory_space<hbm>>
      tpu.enqueue_indirect_dma source(%dma_start3A_470 : memref<12500x64xf32, #tpu.memory_space<hbm>>) target(%dma_start3A_464 : memref<128x64xf32, #tpu.memory_space<vmem>>) offsets(%dma_start3A_467 : memref<128xi32, #tpu.memory_space<vmem>>) semaphore(%arg18 : memref<!tpu.dma_semaphore, #tpu.memory_space<semaphore_mem>>)
    }
    %scan3A_104 = arith.constant 6 : i32
    %dma_wait3A = arith.constant 48 : i32
    %dma_wait3A_105 = arith.constant 0 : i32
    %dma_wait3A_106 = arith.constant 0 : i32
    %dma_wait3A_107 = arith.constant 0 : i32
    %dma_wait3A_108 = tpu.memref_slice %arg9[%dma_wait3A_105, %dma_wait3A_106, %dma_wait3A_107] : memref<8x128x64xf32, #tpu.memory_space<vmem>> -> memref<1x128x64xf32, #tpu.memory_space<vmem>>
    %dma_wait3A_109 = tpu.memref_squeeze %dma_wait3A_108 : memref<1x128x64xf32, #tpu.memory_space<vmem>> -> memref<128x64xf32, #tpu.memory_space<vmem>>
    %dma_wait3A_110 = arith.constant 0 : i32
    %dma_wait3A_111 = tpu.memref_slice %arg7[%dma_wait3A, %dma_wait3A_110] : memref<56x128xi32, #tpu.memory_space<vmem>> -> memref<1x128xi32, #tpu.memory_space<vmem>>
    %dma_wait3A_112 = tpu.memref_squeeze %dma_wait3A_111 : memref<1x128xi32, #tpu.memory_space<vmem>> -> memref<128xi32, #tpu.memory_space<vmem>>
    %dma_wait3A_113 = arith.constant 0 : i32
    %dma_wait3A_114 = arith.constant 0 : i32
    %dma_wait3A_115 = tpu.memref_slice %arg2[%dma_wait3A_113, %dma_wait3A_114] : memref<12500x64xf32, #tpu.memory_space<hbm>> -> memref<12500x64xf32, #tpu.memory_space<hbm>>
    tpu.wait_indirect_dma semaphore(%arg11 : memref<!tpu.dma_semaphore, #tpu.memory_space<semaphore_mem>>) src(%dma_wait3A_115 : memref<12500x64xf32, #tpu.memory_space<hbm>>) dst(%dma_wait3A_109 : memref<128x64xf32, #tpu.memory_space<vmem>>)
    %run_scoped3A = arith.constant 0 : i32
    %run_scoped3A_116 = arith.constant 48 : i32
    "tpu.region"() ({
      %run_scoped3A_220 = tpu.sem_alloc : memref<!tpu.dma_semaphore, #tpu.memory_space<semaphore_mem>>
      %dma_start3A_221 = arith.constant 0 : i32
      %dma_start3A_222 = arith.constant 0 : i32
      %dma_start3A_223 = tpu.memref_slice %arg9[%run_scoped3A, %dma_start3A_221, %dma_start3A_222] : memref<8x128x64xf32, #tpu.memory_space<vmem>> -> memref<1x128x64xf32, #tpu.memory_space<vmem>>
      %dma_start3A_224 = tpu.memref_squeeze %dma_start3A_223 : memref<1x128x64xf32, #tpu.memory_space<vmem>> -> memref<128x64xf32, #tpu.memory_space<vmem>>
      %dma_start3A_225 = arith.constant 0 : i32
      %dma_start3A_226 = tpu.memref_slice %arg8[%run_scoped3A_116, %dma_start3A_225] : memref<56x128xi32, #tpu.memory_space<vmem>> -> memref<1x128xi32, #tpu.memory_space<vmem>>
      %dma_start3A_227 = tpu.memref_squeeze %dma_start3A_226 : memref<1x128xi32, #tpu.memory_space<vmem>> -> memref<128xi32, #tpu.memory_space<vmem>>
      %dma_start3A_228 = arith.constant 0 : i32
      %dma_start3A_229 = arith.constant 0 : i32
      %dma_start3A_230 = tpu.memref_slice %arg10[%dma_start3A_228, %dma_start3A_229] : memref<12544x64xf32, #tpu.memory_space<vmem_shared>> -> memref<12544x64xf32, #tpu.memory_space<vmem_shared>>
      tpu.enqueue_indirect_dma source(%dma_start3A_224 : memref<128x64xf32, #tpu.memory_space<vmem>>) target(%dma_start3A_230 : memref<12544x64xf32, #tpu.memory_space<vmem_shared>>) offsets(%dma_start3A_227 : memref<128xi32, #tpu.memory_space<vmem>>) semaphore(%run_scoped3A_220 : memref<!tpu.dma_semaphore, #tpu.memory_space<semaphore_mem>>) {add = true}
      %dma_wait3A_231 = arith.constant 0 : i32
      %dma_wait3A_232 = arith.constant 0 : i32
      %dma_wait3A_233 = tpu.memref_slice %arg9[%run_scoped3A, %dma_wait3A_231, %dma_wait3A_232] : memref<8x128x64xf32, #tpu.memory_space<vmem>> -> memref<1x128x64xf32, #tpu.memory_space<vmem>>
      %dma_wait3A_234 = tpu.memref_squeeze %dma_wait3A_233 : memref<1x128x64xf32, #tpu.memory_space<vmem>> -> memref<128x64xf32, #tpu.memory_space<vmem>>
      %dma_wait3A_235 = arith.constant 0 : i32
      %dma_wait3A_236 = tpu.memref_slice %arg8[%run_scoped3A_116, %dma_wait3A_235] : memref<56x128xi32, #tpu.memory_space<vmem>> -> memref<1x128xi32, #tpu.memory_space<vmem>>
      %dma_wait3A_237 = tpu.memref_squeeze %dma_wait3A_236 : memref<1x128xi32, #tpu.memory_space<vmem>> -> memref<128xi32, #tpu.memory_space<vmem>>
      %dma_wait3A_238 = arith.constant 0 : i32
      %dma_wait3A_239 = arith.constant 0 : i32
      %dma_wait3A_240 = tpu.memref_slice %arg10[%dma_wait3A_238, %dma_wait3A_239] : memref<12544x64xf32, #tpu.memory_space<vmem_shared>> -> memref<12544x64xf32, #tpu.memory_space<vmem_shared>>
      tpu.wait_indirect_dma semaphore(%run_scoped3A_220 : memref<!tpu.dma_semaphore, #tpu.memory_space<semaphore_mem>>) src(%dma_wait3A_234 : memref<128x64xf32, #tpu.memory_space<vmem>>) dst(%dma_wait3A_240 : memref<12544x64xf32, #tpu.memory_space<vmem_shared>>)
      tpu.yield
    }) : () -> ()
    %dma_wait3A_117 = arith.constant 49 : i32
    %dma_wait3A_118 = arith.constant 1 : i32
    %dma_wait3A_119 = arith.constant 0 : i32
    %dma_wait3A_120 = arith.constant 0 : i32
    %dma_wait3A_121 = tpu.memref_slice %arg9[%dma_wait3A_118, %dma_wait3A_119, %dma_wait3A_120] : memref<8x128x64xf32, #tpu.memory_space<vmem>> -> memref<1x128x64xf32, #tpu.memory_space<vmem>>
    %dma_wait3A_122 = tpu.memref_squeeze %dma_wait3A_121 : memref<1x128x64xf32, #tpu.memory_space<vmem>> -> memref<128x64xf32, #tpu.memory_space<vmem>>
    %dma_wait3A_123 = arith.constant 0 : i32
    %dma_wait3A_124 = tpu.memref_slice %arg7[%dma_wait3A_117, %dma_wait3A_123] : memref<56x128xi32, #tpu.memory_space<vmem>> -> memref<1x128xi32, #tpu.memory_space<vmem>>
    %dma_wait3A_125 = tpu.memref_squeeze %dma_wait3A_124 : memref<1x128xi32, #tpu.memory_space<vmem>> -> memref<128xi32, #tpu.memory_space<vmem>>
    %dma_wait3A_126 = arith.constant 0 : i32
    %dma_wait3A_127 = arith.constant 0 : i32
    %dma_wait3A_128 = tpu.memref_slice %arg2[%dma_wait3A_126, %dma_wait3A_127] : memref<12500x64xf32, #tpu.memory_space<hbm>> -> memref<12500x64xf32, #tpu.memory_space<hbm>>
    tpu.wait_indirect_dma semaphore(%arg12 : memref<!tpu.dma_semaphore, #tpu.memory_space<semaphore_mem>>) src(%dma_wait3A_128 : memref<12500x64xf32, #tpu.memory_space<hbm>>) dst(%dma_wait3A_122 : memref<128x64xf32, #tpu.memory_space<vmem>>)
    %run_scoped3A_129 = arith.constant 1 : i32
    %run_scoped3A_130 = arith.constant 49 : i32
    "tpu.region"() ({
      %run_scoped3A_220 = tpu.sem_alloc : memref<!tpu.dma_semaphore, #tpu.memory_space<semaphore_mem>>
      %dma_start3A_221 = arith.constant 0 : i32
      %dma_start3A_222 = arith.constant 0 : i32
      %dma_start3A_223 = tpu.memref_slice %arg9[%run_scoped3A_129, %dma_start3A_221, %dma_start3A_222] : memref<8x128x64xf32, #tpu.memory_space<vmem>> -> memref<1x128x64xf32, #tpu.memory_space<vmem>>
      %dma_start3A_224 = tpu.memref_squeeze %dma_start3A_223 : memref<1x128x64xf32, #tpu.memory_space<vmem>> -> memref<128x64xf32, #tpu.memory_space<vmem>>
      %dma_start3A_225 = arith.constant 0 : i32
      %dma_start3A_226 = tpu.memref_slice %arg8[%run_scoped3A_130, %dma_start3A_225] : memref<56x128xi32, #tpu.memory_space<vmem>> -> memref<1x128xi32, #tpu.memory_space<vmem>>
      %dma_start3A_227 = tpu.memref_squeeze %dma_start3A_226 : memref<1x128xi32, #tpu.memory_space<vmem>> -> memref<128xi32, #tpu.memory_space<vmem>>
      %dma_start3A_228 = arith.constant 0 : i32
      %dma_start3A_229 = arith.constant 0 : i32
      %dma_start3A_230 = tpu.memref_slice %arg10[%dma_start3A_228, %dma_start3A_229] : memref<12544x64xf32, #tpu.memory_space<vmem_shared>> -> memref<12544x64xf32, #tpu.memory_space<vmem_shared>>
      tpu.enqueue_indirect_dma source(%dma_start3A_224 : memref<128x64xf32, #tpu.memory_space<vmem>>) target(%dma_start3A_230 : memref<12544x64xf32, #tpu.memory_space<vmem_shared>>) offsets(%dma_start3A_227 : memref<128xi32, #tpu.memory_space<vmem>>) semaphore(%run_scoped3A_220 : memref<!tpu.dma_semaphore, #tpu.memory_space<semaphore_mem>>) {add = true}
      %dma_wait3A_231 = arith.constant 0 : i32
      %dma_wait3A_232 = arith.constant 0 : i32
      %dma_wait3A_233 = tpu.memref_slice %arg9[%run_scoped3A_129, %dma_wait3A_231, %dma_wait3A_232] : memref<8x128x64xf32, #tpu.memory_space<vmem>> -> memref<1x128x64xf32, #tpu.memory_space<vmem>>
      %dma_wait3A_234 = tpu.memref_squeeze %dma_wait3A_233 : memref<1x128x64xf32, #tpu.memory_space<vmem>> -> memref<128x64xf32, #tpu.memory_space<vmem>>
      %dma_wait3A_235 = arith.constant 0 : i32
      %dma_wait3A_236 = tpu.memref_slice %arg8[%run_scoped3A_130, %dma_wait3A_235] : memref<56x128xi32, #tpu.memory_space<vmem>> -> memref<1x128xi32, #tpu.memory_space<vmem>>
      %dma_wait3A_237 = tpu.memref_squeeze %dma_wait3A_236 : memref<1x128xi32, #tpu.memory_space<vmem>> -> memref<128xi32, #tpu.memory_space<vmem>>
      %dma_wait3A_238 = arith.constant 0 : i32
      %dma_wait3A_239 = arith.constant 0 : i32
      %dma_wait3A_240 = tpu.memref_slice %arg10[%dma_wait3A_238, %dma_wait3A_239] : memref<12544x64xf32, #tpu.memory_space<vmem_shared>> -> memref<12544x64xf32, #tpu.memory_space<vmem_shared>>
      tpu.wait_indirect_dma semaphore(%run_scoped3A_220 : memref<!tpu.dma_semaphore, #tpu.memory_space<semaphore_mem>>) src(%dma_wait3A_234 : memref<128x64xf32, #tpu.memory_space<vmem>>) dst(%dma_wait3A_240 : memref<12544x64xf32, #tpu.memory_space<vmem_shared>>)
      tpu.yield
    }) : () -> ()
    %dma_wait3A_131 = arith.constant 50 : i32
    %dma_wait3A_132 = arith.constant 2 : i32
    %dma_wait3A_133 = arith.constant 0 : i32
    %dma_wait3A_134 = arith.constant 0 : i32
    %dma_wait3A_135 = tpu.memref_slice %arg9[%dma_wait3A_132, %dma_wait3A_133, %dma_wait3A_134] : memref<8x128x64xf32, #tpu.memory_space<vmem>> -> memref<1x128x64xf32, #tpu.memory_space<vmem>>
    %dma_wait3A_136 = tpu.memref_squeeze %dma_wait3A_135 : memref<1x128x64xf32, #tpu.memory_space<vmem>> -> memref<128x64xf32, #tpu.memory_space<vmem>>
    %dma_wait3A_137 = arith.constant 0 : i32
    %dma_wait3A_138 = tpu.memref_slice %arg7[%dma_wait3A_131, %dma_wait3A_137] : memref<56x128xi32, #tpu.memory_space<vmem>> -> memref<1x128xi32, #tpu.memory_space<vmem>>
    %dma_wait3A_139 = tpu.memref_squeeze %dma_wait3A_138 : memref<1x128xi32, #tpu.memory_space<vmem>> -> memref<128xi32, #tpu.memory_space<vmem>>
    %dma_wait3A_140 = arith.constant 0 : i32
    %dma_wait3A_141 = arith.constant 0 : i32
    %dma_wait3A_142 = tpu.memref_slice %arg2[%dma_wait3A_140, %dma_wait3A_141] : memref<12500x64xf32, #tpu.memory_space<hbm>> -> memref<12500x64xf32, #tpu.memory_space<hbm>>
    tpu.wait_indirect_dma semaphore(%arg13 : memref<!tpu.dma_semaphore, #tpu.memory_space<semaphore_mem>>) src(%dma_wait3A_142 : memref<12500x64xf32, #tpu.memory_space<hbm>>) dst(%dma_wait3A_136 : memref<128x64xf32, #tpu.memory_space<vmem>>)
    %run_scoped3A_143 = arith.constant 2 : i32
    %run_scoped3A_144 = arith.constant 50 : i32
    "tpu.region"() ({
      %run_scoped3A_220 = tpu.sem_alloc : memref<!tpu.dma_semaphore, #tpu.memory_space<semaphore_mem>>
      %dma_start3A_221 = arith.constant 0 : i32
      %dma_start3A_222 = arith.constant 0 : i32
      %dma_start3A_223 = tpu.memref_slice %arg9[%run_scoped3A_143, %dma_start3A_221, %dma_start3A_222] : memref<8x128x64xf32, #tpu.memory_space<vmem>> -> memref<1x128x64xf32, #tpu.memory_space<vmem>>
      %dma_start3A_224 = tpu.memref_squeeze %dma_start3A_223 : memref<1x128x64xf32, #tpu.memory_space<vmem>> -> memref<128x64xf32, #tpu.memory_space<vmem>>
      %dma_start3A_225 = arith.constant 0 : i32
      %dma_start3A_226 = tpu.memref_slice %arg8[%run_scoped3A_144, %dma_start3A_225] : memref<56x128xi32, #tpu.memory_space<vmem>> -> memref<1x128xi32, #tpu.memory_space<vmem>>
      %dma_start3A_227 = tpu.memref_squeeze %dma_start3A_226 : memref<1x128xi32, #tpu.memory_space<vmem>> -> memref<128xi32, #tpu.memory_space<vmem>>
      %dma_start3A_228 = arith.constant 0 : i32
      %dma_start3A_229 = arith.constant 0 : i32
      %dma_start3A_230 = tpu.memref_slice %arg10[%dma_start3A_228, %dma_start3A_229] : memref<12544x64xf32, #tpu.memory_space<vmem_shared>> -> memref<12544x64xf32, #tpu.memory_space<vmem_shared>>
      tpu.enqueue_indirect_dma source(%dma_start3A_224 : memref<128x64xf32, #tpu.memory_space<vmem>>) target(%dma_start3A_230 : memref<12544x64xf32, #tpu.memory_space<vmem_shared>>) offsets(%dma_start3A_227 : memref<128xi32, #tpu.memory_space<vmem>>) semaphore(%run_scoped3A_220 : memref<!tpu.dma_semaphore, #tpu.memory_space<semaphore_mem>>) {add = true}
      %dma_wait3A_231 = arith.constant 0 : i32
      %dma_wait3A_232 = arith.constant 0 : i32
      %dma_wait3A_233 = tpu.memref_slice %arg9[%run_scoped3A_143, %dma_wait3A_231, %dma_wait3A_232] : memref<8x128x64xf32, #tpu.memory_space<vmem>> -> memref<1x128x64xf32, #tpu.memory_space<vmem>>
      %dma_wait3A_234 = tpu.memref_squeeze %dma_wait3A_233 : memref<1x128x64xf32, #tpu.memory_space<vmem>> -> memref<128x64xf32, #tpu.memory_space<vmem>>
      %dma_wait3A_235 = arith.constant 0 : i32
      %dma_wait3A_236 = tpu.memref_slice %arg8[%run_scoped3A_144, %dma_wait3A_235] : memref<56x128xi32, #tpu.memory_space<vmem>> -> memref<1x128xi32, #tpu.memory_space<vmem>>
      %dma_wait3A_237 = tpu.memref_squeeze %dma_wait3A_236 : memref<1x128xi32, #tpu.memory_space<vmem>> -> memref<128xi32, #tpu.memory_space<vmem>>
      %dma_wait3A_238 = arith.constant 0 : i32
      %dma_wait3A_239 = arith.constant 0 : i32
      %dma_wait3A_240 = tpu.memref_slice %arg10[%dma_wait3A_238, %dma_wait3A_239] : memref<12544x64xf32, #tpu.memory_space<vmem_shared>> -> memref<12544x64xf32, #tpu.memory_space<vmem_shared>>
      tpu.wait_indirect_dma semaphore(%run_scoped3A_220 : memref<!tpu.dma_semaphore, #tpu.memory_space<semaphore_mem>>) src(%dma_wait3A_234 : memref<128x64xf32, #tpu.memory_space<vmem>>) dst(%dma_wait3A_240 : memref<12544x64xf32, #tpu.memory_space<vmem_shared>>)
      tpu.yield
    }) : () -> ()
    %dma_wait3A_145 = arith.constant 51 : i32
    %dma_wait3A_146 = arith.constant 3 : i32
    %dma_wait3A_147 = arith.constant 0 : i32
    %dma_wait3A_148 = arith.constant 0 : i32
    %dma_wait3A_149 = tpu.memref_slice %arg9[%dma_wait3A_146, %dma_wait3A_147, %dma_wait3A_148] : memref<8x128x64xf32, #tpu.memory_space<vmem>> -> memref<1x128x64xf32, #tpu.memory_space<vmem>>
    %dma_wait3A_150 = tpu.memref_squeeze %dma_wait3A_149 : memref<1x128x64xf32, #tpu.memory_space<vmem>> -> memref<128x64xf32, #tpu.memory_space<vmem>>
    %dma_wait3A_151 = arith.constant 0 : i32
    %dma_wait3A_152 = tpu.memref_slice %arg7[%dma_wait3A_145, %dma_wait3A_151] : memref<56x128xi32, #tpu.memory_space<vmem>> -> memref<1x128xi32, #tpu.memory_space<vmem>>
    %dma_wait3A_153 = tpu.memref_squeeze %dma_wait3A_152 : memref<1x128xi32, #tpu.memory_space<vmem>> -> memref<128xi32, #tpu.memory_space<vmem>>
    %dma_wait3A_154 = arith.constant 0 : i32
    %dma_wait3A_155 = arith.constant 0 : i32
    %dma_wait3A_156 = tpu.memref_slice %arg2[%dma_wait3A_154, %dma_wait3A_155] : memref<12500x64xf32, #tpu.memory_space<hbm>> -> memref<12500x64xf32, #tpu.memory_space<hbm>>
    tpu.wait_indirect_dma semaphore(%arg14 : memref<!tpu.dma_semaphore, #tpu.memory_space<semaphore_mem>>) src(%dma_wait3A_156 : memref<12500x64xf32, #tpu.memory_space<hbm>>) dst(%dma_wait3A_150 : memref<128x64xf32, #tpu.memory_space<vmem>>)
    %run_scoped3A_157 = arith.constant 3 : i32
    %run_scoped3A_158 = arith.constant 51 : i32
    "tpu.region"() ({
      %run_scoped3A_220 = tpu.sem_alloc : memref<!tpu.dma_semaphore, #tpu.memory_space<semaphore_mem>>
      %dma_start3A_221 = arith.constant 0 : i32
      %dma_start3A_222 = arith.constant 0 : i32
      %dma_start3A_223 = tpu.memref_slice %arg9[%run_scoped3A_157, %dma_start3A_221, %dma_start3A_222] : memref<8x128x64xf32, #tpu.memory_space<vmem>> -> memref<1x128x64xf32, #tpu.memory_space<vmem>>
      %dma_start3A_224 = tpu.memref_squeeze %dma_start3A_223 : memref<1x128x64xf32, #tpu.memory_space<vmem>> -> memref<128x64xf32, #tpu.memory_space<vmem>>
      %dma_start3A_225 = arith.constant 0 : i32
      %dma_start3A_226 = tpu.memref_slice %arg8[%run_scoped3A_158, %dma_start3A_225] : memref<56x128xi32, #tpu.memory_space<vmem>> -> memref<1x128xi32, #tpu.memory_space<vmem>>
      %dma_start3A_227 = tpu.memref_squeeze %dma_start3A_226 : memref<1x128xi32, #tpu.memory_space<vmem>> -> memref<128xi32, #tpu.memory_space<vmem>>
      %dma_start3A_228 = arith.constant 0 : i32
      %dma_start3A_229 = arith.constant 0 : i32
      %dma_start3A_230 = tpu.memref_slice %arg10[%dma_start3A_228, %dma_start3A_229] : memref<12544x64xf32, #tpu.memory_space<vmem_shared>> -> memref<12544x64xf32, #tpu.memory_space<vmem_shared>>
      tpu.enqueue_indirect_dma source(%dma_start3A_224 : memref<128x64xf32, #tpu.memory_space<vmem>>) target(%dma_start3A_230 : memref<12544x64xf32, #tpu.memory_space<vmem_shared>>) offsets(%dma_start3A_227 : memref<128xi32, #tpu.memory_space<vmem>>) semaphore(%run_scoped3A_220 : memref<!tpu.dma_semaphore, #tpu.memory_space<semaphore_mem>>) {add = true}
      %dma_wait3A_231 = arith.constant 0 : i32
      %dma_wait3A_232 = arith.constant 0 : i32
      %dma_wait3A_233 = tpu.memref_slice %arg9[%run_scoped3A_157, %dma_wait3A_231, %dma_wait3A_232] : memref<8x128x64xf32, #tpu.memory_space<vmem>> -> memref<1x128x64xf32, #tpu.memory_space<vmem>>
      %dma_wait3A_234 = tpu.memref_squeeze %dma_wait3A_233 : memref<1x128x64xf32, #tpu.memory_space<vmem>> -> memref<128x64xf32, #tpu.memory_space<vmem>>
      %dma_wait3A_235 = arith.constant 0 : i32
      %dma_wait3A_236 = tpu.memref_slice %arg8[%run_scoped3A_158, %dma_wait3A_235] : memref<56x128xi32, #tpu.memory_space<vmem>> -> memref<1x128xi32, #tpu.memory_space<vmem>>
      %dma_wait3A_237 = tpu.memref_squeeze %dma_wait3A_236 : memref<1x128xi32, #tpu.memory_space<vmem>> -> memref<128xi32, #tpu.memory_space<vmem>>
      %dma_wait3A_238 = arith.constant 0 : i32
      %dma_wait3A_239 = arith.constant 0 : i32
      %dma_wait3A_240 = tpu.memref_slice %arg10[%dma_wait3A_238, %dma_wait3A_239] : memref<12544x64xf32, #tpu.memory_space<vmem_shared>> -> memref<12544x64xf32, #tpu.memory_space<vmem_shared>>
      tpu.wait_indirect_dma semaphore(%run_scoped3A_220 : memref<!tpu.dma_semaphore, #tpu.memory_space<semaphore_mem>>) src(%dma_wait3A_234 : memref<128x64xf32, #tpu.memory_space<vmem>>) dst(%dma_wait3A_240 : memref<12544x64xf32, #tpu.memory_space<vmem_shared>>)
      tpu.yield
    }) : () -> ()
    %dma_wait3A_159 = arith.constant 52 : i32
    %dma_wait3A_160 = arith.constant 4 : i32
    %dma_wait3A_161 = arith.constant 0 : i32
    %dma_wait3A_162 = arith.constant 0 : i32
    %dma_wait3A_163 = tpu.memref_slice %arg9[%dma_wait3A_160, %dma_wait3A_161, %dma_wait3A_162] : memref<8x128x64xf32, #tpu.memory_space<vmem>> -> memref<1x128x64xf32, #tpu.memory_space<vmem>>
    %dma_wait3A_164 = tpu.memref_squeeze %dma_wait3A_163 : memref<1x128x64xf32, #tpu.memory_space<vmem>> -> memref<128x64xf32, #tpu.memory_space<vmem>>
    %dma_wait3A_165 = arith.constant 0 : i32
    %dma_wait3A_166 = tpu.memref_slice %arg7[%dma_wait3A_159, %dma_wait3A_165] : memref<56x128xi32, #tpu.memory_space<vmem>> -> memref<1x128xi32, #tpu.memory_space<vmem>>
    %dma_wait3A_167 = tpu.memref_squeeze %dma_wait3A_166 : memref<1x128xi32, #tpu.memory_space<vmem>> -> memref<128xi32, #tpu.memory_space<vmem>>
    %dma_wait3A_168 = arith.constant 0 : i32
    %dma_wait3A_169 = arith.constant 0 : i32
    %dma_wait3A_170 = tpu.memref_slice %arg2[%dma_wait3A_168, %dma_wait3A_169] : memref<12500x64xf32, #tpu.memory_space<hbm>> -> memref<12500x64xf32, #tpu.memory_space<hbm>>
    tpu.wait_indirect_dma semaphore(%arg15 : memref<!tpu.dma_semaphore, #tpu.memory_space<semaphore_mem>>) src(%dma_wait3A_170 : memref<12500x64xf32, #tpu.memory_space<hbm>>) dst(%dma_wait3A_164 : memref<128x64xf32, #tpu.memory_space<vmem>>)
    %run_scoped3A_171 = arith.constant 4 : i32
    %run_scoped3A_172 = arith.constant 52 : i32
    "tpu.region"() ({
      %run_scoped3A_220 = tpu.sem_alloc : memref<!tpu.dma_semaphore, #tpu.memory_space<semaphore_mem>>
      %dma_start3A_221 = arith.constant 0 : i32
      %dma_start3A_222 = arith.constant 0 : i32
      %dma_start3A_223 = tpu.memref_slice %arg9[%run_scoped3A_171, %dma_start3A_221, %dma_start3A_222] : memref<8x128x64xf32, #tpu.memory_space<vmem>> -> memref<1x128x64xf32, #tpu.memory_space<vmem>>
      %dma_start3A_224 = tpu.memref_squeeze %dma_start3A_223 : memref<1x128x64xf32, #tpu.memory_space<vmem>> -> memref<128x64xf32, #tpu.memory_space<vmem>>
      %dma_start3A_225 = arith.constant 0 : i32
      %dma_start3A_226 = tpu.memref_slice %arg8[%run_scoped3A_172, %dma_start3A_225] : memref<56x128xi32, #tpu.memory_space<vmem>> -> memref<1x128xi32, #tpu.memory_space<vmem>>
      %dma_start3A_227 = tpu.memref_squeeze %dma_start3A_226 : memref<1x128xi32, #tpu.memory_space<vmem>> -> memref<128xi32, #tpu.memory_space<vmem>>
      %dma_start3A_228 = arith.constant 0 : i32
      %dma_start3A_229 = arith.constant 0 : i32
      %dma_start3A_230 = tpu.memref_slice %arg10[%dma_start3A_228, %dma_start3A_229] : memref<12544x64xf32, #tpu.memory_space<vmem_shared>> -> memref<12544x64xf32, #tpu.memory_space<vmem_shared>>
      tpu.enqueue_indirect_dma source(%dma_start3A_224 : memref<128x64xf32, #tpu.memory_space<vmem>>) target(%dma_start3A_230 : memref<12544x64xf32, #tpu.memory_space<vmem_shared>>) offsets(%dma_start3A_227 : memref<128xi32, #tpu.memory_space<vmem>>) semaphore(%run_scoped3A_220 : memref<!tpu.dma_semaphore, #tpu.memory_space<semaphore_mem>>) {add = true}
      %dma_wait3A_231 = arith.constant 0 : i32
      %dma_wait3A_232 = arith.constant 0 : i32
      %dma_wait3A_233 = tpu.memref_slice %arg9[%run_scoped3A_171, %dma_wait3A_231, %dma_wait3A_232] : memref<8x128x64xf32, #tpu.memory_space<vmem>> -> memref<1x128x64xf32, #tpu.memory_space<vmem>>
      %dma_wait3A_234 = tpu.memref_squeeze %dma_wait3A_233 : memref<1x128x64xf32, #tpu.memory_space<vmem>> -> memref<128x64xf32, #tpu.memory_space<vmem>>
      %dma_wait3A_235 = arith.constant 0 : i32
      %dma_wait3A_236 = tpu.memref_slice %arg8[%run_scoped3A_172, %dma_wait3A_235] : memref<56x128xi32, #tpu.memory_space<vmem>> -> memref<1x128xi32, #tpu.memory_space<vmem>>
      %dma_wait3A_237 = tpu.memref_squeeze %dma_wait3A_236 : memref<1x128xi32, #tpu.memory_space<vmem>> -> memref<128xi32, #tpu.memory_space<vmem>>
      %dma_wait3A_238 = arith.constant 0 : i32
      %dma_wait3A_239 = arith.constant 0 : i32
      %dma_wait3A_240 = tpu.memref_slice %arg10[%dma_wait3A_238, %dma_wait3A_239] : memref<12544x64xf32, #tpu.memory_space<vmem_shared>> -> memref<12544x64xf32, #tpu.memory_space<vmem_shared>>
      tpu.wait_indirect_dma semaphore(%run_scoped3A_220 : memref<!tpu.dma_semaphore, #tpu.memory_space<semaphore_mem>>) src(%dma_wait3A_234 : memref<128x64xf32, #tpu.memory_space<vmem>>) dst(%dma_wait3A_240 : memref<12544x64xf32, #tpu.memory_space<vmem_shared>>)
      tpu.yield
    }) : () -> ()
    %dma_wait3A_173 = arith.constant 53 : i32
    %dma_wait3A_174 = arith.constant 5 : i32
    %dma_wait3A_175 = arith.constant 0 : i32
    %dma_wait3A_176 = arith.constant 0 : i32
    %dma_wait3A_177 = tpu.memref_slice %arg9[%dma_wait3A_174, %dma_wait3A_175, %dma_wait3A_176] : memref<8x128x64xf32, #tpu.memory_space<vmem>> -> memref<1x128x64xf32, #tpu.memory_space<vmem>>
    %dma_wait3A_178 = tpu.memref_squeeze %dma_wait3A_177 : memref<1x128x64xf32, #tpu.memory_space<vmem>> -> memref<128x64xf32, #tpu.memory_space<vmem>>
    %dma_wait3A_179 = arith.constant 0 : i32
    %dma_wait3A_180 = tpu.memref_slice %arg7[%dma_wait3A_173, %dma_wait3A_179] : memref<56x128xi32, #tpu.memory_space<vmem>> -> memref<1x128xi32, #tpu.memory_space<vmem>>
    %dma_wait3A_181 = tpu.memref_squeeze %dma_wait3A_180 : memref<1x128xi32, #tpu.memory_space<vmem>> -> memref<128xi32, #tpu.memory_space<vmem>>
    %dma_wait3A_182 = arith.constant 0 : i32
    %dma_wait3A_183 = arith.constant 0 : i32
    %dma_wait3A_184 = tpu.memref_slice %arg2[%dma_wait3A_182, %dma_wait3A_183] : memref<12500x64xf32, #tpu.memory_space<hbm>> -> memref<12500x64xf32, #tpu.memory_space<hbm>>
    tpu.wait_indirect_dma semaphore(%arg16 : memref<!tpu.dma_semaphore, #tpu.memory_space<semaphore_mem>>) src(%dma_wait3A_184 : memref<12500x64xf32, #tpu.memory_space<hbm>>) dst(%dma_wait3A_178 : memref<128x64xf32, #tpu.memory_space<vmem>>)
    %run_scoped3A_185 = arith.constant 5 : i32
    %run_scoped3A_186 = arith.constant 53 : i32
    "tpu.region"() ({
      %run_scoped3A_220 = tpu.sem_alloc : memref<!tpu.dma_semaphore, #tpu.memory_space<semaphore_mem>>
      %dma_start3A_221 = arith.constant 0 : i32
      %dma_start3A_222 = arith.constant 0 : i32
      %dma_start3A_223 = tpu.memref_slice %arg9[%run_scoped3A_185, %dma_start3A_221, %dma_start3A_222] : memref<8x128x64xf32, #tpu.memory_space<vmem>> -> memref<1x128x64xf32, #tpu.memory_space<vmem>>
      %dma_start3A_224 = tpu.memref_squeeze %dma_start3A_223 : memref<1x128x64xf32, #tpu.memory_space<vmem>> -> memref<128x64xf32, #tpu.memory_space<vmem>>
      %dma_start3A_225 = arith.constant 0 : i32
      %dma_start3A_226 = tpu.memref_slice %arg8[%run_scoped3A_186, %dma_start3A_225] : memref<56x128xi32, #tpu.memory_space<vmem>> -> memref<1x128xi32, #tpu.memory_space<vmem>>
      %dma_start3A_227 = tpu.memref_squeeze %dma_start3A_226 : memref<1x128xi32, #tpu.memory_space<vmem>> -> memref<128xi32, #tpu.memory_space<vmem>>
      %dma_start3A_228 = arith.constant 0 : i32
      %dma_start3A_229 = arith.constant 0 : i32
      %dma_start3A_230 = tpu.memref_slice %arg10[%dma_start3A_228, %dma_start3A_229] : memref<12544x64xf32, #tpu.memory_space<vmem_shared>> -> memref<12544x64xf32, #tpu.memory_space<vmem_shared>>
      tpu.enqueue_indirect_dma source(%dma_start3A_224 : memref<128x64xf32, #tpu.memory_space<vmem>>) target(%dma_start3A_230 : memref<12544x64xf32, #tpu.memory_space<vmem_shared>>) offsets(%dma_start3A_227 : memref<128xi32, #tpu.memory_space<vmem>>) semaphore(%run_scoped3A_220 : memref<!tpu.dma_semaphore, #tpu.memory_space<semaphore_mem>>) {add = true}
      %dma_wait3A_231 = arith.constant 0 : i32
      %dma_wait3A_232 = arith.constant 0 : i32
      %dma_wait3A_233 = tpu.memref_slice %arg9[%run_scoped3A_185, %dma_wait3A_231, %dma_wait3A_232] : memref<8x128x64xf32, #tpu.memory_space<vmem>> -> memref<1x128x64xf32, #tpu.memory_space<vmem>>
      %dma_wait3A_234 = tpu.memref_squeeze %dma_wait3A_233 : memref<1x128x64xf32, #tpu.memory_space<vmem>> -> memref<128x64xf32, #tpu.memory_space<vmem>>
      %dma_wait3A_235 = arith.constant 0 : i32
      %dma_wait3A_236 = tpu.memref_slice %arg8[%run_scoped3A_186, %dma_wait3A_235] : memref<56x128xi32, #tpu.memory_space<vmem>> -> memref<1x128xi32, #tpu.memory_space<vmem>>
      %dma_wait3A_237 = tpu.memref_squeeze %dma_wait3A_236 : memref<1x128xi32, #tpu.memory_space<vmem>> -> memref<128xi32, #tpu.memory_space<vmem>>
      %dma_wait3A_238 = arith.constant 0 : i32
      %dma_wait3A_239 = arith.constant 0 : i32
      %dma_wait3A_240 = tpu.memref_slice %arg10[%dma_wait3A_238, %dma_wait3A_239] : memref<12544x64xf32, #tpu.memory_space<vmem_shared>> -> memref<12544x64xf32, #tpu.memory_space<vmem_shared>>
      tpu.wait_indirect_dma semaphore(%run_scoped3A_220 : memref<!tpu.dma_semaphore, #tpu.memory_space<semaphore_mem>>) src(%dma_wait3A_234 : memref<128x64xf32, #tpu.memory_space<vmem>>) dst(%dma_wait3A_240 : memref<12544x64xf32, #tpu.memory_space<vmem_shared>>)
      tpu.yield
    }) : () -> ()
    %dma_wait3A_187 = arith.constant 54 : i32
    %dma_wait3A_188 = arith.constant 6 : i32
    %dma_wait3A_189 = arith.constant 0 : i32
    %dma_wait3A_190 = arith.constant 0 : i32
    %dma_wait3A_191 = tpu.memref_slice %arg9[%dma_wait3A_188, %dma_wait3A_189, %dma_wait3A_190] : memref<8x128x64xf32, #tpu.memory_space<vmem>> -> memref<1x128x64xf32, #tpu.memory_space<vmem>>
    %dma_wait3A_192 = tpu.memref_squeeze %dma_wait3A_191 : memref<1x128x64xf32, #tpu.memory_space<vmem>> -> memref<128x64xf32, #tpu.memory_space<vmem>>
    %dma_wait3A_193 = arith.constant 0 : i32
    %dma_wait3A_194 = tpu.memref_slice %arg7[%dma_wait3A_187, %dma_wait3A_193] : memref<56x128xi32, #tpu.memory_space<vmem>> -> memref<1x128xi32, #tpu.memory_space<vmem>>
    %dma_wait3A_195 = tpu.memref_squeeze %dma_wait3A_194 : memref<1x128xi32, #tpu.memory_space<vmem>> -> memref<128xi32, #tpu.memory_space<vmem>>
    %dma_wait3A_196 = arith.constant 0 : i32
    %dma_wait3A_197 = arith.constant 0 : i32
    %dma_wait3A_198 = tpu.memref_slice %arg2[%dma_wait3A_196, %dma_wait3A_197] : memref<12500x64xf32, #tpu.memory_space<hbm>> -> memref<12500x64xf32, #tpu.memory_space<hbm>>
    tpu.wait_indirect_dma semaphore(%arg17 : memref<!tpu.dma_semaphore, #tpu.memory_space<semaphore_mem>>) src(%dma_wait3A_198 : memref<12500x64xf32, #tpu.memory_space<hbm>>) dst(%dma_wait3A_192 : memref<128x64xf32, #tpu.memory_space<vmem>>)
    %run_scoped3A_199 = arith.constant 6 : i32
    %run_scoped3A_200 = arith.constant 54 : i32
    "tpu.region"() ({
      %run_scoped3A_220 = tpu.sem_alloc : memref<!tpu.dma_semaphore, #tpu.memory_space<semaphore_mem>>
      %dma_start3A_221 = arith.constant 0 : i32
      %dma_start3A_222 = arith.constant 0 : i32
      %dma_start3A_223 = tpu.memref_slice %arg9[%run_scoped3A_199, %dma_start3A_221, %dma_start3A_222] : memref<8x128x64xf32, #tpu.memory_space<vmem>> -> memref<1x128x64xf32, #tpu.memory_space<vmem>>
      %dma_start3A_224 = tpu.memref_squeeze %dma_start3A_223 : memref<1x128x64xf32, #tpu.memory_space<vmem>> -> memref<128x64xf32, #tpu.memory_space<vmem>>
      %dma_start3A_225 = arith.constant 0 : i32
      %dma_start3A_226 = tpu.memref_slice %arg8[%run_scoped3A_200, %dma_start3A_225] : memref<56x128xi32, #tpu.memory_space<vmem>> -> memref<1x128xi32, #tpu.memory_space<vmem>>
      %dma_start3A_227 = tpu.memref_squeeze %dma_start3A_226 : memref<1x128xi32, #tpu.memory_space<vmem>> -> memref<128xi32, #tpu.memory_space<vmem>>
      %dma_start3A_228 = arith.constant 0 : i32
      %dma_start3A_229 = arith.constant 0 : i32
      %dma_start3A_230 = tpu.memref_slice %arg10[%dma_start3A_228, %dma_start3A_229] : memref<12544x64xf32, #tpu.memory_space<vmem_shared>> -> memref<12544x64xf32, #tpu.memory_space<vmem_shared>>
      tpu.enqueue_indirect_dma source(%dma_start3A_224 : memref<128x64xf32, #tpu.memory_space<vmem>>) target(%dma_start3A_230 : memref<12544x64xf32, #tpu.memory_space<vmem_shared>>) offsets(%dma_start3A_227 : memref<128xi32, #tpu.memory_space<vmem>>) semaphore(%run_scoped3A_220 : memref<!tpu.dma_semaphore, #tpu.memory_space<semaphore_mem>>) {add = true}
      %dma_wait3A_231 = arith.constant 0 : i32
      %dma_wait3A_232 = arith.constant 0 : i32
      %dma_wait3A_233 = tpu.memref_slice %arg9[%run_scoped3A_199, %dma_wait3A_231, %dma_wait3A_232] : memref<8x128x64xf32, #tpu.memory_space<vmem>> -> memref<1x128x64xf32, #tpu.memory_space<vmem>>
      %dma_wait3A_234 = tpu.memref_squeeze %dma_wait3A_233 : memref<1x128x64xf32, #tpu.memory_space<vmem>> -> memref<128x64xf32, #tpu.memory_space<vmem>>
      %dma_wait3A_235 = arith.constant 0 : i32
      %dma_wait3A_236 = tpu.memref_slice %arg8[%run_scoped3A_200, %dma_wait3A_235] : memref<56x128xi32, #tpu.memory_space<vmem>> -> memref<1x128xi32, #tpu.memory_space<vmem>>
      %dma_wait3A_237 = tpu.memref_squeeze %dma_wait3A_236 : memref<1x128xi32, #tpu.memory_space<vmem>> -> memref<128xi32, #tpu.memory_space<vmem>>
      %dma_wait3A_238 = arith.constant 0 : i32
      %dma_wait3A_239 = arith.constant 0 : i32
      %dma_wait3A_240 = tpu.memref_slice %arg10[%dma_wait3A_238, %dma_wait3A_239] : memref<12544x64xf32, #tpu.memory_space<vmem_shared>> -> memref<12544x64xf32, #tpu.memory_space<vmem_shared>>
      tpu.wait_indirect_dma semaphore(%run_scoped3A_220 : memref<!tpu.dma_semaphore, #tpu.memory_space<semaphore_mem>>) src(%dma_wait3A_234 : memref<128x64xf32, #tpu.memory_space<vmem>>) dst(%dma_wait3A_240 : memref<12544x64xf32, #tpu.memory_space<vmem_shared>>)
      tpu.yield
    }) : () -> ()
    %dma_wait3A_201 = arith.constant 55 : i32
    %dma_wait3A_202 = arith.constant 7 : i32
    %dma_wait3A_203 = arith.constant 0 : i32
    %dma_wait3A_204 = arith.constant 0 : i32
    %dma_wait3A_205 = tpu.memref_slice %arg9[%dma_wait3A_202, %dma_wait3A_203, %dma_wait3A_204] : memref<8x128x64xf32, #tpu.memory_space<vmem>> -> memref<1x128x64xf32, #tpu.memory_space<vmem>>
    %dma_wait3A_206 = tpu.memref_squeeze %dma_wait3A_205 : memref<1x128x64xf32, #tpu.memory_space<vmem>> -> memref<128x64xf32, #tpu.memory_space<vmem>>
    %dma_wait3A_207 = arith.constant 0 : i32
    %dma_wait3A_208 = tpu.memref_slice %arg7[%dma_wait3A_201, %dma_wait3A_207] : memref<56x128xi32, #tpu.memory_space<vmem>> -> memref<1x128xi32, #tpu.memory_space<vmem>>
    %dma_wait3A_209 = tpu.memref_squeeze %dma_wait3A_208 : memref<1x128xi32, #tpu.memory_space<vmem>> -> memref<128xi32, #tpu.memory_space<vmem>>
    %dma_wait3A_210 = arith.constant 0 : i32
    %dma_wait3A_211 = arith.constant 0 : i32
    %dma_wait3A_212 = tpu.memref_slice %arg2[%dma_wait3A_210, %dma_wait3A_211] : memref<12500x64xf32, #tpu.memory_space<hbm>> -> memref<12500x64xf32, #tpu.memory_space<hbm>>
    tpu.wait_indirect_dma semaphore(%arg18 : memref<!tpu.dma_semaphore, #tpu.memory_space<semaphore_mem>>) src(%dma_wait3A_212 : memref<12500x64xf32, #tpu.memory_space<hbm>>) dst(%dma_wait3A_206 : memref<128x64xf32, #tpu.memory_space<vmem>>)
    %run_scoped3A_213 = arith.constant 7 : i32
    %run_scoped3A_214 = arith.constant 55 : i32
    "tpu.region"() ({
      %run_scoped3A_220 = tpu.sem_alloc : memref<!tpu.dma_semaphore, #tpu.memory_space<semaphore_mem>>
      %dma_start3A_221 = arith.constant 0 : i32
      %dma_start3A_222 = arith.constant 0 : i32
      %dma_start3A_223 = tpu.memref_slice %arg9[%run_scoped3A_213, %dma_start3A_221, %dma_start3A_222] : memref<8x128x64xf32, #tpu.memory_space<vmem>> -> memref<1x128x64xf32, #tpu.memory_space<vmem>>
      %dma_start3A_224 = tpu.memref_squeeze %dma_start3A_223 : memref<1x128x64xf32, #tpu.memory_space<vmem>> -> memref<128x64xf32, #tpu.memory_space<vmem>>
      %dma_start3A_225 = arith.constant 0 : i32
      %dma_start3A_226 = tpu.memref_slice %arg8[%run_scoped3A_214, %dma_start3A_225] : memref<56x128xi32, #tpu.memory_space<vmem>> -> memref<1x128xi32, #tpu.memory_space<vmem>>
      %dma_start3A_227 = tpu.memref_squeeze %dma_start3A_226 : memref<1x128xi32, #tpu.memory_space<vmem>> -> memref<128xi32, #tpu.memory_space<vmem>>
      %dma_start3A_228 = arith.constant 0 : i32
      %dma_start3A_229 = arith.constant 0 : i32
      %dma_start3A_230 = tpu.memref_slice %arg10[%dma_start3A_228, %dma_start3A_229] : memref<12544x64xf32, #tpu.memory_space<vmem_shared>> -> memref<12544x64xf32, #tpu.memory_space<vmem_shared>>
      tpu.enqueue_indirect_dma source(%dma_start3A_224 : memref<128x64xf32, #tpu.memory_space<vmem>>) target(%dma_start3A_230 : memref<12544x64xf32, #tpu.memory_space<vmem_shared>>) offsets(%dma_start3A_227 : memref<128xi32, #tpu.memory_space<vmem>>) semaphore(%run_scoped3A_220 : memref<!tpu.dma_semaphore, #tpu.memory_space<semaphore_mem>>) {add = true}
      %dma_wait3A_231 = arith.constant 0 : i32
      %dma_wait3A_232 = arith.constant 0 : i32
      %dma_wait3A_233 = tpu.memref_slice %arg9[%run_scoped3A_213, %dma_wait3A_231, %dma_wait3A_232] : memref<8x128x64xf32, #tpu.memory_space<vmem>> -> memref<1x128x64xf32, #tpu.memory_space<vmem>>
      %dma_wait3A_234 = tpu.memref_squeeze %dma_wait3A_233 : memref<1x128x64xf32, #tpu.memory_space<vmem>> -> memref<128x64xf32, #tpu.memory_space<vmem>>
      %dma_wait3A_235 = arith.constant 0 : i32
      %dma_wait3A_236 = tpu.memref_slice %arg8[%run_scoped3A_214, %dma_wait3A_235] : memref<56x128xi32, #tpu.memory_space<vmem>> -> memref<1x128xi32, #tpu.memory_space<vmem>>
      %dma_wait3A_237 = tpu.memref_squeeze %dma_wait3A_236 : memref<1x128xi32, #tpu.memory_space<vmem>> -> memref<128xi32, #tpu.memory_space<vmem>>
      %dma_wait3A_238 = arith.constant 0 : i32
      %dma_wait3A_239 = arith.constant 0 : i32
      %dma_wait3A_240 = tpu.memref_slice %arg10[%dma_wait3A_238, %dma_wait3A_239] : memref<12544x64xf32, #tpu.memory_space<vmem_shared>> -> memref<12544x64xf32, #tpu.memory_space<vmem_shared>>
      tpu.wait_indirect_dma semaphore(%run_scoped3A_220 : memref<!tpu.dma_semaphore, #tpu.memory_space<semaphore_mem>>) src(%dma_wait3A_234 : memref<128x64xf32, #tpu.memory_space<vmem>>) dst(%dma_wait3A_240 : memref<12544x64xf32, #tpu.memory_space<vmem_shared>>)
      tpu.yield
    }) : () -> ()
    %barrier3A_215 = arith.constant 0 : index
    tpu.barrier barrier_id(%barrier3A_215)
    %mul3A_216 = arith.constant 784 : i32
    %mul3A_217 = arith.muli %arg1, %mul3A_216 : i32
    %mul3A_218 = arith.constant 784 : i32
    %mul3A_219 = arith.muli %arg1, %mul3A_218 : i32
    "tpu.region"() ({
      %run_scoped3A_220 = tpu.sem_alloc : memref<!tpu.dma_semaphore, #tpu.memory_space<semaphore_mem>>
      %dma_start3A_221 = arith.constant 0 : i32
      %dma_start3A_222 = tpu.memref_slice %arg6[%arg0, %mul3A_219, %dma_start3A_221] : memref<2x12544x64xf32, #tpu.memory_space<hbm>> -> memref<1x784x64xf32, #tpu.memory_space<hbm>>
      %dma_start3A_223 = tpu.memref_squeeze %dma_start3A_222 : memref<1x784x64xf32, #tpu.memory_space<hbm>> -> memref<784x64xf32, #tpu.memory_space<hbm>>
      %dma_start3A_224 = arith.constant 0 : i32
      %dma_start3A_225 = tpu.memref_slice %arg10[%mul3A_217, %dma_start3A_224] : memref<12544x64xf32, #tpu.memory_space<vmem_shared>> -> memref<784x64xf32, #tpu.memory_space<vmem_shared>>
      tpu.enqueue_dma source(%dma_start3A_225 : memref<784x64xf32, #tpu.memory_space<vmem_shared>>) target(%dma_start3A_223 : memref<784x64xf32, #tpu.memory_space<hbm>>) target_semaphore(%run_scoped3A_220 : memref<!tpu.dma_semaphore, #tpu.memory_space<semaphore_mem>>)
      %dma_wait3A_226 = arith.constant 0 : i32
      %dma_wait3A_227 = tpu.memref_slice %arg6[%arg0, %mul3A_219, %dma_wait3A_226] : memref<2x12544x64xf32, #tpu.memory_space<hbm>> -> memref<1x784x64xf32, #tpu.memory_space<hbm>>
      %dma_wait3A_228 = tpu.memref_squeeze %dma_wait3A_227 : memref<1x784x64xf32, #tpu.memory_space<hbm>> -> memref<784x64xf32, #tpu.memory_space<hbm>>
      %dma_wait3A_229 = arith.constant 0 : i32
      %dma_wait3A_230 = tpu.memref_slice %arg10[%mul3A_217, %dma_wait3A_229] : memref<12544x64xf32, #tpu.memory_space<vmem_shared>> -> memref<784x64xf32, #tpu.memory_space<vmem_shared>>
      tpu.wait_dma2 semaphore(%run_scoped3A_220 : memref<!tpu.dma_semaphore, #tpu.memory_space<semaphore_mem>>) src(%dma_wait3A_230 : memref<784x64xf32, #tpu.memory_space<vmem_shared>>) dst(%dma_wait3A_228 : memref<784x64xf32, #tpu.memory_space<hbm>>)
      tpu.yield
    }) : () -> ()
    return
  }
}

module attributes {stable_mosaic.version = 14 : i64} {
  func.func @_conv_body(%arg0: i32, %arg1: memref<2x512x16xf32, #tpu.memory_space<vmem>>, %arg2: memref<512x2xf32, #tpu.memory_space<vmem>>, %arg3: memref<1x32xf32, #tpu.memory_space<vmem>>, %arg4: memref<1x32xf32, #tpu.memory_space<vmem>>, %arg5: memref<1x32xf32, #tpu.memory_space<vmem>>, %arg6: memref<512x32xf32, #tpu.memory_space<vmem>>) attributes {dimension_semantics = [#tpu.dimension_semantics<arbitrary>], iteration_bounds = array<i64: 49>, scalar_prefetch = 0 : i64, scratch_operands = 0 : i64, tpu.core_type = #tpu.core_type<tc>, window_params = [{transform_indices = @transform_0, window_bounds = array<i64: 2, 512, 16>}, {transform_indices = @transform_1, window_bounds = array<i64: 512, 2>}, {pipeline_mode = #tpu.pipeline_mode<synchronous>, transform_indices = @transform_2, window_bounds = array<i64: 1, 32>}, {pipeline_mode = #tpu.pipeline_mode<synchronous>, transform_indices = @transform_3, window_bounds = array<i64: 1, 32>}, {pipeline_mode = #tpu.pipeline_mode<synchronous>, transform_indices = @transform_4, window_bounds = array<i64: 1, 32>}, {transform_indices = @transform_5, window_bounds = array<i64: 512, 32>}]} {
    %get3A = arith.constant 0 : index
    %get3A_0 = arith.constant 0 : index
    %get3A_1 = arith.constant 0 : index
    %get3A_2 = vector.load %arg1[%get3A, %get3A_0, %get3A_1] : memref<2x512x16xf32, #tpu.memory_space<vmem>>, vector<1x512x16xf32>
    %get3A_3 = vector.shape_cast %get3A_2 : vector<1x512x16xf32> to vector<512x16xf32>
    %get3A_4 = arith.constant 1 : index
    %get3A_5 = arith.constant 0 : index
    %get3A_6 = arith.constant 0 : index
    %get3A_7 = vector.load %arg1[%get3A_4, %get3A_5, %get3A_6] : memref<2x512x16xf32, #tpu.memory_space<vmem>>, vector<1x512x16xf32>
    %get3A_8 = vector.shape_cast %get3A_7 : vector<1x512x16xf32> to vector<512x16xf32>
    %add3A = arith.addf %get3A_3, %get3A_8 : vector<512x16xf32>
    %get3A_9 = arith.constant 0 : index
    %get3A_10 = arith.constant 0 : index
    %get3A_11 = vector.load %arg2[%get3A_9, %get3A_10] : memref<512x2xf32, #tpu.memory_space<vmem>>, vector<512x2xf32>
    %get3A_12 = arith.constant 0 : index
    %get3A_13 = arith.constant 0 : index
    %get3A_14 = vector.load %arg3[%get3A_12, %get3A_13] : memref<1x32xf32, #tpu.memory_space<vmem>>, vector<1x32xf32>
    %get3A_15 = arith.constant 0 : index
    %get3A_16 = arith.constant 0 : index
    %get3A_17 = vector.load %arg4[%get3A_15, %get3A_16] : memref<1x32xf32, #tpu.memory_space<vmem>>, vector<1x32xf32>
    %get3A_18 = arith.constant 0 : index
    %get3A_19 = arith.constant 0 : index
    %get3A_20 = vector.load %arg5[%get3A_18, %get3A_19] : memref<1x32xf32, #tpu.memory_space<vmem>>, vector<1x32xf32>
    %slice3A = vector.extract_strided_slice %add3A {offsets = [0, 0], sizes = [512, 1], strides = [1, 1]} : vector<512x16xf32> to vector<512x1xf32>
    %slice3A_21 = vector.extract_strided_slice %get3A_11 {offsets = [0, 0], sizes = [512, 1], strides = [1, 1]} : vector<512x2xf32> to vector<512x1xf32>
    %mul3A = vector.broadcast %slice3A : vector<512x1xf32> to vector<512x32xf32>
    %mul3A_22 = vector.broadcast %get3A_14 : vector<1x32xf32> to vector<512x32xf32>
    %mul3A_23 = arith.mulf %mul3A, %mul3A_22 : vector<512x32xf32>
    %mul3A_24 = vector.broadcast %slice3A_21 : vector<512x1xf32> to vector<512x32xf32>
    %mul3A_25 = vector.broadcast %get3A_17 : vector<1x32xf32> to vector<512x32xf32>
    %mul3A_26 = arith.mulf %mul3A_24, %mul3A_25 : vector<512x32xf32>
    %add3A_27 = arith.addf %mul3A_23, %mul3A_26 : vector<512x32xf32>
    %add3A_28 = vector.broadcast %get3A_20 : vector<1x32xf32> to vector<512x32xf32>
    %add3A_29 = arith.addf %add3A_27, %add3A_28 : vector<512x32xf32>
    %slice3A_30 = vector.extract_strided_slice %add3A {offsets = [0, 8], sizes = [512, 1], strides = [1, 1]} : vector<512x16xf32> to vector<512x1xf32>
    %slice3A_31 = vector.extract_strided_slice %get3A_11 {offsets = [0, 1], sizes = [512, 1], strides = [1, 1]} : vector<512x2xf32> to vector<512x1xf32>
    %mul3A_32 = vector.broadcast %slice3A_30 : vector<512x1xf32> to vector<512x32xf32>
    %mul3A_33 = vector.broadcast %get3A_14 : vector<1x32xf32> to vector<512x32xf32>
    %mul3A_34 = arith.mulf %mul3A_32, %mul3A_33 : vector<512x32xf32>
    %mul3A_35 = vector.broadcast %slice3A_31 : vector<512x1xf32> to vector<512x32xf32>
    %mul3A_36 = vector.broadcast %get3A_17 : vector<1x32xf32> to vector<512x32xf32>
    %mul3A_37 = arith.mulf %mul3A_35, %mul3A_36 : vector<512x32xf32>
    %add3A_38 = arith.addf %mul3A_34, %mul3A_37 : vector<512x32xf32>
    %add3A_39 = vector.broadcast %get3A_20 : vector<1x32xf32> to vector<512x32xf32>
    %add3A_40 = arith.addf %add3A_38, %add3A_39 : vector<512x32xf32>
    %max3A = arith.maximumf %add3A_29, %add3A_40 : vector<512x32xf32>
    %max3A_41 = arith.constant 0.000000e+00 : f32
    %max3A_42 = vector.broadcast %max3A_41 : f32 to vector<512x32xf32>
    %max3A_43 = arith.maximumf %max3A, %max3A_42 : vector<512x32xf32>
    %swap3A = arith.constant 0 : index
    %swap3A_44 = arith.constant 0 : index
    %swap3A_45 = vector.load %arg6[%swap3A, %swap3A_44] : memref<512x32xf32, #tpu.memory_space<vmem>>, vector<512x32xf32>
    tpu.vector_store %arg6[%swap3A, %swap3A_44], %max3A_43 {strides = array<i32>} : memref<512x32xf32, #tpu.memory_space<vmem>>, vector<512x32xf32>,
    return
  }
  func.func @transform_0(%arg0: i32) -> (i32, i32, i32) {
    %c0_i32 = arith.constant 0 : i32
    %c0_i32_0 = arith.constant 0 : i32
    %c0_i32_1 = arith.constant 0 : i32
    return %c0_i32, %arg0, %c0_i32_0 : i32, i32, i32
  }
  func.func @transform_1(%arg0: i32) -> (i32, i32) {
    %c0_i32 = arith.constant 0 : i32
    %c0_i32_0 = arith.constant 0 : i32
    return %arg0, %c0_i32 : i32, i32
  }
  func.func @transform_2(%arg0: i32) -> (i32, i32) {
    %c0_i32 = arith.constant 0 : i32
    %c0_i32_0 = arith.constant 0 : i32
    %c0_i32_1 = arith.constant 0 : i32
    return %c0_i32, %c0_i32_0 : i32, i32
  }
  func.func @transform_3(%arg0: i32) -> (i32, i32) {
    %c0_i32 = arith.constant 0 : i32
    %c0_i32_0 = arith.constant 0 : i32
    %c0_i32_1 = arith.constant 0 : i32
    return %c0_i32, %c0_i32_0 : i32, i32
  }
  func.func @transform_4(%arg0: i32) -> (i32, i32) {
    %c0_i32 = arith.constant 0 : i32
    %c0_i32_0 = arith.constant 0 : i32
    %c0_i32_1 = arith.constant 0 : i32
    return %c0_i32, %c0_i32_0 : i32, i32
  }
  func.func @transform_5(%arg0: i32) -> (i32, i32) {
    %c0_i32 = arith.constant 0 : i32
    %c0_i32_0 = arith.constant 0 : i32
    return %arg0, %c0_i32 : i32, i32
  }
}

module attributes {stable_mosaic.version = 14 : i64} {
  func.func @_conv_body(%arg0: i32, %arg1: memref<2x512x64xf32, #tpu.memory_space<vmem>>, %arg2: memref<512x64xf32, #tpu.memory_space<vmem>>, %arg3: memref<32x64xf32, #tpu.memory_space<vmem>>, %arg4: memref<32x64xf32, #tpu.memory_space<vmem>>, %arg5: memref<1x64xf32, #tpu.memory_space<vmem>>, %arg6: memref<512x64xf32, #tpu.memory_space<vmem>>) attributes {dimension_semantics = [#tpu.dimension_semantics<arbitrary>], iteration_bounds = array<i64: 25>, scalar_prefetch = 0 : i64, scratch_operands = 0 : i64, tpu.core_type = #tpu.core_type<tc>, window_params = [{transform_indices = @transform_0, window_bounds = array<i64: 2, 512, 64>}, {transform_indices = @transform_1, window_bounds = array<i64: 512, 64>}, {pipeline_mode = #tpu.pipeline_mode<synchronous>, transform_indices = @transform_2, window_bounds = array<i64: 32, 64>}, {pipeline_mode = #tpu.pipeline_mode<synchronous>, transform_indices = @transform_3, window_bounds = array<i64: 32, 64>}, {pipeline_mode = #tpu.pipeline_mode<synchronous>, transform_indices = @transform_4, window_bounds = array<i64: 1, 64>}, {transform_indices = @transform_5, window_bounds = array<i64: 512, 64>}]} {
    %get3A = arith.constant 0 : index
    %get3A_0 = arith.constant 0 : index
    %get3A_1 = arith.constant 0 : index
    %get3A_2 = vector.load %arg1[%get3A, %get3A_0, %get3A_1] : memref<2x512x64xf32, #tpu.memory_space<vmem>>, vector<1x512x64xf32>
    %get3A_3 = vector.shape_cast %get3A_2 : vector<1x512x64xf32> to vector<512x64xf32>
    %get3A_4 = arith.constant 1 : index
    %get3A_5 = arith.constant 0 : index
    %get3A_6 = arith.constant 0 : index
    %get3A_7 = vector.load %arg1[%get3A_4, %get3A_5, %get3A_6] : memref<2x512x64xf32, #tpu.memory_space<vmem>>, vector<1x512x64xf32>
    %get3A_8 = vector.shape_cast %get3A_7 : vector<1x512x64xf32> to vector<512x64xf32>
    %add3A = arith.addf %get3A_3, %get3A_8 : vector<512x64xf32>
    %get3A_9 = arith.constant 0 : index
    %get3A_10 = arith.constant 0 : index
    %get3A_11 = vector.load %arg2[%get3A_9, %get3A_10] : memref<512x64xf32, #tpu.memory_space<vmem>>, vector<512x64xf32>
    %get3A_12 = arith.constant 0 : index
    %get3A_13 = arith.constant 0 : index
    %get3A_14 = vector.load %arg3[%get3A_12, %get3A_13] : memref<32x64xf32, #tpu.memory_space<vmem>>, vector<32x64xf32>
    %get3A_15 = arith.constant 0 : index
    %get3A_16 = arith.constant 0 : index
    %get3A_17 = vector.load %arg4[%get3A_15, %get3A_16] : memref<32x64xf32, #tpu.memory_space<vmem>>, vector<32x64xf32>
    %get3A_18 = arith.constant 0 : index
    %get3A_19 = arith.constant 0 : index
    %get3A_20 = vector.load %arg5[%get3A_18, %get3A_19] : memref<1x64xf32, #tpu.memory_space<vmem>>, vector<1x64xf32>
    %slice3A = vector.extract_strided_slice %add3A {offsets = [0, 0], sizes = [512, 32], strides = [1, 1]} : vector<512x64xf32> to vector<512x32xf32>
    %slice3A_21 = vector.extract_strided_slice %get3A_11 {offsets = [0, 0], sizes = [512, 32], strides = [1, 1]} : vector<512x64xf32> to vector<512x32xf32>
    %dot_general3A = arith.constant dense<0.000000e+00> : vector<512x64xf32>
    %dot_general3A_22 = tpu.matmul %slice3A, %get3A_14, %dot_general3A {dimension_numbers = #tpu.dot_dimension_numbers<[1], [0], [0], [1], [0, 0, 1, 1], [], []>, transpose_lhs_hint = false} : vector<512x32xf32>, vector<32x64xf32>, vector<512x64xf32> -> vector<512x64xf32>
    %dot_general3A_23 = arith.constant dense<0.000000e+00> : vector<512x64xf32>
    %dot_general3A_24 = tpu.matmul %slice3A_21, %get3A_17, %dot_general3A_23 {dimension_numbers = #tpu.dot_dimension_numbers<[1], [0], [0], [1], [0, 0, 1, 1], [], []>, transpose_lhs_hint = false} : vector<512x32xf32>, vector<32x64xf32>, vector<512x64xf32> -> vector<512x64xf32>
    %add3A_25 = arith.addf %dot_general3A_22, %dot_general3A_24 : vector<512x64xf32>
    %add3A_26 = vector.broadcast %get3A_20 : vector<1x64xf32> to vector<512x64xf32>
    %add3A_27 = arith.addf %add3A_25, %add3A_26 : vector<512x64xf32>
    %slice3A_28 = vector.extract_strided_slice %add3A {offsets = [0, 32], sizes = [512, 32], strides = [1, 1]} : vector<512x64xf32> to vector<512x32xf32>
    %slice3A_29 = vector.extract_strided_slice %get3A_11 {offsets = [0, 32], sizes = [512, 32], strides = [1, 1]} : vector<512x64xf32> to vector<512x32xf32>
    %dot_general3A_30 = arith.constant dense<0.000000e+00> : vector<512x64xf32>
    %dot_general3A_31 = tpu.matmul %slice3A_28, %get3A_14, %dot_general3A_30 {dimension_numbers = #tpu.dot_dimension_numbers<[1], [0], [0], [1], [0, 0, 1, 1], [], []>, transpose_lhs_hint = false} : vector<512x32xf32>, vector<32x64xf32>, vector<512x64xf32> -> vector<512x64xf32>
    %dot_general3A_32 = arith.constant dense<0.000000e+00> : vector<512x64xf32>
    %dot_general3A_33 = tpu.matmul %slice3A_29, %get3A_17, %dot_general3A_32 {dimension_numbers = #tpu.dot_dimension_numbers<[1], [0], [0], [1], [0, 0, 1, 1], [], []>, transpose_lhs_hint = false} : vector<512x32xf32>, vector<32x64xf32>, vector<512x64xf32> -> vector<512x64xf32>
    %add3A_34 = arith.addf %dot_general3A_31, %dot_general3A_33 : vector<512x64xf32>
    %add3A_35 = vector.broadcast %get3A_20 : vector<1x64xf32> to vector<512x64xf32>
    %add3A_36 = arith.addf %add3A_34, %add3A_35 : vector<512x64xf32>
    %max3A = arith.maximumf %add3A_27, %add3A_36 : vector<512x64xf32>
    %max3A_37 = arith.constant 0.000000e+00 : f32
    %max3A_38 = vector.broadcast %max3A_37 : f32 to vector<512x64xf32>
    %max3A_39 = arith.maximumf %max3A, %max3A_38 : vector<512x64xf32>
    %swap3A = arith.constant 0 : index
    %swap3A_40 = arith.constant 0 : index
    %swap3A_41 = vector.load %arg6[%swap3A, %swap3A_40] : memref<512x64xf32, #tpu.memory_space<vmem>>, vector<512x64xf32>
    tpu.vector_store %arg6[%swap3A, %swap3A_40], %max3A_39 {strides = array<i32>} : memref<512x64xf32, #tpu.memory_space<vmem>>, vector<512x64xf32>,
    return
  }
  func.func @transform_0(%arg0: i32) -> (i32, i32, i32) {
    %c0_i32 = arith.constant 0 : i32
    %c0_i32_0 = arith.constant 0 : i32
    %c0_i32_1 = arith.constant 0 : i32
    return %c0_i32, %arg0, %c0_i32_0 : i32, i32, i32
  }
  func.func @transform_1(%arg0: i32) -> (i32, i32) {
    %c0_i32 = arith.constant 0 : i32
    %c0_i32_0 = arith.constant 0 : i32
    return %arg0, %c0_i32 : i32, i32
  }
  func.func @transform_2(%arg0: i32) -> (i32, i32) {
    %c0_i32 = arith.constant 0 : i32
    %c0_i32_0 = arith.constant 0 : i32
    %c0_i32_1 = arith.constant 0 : i32
    return %c0_i32, %c0_i32_0 : i32, i32
  }
  func.func @transform_3(%arg0: i32) -> (i32, i32) {
    %c0_i32 = arith.constant 0 : i32
    %c0_i32_0 = arith.constant 0 : i32
    %c0_i32_1 = arith.constant 0 : i32
    return %c0_i32, %c0_i32_0 : i32, i32
  }
  func.func @transform_4(%arg0: i32) -> (i32, i32) {
    %c0_i32 = arith.constant 0 : i32
    %c0_i32_0 = arith.constant 0 : i32
    %c0_i32_1 = arith.constant 0 : i32
    return %c0_i32, %c0_i32_0 : i32, i32
  }
  func.func @transform_5(%arg0: i32) -> (i32, i32) {
    %c0_i32 = arith.constant 0 : i32
    %c0_i32_0 = arith.constant 0 : i32
    return %arg0, %c0_i32 : i32, i32
  }
}

module attributes {stable_mosaic.version = 14 : i64} {
  func.func @_conv_body(%arg0: i32, %arg1: memref<2x512x128xf32, #tpu.memory_space<vmem>>, %arg2: memref<512x128xf32, #tpu.memory_space<vmem>>, %arg3: memref<64x128xf32, #tpu.memory_space<vmem>>, %arg4: memref<64x128xf32, #tpu.memory_space<vmem>>, %arg5: memref<1x128xf32, #tpu.memory_space<vmem>>, %arg6: memref<512x128xf32, #tpu.memory_space<vmem>>) attributes {dimension_semantics = [#tpu.dimension_semantics<arbitrary>], iteration_bounds = array<i64: 13>, scalar_prefetch = 0 : i64, scratch_operands = 0 : i64, tpu.core_type = #tpu.core_type<tc>, window_params = [{transform_indices = @transform_0, window_bounds = array<i64: 2, 512, 128>}, {transform_indices = @transform_1, window_bounds = array<i64: 512, 128>}, {pipeline_mode = #tpu.pipeline_mode<synchronous>, transform_indices = @transform_2, window_bounds = array<i64: 64, 128>}, {pipeline_mode = #tpu.pipeline_mode<synchronous>, transform_indices = @transform_3, window_bounds = array<i64: 64, 128>}, {pipeline_mode = #tpu.pipeline_mode<synchronous>, transform_indices = @transform_4, window_bounds = array<i64: 1, 128>}, {transform_indices = @transform_5, window_bounds = array<i64: 512, 128>}]} {
    %get3A = arith.constant 0 : index
    %get3A_0 = arith.constant 0 : index
    %get3A_1 = arith.constant 0 : index
    %get3A_2 = vector.load %arg1[%get3A, %get3A_0, %get3A_1] : memref<2x512x128xf32, #tpu.memory_space<vmem>>, vector<1x512x128xf32>
    %get3A_3 = vector.shape_cast %get3A_2 : vector<1x512x128xf32> to vector<512x128xf32>
    %get3A_4 = arith.constant 1 : index
    %get3A_5 = arith.constant 0 : index
    %get3A_6 = arith.constant 0 : index
    %get3A_7 = vector.load %arg1[%get3A_4, %get3A_5, %get3A_6] : memref<2x512x128xf32, #tpu.memory_space<vmem>>, vector<1x512x128xf32>
    %get3A_8 = vector.shape_cast %get3A_7 : vector<1x512x128xf32> to vector<512x128xf32>
    %add3A = arith.addf %get3A_3, %get3A_8 : vector<512x128xf32>
    %get3A_9 = arith.constant 0 : index
    %get3A_10 = arith.constant 0 : index
    %get3A_11 = vector.load %arg2[%get3A_9, %get3A_10] : memref<512x128xf32, #tpu.memory_space<vmem>>, vector<512x128xf32>
    %get3A_12 = arith.constant 0 : index
    %get3A_13 = arith.constant 0 : index
    %get3A_14 = vector.load %arg3[%get3A_12, %get3A_13] : memref<64x128xf32, #tpu.memory_space<vmem>>, vector<64x128xf32>
    %get3A_15 = arith.constant 0 : index
    %get3A_16 = arith.constant 0 : index
    %get3A_17 = vector.load %arg4[%get3A_15, %get3A_16] : memref<64x128xf32, #tpu.memory_space<vmem>>, vector<64x128xf32>
    %get3A_18 = arith.constant 0 : index
    %get3A_19 = arith.constant 0 : index
    %get3A_20 = vector.load %arg5[%get3A_18, %get3A_19] : memref<1x128xf32, #tpu.memory_space<vmem>>, vector<1x128xf32>
    %slice3A = vector.extract_strided_slice %add3A {offsets = [0, 0], sizes = [512, 64], strides = [1, 1]} : vector<512x128xf32> to vector<512x64xf32>
    %slice3A_21 = vector.extract_strided_slice %get3A_11 {offsets = [0, 0], sizes = [512, 64], strides = [1, 1]} : vector<512x128xf32> to vector<512x64xf32>
    %dot_general3A = arith.constant dense<0.000000e+00> : vector<512x128xf32>
    %dot_general3A_22 = tpu.matmul %slice3A, %get3A_14, %dot_general3A {dimension_numbers = #tpu.dot_dimension_numbers<[1], [0], [0], [1], [0, 0, 1, 1], [], []>, transpose_lhs_hint = false} : vector<512x64xf32>, vector<64x128xf32>, vector<512x128xf32> -> vector<512x128xf32>
    %dot_general3A_23 = arith.constant dense<0.000000e+00> : vector<512x128xf32>
    %dot_general3A_24 = tpu.matmul %slice3A_21, %get3A_17, %dot_general3A_23 {dimension_numbers = #tpu.dot_dimension_numbers<[1], [0], [0], [1], [0, 0, 1, 1], [], []>, transpose_lhs_hint = false} : vector<512x64xf32>, vector<64x128xf32>, vector<512x128xf32> -> vector<512x128xf32>
    %add3A_25 = arith.addf %dot_general3A_22, %dot_general3A_24 : vector<512x128xf32>
    %add3A_26 = vector.broadcast %get3A_20 : vector<1x128xf32> to vector<512x128xf32>
    %add3A_27 = arith.addf %add3A_25, %add3A_26 : vector<512x128xf32>
    %slice3A_28 = vector.extract_strided_slice %add3A {offsets = [0, 64], sizes = [512, 64], strides = [1, 1]} : vector<512x128xf32> to vector<512x64xf32>
    %slice3A_29 = vector.extract_strided_slice %get3A_11 {offsets = [0, 64], sizes = [512, 64], strides = [1, 1]} : vector<512x128xf32> to vector<512x64xf32>
    %dot_general3A_30 = arith.constant dense<0.000000e+00> : vector<512x128xf32>
    %dot_general3A_31 = tpu.matmul %slice3A_28, %get3A_14, %dot_general3A_30 {dimension_numbers = #tpu.dot_dimension_numbers<[1], [0], [0], [1], [0, 0, 1, 1], [], []>, transpose_lhs_hint = false} : vector<512x64xf32>, vector<64x128xf32>, vector<512x128xf32> -> vector<512x128xf32>
    %dot_general3A_32 = arith.constant dense<0.000000e+00> : vector<512x128xf32>
    %dot_general3A_33 = tpu.matmul %slice3A_29, %get3A_17, %dot_general3A_32 {dimension_numbers = #tpu.dot_dimension_numbers<[1], [0], [0], [1], [0, 0, 1, 1], [], []>, transpose_lhs_hint = false} : vector<512x64xf32>, vector<64x128xf32>, vector<512x128xf32> -> vector<512x128xf32>
    %add3A_34 = arith.addf %dot_general3A_31, %dot_general3A_33 : vector<512x128xf32>
    %add3A_35 = vector.broadcast %get3A_20 : vector<1x128xf32> to vector<512x128xf32>
    %add3A_36 = arith.addf %add3A_34, %add3A_35 : vector<512x128xf32>
    %max3A = arith.maximumf %add3A_27, %add3A_36 : vector<512x128xf32>
    %max3A_37 = arith.constant 0.000000e+00 : f32
    %max3A_38 = vector.broadcast %max3A_37 : f32 to vector<512x128xf32>
    %max3A_39 = arith.maximumf %max3A, %max3A_38 : vector<512x128xf32>
    %swap3A = arith.constant 0 : index
    %swap3A_40 = arith.constant 0 : index
    %swap3A_41 = vector.load %arg6[%swap3A, %swap3A_40] : memref<512x128xf32, #tpu.memory_space<vmem>>, vector<512x128xf32>
    tpu.vector_store %arg6[%swap3A, %swap3A_40], %max3A_39 {strides = array<i32>} : memref<512x128xf32, #tpu.memory_space<vmem>>, vector<512x128xf32>,
    return
  }
  func.func @transform_0(%arg0: i32) -> (i32, i32, i32) {
    %c0_i32 = arith.constant 0 : i32
    %c0_i32_0 = arith.constant 0 : i32
    %c0_i32_1 = arith.constant 0 : i32
    return %c0_i32, %arg0, %c0_i32_0 : i32, i32, i32
  }
  func.func @transform_1(%arg0: i32) -> (i32, i32) {
    %c0_i32 = arith.constant 0 : i32
    %c0_i32_0 = arith.constant 0 : i32
    return %arg0, %c0_i32 : i32, i32
  }
  func.func @transform_2(%arg0: i32) -> (i32, i32) {
    %c0_i32 = arith.constant 0 : i32
    %c0_i32_0 = arith.constant 0 : i32
    %c0_i32_1 = arith.constant 0 : i32
    return %c0_i32, %c0_i32_0 : i32, i32
  }
  func.func @transform_3(%arg0: i32) -> (i32, i32) {
    %c0_i32 = arith.constant 0 : i32
    %c0_i32_0 = arith.constant 0 : i32
    %c0_i32_1 = arith.constant 0 : i32
    return %c0_i32, %c0_i32_0 : i32, i32
  }
  func.func @transform_4(%arg0: i32) -> (i32, i32) {
    %c0_i32 = arith.constant 0 : i32
    %c0_i32_0 = arith.constant 0 : i32
    %c0_i32_1 = arith.constant 0 : i32
    return %c0_i32, %c0_i32_0 : i32, i32
  }
  func.func @transform_5(%arg0: i32) -> (i32, i32) {
    %c0_i32 = arith.constant 0 : i32
    %c0_i32_0 = arith.constant 0 : i32
    return %arg0, %c0_i32 : i32, i32
  }
}

module attributes {stable_mosaic.version = 14 : i64} {
  func.func @_conv_body(%arg0: i32, %arg1: memref<2x512x256xf32, #tpu.memory_space<vmem>>, %arg2: memref<512x256xf32, #tpu.memory_space<vmem>>, %arg3: memref<128x256xf32, #tpu.memory_space<vmem>>, %arg4: memref<128x256xf32, #tpu.memory_space<vmem>>, %arg5: memref<1x256xf32, #tpu.memory_space<vmem>>, %arg6: memref<512x256xf32, #tpu.memory_space<vmem>>) attributes {dimension_semantics = [#tpu.dimension_semantics<arbitrary>], iteration_bounds = array<i64: 7>, scalar_prefetch = 0 : i64, scratch_operands = 0 : i64, tpu.core_type = #tpu.core_type<tc>, window_params = [{transform_indices = @transform_0, window_bounds = array<i64: 2, 512, 256>}, {transform_indices = @transform_1, window_bounds = array<i64: 512, 256>}, {pipeline_mode = #tpu.pipeline_mode<synchronous>, transform_indices = @transform_2, window_bounds = array<i64: 128, 256>}, {pipeline_mode = #tpu.pipeline_mode<synchronous>, transform_indices = @transform_3, window_bounds = array<i64: 128, 256>}, {pipeline_mode = #tpu.pipeline_mode<synchronous>, transform_indices = @transform_4, window_bounds = array<i64: 1, 256>}, {transform_indices = @transform_5, window_bounds = array<i64: 512, 256>}]} {
    %get3A = arith.constant 0 : index
    %get3A_0 = arith.constant 0 : index
    %get3A_1 = arith.constant 0 : index
    %get3A_2 = vector.load %arg1[%get3A, %get3A_0, %get3A_1] : memref<2x512x256xf32, #tpu.memory_space<vmem>>, vector<1x512x256xf32>
    %get3A_3 = vector.shape_cast %get3A_2 : vector<1x512x256xf32> to vector<512x256xf32>
    %get3A_4 = arith.constant 1 : index
    %get3A_5 = arith.constant 0 : index
    %get3A_6 = arith.constant 0 : index
    %get3A_7 = vector.load %arg1[%get3A_4, %get3A_5, %get3A_6] : memref<2x512x256xf32, #tpu.memory_space<vmem>>, vector<1x512x256xf32>
    %get3A_8 = vector.shape_cast %get3A_7 : vector<1x512x256xf32> to vector<512x256xf32>
    %add3A = arith.addf %get3A_3, %get3A_8 : vector<512x256xf32>
    %get3A_9 = arith.constant 0 : index
    %get3A_10 = arith.constant 0 : index
    %get3A_11 = vector.load %arg2[%get3A_9, %get3A_10] : memref<512x256xf32, #tpu.memory_space<vmem>>, vector<512x256xf32>
    %get3A_12 = arith.constant 0 : index
    %get3A_13 = arith.constant 0 : index
    %get3A_14 = vector.load %arg3[%get3A_12, %get3A_13] : memref<128x256xf32, #tpu.memory_space<vmem>>, vector<128x256xf32>
    %get3A_15 = arith.constant 0 : index
    %get3A_16 = arith.constant 0 : index
    %get3A_17 = vector.load %arg4[%get3A_15, %get3A_16] : memref<128x256xf32, #tpu.memory_space<vmem>>, vector<128x256xf32>
    %get3A_18 = arith.constant 0 : index
    %get3A_19 = arith.constant 0 : index
    %get3A_20 = vector.load %arg5[%get3A_18, %get3A_19] : memref<1x256xf32, #tpu.memory_space<vmem>>, vector<1x256xf32>
    %slice3A = vector.extract_strided_slice %add3A {offsets = [0, 0], sizes = [512, 128], strides = [1, 1]} : vector<512x256xf32> to vector<512x128xf32>
    %slice3A_21 = vector.extract_strided_slice %get3A_11 {offsets = [0, 0], sizes = [512, 128], strides = [1, 1]} : vector<512x256xf32> to vector<512x128xf32>
    %dot_general3A = arith.constant dense<0.000000e+00> : vector<512x256xf32>
    %dot_general3A_22 = tpu.matmul %slice3A, %get3A_14, %dot_general3A {dimension_numbers = #tpu.dot_dimension_numbers<[1], [0], [0], [1], [0, 0, 1, 1], [], []>, transpose_lhs_hint = false} : vector<512x128xf32>, vector<128x256xf32>, vector<512x256xf32> -> vector<512x256xf32>
    %dot_general3A_23 = arith.constant dense<0.000000e+00> : vector<512x256xf32>
    %dot_general3A_24 = tpu.matmul %slice3A_21, %get3A_17, %dot_general3A_23 {dimension_numbers = #tpu.dot_dimension_numbers<[1], [0], [0], [1], [0, 0, 1, 1], [], []>, transpose_lhs_hint = false} : vector<512x128xf32>, vector<128x256xf32>, vector<512x256xf32> -> vector<512x256xf32>
    %add3A_25 = arith.addf %dot_general3A_22, %dot_general3A_24 : vector<512x256xf32>
    %add3A_26 = vector.broadcast %get3A_20 : vector<1x256xf32> to vector<512x256xf32>
    %add3A_27 = arith.addf %add3A_25, %add3A_26 : vector<512x256xf32>
    %slice3A_28 = vector.extract_strided_slice %add3A {offsets = [0, 128], sizes = [512, 128], strides = [1, 1]} : vector<512x256xf32> to vector<512x128xf32>
    %slice3A_29 = vector.extract_strided_slice %get3A_11 {offsets = [0, 128], sizes = [512, 128], strides = [1, 1]} : vector<512x256xf32> to vector<512x128xf32>
    %dot_general3A_30 = arith.constant dense<0.000000e+00> : vector<512x256xf32>
    %dot_general3A_31 = tpu.matmul %slice3A_28, %get3A_14, %dot_general3A_30 {dimension_numbers = #tpu.dot_dimension_numbers<[1], [0], [0], [1], [0, 0, 1, 1], [], []>, transpose_lhs_hint = false} : vector<512x128xf32>, vector<128x256xf32>, vector<512x256xf32> -> vector<512x256xf32>
    %dot_general3A_32 = arith.constant dense<0.000000e+00> : vector<512x256xf32>
    %dot_general3A_33 = tpu.matmul %slice3A_29, %get3A_17, %dot_general3A_32 {dimension_numbers = #tpu.dot_dimension_numbers<[1], [0], [0], [1], [0, 0, 1, 1], [], []>, transpose_lhs_hint = false} : vector<512x128xf32>, vector<128x256xf32>, vector<512x256xf32> -> vector<512x256xf32>
    %add3A_34 = arith.addf %dot_general3A_31, %dot_general3A_33 : vector<512x256xf32>
    %add3A_35 = vector.broadcast %get3A_20 : vector<1x256xf32> to vector<512x256xf32>
    %add3A_36 = arith.addf %add3A_34, %add3A_35 : vector<512x256xf32>
    %max3A = arith.maximumf %add3A_27, %add3A_36 : vector<512x256xf32>
    %max3A_37 = arith.constant 0.000000e+00 : f32
    %max3A_38 = vector.broadcast %max3A_37 : f32 to vector<512x256xf32>
    %max3A_39 = arith.maximumf %max3A, %max3A_38 : vector<512x256xf32>
    %swap3A = arith.constant 0 : index
    %swap3A_40 = arith.constant 0 : index
    %swap3A_41 = vector.load %arg6[%swap3A, %swap3A_40] : memref<512x256xf32, #tpu.memory_space<vmem>>, vector<512x256xf32>
    tpu.vector_store %arg6[%swap3A, %swap3A_40], %max3A_39 {strides = array<i32>} : memref<512x256xf32, #tpu.memory_space<vmem>>, vector<512x256xf32>,
    return
  }
  func.func @transform_0(%arg0: i32) -> (i32, i32, i32) {
    %c0_i32 = arith.constant 0 : i32
    %c0_i32_0 = arith.constant 0 : i32
    %c0_i32_1 = arith.constant 0 : i32
    return %c0_i32, %arg0, %c0_i32_0 : i32, i32, i32
  }
  func.func @transform_1(%arg0: i32) -> (i32, i32) {
    %c0_i32 = arith.constant 0 : i32
    %c0_i32_0 = arith.constant 0 : i32
    return %arg0, %c0_i32 : i32, i32
  }
  func.func @transform_2(%arg0: i32) -> (i32, i32) {
    %c0_i32 = arith.constant 0 : i32
    %c0_i32_0 = arith.constant 0 : i32
    %c0_i32_1 = arith.constant 0 : i32
    return %c0_i32, %c0_i32_0 : i32, i32
  }
  func.func @transform_3(%arg0: i32) -> (i32, i32) {
    %c0_i32 = arith.constant 0 : i32
    %c0_i32_0 = arith.constant 0 : i32
    %c0_i32_1 = arith.constant 0 : i32
    return %c0_i32, %c0_i32_0 : i32, i32
  }
  func.func @transform_4(%arg0: i32) -> (i32, i32) {
    %c0_i32 = arith.constant 0 : i32
    %c0_i32_0 = arith.constant 0 : i32
    %c0_i32_1 = arith.constant 0 : i32
    return %c0_i32, %c0_i32_0 : i32, i32
  }
  func.func @transform_5(%arg0: i32) -> (i32, i32) {
    %c0_i32 = arith.constant 0 : i32
    %c0_i32_0 = arith.constant 0 : i32
    return %arg0, %c0_i32 : i32, i32
  }
}

module attributes {stable_mosaic.version = 14 : i64} {
  func.func @_head_body(%arg0: memref<3125x256xf32, #tpu.memory_space<vmem>>, %arg1: memref<256x10xf32, #tpu.memory_space<vmem>>, %arg2: memref<1x10xf32, #tpu.memory_space<vmem>>, %arg3: memref<1x10xf32, #tpu.memory_space<vmem>>) attributes {dimension_semantics = [], scalar_prefetch = 0 : i64, scratch_operands = 0 : i64, tpu.core_type = #tpu.core_type<tc>} {
    %get3A = arith.constant 0 : index
    %get3A_0 = arith.constant 0 : index
    %get3A_1 = vector.load %arg0[%get3A, %get3A_0] : memref<3125x256xf32, #tpu.memory_space<vmem>>, vector<3125x256xf32>
    %reduce_sum3A = arith.constant dense<0.000000e+00> : vector<256xf32>
    %reduce_sum3A_2 = vector.multi_reduction <add>, %get3A_1, %reduce_sum3A [0] : vector<3125x256xf32> to vector<256xf32>
    %broadcast_in_dim3A = vector.shape_cast %reduce_sum3A_2 : vector<256xf32> to vector<1x256xf32>
    %get3A_3 = arith.constant 0 : index
    %get3A_4 = arith.constant 0 : index
    %get3A_5 = vector.load %arg1[%get3A_3, %get3A_4] : memref<256x10xf32, #tpu.memory_space<vmem>>, vector<256x10xf32>
    %dot_general3A = arith.constant dense<0.000000e+00> : vector<1x10xf32>
    %dot_general3A_6 = tpu.matmul %broadcast_in_dim3A, %get3A_5, %dot_general3A {dimension_numbers = #tpu.dot_dimension_numbers<[1], [0], [0], [1], [0, 0, 1, 1], [], []>, transpose_lhs_hint = false} : vector<1x256xf32>, vector<256x10xf32>, vector<1x10xf32> -> vector<1x10xf32>
    %mul3A = arith.constant 3.200000e-04 : f32
    %mul3A_7 = vector.broadcast %mul3A : f32 to vector<1x10xf32>
    %mul3A_8 = arith.mulf %dot_general3A_6, %mul3A_7 : vector<1x10xf32>
    %get3A_9 = arith.constant 0 : index
    %get3A_10 = arith.constant 0 : index
    %get3A_11 = vector.load %arg2[%get3A_9, %get3A_10] : memref<1x10xf32, #tpu.memory_space<vmem>>, vector<1x10xf32>
    %add3A = arith.addf %mul3A_8, %get3A_11 : vector<1x10xf32>
    %swap3A = arith.constant 0 : index
    %swap3A_12 = arith.constant 0 : index
    %swap3A_13 = vector.load %arg3[%swap3A, %swap3A_12] : memref<1x10xf32, #tpu.memory_space<vmem>>, vector<1x10xf32>
    tpu.vector_store %arg3[%swap3A, %swap3A_12], %add3A {strides = array<i32>} : memref<1x10xf32, #tpu.memory_space<vmem>>, vector<1x10xf32>,
    return
  }
}

</mosaic_0001>

<sc_bundles>
// kernel: kernel.11.cloned.1.call-start
scs
__scs_entry_jumppad:
0x0: {  	(pc) =	sbr.rel $0x88, $3  }
0x1: {  	(tag) =	ssettag $0x0;
	lr =	simm.s32 $0x1  }
0x2: {  	[smem:$0x3F8E] =	sst lr;
	_ =	strace $0xD0000000  }
0x3: {  	_ = 	snop  }
0x4: {  	_ = 	snop  }
0x5: {  	_ = 	snop  }
0x6: {  	_ = 	snop  }
0x7: {  	_ = 	snop  }
__scs_overlays_trampoline_lowered:
0x8: {  	[smem:$0x3F9D] =	sst s0  }
0x9: {  	[smem:$0x3F9E] =	sst s1  }
0xa: {  	[smem:$0x3F9F] =	sst s2  }
0xb: {  	[smem:$0x3FA0] =	sst s3  }
0xc: {  	[smem:$0x3FA1] =	sst s4  }
0xd: {  	[smem:$0x3FA2] =	sst s5  }
0xe: {  	[smem:$0x3FA3] =	sst s6  }
0xf: {  	[smem:$0x3FA4] =	sst s7  }
0x10: {  	[smem:$0x3FA5] =	sst s8  }
0x11: {  	[smem:$0x3FA6] =	sst s9;
	s0 =	simm.s32 @!p0 $0x0  }
0x12: {  	s1 =	sld [smem:$0x3F8C];
	s0 =	simm.s32 @p0 $0x1  }
0x13: {  	[smem:$0x3FA7] =	sst s0;
	s0 =	simm.s32 @!p1 $0x0  }
0x14: {  	s2 =	sld [smem:$0x3F8B];
	s0 =	simm.s32 @p1 $0x1  }
0x15: {  	[smem:$0x3FA8] =	sst s0;
	s0 =	simm.s32 @!p2 $0x0  }
0x16: {  	s3 =	sld [smem:$0x3FDB];
	s0 =	simm.s32 @p2 $0x1  }
0x17: {  	s4 =	simm.s32 $0x1BF5;
	[smem:$0x3FAA] =	sst s0  }
0x18: {  	s0 =	sld [smem:$0x3F8D];
	_ =	swait.ge [sflag:s4], $0x0  }
0x19: {  	s7 =	sld [smem:$0x3F8E]  }
0x1a: {  	s8 =	sadd.s32 $0xFFFFE003, lr  }
0x1b: {  	s9 =	sadd.s32 $0xFFFFFEF7, lr;
	s5 =	simm.s32 $0xFFFFFFFF;
	p2 =	slt.u32 s8, $0xFFFFF086  }
0x1c: {  	p1 =	slt.u32 s9, $0xF7A;
	s5 =	simm.s32 @!p2 $0x0  }
0x1d: {  	s5 =	simm.s32 @p1 $0x1;
	p0 =	seq.s32 s7, s2  }
0x1e: {  	s7 =	smul.u32 @!p0 $0xF7A, s2;
	p2 =	seq.s32 @!p0 s5, $0x0  }
0x1f: {  	s9 =	smul.u32 $0xF7A, s1;
	s8 =	simm.s32 @!p0 $0x1BF5;
	p2 =	por !p2, p0  }
0x20: {  	[sflag:s8] =	ssyncset.s32 @!p0 $0xFFFFF086;
	s6 =	sadd.s32 @!p0 s3, s7;
	s7 =	simm.s32 @!p0 $0x108  }
0x21: {  	s3 =	sadd.s32 s3, s9;
	s6 =	sadd.s32 @!p0 $0x88, s6;
	s7 =	simm.s32 @p2 $0x1082  }
0x22: {  	[simem:s7], [sflag:s8] =	dma.local @!p0 [hbm:s6], $0xF7A  }
0x23: {  	s9 =	sor.u32 $0xD0000000, s2;
	s6 =	simm.s32 $0x108;
	_ =	swait.ge @!p0 [sflag:s8], $0x0  }
0x24: {  	s3 =	sadd.s32 $0x88, s3;
	s6 =	simm.s32 @!p1 $0x1082;
	[sflag:s4] =	ssyncset.s32 $0xFFFFF086  }
0x25: {  	[simem:s6], [sflag:s4] =	dma.local [hbm:s3], $0xF7A  }
0x26: {  	[smem:$0x3F8E] =	sst s1;
	(tag) =	ssettag s2;
	_ =	strace s9  }
0x27: {  	s1 =	sld [smem:$0x3F9E]  }
0x28: {  	s2 =	sld [smem:$0x3F9F]  }
0x29: {  	s4 =	sld [smem:$0x3FA1]  }
0x2a: {  	p0 =	seq.s32 s5, $0x0;
	s5 =	sld [smem:$0x3FA2]  }
0x2b: {  	s6 =	sld [smem:$0x3FA3]  }
0x2c: {  	s7 =	sld [smem:$0x3FA4]  }
0x2d: {  	s3 =	simm.s32 $0x108;
	s8 =	sld [smem:$0x3FA5]  }
0x2e: {  	s3 =	simm.s32 @!p0 $0x1082;
	s9 =	sld [smem:$0x3FA6]  }
0x2f: {  	lr =	sadd.s32 s0, s3;
	s0 =	sld [smem:$0x3F9D]  }
0x30: {  	s3 =	sld [smem:$0x3FA0]  }
0x31: {  	[smem:$0x3FA9] =	sst s10  }
0x32: {  	s10 =	sld [smem:$0x3FA7];
	_ =	sdelay $0x3  }
0x33: {  	p0 =	seq.s32 s10, $0x1;
	s10 =	sld [smem:$0x3FA9];
	_ =	sdelay $0x3  }
0x34: {  	[smem:$0x3FA9] =	sst s10  }
0x35: {  	s10 =	sld [smem:$0x3FA8];
	_ =	sdelay $0x3  }
0x36: {  	p1 =	seq.s32 s10, $0x1;
	s10 =	sld [smem:$0x3FA9];
	_ =	sdelay $0x3  }
0x37: {  	[smem:$0x3FA9] =	sst s10  }
0x38: {  	s10 =	sld [smem:$0x3FAA]  }
0x39: {  	_ = 	snop;
	(pc) =	sbr.ind lr, $3  }
0x3a: {  	_ = 	snop  }
0x3b: {  	_ = 	snop  }
0x3c: {  	p2 =	seq.s32 s10, $0x1;
	s10 =	sld [smem:$0x3FA9]  }
0x3d: {  	_ =	shalt  }
0x3e: {  	_ =	shalt  }
0x3f: {  	_ =	shalt  }
0x40: {  	_ =	shalt  }
0x41: {  	_ =	shalt  }
0x42: {  	_ =	shalt  }
0x43: {  	_ =	shalt  }
0x44: {  	_ =	shalt  }
0x45: {  	_ =	shalt  }
0x46: {  	_ =	shalt  }
0x47: {  	_ =	shalt  }
0x48: {  	_ =	shalt  }
0x49: {  	_ =	shalt  }
0x4a: {  	_ =	shalt  }
0x4b: {  	_ =	shalt  }
0x4c: {  	_ =	shalt  }
0x4d: {  	_ =	shalt  }
0x4e: {  	_ =	shalt  }
0x4f: {  	_ =	shalt  }
0x50: {  	_ =	shalt  }
0x51: {  	_ =	shalt  }
0x52: {  	_ =	shalt  }
0x53: {  	_ =	shalt  }
0x54: {  	_ =	shalt  }
0x55: {  	_ =	shalt  }
0x56: {  	_ =	shalt  }
0x57: {  	_ =	shalt  }
0x58: {  	_ =	shalt  }
0x59: {  	_ =	shalt  }
0x5a: {  	_ =	shalt  }
0x5b: {  	_ =	shalt  }
0x5c: {  	_ =	shalt  }
0x5d: {  	_ =	shalt  }
0x5e: {  	_ =	shalt  }
0x5f: {  	_ =	shalt  }
0x60: {  	_ =	shalt  }
0x61: {  	_ =	shalt  }
0x62: {  	_ =	shalt  }
0x63: {  	_ =	shalt  }
0x64: {  	_ =	shalt  }
0x65: {  	_ =	shalt  }
0x66: {  	_ =	shalt  }
0x67: {  	_ =	shalt  }
0x68: {  	_ =	shalt  }
0x69: {  	_ =	shalt  }
0x6a: {  	_ =	shalt  }
0x6b: {  	_ =	shalt  }
0x6c: {  	_ =	shalt  }
0x6d: {  	_ =	shalt  }
0x6e: {  	_ =	shalt  }
0x6f: {  	_ =	shalt  }
0x70: {  	_ =	shalt  }
0x71: {  	_ =	shalt  }
0x72: {  	_ =	shalt  }
0x73: {  	_ =	shalt  }
0x74: {  	_ =	shalt  }
0x75: {  	_ =	shalt  }
0x76: {  	_ =	shalt  }
0x77: {  	_ =	shalt  }
0x78: {  	_ =	shalt  }
0x79: {  	_ =	shalt  }
0x7a: {  	_ =	shalt  }
0x7b: {  	_ =	shalt  }
0x7c: {  	_ =	shalt  }
0x7d: {  	_ =	shalt  }
0x7e: {  	_ =	shalt  }
0x7f: {  	_ =	shalt  }
0x80: {  	_ =	shalt  }
0x81: {  	_ =	shalt  }
0x82: {  	_ =	shalt  }
0x83: {  	_ =	shalt  }
0x84: {  	_ =	shalt  }
0x85: {  	_ =	shalt  }
0x86: {  	_ =	shalt  }
0x87: {  	_ =	shalt  }
.Lfunc_end0:
.L_simem_size_0:
called_computation_lowered:
.L_overlay_start_0:
0x88: {  	s2 =	sld [smem:$0x3FD9]  }
0x89: {  	s3 =	sld [smem:$0x3FFE];
	_ =	sdelay $0x1  }
0x8a: {  	s1 =	srdreg.scid  }
0x8b: {  	s0 =	sand.u32 $0x1, s1  }
0x8c: {  	s16 =	sshll.u32 s0, $0xA;
	s2 =	sadd.s32 s3, s2  }
0x8d: {  	s2 =	sadd.s32 s2, s16  }
0x8e: {  	[smem:$0x3FB5] =	sst s2  }
0x8f: {  	_ = 	snop  }
0x90: {  	(tm) =	ssettm $0x1  }
0x91: {  	s17 =	sld [smem:$0x3FFB];
	_ =	sdelay $0x3  }
0x92: {  	_ =	strace s17  }
0x93: {  	s2 =	sld [smem:$0x3FFC];
	_ =	sdelay $0x3  }
0x94: {  	_ =	strace s2  }
0x95: {  	s2 =	sld [smem:$0x3FFD];
	_ =	sdelay $0x3  }
0x96: {  	_ =	strace s2  }
0x97: {  	_ =	strace $0x8FFFFFFF  }
0x98: {  	s18 =	sld [smem:$0x3FDB];
	_ =	sdelay $0x1  }
0x99: {  	s19 =	simm.s32 $_scs_section_size  }
0x9a: {  	s4 =	simm.s32 $_size__tile_overlayer_lowered;
	s5 =	simm.s32 $_tile_overlayer_lowered  }
0x9b: {  	s22 =	simm.s32 $0x1BFF;
	s21 =	sshll.u32 s5, $0x1;
	s2 =	sadd.s32 s19, s18  }
0x9c: {  	s6 =	simm.s32 $0x0;
	s20 =	sshll.u32 s4, $0x1;
	s4 =	sadd.s32 s21, s2  }
0x9d: {  	[timem:s6], [sflag:s22] =	dma.local [hbm:s4], s20  }
0x9e: {  	_ =	swait.ge [sflag:s22], s20  }
0x9f: {  	s3 =	ssub.s32 $0x0, s20;
	[sflag:s22] =	ssyncset.done $0x0  }
0xa0: {  	[sflag:s22] =	ssyncadd.s32 s3;
	_ =	sdelay $0x1  }
0xa1: {  	s23 =	simm.s32 $0x1B8B  }
0xa2: {  	_ =	swait.ge [sflag:s23], $0x1  }
0xa3: {  	[sflag:s23] =	ssyncset.done $0x0  }
0xa4: {  	s25 =	simm.s32 $0x1B8E;
	s24 =	sld [smem:$0x3FFE];
	[sflag:s23] =	ssyncadd.s32 $0xFFFFFFFF  }
0xa5: {  	s26 =	simm.s32 $execute0_lowered;
	[smem:$0x3FD2] =	sst s25  }
0xa6: {  	s4 =	sshll.u32 s26, $0x1;
	_ =	strace $0x80000046;
	[dreg:$0x1] =	wrdreg $0xFFFFFFFF  }
0xa7: {  	s28 =	simm.s32 $_size_execute0_lowered;
	s2 =	sadd.s32 s2, s4;
	[dreg:$0x0] =	wrdreg $0x0  }
0xa8: {  	s4 =	sshll.u32 s28, $0x1;
	[dreg:$0x2] =	wrdreg s2  }
0xa9: {  	[dreg:$0x3] =	wrdreg s4  }
0xaa: {  	[dreg:$0x4] =	wrdreg $0xC0  }
0xab: {  	_ =	task [dreg:s6], $0x5FFFF  }
0xac: {  	[dreg:$0x1] =	wrdreg $0xFFFFFFFF  }
0xad: {  	[dreg:$0x0] =	wrdreg $0x60  }
0xae: {  	[dreg:$0x2] =	wrdreg s24  }
0xaf: {  	[dreg:$0x3] =	wrdreg $0xE8000  }
0xb0: {  	[dreg:$0x4] =	wrdreg $0x9  }
0xb1: {  	_ =	task.clear_ibuf [dreg:s6], $0x5FFFF;
	_ =	strace $0x90000046  }
0xb2: {  	s29 =	simm.s32 $0x9;
	_ =	strace $0x80000048  }
0xb3: {  	_ =	swait.ge [sflag:s29], $0x1  }
0xb4: {  	[sflag:s29] =	ssyncadd.s32 $0xFFFFFFFF  }
0xb5: {  	_ =	strace $0x90000048  }
0xb6: {  	_ =	sfence  }
0xb7: {  	s30 =	sld [smem:$0x0];
	_ =	sdelay $0x2  }
0xb8: {  	s31 =	sshll.u32 s1, $0xD;
	s1 =	sshrl.u32 s1, $0x2  }
0xb9: {  	s3 =	sand.u32 $0x4000, s31;
	s1 =	sadd.s32 s1, s30  }
0xba: {  	s0 =	sor.u32 s3, s0;
	s1 =	sshll.u32 s1, $0x11  }
0xbb: {  	s0 =	sor.u32 s1, s0  }
0xbc: {  	s0 =	sadd.s32 $0x8F2B, s0  }
0xbd: {  	[sflag:s0] =	ssyncadd.remote.s32 $0x1  }
0xbe: {  	_ =	sfence.sel $0xFFFF  }
0xbf: {  	[dreg:$0x0] =	wrdreg $0xFFFFFFFF;
	(pc) =	sbr.abs _section_cstart, $3  }
0xc0: {  	[dreg:$0x1] =	wrdreg $0xFFFFFFFF  }
0xc1: {  	_ =	task.clear_ibuf [dreg:s6], $0x2FFFF;
	_ =	strace $0x9FFFFFFF  }
0xc2: {  	(tm) =	ssettm $0x7FFFFFFF  }
0xc3: {  	_ =	shalt  }
tec
execute0_lowered:
.L_overlay_start_1:
0x0: {  	(tag) =	ssettag $0x1  }
0x1: {  	s0 =	srdreg.scid;
	s5 =	rddreg [dreg:$0x0]  }
0x2: {  	s11 =	stileid.u32;
	s2 =	rddreg [dreg:$0x1]  }
0x3: {  	s3 =	simm.s32 $0x0;
	s12 =	simm.s32 $0x9;
	s14 =	simm.s32 $0x80  }
0x4: {  	s15 =	simm.s32 $0xC800;
	s16 =	simm.s32 $0xCC00;
	s18 =	simm.s32 $0xD000  }
0x5: {  	s20 =	simm.s32 $0xD400;
	s22 =	simm.s32 $0xD800;
	s29 =	simm.s32 $0xE400  }
0x6: {  	s30 =	simm.s32 $0x1;
	s31 =	simm.s32 $0x2;
	s13 =	simm.s32 $0x5  }
0x7: {  	s17 =	simm.s32 $0x6;
	s19 =	simm.s32 $0x7;
	s21 =	simm.s32 $0x8  }
0x8: {  	s28 =	simm.s32 $0x0;
	s0 =	sand.u32 $0x1, s0;
	s6 =	smul.u32 $0x6200, s11  }
0x9: {  	[smem:$0x7FF] =	sst s3;
	s4 =	sadd.s32 $0x1600, s5;
	s24 =	sshll.u32 s11, $0x6  }
0xa: {  	s1 =	sshll.u32 s0, $0x4;
	s7 =	smul.u32 $0x62000, s0;
	_ =	strace $0x80000047  }
0xb: {  	s0 =	ssub.s32 $0x2, s0;
	s1 =	sor.u32 s11, s1;
	s8 =	sshrl.u32 s6, $0x3  }
0xc: {  	s9 =	sshrl.u32 s0, $0x1;
	s25 =	sadd.s32 s6, s2;
	s1 =	smul.u32 $0xC80, s1  }
0xd: {  	s7 =	sadd.s32 s6, s7;
	s8 =	sadd.s32 s8, s5;
	s0 =	ssub.s32 s0, s9  }
0xe: {  	s6 =	sor.u32 $0x1C09, s24;
	s11 =	sshrl.u32 s25, $0x3;
	s24 =	simm.s32 $0xDC00  }
0xf: {  	s7 =	sshrl.u32 s7, $0x3;
	s26 =	sadd.s32 $0x3FA00, s8;
	s1 =	sadd.s32 s1, s5  }
0x10: {  	s10 =	sadd.s32 s7, s5;
	[dreg:$0x3] =	wrdreg s26;
	s26 =	simm.s32 $0xE000  }
0x11: {  	s7 =	sadd.s32 $0xDA00, s1;
	s8 =	sadd.s32 $0x26A00, s1;
	s9 =	sadd.s32 $0x4BE00, s10  }
0x12: {  	s10 =	smax.u32 s0, $0x1;
	s1 =	simm.s32 $0x3;
	s0 =	simm.s32 $0x4  }
.LBB2_1:
0x13: {  	s5 =	rddreg [dreg:$0x3]  }
0x14: {  	[spmem:s11], [sflag:s6] =	dma.local [hbm:s5], $0xC40  }
0x15: {  	_ =	swait.ge [sflag:s12], $0xC40  }
0x16: {  	[sflag:s12] =	ssyncset.done $0x0  }
0x17: {  	[sflag:s12] =	ssyncadd.s32 $0xFFFFF3C0  }
0x18: {  	[tilespmem:s3], [sflag:$0x9] =	stream.linear.gather [hbm4b:s7+s3], $0x6400, $0x38;
	[tilespmem:$0x14A00] =	vst v63  }
0x19: {  	_ =	swait.ge [sflag:s12], $0x6400  }
0x1a: {  	[sflag:s12] =	ssyncset.done $0x0  }
0x1b: {  	s25 =	simm.s32 $0x6400;
	[sflag:s12] =	ssyncadd.s32 $0xFFFF9C00  }
0x1c: {  	[tilespmem:s25], [sflag:$0x9] =	stream.linear.gather [hbm4b:s8+s3], $0x6400, $0x38;
	[tilespmem:$0x14A00] =	vst v63  }
0x1d: {  	_ =	swait.ge [sflag:s12], $0x6400  }
0x1e: {  	[sflag:s12] =	ssyncset.done $0x0  }
0x1f: {  	[sflag:s12] =	ssyncadd.s32 $0xFFFF9C00  }
0x20: {  	[bflag:$0x0] =	sbarrier.arrive $0xFFFF  }
0x21: {  	[tilespmem:s15], [sflag:$0x1] =	stream.indirect.gather [hbm4b:s4+s14], $0x8, s3, s14, $0xb8;
	[tilespmem:$0x14A00] =	vst v63  }
0x22: {  	_ = 	snop  }
0x23: {  	[tilespmem:s16], [sflag:$0x2] =	stream.indirect.gather [hbm4b:s4+s14], $0x8, s14, s14, $0xb8;
	[tilespmem:$0x14A00] =	vst v63  }
0x24: {  	s23 =	simm.s32 $0x100  }
0x25: {  	[tilespmem:s18], [sflag:$0x3] =	stream.indirect.gather [hbm4b:s4+s14], $0x8, s23, s14, $0xb8;
	[tilespmem:$0x14A00] =	vst v63  }
0x26: {  	s25 =	simm.s32 $0x180  }
0x27: {  	[tilespmem:s20], [sflag:$0x4] =	stream.indirect.gather [hbm4b:s4+s14], $0x8, s25, s14, $0xb8;
	[tilespmem:$0x14A00] =	vst v63  }
0x28: {  	s23 =	simm.s32 $0x200  }
0x29: {  	[tilespmem:s22], [sflag:$0x5] =	stream.indirect.gather [hbm4b:s4+s14], $0x8, s23, s14, $0xb8;
	[tilespmem:$0x14A00] =	vst v63  }
0x2a: {  	s25 =	simm.s32 $0x280  }
0x2b: {  	[tilespmem:s24], [sflag:$0x6] =	stream.indirect.gather [hbm4b:s4+s14], $0x8, s25, s14, $0xb8;
	[tilespmem:$0x14A00] =	vst v63  }
0x2c: {  	s23 =	simm.s32 $0x300  }
0x2d: {  	[tilespmem:s26], [sflag:$0x7] =	stream.indirect.gather [hbm4b:s4+s14], $0x8, s23, s14, $0xb8;
	[tilespmem:$0x14A00] =	vst v63  }
0x2e: {  	s25 =	simm.s32 $0x380  }
0x2f: {  	[tilespmem:s29], [sflag:$0x8] =	stream.indirect.gather [hbm4b:s4+s14], $0x8, s25, s14, $0xb8;
	[tilespmem:$0x14A00] =	vst v63  }
0x30: {  	_ =	swait.ge [sflag:s30], $0x400  }
0x31: {  	[sflag:s30] =	ssyncset.done $0x0  }
0x32: {  	s23 =	simm.s32 $0x6400;
	[sflag:s30] =	ssyncadd.s32 $0xFFFFFC00  }
0x33: {  	[spmem:s2] =	stream.indirect.scatter.add.f32 [tilespmem:s15], [sflag:$0x9], $0x8, s23, s14, $0xb8;
	[tilespmem:$0x14A00] =	vst v63  }
0x34: {  	_ =	swait.ge [sflag:s12], $0x400  }
0x35: {  	[sflag:s12] =	ssyncset.done $0x0  }
0x36: {  	s5 =	simm.s32 $0x400;
	[sflag:s12] =	ssyncadd.s32 $0xFFFFFC00  }
0x37: {  	[tilespmem:s15], [sflag:$0x1] =	stream.indirect.gather [hbm4b:s4+s14], $0x8, s5, s14, $0xb8;
	[tilespmem:$0x14A00] =	vst v63  }
0x38: {  	_ =	swait.ge [sflag:s31], $0x400  }
0x39: {  	[sflag:s31] =	ssyncset.done $0x0  }
0x3a: {  	s25 =	simm.s32 $0x6480;
	[sflag:s31] =	ssyncadd.s32 $0xFFFFFC00  }
0x3b: {  	[spmem:s2] =	stream.indirect.scatter.add.f32 [tilespmem:s16], [sflag:$0x9], $0x8, s25, s14, $0xb8;
	[tilespmem:$0x14A00] =	vst v63  }
0x3c: {  	_ =	swait.ge [sflag:s12], $0x400  }
0x3d: {  	[sflag:s12] =	ssyncset.done $0x0  }
0x3e: {  	s5 =	simm.s32 $0x480;
	[sflag:s12] =	ssyncadd.s32 $0xFFFFFC00  }
0x3f: {  	[tilespmem:s16], [sflag:$0x2] =	stream.indirect.gather [hbm4b:s4+s14], $0x8, s5, s14, $0xb8;
	[tilespmem:$0x14A00] =	vst v63  }
0x40: {  	_ =	swait.ge [sflag:s1], $0x400  }
0x41: {  	[sflag:s1] =	ssyncset.done $0x0  }
0x42: {  	s25 =	simm.s32 $0x6500;
	[sflag:s1] =	ssyncadd.s32 $0xFFFFFC00  }
0x43: {  	[spmem:s2] =	stream.indirect.scatter.add.f32 [tilespmem:s18], [sflag:$0x9], $0x8, s25, s14, $0xb8;
	[tilespmem:$0x14A00] =	vst v63  }
0x44: {  	_ =	swait.ge [sflag:s12], $0x400  }
0x45: {  	[sflag:s12] =	ssyncset.done $0x0  }
0x46: {  	s5 =	simm.s32 $0x500;
	[sflag:s12] =	ssyncadd.s32 $0xFFFFFC00  }
0x47: {  	[tilespmem:s18], [sflag:$0x3] =	stream.indirect.gather [hbm4b:s4+s14], $0x8, s5, s14, $0xb8;
	[tilespmem:$0x14A00] =	vst v63  }
0x48: {  	_ =	swait.ge [sflag:s0], $0x400  }
0x49: {  	[sflag:s0] =	ssyncset.done $0x0  }
0x4a: {  	s25 =	simm.s32 $0x6580;
	[sflag:s0] =	ssyncadd.s32 $0xFFFFFC00  }
0x4b: {  	[spmem:s2] =	stream.indirect.scatter.add.f32 [tilespmem:s20], [sflag:$0x9], $0x8, s25, s14, $0xb8;
	[tilespmem:$0x14A00] =	vst v63  }
0x4c: {  	_ =	swait.ge [sflag:s12], $0x400  }
0x4d: {  	[sflag:s12] =	ssyncset.done $0x0  }
0x4e: {  	s5 =	simm.s32 $0x580;
	[sflag:s12] =	ssyncadd.s32 $0xFFFFFC00  }
0x4f: {  	[tilespmem:s20], [sflag:$0x4] =	stream.indirect.gather [hbm4b:s4+s14], $0x8, s5, s14, $0xb8;
	[tilespmem:$0x14A00] =	vst v63  }
0x50: {  	_ =	swait.ge [sflag:s13], $0x400  }
0x51: {  	[sflag:s13] =	ssyncset.done $0x0  }
0x52: {  	s25 =	simm.s32 $0x6600;
	[sflag:s13] =	ssyncadd.s32 $0xFFFFFC00  }
0x53: {  	[spmem:s2] =	stream.indirect.scatter.add.f32 [tilespmem:s22], [sflag:$0x9], $0x8, s25, s14, $0xb8;
	[tilespmem:$0x14A00] =	vst v63  }
0x54: {  	_ =	swait.ge [sflag:s12], $0x400  }
0x55: {  	[sflag:s12] =	ssyncset.done $0x0  }
0x56: {  	s5 =	simm.s32 $0x600;
	[sflag:s12] =	ssyncadd.s32 $0xFFFFFC00  }
0x57: {  	[tilespmem:s22], [sflag:$0x5] =	stream.indirect.gather [hbm4b:s4+s14], $0x8, s5, s14, $0xb8;
	[tilespmem:$0x14A00] =	vst v63  }
0x58: {  	_ =	swait.ge [sflag:s17], $0x400  }
0x59: {  	[sflag:s17] =	ssyncset.done $0x0  }
0x5a: {  	s25 =	simm.s32 $0x6680;
	[sflag:s17] =	ssyncadd.s32 $0xFFFFFC00  }
0x5b: {  	[spmem:s2] =	stream.indirect.scatter.add.f32 [tilespmem:s24], [sflag:$0x9], $0x8, s25, s14, $0xb8;
	[tilespmem:$0x14A00] =	vst v63  }
0x5c: {  	_ =	swait.ge [sflag:s12], $0x400  }
0x5d: {  	[sflag:s12] =	ssyncset.done $0x0  }
0x5e: {  	s5 =	simm.s32 $0x680;
	[sflag:s12] =	ssyncadd.s32 $0xFFFFFC00  }
0x5f: {  	[tilespmem:s24], [sflag:$0x6] =	stream.indirect.gather [hbm4b:s4+s14], $0x8, s5, s14, $0xb8;
	[tilespmem:$0x14A00] =	vst v63  }
0x60: {  	_ =	swait.ge [sflag:s19], $0x400  }
0x61: {  	[sflag:s19] =	ssyncset.done $0x0  }
0x62: {  	s25 =	simm.s32 $0x6700;
	[sflag:s19] =	ssyncadd.s32 $0xFFFFFC00  }
0x63: {  	[spmem:s2] =	stream.indirect.scatter.add.f32 [tilespmem:s26], [sflag:$0x9], $0x8, s25, s14, $0xb8;
	[tilespmem:$0x14A00] =	vst v63  }
0x64: {  	_ =	swait.ge [sflag:s12], $0x400  }
0x65: {  	[sflag:s12] =	ssyncset.done $0x0  }
0x66: {  	s5 =	simm.s32 $0x700;
	[sflag:s12] =	ssyncadd.s32 $0xFFFFFC00  }
0x67: {  	[tilespmem:s26], [sflag:$0x7] =	stream.indirect.gather [hbm4b:s4+s14], $0x8, s5, s14, $0xb8;
	[tilespmem:$0x14A00] =	vst v63  }
0x68: {  	_ =	swait.ge [sflag:s21], $0x400  }
0x69: {  	[sflag:s21] =	ssyncset.done $0x0  }
0x6a: {  	s25 =	simm.s32 $0x6780;
	[sflag:s21] =	ssyncadd.s32 $0xFFFFFC00  }
0x6b: {  	[spmem:s2] =	stream.indirect.scatter.add.f32 [tilespmem:s29], [sflag:$0x9], $0x8, s25, s14, $0xb8;
	[tilespmem:$0x14A00] =	vst v63  }
0x6c: {  	_ =	swait.ge [sflag:s12], $0x400  }
0x6d: {  	[sflag:s12] =	ssyncset.done $0x0  }
0x6e: {  	s23 =	simm.s32 $0x1000;
	s25 =	simm.s32 $0x780;
	[sflag:s12] =	ssyncadd.s32 $0xFFFFFC00  }
.LBB2_2:
0x6f: {  	[tilespmem:s29], [sflag:$0x8] =	stream.indirect.gather [hbm4b:s4+s14], $0x8, s25, s14, $0xb8;
	[tilespmem:$0x14A00] =	vst v63  }
0x70: {  	s25 =	smov.u32 s23  }
0x71: {  	p0 =	sne.s32 s23, $0x17000;
	s23 =	sadd.s32 $0x1000, s23;
	_ =	swait.ge [sflag:s30], $0x400  }
0x72: {  	s25 =	sshra.s32 s25, $0x2;
	[sflag:s30] =	ssyncset.done $0x0  }
0x73: {  	s5 =	sadd.s32 $0x6400, s25;
	[sflag:s30] =	ssyncadd.s32 $0xFFFFFC00  }
0x74: {  	[spmem:s2] =	stream.indirect.scatter.add.f32 [tilespmem:s15], [sflag:$0x9], $0x8, s5, s14, $0xb8;
	[tilespmem:$0x14A00] =	vst v63  }
0x75: {  	_ =	swait.ge [sflag:s12], $0x400  }
0x76: {  	[sflag:s12] =	ssyncset.done $0x0  }
0x77: {  	s5 =	sadd.s32 $0x400, s25;
	[sflag:s12] =	ssyncadd.s32 $0xFFFFFC00  }
0x78: {  	[tilespmem:s15], [sflag:$0x1] =	stream.indirect.gather [hbm4b:s4+s14], $0x8, s5, s14, $0xb8;
	[tilespmem:$0x14A00] =	vst v63  }
0x79: {  	_ =	swait.ge [sflag:s31], $0x400  }
0x7a: {  	[sflag:s31] =	ssyncset.done $0x0  }
0x7b: {  	s5 =	sadd.s32 $0x6480, s25;
	[sflag:s31] =	ssyncadd.s32 $0xFFFFFC00  }
0x7c: {  	[spmem:s2] =	stream.indirect.scatter.add.f32 [tilespmem:s16], [sflag:$0x9], $0x8, s5, s14, $0xb8;
	[tilespmem:$0x14A00] =	vst v63  }
0x7d: {  	_ =	swait.ge [sflag:s12], $0x400  }
0x7e: {  	[sflag:s12] =	ssyncset.done $0x0  }
0x7f: {  	s5 =	sadd.s32 $0x480, s25;
	[sflag:s12] =	ssyncadd.s32 $0xFFFFFC00  }
0x80: {  	[tilespmem:s16], [sflag:$0x2] =	stream.indirect.gather [hbm4b:s4+s14], $0x8, s5, s14, $0xb8;
	[tilespmem:$0x14A00] =	vst v63  }
0x81: {  	_ =	swait.ge [sflag:s1], $0x400  }
0x82: {  	[sflag:s1] =	ssyncset.done $0x0  }
0x83: {  	s5 =	sadd.s32 $0x6500, s25;
	[sflag:s1] =	ssyncadd.s32 $0xFFFFFC00  }
0x84: {  	[spmem:s2] =	stream.indirect.scatter.add.f32 [tilespmem:s18], [sflag:$0x9], $0x8, s5, s14, $0xb8;
	[tilespmem:$0x14A00] =	vst v63  }
0x85: {  	_ =	swait.ge [sflag:s12], $0x400  }
0x86: {  	[sflag:s12] =	ssyncset.done $0x0  }
0x87: {  	s5 =	sadd.s32 $0x500, s25;
	[sflag:s12] =	ssyncadd.s32 $0xFFFFFC00  }
0x88: {  	[tilespmem:s18], [sflag:$0x3] =	stream.indirect.gather [hbm4b:s4+s14], $0x8, s5, s14, $0xb8;
	[tilespmem:$0x14A00] =	vst v63  }
0x89: {  	_ =	swait.ge [sflag:s0], $0x400  }
0x8a: {  	[sflag:s0] =	ssyncset.done $0x0  }
0x8b: {  	s5 =	sadd.s32 $0x6580, s25;
	[sflag:s0] =	ssyncadd.s32 $0xFFFFFC00  }
0x8c: {  	[spmem:s2] =	stream.indirect.scatter.add.f32 [tilespmem:s20], [sflag:$0x9], $0x8, s5, s14, $0xb8;
	[tilespmem:$0x14A00] =	vst v63  }
0x8d: {  	_ =	swait.ge [sflag:s12], $0x400  }
0x8e: {  	[sflag:s12] =	ssyncset.done $0x0  }
0x8f: {  	s5 =	sadd.s32 $0x580, s25;
	[sflag:s12] =	ssyncadd.s32 $0xFFFFFC00  }
0x90: {  	[tilespmem:s20], [sflag:$0x4] =	stream.indirect.gather [hbm4b:s4+s14], $0x8, s5, s14, $0xb8;
	[tilespmem:$0x14A00] =	vst v63  }
0x91: {  	_ =	swait.ge [sflag:s13], $0x400  }
0x92: {  	[sflag:s13] =	ssyncset.done $0x0  }
0x93: {  	s5 =	sadd.s32 $0x6600, s25;
	[sflag:s13] =	ssyncadd.s32 $0xFFFFFC00  }
0x94: {  	[spmem:s2] =	stream.indirect.scatter.add.f32 [tilespmem:s22], [sflag:$0x9], $0x8, s5, s14, $0xb8;
	[tilespmem:$0x14A00] =	vst v63  }
0x95: {  	_ =	swait.ge [sflag:s12], $0x400  }
0x96: {  	[sflag:s12] =	ssyncset.done $0x0  }
0x97: {  	s5 =	sadd.s32 $0x600, s25;
	[sflag:s12] =	ssyncadd.s32 $0xFFFFFC00  }
0x98: {  	[tilespmem:s22], [sflag:$0x5] =	stream.indirect.gather [hbm4b:s4+s14], $0x8, s5, s14, $0xb8;
	[tilespmem:$0x14A00] =	vst v63  }
0x99: {  	_ =	swait.ge [sflag:s17], $0x400  }
0x9a: {  	[sflag:s17] =	ssyncset.done $0x0  }
0x9b: {  	s5 =	sadd.s32 $0x6680, s25;
	[sflag:s17] =	ssyncadd.s32 $0xFFFFFC00  }
0x9c: {  	[spmem:s2] =	stream.indirect.scatter.add.f32 [tilespmem:s24], [sflag:$0x9], $0x8, s5, s14, $0xb8;
	[tilespmem:$0x14A00] =	vst v63  }
0x9d: {  	_ =	swait.ge [sflag:s12], $0x400  }
0x9e: {  	[sflag:s12] =	ssyncset.done $0x0  }
0x9f: {  	s5 =	sadd.s32 $0x680, s25;
	[sflag:s12] =	ssyncadd.s32 $0xFFFFFC00  }
0xa0: {  	[tilespmem:s24], [sflag:$0x6] =	stream.indirect.gather [hbm4b:s4+s14], $0x8, s5, s14, $0xb8;
	[tilespmem:$0x14A00] =	vst v63  }
0xa1: {  	_ =	swait.ge [sflag:s19], $0x400  }
0xa2: {  	[sflag:s19] =	ssyncset.done $0x0  }
0xa3: {  	s5 =	sadd.s32 $0x6700, s25;
	[sflag:s19] =	ssyncadd.s32 $0xFFFFFC00  }
0xa4: {  	[spmem:s2] =	stream.indirect.scatter.add.f32 [tilespmem:s26], [sflag:$0x9], $0x8, s5, s14, $0xb8;
	[tilespmem:$0x14A00] =	vst v63  }
0xa5: {  	_ =	swait.ge [sflag:s12], $0x400  }
0xa6: {  	[sflag:s12] =	ssyncset.done $0x0  }
0xa7: {  	s5 =	sadd.s32 $0x700, s25;
	[sflag:s12] =	ssyncadd.s32 $0xFFFFFC00  }
0xa8: {  	[tilespmem:s26], [sflag:$0x7] =	stream.indirect.gather [hbm4b:s4+s14], $0x8, s5, s14, $0xb8;
	[tilespmem:$0x14A00] =	vst v63  }
0xa9: {  	_ =	swait.ge [sflag:s21], $0x400  }
0xaa: {  	[sflag:s21] =	ssyncset.done $0x0  }
.Ltmp0:
0xab: {  	s5 =	sadd.s32 $0x6780, s25;
	[sflag:s21] =	ssyncadd.s32 $0xFFFFFC00;
	(pc) =	sbr.rel @p0 .LBB2_2-.Ltmp0, $4  }
0xac: {  	[spmem:s2] =	stream.indirect.scatter.add.f32 [tilespmem:s29], [sflag:$0x9], $0x8, s5, s14, $0xb8;
	[tilespmem:$0x14A00] =	vst v63  }
0xad: {  	_ =	swait.ge [sflag:s12], $0x400  }
0xae: {  	[sflag:s12] =	ssyncset.done $0x0  }
0xaf: {  	s25 =	sadd.s32 $0x780, s25;
	[sflag:s12] =	ssyncadd.s32 $0xFFFFFC00  }
0xb0: {  	[tilespmem:s29], [sflag:$0x8] =	stream.indirect.gather [hbm4b:s4+s14], $0x8, s25, s14, $0xb8;
	[tilespmem:$0x14A00] =	vst v63  }
0xb1: {  	_ =	swait.ge [sflag:s30], $0x400  }
0xb2: {  	[sflag:s30] =	ssyncset.done $0x0  }
0xb3: {  	s5 =	simm.s32 $0xC400;
	[sflag:s30] =	ssyncadd.s32 $0xFFFFFC00  }
0xb4: {  	[spmem:s2] =	stream.indirect.scatter.add.f32 [tilespmem:s15], [sflag:$0x9], $0x8, s5, s14, $0xb8;
	[tilespmem:$0x14A00] =	vst v63  }
0xb5: {  	_ =	swait.ge [sflag:s12], $0x400  }
0xb6: {  	[sflag:s12] =	ssyncset.done $0x0  }
0xb7: {  	[sflag:s12] =	ssyncadd.s32 $0xFFFFFC00  }
0xb8: {  	_ =	swait.ge [sflag:s31], $0x400  }
0xb9: {  	[sflag:s31] =	ssyncset.done $0x0  }
0xba: {  	s25 =	simm.s32 $0xC480;
	[sflag:s31] =	ssyncadd.s32 $0xFFFFFC00  }
0xbb: {  	[spmem:s2] =	stream.indirect.scatter.add.f32 [tilespmem:s16], [sflag:$0x9], $0x8, s25, s14, $0xb8;
	[tilespmem:$0x14A00] =	vst v63  }
0xbc: {  	_ =	swait.ge [sflag:s12], $0x400  }
0xbd: {  	[sflag:s12] =	ssyncset.done $0x0  }
0xbe: {  	[sflag:s12] =	ssyncadd.s32 $0xFFFFFC00  }
0xbf: {  	_ =	swait.ge [sflag:s1], $0x400  }
0xc0: {  	[sflag:s1] =	ssyncset.done $0x0  }
0xc1: {  	s23 =	simm.s32 $0xC500;
	[sflag:s1] =	ssyncadd.s32 $0xFFFFFC00  }
0xc2: {  	[spmem:s2] =	stream.indirect.scatter.add.f32 [tilespmem:s18], [sflag:$0x9], $0x8, s23, s14, $0xb8;
	[tilespmem:$0x14A00] =	vst v63  }
0xc3: {  	_ =	swait.ge [sflag:s12], $0x400  }
0xc4: {  	[sflag:s12] =	ssyncset.done $0x0  }
0xc5: {  	[sflag:s12] =	ssyncadd.s32 $0xFFFFFC00  }
0xc6: {  	_ =	swait.ge [sflag:s0], $0x400  }
0xc7: {  	[sflag:s0] =	ssyncset.done $0x0  }
0xc8: {  	s25 =	simm.s32 $0xC580;
	[sflag:s0] =	ssyncadd.s32 $0xFFFFFC00  }
0xc9: {  	[spmem:s2] =	stream.indirect.scatter.add.f32 [tilespmem:s20], [sflag:$0x9], $0x8, s25, s14, $0xb8;
	[tilespmem:$0x14A00] =	vst v63  }
0xca: {  	_ =	swait.ge [sflag:s12], $0x400  }
0xcb: {  	[sflag:s12] =	ssyncset.done $0x0  }
0xcc: {  	[sflag:s12] =	ssyncadd.s32 $0xFFFFFC00  }
0xcd: {  	_ =	swait.ge [sflag:s13], $0x400  }
0xce: {  	[sflag:s13] =	ssyncset.done $0x0  }
0xcf: {  	s23 =	simm.s32 $0xC600;
	[sflag:s13] =	ssyncadd.s32 $0xFFFFFC00  }
0xd0: {  	[spmem:s2] =	stream.indirect.scatter.add.f32 [tilespmem:s22], [sflag:$0x9], $0x8, s23, s14, $0xb8;
	[tilespmem:$0x14A00] =	vst v63  }
0xd1: {  	_ =	swait.ge [sflag:s12], $0x400  }
0xd2: {  	[sflag:s12] =	ssyncset.done $0x0  }
0xd3: {  	[sflag:s12] =	ssyncadd.s32 $0xFFFFFC00  }
0xd4: {  	_ =	swait.ge [sflag:s17], $0x400  }
0xd5: {  	[sflag:s17] =	ssyncset.done $0x0  }
0xd6: {  	s25 =	simm.s32 $0xC680;
	[sflag:s17] =	ssyncadd.s32 $0xFFFFFC00  }
0xd7: {  	[spmem:s2] =	stream.indirect.scatter.add.f32 [tilespmem:s24], [sflag:$0x9], $0x8, s25, s14, $0xb8;
	[tilespmem:$0x14A00] =	vst v63  }
0xd8: {  	_ =	swait.ge [sflag:s12], $0x400  }
0xd9: {  	[sflag:s12] =	ssyncset.done $0x0  }
0xda: {  	[sflag:s12] =	ssyncadd.s32 $0xFFFFFC00  }
0xdb: {  	_ =	swait.ge [sflag:s19], $0x400  }
0xdc: {  	[sflag:s19] =	ssyncset.done $0x0  }
0xdd: {  	s23 =	simm.s32 $0xC700;
	[sflag:s19] =	ssyncadd.s32 $0xFFFFFC00  }
0xde: {  	[spmem:s2] =	stream.indirect.scatter.add.f32 [tilespmem:s26], [sflag:$0x9], $0x8, s23, s14, $0xb8;
	[tilespmem:$0x14A00] =	vst v63  }
0xdf: {  	_ =	swait.ge [sflag:s12], $0x400  }
0xe0: {  	[sflag:s12] =	ssyncset.done $0x0  }
0xe1: {  	[sflag:s12] =	ssyncadd.s32 $0xFFFFFC00  }
0xe2: {  	_ =	swait.ge [sflag:s21], $0x400  }
0xe3: {  	[sflag:s21] =	ssyncset.done $0x0  }
0xe4: {  	s25 =	simm.s32 $0xC780;
	[sflag:s21] =	ssyncadd.s32 $0xFFFFFC00  }
0xe5: {  	[spmem:s2] =	stream.indirect.scatter.add.f32 [tilespmem:s29], [sflag:$0x9], $0x8, s25, s14, $0xb8;
	[tilespmem:$0x14A00] =	vst v63  }
0xe6: {  	_ =	swait.ge [sflag:s12], $0x400  }
0xe7: {  	s28 =	sadd.s32 $0x1, s28;
	[sflag:s12] =	ssyncset.done $0x0  }
0xe8: {  	p0 =	sne.s32 s28, s10;
	[sflag:s12] =	ssyncadd.s32 $0xFFFFFC00  }
.Ltmp1:
0xe9: {  	[bflag:$0x0] =	sbarrier.arrive $0xFFFF;
	(pc) =	sbr.rel @p0 .LBB2_1-.Ltmp1, $4  }
0xea: {  	[hbm:s9], [sflag:s6] =	dma.local [spmem:s11], $0xC40  }
0xeb: {  	_ =	swait.ge [sflag:s12], $0xC40  }
0xec: {  	[sflag:s12] =	ssyncset.done $0x0  }
0xed: {  	[sflag:s12] =	ssyncadd.s32 $0xFFFFF3C0  }
0xee: {  	_ =	sfence.sel $0x180000  }
0xef: {  	[bflag:$0x0] =	sbarrier.arrive $0xFFFF  }
0xf0: {  	_ =	strace $0x90000047  }
0xf1: {  	s0 =	stileid.u32;
	[bflag:$0x2] =	sbarrier.arrive $0xFFFF  }
0xf2: {  	p0 =	sne.s32 s0, $0x0;
	s0 =	rddreg [dreg:$0x2]  }
0xf3: {  	s0 =	sadd.s32 @!p0 $0x100000, s0  }
0xf4: {  	[sflag:s0] =	ssyncadd.tile.s32 @!p0 $0x1;
	_ =	shalt  }
.Lfunc_end2:
_tile_overlayer_lowered:
.L_overlay_start_2:
0xf5: {  	(tag) =	ssettag $0x2  }
0xf6: {  	s0 =	rddreg [dreg:$0x0];
	s2 =	stileid.u32  }
0xf7: {  	s1 =	rddreg [dreg:$0x1];
	p0 =	sne.s32 s2, $0x0  }
0xf8: {  	s3 =	rddreg [dreg:$0x2];
	[bflag:$0x3] =	sbarrier.arrive $0xFFFF;
	s2 =	simm.s32 @!p0 $0x1C09  }
0xf9: {  	[timem:s3], [sflag:s2] =	dma.local @!p0 [hbm:s0], s1  }
0xfa: {  	s0 =	simm.s32 @!p0 $0x9  }
0xfb: {  	_ =	swait.ge @!p0 [sflag:s0], s1  }
0xfc: {  	s1 =	ssub.s32 @!p0 $0x0, s1;
	[sflag:s0] =	ssyncset.done @!p0 $0x0  }
0xfd: {  	[sflag:s0] =	ssyncadd.s32 @!p0 s1  }
0xfe: {  	[bflag:$0x3] =	sbarrier.arrive $0xFFFF  }
0xff: {  	_ =	shalt  }

// kernel: kernel.14.cloned.1.call-start
scs
__scs_entry_jumppad:
0x0: {  	(pc) =	sbr.rel $0x88, $3  }
0x1: {  	(tag) =	ssettag $0x0;
	lr =	simm.s32 $0x1  }
0x2: {  	[smem:$0x3F8E] =	sst lr;
	_ =	strace $0xD0000000  }
0x3: {  	_ = 	snop  }
0x4: {  	_ = 	snop  }
0x5: {  	_ = 	snop  }
0x6: {  	_ = 	snop  }
0x7: {  	_ = 	snop  }
__scs_overlays_trampoline_lowered:
0x8: {  	[smem:$0x3F9D] =	sst s0  }
0x9: {  	[smem:$0x3F9E] =	sst s1  }
0xa: {  	[smem:$0x3F9F] =	sst s2  }
0xb: {  	[smem:$0x3FA0] =	sst s3  }
0xc: {  	[smem:$0x3FA1] =	sst s4  }
0xd: {  	[smem:$0x3FA2] =	sst s5  }
0xe: {  	[smem:$0x3FA3] =	sst s6  }
0xf: {  	[smem:$0x3FA4] =	sst s7  }
0x10: {  	[smem:$0x3FA5] =	sst s8  }
0x11: {  	[smem:$0x3FA6] =	sst s9;
	s0 =	simm.s32 @!p0 $0x0  }
0x12: {  	s1 =	sld [smem:$0x3F8C];
	s0 =	simm.s32 @p0 $0x1  }
0x13: {  	[smem:$0x3FA7] =	sst s0;
	s0 =	simm.s32 @!p1 $0x0  }
0x14: {  	s2 =	sld [smem:$0x3F8B];
	s0 =	simm.s32 @p1 $0x1  }
0x15: {  	[smem:$0x3FA8] =	sst s0;
	s0 =	simm.s32 @!p2 $0x0  }
0x16: {  	s3 =	sld [smem:$0x3FDB];
	s0 =	simm.s32 @p2 $0x1  }
0x17: {  	s4 =	simm.s32 $0x1BF5;
	[smem:$0x3FAA] =	sst s0  }
0x18: {  	s0 =	sld [smem:$0x3F8D];
	_ =	swait.ge [sflag:s4], $0x0  }
0x19: {  	s7 =	sld [smem:$0x3F8E]  }
0x1a: {  	s8 =	sadd.s32 $0xFFFFE003, lr  }
0x1b: {  	s9 =	sadd.s32 $0xFFFFFEF7, lr;
	s5 =	simm.s32 $0xFFFFFFFF;
	p2 =	slt.u32 s8, $0xFFFFF086  }
0x1c: {  	p1 =	slt.u32 s9, $0xF7A;
	s5 =	simm.s32 @!p2 $0x0  }
0x1d: {  	s5 =	simm.s32 @p1 $0x1;
	p0 =	seq.s32 s7, s2  }
0x1e: {  	s7 =	smul.u32 @!p0 $0xF7A, s2;
	p2 =	seq.s32 @!p0 s5, $0x0  }
0x1f: {  	s9 =	smul.u32 $0xF7A, s1;
	s8 =	simm.s32 @!p0 $0x1BF5;
	p2 =	por !p2, p0  }
0x20: {  	[sflag:s8] =	ssyncset.s32 @!p0 $0xFFFFF086;
	s6 =	sadd.s32 @!p0 s3, s7;
	s7 =	simm.s32 @!p0 $0x108  }
0x21: {  	s3 =	sadd.s32 s3, s9;
	s6 =	sadd.s32 @!p0 $0x88, s6;
	s7 =	simm.s32 @p2 $0x1082  }
0x22: {  	[simem:s7], [sflag:s8] =	dma.local @!p0 [hbm:s6], $0xF7A  }
0x23: {  	s9 =	sor.u32 $0xD0000000, s2;
	s6 =	simm.s32 $0x108;
	_ =	swait.ge @!p0 [sflag:s8], $0x0  }
0x24: {  	s3 =	sadd.s32 $0x88, s3;
	s6 =	simm.s32 @!p1 $0x1082;
	[sflag:s4] =	ssyncset.s32 $0xFFFFF086  }
0x25: {  	[simem:s6], [sflag:s4] =	dma.local [hbm:s3], $0xF7A  }
0x26: {  	[smem:$0x3F8E] =	sst s1;
	(tag) =	ssettag s2;
	_ =	strace s9  }
0x27: {  	s1 =	sld [smem:$0x3F9E]  }
0x28: {  	s2 =	sld [smem:$0x3F9F]  }
0x29: {  	s4 =	sld [smem:$0x3FA1]  }
0x2a: {  	p0 =	seq.s32 s5, $0x0;
	s5 =	sld [smem:$0x3FA2]  }
0x2b: {  	s6 =	sld [smem:$0x3FA3]  }
0x2c: {  	s7 =	sld [smem:$0x3FA4]  }
0x2d: {  	s3 =	simm.s32 $0x108;
	s8 =	sld [smem:$0x3FA5]  }
0x2e: {  	s3 =	simm.s32 @!p0 $0x1082;
	s9 =	sld [smem:$0x3FA6]  }
0x2f: {  	lr =	sadd.s32 s0, s3;
	s0 =	sld [smem:$0x3F9D]  }
0x30: {  	s3 =	sld [smem:$0x3FA0]  }
0x31: {  	[smem:$0x3FA9] =	sst s10  }
0x32: {  	s10 =	sld [smem:$0x3FA7];
	_ =	sdelay $0x3  }
0x33: {  	p0 =	seq.s32 s10, $0x1;
	s10 =	sld [smem:$0x3FA9];
	_ =	sdelay $0x3  }
0x34: {  	[smem:$0x3FA9] =	sst s10  }
0x35: {  	s10 =	sld [smem:$0x3FA8];
	_ =	sdelay $0x3  }
0x36: {  	p1 =	seq.s32 s10, $0x1;
	s10 =	sld [smem:$0x3FA9];
	_ =	sdelay $0x3  }
0x37: {  	[smem:$0x3FA9] =	sst s10  }
0x38: {  	s10 =	sld [smem:$0x3FAA]  }
0x39: {  	_ = 	snop;
	(pc) =	sbr.ind lr, $3  }
0x3a: {  	_ = 	snop  }
0x3b: {  	_ = 	snop  }
0x3c: {  	p2 =	seq.s32 s10, $0x1;
	s10 =	sld [smem:$0x3FA9]  }
0x3d: {  	_ =	shalt  }
0x3e: {  	_ =	shalt  }
0x3f: {  	_ =	shalt  }
0x40: {  	_ =	shalt  }
0x41: {  	_ =	shalt  }
0x42: {  	_ =	shalt  }
0x43: {  	_ =	shalt  }
0x44: {  	_ =	shalt  }
0x45: {  	_ =	shalt  }
0x46: {  	_ =	shalt  }
0x47: {  	_ =	shalt  }
0x48: {  	_ =	shalt  }
0x49: {  	_ =	shalt  }
0x4a: {  	_ =	shalt  }
0x4b: {  	_ =	shalt  }
0x4c: {  	_ =	shalt  }
0x4d: {  	_ =	shalt  }
0x4e: {  	_ =	shalt  }
0x4f: {  	_ =	shalt  }
0x50: {  	_ =	shalt  }
0x51: {  	_ =	shalt  }
0x52: {  	_ =	shalt  }
0x53: {  	_ =	shalt  }
0x54: {  	_ =	shalt  }
0x55: {  	_ =	shalt  }
0x56: {  	_ =	shalt  }
0x57: {  	_ =	shalt  }
0x58: {  	_ =	shalt  }
0x59: {  	_ =	shalt  }
0x5a: {  	_ =	shalt  }
0x5b: {  	_ =	shalt  }
0x5c: {  	_ =	shalt  }
0x5d: {  	_ =	shalt  }
0x5e: {  	_ =	shalt  }
0x5f: {  	_ =	shalt  }
0x60: {  	_ =	shalt  }
0x61: {  	_ =	shalt  }
0x62: {  	_ =	shalt  }
0x63: {  	_ =	shalt  }
0x64: {  	_ =	shalt  }
0x65: {  	_ =	shalt  }
0x66: {  	_ =	shalt  }
0x67: {  	_ =	shalt  }
0x68: {  	_ =	shalt  }
0x69: {  	_ =	shalt  }
0x6a: {  	_ =	shalt  }
0x6b: {  	_ =	shalt  }
0x6c: {  	_ =	shalt  }
0x6d: {  	_ =	shalt  }
0x6e: {  	_ =	shalt  }
0x6f: {  	_ =	shalt  }
0x70: {  	_ =	shalt  }
0x71: {  	_ =	shalt  }
0x72: {  	_ =	shalt  }
0x73: {  	_ =	shalt  }
0x74: {  	_ =	shalt  }
0x75: {  	_ =	shalt  }
0x76: {  	_ =	shalt  }
0x77: {  	_ =	shalt  }
0x78: {  	_ =	shalt  }
0x79: {  	_ =	shalt  }
0x7a: {  	_ =	shalt  }
0x7b: {  	_ =	shalt  }
0x7c: {  	_ =	shalt  }
0x7d: {  	_ =	shalt  }
0x7e: {  	_ =	shalt  }
0x7f: {  	_ =	shalt  }
0x80: {  	_ =	shalt  }
0x81: {  	_ =	shalt  }
0x82: {  	_ =	shalt  }
0x83: {  	_ =	shalt  }
0x84: {  	_ =	shalt  }
0x85: {  	_ =	shalt  }
0x86: {  	_ =	shalt  }
0x87: {  	_ =	shalt  }
.Lfunc_end0:
.L_simem_size_0:
called_computation.1_lowered:
.L_overlay_start_0:
0x88: {  	s2 =	sld [smem:$0x3FD9]  }
0x89: {  	s3 =	sld [smem:$0x3FFE];
	_ =	sdelay $0x1  }
0x8a: {  	s1 =	srdreg.scid  }
0x8b: {  	s0 =	sand.u32 $0x1, s1  }
0x8c: {  	s16 =	sshll.u32 s0, $0xA;
	s2 =	sadd.s32 s3, s2  }
0x8d: {  	s2 =	sadd.s32 s2, s16  }
0x8e: {  	[smem:$0x3FB5] =	sst s2  }
0x8f: {  	_ = 	snop  }
0x90: {  	(tm) =	ssettm $0x1  }
0x91: {  	s17 =	sld [smem:$0x3FFB];
	_ =	sdelay $0x3  }
0x92: {  	_ =	strace s17  }
0x93: {  	s2 =	sld [smem:$0x3FFC];
	_ =	sdelay $0x3  }
0x94: {  	_ =	strace s2  }
0x95: {  	s2 =	sld [smem:$0x3FFD];
	_ =	sdelay $0x3  }
0x96: {  	_ =	strace s2  }
0x97: {  	_ =	strace $0x8FFFFFFF  }
0x98: {  	s18 =	sld [smem:$0x3FDB];
	_ =	sdelay $0x1  }
0x99: {  	s19 =	simm.s32 $_scs_section_size  }
0x9a: {  	s4 =	simm.s32 $_size__tile_overlayer_lowered;
	s5 =	simm.s32 $_tile_overlayer_lowered  }
0x9b: {  	s22 =	simm.s32 $0x1BFF;
	s21 =	sshll.u32 s5, $0x1;
	s2 =	sadd.s32 s19, s18  }
0x9c: {  	s6 =	simm.s32 $0x0;
	s20 =	sshll.u32 s4, $0x1;
	s4 =	sadd.s32 s21, s2  }
0x9d: {  	[timem:s6], [sflag:s22] =	dma.local [hbm:s4], s20  }
0x9e: {  	_ =	swait.ge [sflag:s22], s20  }
0x9f: {  	s3 =	ssub.s32 $0x0, s20;
	[sflag:s22] =	ssyncset.done $0x0  }
0xa0: {  	[sflag:s22] =	ssyncadd.s32 s3;
	_ =	sdelay $0x1  }
0xa1: {  	s23 =	simm.s32 $0x1B8B  }
0xa2: {  	_ =	swait.ge [sflag:s23], $0x1  }
0xa3: {  	[sflag:s23] =	ssyncset.done $0x0  }
0xa4: {  	s25 =	simm.s32 $0x1B8E;
	s24 =	sld [smem:$0x3FFE];
	[sflag:s23] =	ssyncadd.s32 $0xFFFFFFFF  }
0xa5: {  	s26 =	simm.s32 $execute0_lowered;
	[smem:$0x3FD2] =	sst s25  }
0xa6: {  	s4 =	sshll.u32 s26, $0x1;
	_ =	strace $0x80000049;
	[dreg:$0x1] =	wrdreg $0xFFFFFFFF  }
0xa7: {  	s28 =	simm.s32 $_size_execute0_lowered;
	s2 =	sadd.s32 s2, s4;
	[dreg:$0x0] =	wrdreg $0x0  }
0xa8: {  	s4 =	sshll.u32 s28, $0x1;
	[dreg:$0x2] =	wrdreg s2  }
0xa9: {  	[dreg:$0x3] =	wrdreg s4  }
0xaa: {  	[dreg:$0x4] =	wrdreg $0xC0  }
0xab: {  	_ =	task [dreg:s6], $0x5FFFF  }
0xac: {  	[dreg:$0x1] =	wrdreg $0xFFFFFFFF  }
0xad: {  	[dreg:$0x0] =	wrdreg $0x60  }
0xae: {  	[dreg:$0x2] =	wrdreg s24  }
0xaf: {  	[dreg:$0x3] =	wrdreg $0xE8000  }
0xb0: {  	[dreg:$0x4] =	wrdreg $0x9  }
0xb1: {  	_ =	task.clear_ibuf [dreg:s6], $0x5FFFF;
	_ =	strace $0x90000049  }
0xb2: {  	s29 =	simm.s32 $0x9;
	_ =	strace $0x8000004B  }
0xb3: {  	_ =	swait.ge [sflag:s29], $0x1  }
0xb4: {  	[sflag:s29] =	ssyncadd.s32 $0xFFFFFFFF  }
0xb5: {  	_ =	strace $0x9000004B  }
0xb6: {  	_ =	sfence  }
0xb7: {  	s30 =	sld [smem:$0x0];
	_ =	sdelay $0x2  }
0xb8: {  	s31 =	sshll.u32 s1, $0xD;
	s1 =	sshrl.u32 s1, $0x2  }
0xb9: {  	s3 =	sand.u32 $0x4000, s31;
	s1 =	sadd.s32 s1, s30  }
0xba: {  	s0 =	sor.u32 s3, s0;
	s1 =	sshll.u32 s1, $0x11  }
0xbb: {  	s0 =	sor.u32 s1, s0  }
0xbc: {  	s0 =	sadd.s32 $0x8F2B, s0  }
0xbd: {  	[sflag:s0] =	ssyncadd.remote.s32 $0x1  }
0xbe: {  	_ =	sfence.sel $0xFFFF  }
0xbf: {  	[dreg:$0x0] =	wrdreg $0xFFFFFFFF;
	(pc) =	sbr.abs _section_cstart, $3  }
0xc0: {  	[dreg:$0x1] =	wrdreg $0xFFFFFFFF  }
0xc1: {  	_ =	task.clear_ibuf [dreg:s6], $0x2FFFF;
	_ =	strace $0x9FFFFFFF  }
0xc2: {  	(tm) =	ssettm $0x7FFFFFFF  }
0xc3: {  	_ =	shalt  }
tec
execute0_lowered:
.L_overlay_start_1:
0x0: {  	(tag) =	ssettag $0x1  }
0x1: {  	s0 =	srdreg.scid;
	s5 =	rddreg [dreg:$0x0]  }
0x2: {  	s11 =	stileid.u32;
	s2 =	rddreg [dreg:$0x1]  }
0x3: {  	s3 =	simm.s32 $0x0;
	s12 =	simm.s32 $0x9;
	s14 =	simm.s32 $0x80  }
0x4: {  	s15 =	simm.s32 $0x6800;
	s16 =	simm.s32 $0x7800;
	s18 =	simm.s32 $0x8800  }
0x5: {  	s20 =	simm.s32 $0x9800;
	s22 =	simm.s32 $0xA800;
	s29 =	simm.s32 $0xD800  }
0x6: {  	s30 =	simm.s32 $0x1;
	s31 =	simm.s32 $0x2;
	s13 =	simm.s32 $0x5  }
0x7: {  	s17 =	simm.s32 $0x6;
	s19 =	simm.s32 $0x7;
	s21 =	simm.s32 $0x8  }
0x8: {  	s28 =	simm.s32 $0x0;
	s0 =	sand.u32 $0x1, s0;
	s6 =	smul.u32 $0xC400, s11  }
0x9: {  	[smem:$0x7FF] =	sst s3;
	s4 =	sadd.s32 $0x1600, s5;
	s24 =	sshll.u32 s11, $0x6  }
0xa: {  	s1 =	sshll.u32 s0, $0x4;
	s7 =	smul.u32 $0xC4000, s0;
	_ =	strace $0x8000004A  }
0xb: {  	s0 =	ssub.s32 $0x2, s0;
	s1 =	sor.u32 s11, s1;
	s8 =	sshrl.u32 s6, $0x3  }
0xc: {  	s9 =	sshrl.u32 s0, $0x1;
	s25 =	sadd.s32 s6, s2;
	s1 =	smul.u32 $0x680, s1  }
0xd: {  	s7 =	sadd.s32 s6, s7;
	s8 =	sadd.s32 s8, s5;
	s0 =	ssub.s32 s0, s9  }
0xe: {  	s6 =	sor.u32 $0x1C09, s24;
	s11 =	sshrl.u32 s25, $0x3;
	s24 =	simm.s32 $0xB800  }
0xf: {  	s7 =	sshrl.u32 s7, $0x3;
	s26 =	sadd.s32 $0x19E00, s8;
	s1 =	sadd.s32 s1, s5  }
0x10: {  	s10 =	sadd.s32 s7, s5;
	[dreg:$0x3] =	wrdreg s26;
	s26 =	simm.s32 $0xC800  }
0x11: {  	s7 =	sadd.s32 $0xC6200, s1;
	s8 =	sadd.s32 $0xD3200, s1;
	s9 =	sadd.s32 $0x32600, s10  }
0x12: {  	s10 =	smax.u32 s0, $0x1;
	s1 =	simm.s32 $0x3;
	s0 =	simm.s32 $0x4  }
.LBB2_1:
0x13: {  	s5 =	rddreg [dreg:$0x3]  }
0x14: {  	[spmem:s11], [sflag:s6] =	dma.local [hbm:s5], $0x1880  }
0x15: {  	_ =	swait.ge [sflag:s12], $0x1880  }
0x16: {  	[sflag:s12] =	ssyncset.done $0x0  }
0x17: {  	[sflag:s12] =	ssyncadd.s32 $0xFFFFE780  }
0x18: {  	[tilespmem:s3], [sflag:$0x9] =	stream.linear.gather [hbm4b:s7+s3], $0x3400, $0x38;
	[tilespmem:$0x1AC00] =	vst v63  }
0x19: {  	_ =	swait.ge [sflag:s12], $0x3400  }
0x1a: {  	[sflag:s12] =	ssyncset.done $0x0  }
0x1b: {  	s25 =	simm.s32 $0x3400;
	[sflag:s12] =	ssyncadd.s32 $0xFFFFCC00  }
0x1c: {  	[tilespmem:s25], [sflag:$0x9] =	stream.linear.gather [hbm4b:s8+s3], $0x3400, $0x38;
	[tilespmem:$0x1AC00] =	vst v63  }
0x1d: {  	_ =	swait.ge [sflag:s12], $0x3400  }
0x1e: {  	[sflag:s12] =	ssyncset.done $0x0  }
0x1f: {  	[sflag:s12] =	ssyncadd.s32 $0xFFFFCC00  }
0x20: {  	[bflag:$0x0] =	sbarrier.arrive $0xFFFF  }
0x21: {  	[tilespmem:s15], [sflag:$0x1] =	stream.indirect.gather [hbm4b:s4+s14], $0x20, s3, s14, $0xb8;
	[tilespmem:$0x1AC00] =	vst v63  }
0x22: {  	_ = 	snop  }
0x23: {  	[tilespmem:s16], [sflag:$0x2] =	stream.indirect.gather [hbm4b:s4+s14], $0x20, s14, s14, $0xb8;
	[tilespmem:$0x1AC00] =	vst v63  }
0x24: {  	s23 =	simm.s32 $0x100  }
0x25: {  	[tilespmem:s18], [sflag:$0x3] =	stream.indirect.gather [hbm4b:s4+s14], $0x20, s23, s14, $0xb8;
	[tilespmem:$0x1AC00] =	vst v63  }
0x26: {  	s25 =	simm.s32 $0x180  }
0x27: {  	[tilespmem:s20], [sflag:$0x4] =	stream.indirect.gather [hbm4b:s4+s14], $0x20, s25, s14, $0xb8;
	[tilespmem:$0x1AC00] =	vst v63  }
0x28: {  	s23 =	simm.s32 $0x200  }
0x29: {  	[tilespmem:s22], [sflag:$0x5] =	stream.indirect.gather [hbm4b:s4+s14], $0x20, s23, s14, $0xb8;
	[tilespmem:$0x1AC00] =	vst v63  }
0x2a: {  	s25 =	simm.s32 $0x280  }
0x2b: {  	[tilespmem:s24], [sflag:$0x6] =	stream.indirect.gather [hbm4b:s4+s14], $0x20, s25, s14, $0xb8;
	[tilespmem:$0x1AC00] =	vst v63  }
0x2c: {  	s23 =	simm.s32 $0x300  }
0x2d: {  	[tilespmem:s26], [sflag:$0x7] =	stream.indirect.gather [hbm4b:s4+s14], $0x20, s23, s14, $0xb8;
	[tilespmem:$0x1AC00] =	vst v63  }
0x2e: {  	s25 =	simm.s32 $0x380  }
0x2f: {  	[tilespmem:s29], [sflag:$0x8] =	stream.indirect.gather [hbm4b:s4+s14], $0x20, s25, s14, $0xb8;
	[tilespmem:$0x1AC00] =	vst v63  }
0x30: {  	_ =	swait.ge [sflag:s30], $0x1000  }
0x31: {  	[sflag:s30] =	ssyncset.done $0x0  }
0x32: {  	s23 =	simm.s32 $0x3400;
	[sflag:s30] =	ssyncadd.s32 $0xFFFFF000  }
0x33: {  	[spmem:s2] =	stream.indirect.scatter.add.f32 [tilespmem:s15], [sflag:$0x9], $0x20, s23, s14, $0xb8;
	[tilespmem:$0x1AC00] =	vst v63  }
0x34: {  	_ =	swait.ge [sflag:s12], $0x1000  }
0x35: {  	[sflag:s12] =	ssyncset.done $0x0  }
0x36: {  	s5 =	simm.s32 $0x400;
	[sflag:s12] =	ssyncadd.s32 $0xFFFFF000  }
0x37: {  	[tilespmem:s15], [sflag:$0x1] =	stream.indirect.gather [hbm4b:s4+s14], $0x20, s5, s14, $0xb8;
	[tilespmem:$0x1AC00] =	vst v63  }
0x38: {  	_ =	swait.ge [sflag:s31], $0x1000  }
0x39: {  	[sflag:s31] =	ssyncset.done $0x0  }
0x3a: {  	s25 =	simm.s32 $0x3480;
	[sflag:s31] =	ssyncadd.s32 $0xFFFFF000  }
0x3b: {  	[spmem:s2] =	stream.indirect.scatter.add.f32 [tilespmem:s16], [sflag:$0x9], $0x20, s25, s14, $0xb8;
	[tilespmem:$0x1AC00] =	vst v63  }
0x3c: {  	_ =	swait.ge [sflag:s12], $0x1000  }
0x3d: {  	[sflag:s12] =	ssyncset.done $0x0  }
0x3e: {  	s5 =	simm.s32 $0x480;
	[sflag:s12] =	ssyncadd.s32 $0xFFFFF000  }
0x3f: {  	[tilespmem:s16], [sflag:$0x2] =	stream.indirect.gather [hbm4b:s4+s14], $0x20, s5, s14, $0xb8;
	[tilespmem:$0x1AC00] =	vst v63  }
0x40: {  	_ =	swait.ge [sflag:s1], $0x1000  }
0x41: {  	[sflag:s1] =	ssyncset.done $0x0  }
0x42: {  	s25 =	simm.s32 $0x3500;
	[sflag:s1] =	ssyncadd.s32 $0xFFFFF000  }
0x43: {  	[spmem:s2] =	stream.indirect.scatter.add.f32 [tilespmem:s18], [sflag:$0x9], $0x20, s25, s14, $0xb8;
	[tilespmem:$0x1AC00] =	vst v63  }
0x44: {  	_ =	swait.ge [sflag:s12], $0x1000  }
0x45: {  	[sflag:s12] =	ssyncset.done $0x0  }
0x46: {  	s5 =	simm.s32 $0x500;
	[sflag:s12] =	ssyncadd.s32 $0xFFFFF000  }
0x47: {  	[tilespmem:s18], [sflag:$0x3] =	stream.indirect.gather [hbm4b:s4+s14], $0x20, s5, s14, $0xb8;
	[tilespmem:$0x1AC00] =	vst v63  }
0x48: {  	_ =	swait.ge [sflag:s0], $0x1000  }
0x49: {  	[sflag:s0] =	ssyncset.done $0x0  }
0x4a: {  	s25 =	simm.s32 $0x3580;
	[sflag:s0] =	ssyncadd.s32 $0xFFFFF000  }
0x4b: {  	[spmem:s2] =	stream.indirect.scatter.add.f32 [tilespmem:s20], [sflag:$0x9], $0x20, s25, s14, $0xb8;
	[tilespmem:$0x1AC00] =	vst v63  }
0x4c: {  	_ =	swait.ge [sflag:s12], $0x1000  }
0x4d: {  	[sflag:s12] =	ssyncset.done $0x0  }
0x4e: {  	s5 =	simm.s32 $0x580;
	[sflag:s12] =	ssyncadd.s32 $0xFFFFF000  }
0x4f: {  	[tilespmem:s20], [sflag:$0x4] =	stream.indirect.gather [hbm4b:s4+s14], $0x20, s5, s14, $0xb8;
	[tilespmem:$0x1AC00] =	vst v63  }
0x50: {  	_ =	swait.ge [sflag:s13], $0x1000  }
0x51: {  	[sflag:s13] =	ssyncset.done $0x0  }
0x52: {  	s25 =	simm.s32 $0x3600;
	[sflag:s13] =	ssyncadd.s32 $0xFFFFF000  }
0x53: {  	[spmem:s2] =	stream.indirect.scatter.add.f32 [tilespmem:s22], [sflag:$0x9], $0x20, s25, s14, $0xb8;
	[tilespmem:$0x1AC00] =	vst v63  }
0x54: {  	_ =	swait.ge [sflag:s12], $0x1000  }
0x55: {  	[sflag:s12] =	ssyncset.done $0x0  }
0x56: {  	s5 =	simm.s32 $0x600;
	[sflag:s12] =	ssyncadd.s32 $0xFFFFF000  }
0x57: {  	[tilespmem:s22], [sflag:$0x5] =	stream.indirect.gather [hbm4b:s4+s14], $0x20, s5, s14, $0xb8;
	[tilespmem:$0x1AC00] =	vst v63  }
0x58: {  	_ =	swait.ge [sflag:s17], $0x1000  }
0x59: {  	[sflag:s17] =	ssyncset.done $0x0  }
0x5a: {  	s25 =	simm.s32 $0x3680;
	[sflag:s17] =	ssyncadd.s32 $0xFFFFF000  }
0x5b: {  	[spmem:s2] =	stream.indirect.scatter.add.f32 [tilespmem:s24], [sflag:$0x9], $0x20, s25, s14, $0xb8;
	[tilespmem:$0x1AC00] =	vst v63  }
0x5c: {  	_ =	swait.ge [sflag:s12], $0x1000  }
0x5d: {  	[sflag:s12] =	ssyncset.done $0x0  }
0x5e: {  	s5 =	simm.s32 $0x680;
	[sflag:s12] =	ssyncadd.s32 $0xFFFFF000  }
0x5f: {  	[tilespmem:s24], [sflag:$0x6] =	stream.indirect.gather [hbm4b:s4+s14], $0x20, s5, s14, $0xb8;
	[tilespmem:$0x1AC00] =	vst v63  }
0x60: {  	_ =	swait.ge [sflag:s19], $0x1000  }
0x61: {  	[sflag:s19] =	ssyncset.done $0x0  }
0x62: {  	s25 =	simm.s32 $0x3700;
	[sflag:s19] =	ssyncadd.s32 $0xFFFFF000  }
0x63: {  	[spmem:s2] =	stream.indirect.scatter.add.f32 [tilespmem:s26], [sflag:$0x9], $0x20, s25, s14, $0xb8;
	[tilespmem:$0x1AC00] =	vst v63  }
0x64: {  	_ =	swait.ge [sflag:s12], $0x1000  }
0x65: {  	[sflag:s12] =	ssyncset.done $0x0  }
0x66: {  	s5 =	simm.s32 $0x700;
	[sflag:s12] =	ssyncadd.s32 $0xFFFFF000  }
0x67: {  	[tilespmem:s26], [sflag:$0x7] =	stream.indirect.gather [hbm4b:s4+s14], $0x20, s5, s14, $0xb8;
	[tilespmem:$0x1AC00] =	vst v63  }
0x68: {  	_ =	swait.ge [sflag:s21], $0x1000  }
0x69: {  	[sflag:s21] =	ssyncset.done $0x0  }
0x6a: {  	s25 =	simm.s32 $0x3780;
	[sflag:s21] =	ssyncadd.s32 $0xFFFFF000  }
0x6b: {  	[spmem:s2] =	stream.indirect.scatter.add.f32 [tilespmem:s29], [sflag:$0x9], $0x20, s25, s14, $0xb8;
	[tilespmem:$0x1AC00] =	vst v63  }
0x6c: {  	_ =	swait.ge [sflag:s12], $0x1000  }
0x6d: {  	[sflag:s12] =	ssyncset.done $0x0  }
0x6e: {  	s23 =	simm.s32 $0x1000;
	s25 =	simm.s32 $0x780;
	[sflag:s12] =	ssyncadd.s32 $0xFFFFF000  }
.LBB2_2:
0x6f: {  	[tilespmem:s29], [sflag:$0x8] =	stream.indirect.gather [hbm4b:s4+s14], $0x20, s25, s14, $0xb8;
	[tilespmem:$0x1AC00] =	vst v63  }
0x70: {  	s25 =	smov.u32 s23  }
0x71: {  	p0 =	sne.s32 s23, $0xB000;
	s23 =	sadd.s32 $0x1000, s23;
	_ =	swait.ge [sflag:s30], $0x1000  }
0x72: {  	s25 =	sshra.s32 s25, $0x2;
	[sflag:s30] =	ssyncset.done $0x0  }
0x73: {  	s5 =	sadd.s32 $0x3400, s25;
	[sflag:s30] =	ssyncadd.s32 $0xFFFFF000  }
0x74: {  	[spmem:s2] =	stream.indirect.scatter.add.f32 [tilespmem:s15], [sflag:$0x9], $0x20, s5, s14, $0xb8;
	[tilespmem:$0x1AC00] =	vst v63  }
0x75: {  	_ =	swait.ge [sflag:s12], $0x1000  }
0x76: {  	[sflag:s12] =	ssyncset.done $0x0  }
0x77: {  	s5 =	sadd.s32 $0x400, s25;
	[sflag:s12] =	ssyncadd.s32 $0xFFFFF000  }
0x78: {  	[tilespmem:s15], [sflag:$0x1] =	stream.indirect.gather [hbm4b:s4+s14], $0x20, s5, s14, $0xb8;
	[tilespmem:$0x1AC00] =	vst v63  }
0x79: {  	_ =	swait.ge [sflag:s31], $0x1000  }
0x7a: {  	[sflag:s31] =	ssyncset.done $0x0  }
0x7b: {  	s5 =	sadd.s32 $0x3480, s25;
	[sflag:s31] =	ssyncadd.s32 $0xFFFFF000  }
0x7c: {  	[spmem:s2] =	stream.indirect.scatter.add.f32 [tilespmem:s16], [sflag:$0x9], $0x20, s5, s14, $0xb8;
	[tilespmem:$0x1AC00] =	vst v63  }
0x7d: {  	_ =	swait.ge [sflag:s12], $0x1000  }
0x7e: {  	[sflag:s12] =	ssyncset.done $0x0  }
0x7f: {  	s5 =	sadd.s32 $0x480, s25;
	[sflag:s12] =	ssyncadd.s32 $0xFFFFF000  }
0x80: {  	[tilespmem:s16], [sflag:$0x2] =	stream.indirect.gather [hbm4b:s4+s14], $0x20, s5, s14, $0xb8;
	[tilespmem:$0x1AC00] =	vst v63  }
0x81: {  	_ =	swait.ge [sflag:s1], $0x1000  }
0x82: {  	[sflag:s1] =	ssyncset.done $0x0  }
0x83: {  	s5 =	sadd.s32 $0x3500, s25;
	[sflag:s1] =	ssyncadd.s32 $0xFFFFF000  }
0x84: {  	[spmem:s2] =	stream.indirect.scatter.add.f32 [tilespmem:s18], [sflag:$0x9], $0x20, s5, s14, $0xb8;
	[tilespmem:$0x1AC00] =	vst v63  }
0x85: {  	_ =	swait.ge [sflag:s12], $0x1000  }
0x86: {  	[sflag:s12] =	ssyncset.done $0x0  }
0x87: {  	s5 =	sadd.s32 $0x500, s25;
	[sflag:s12] =	ssyncadd.s32 $0xFFFFF000  }
0x88: {  	[tilespmem:s18], [sflag:$0x3] =	stream.indirect.gather [hbm4b:s4+s14], $0x20, s5, s14, $0xb8;
	[tilespmem:$0x1AC00] =	vst v63  }
0x89: {  	_ =	swait.ge [sflag:s0], $0x1000  }
0x8a: {  	[sflag:s0] =	ssyncset.done $0x0  }
0x8b: {  	s5 =	sadd.s32 $0x3580, s25;
	[sflag:s0] =	ssyncadd.s32 $0xFFFFF000  }
0x8c: {  	[spmem:s2] =	stream.indirect.scatter.add.f32 [tilespmem:s20], [sflag:$0x9], $0x20, s5, s14, $0xb8;
	[tilespmem:$0x1AC00] =	vst v63  }
0x8d: {  	_ =	swait.ge [sflag:s12], $0x1000  }
0x8e: {  	[sflag:s12] =	ssyncset.done $0x0  }
0x8f: {  	s5 =	sadd.s32 $0x580, s25;
	[sflag:s12] =	ssyncadd.s32 $0xFFFFF000  }
0x90: {  	[tilespmem:s20], [sflag:$0x4] =	stream.indirect.gather [hbm4b:s4+s14], $0x20, s5, s14, $0xb8;
	[tilespmem:$0x1AC00] =	vst v63  }
0x91: {  	_ =	swait.ge [sflag:s13], $0x1000  }
0x92: {  	[sflag:s13] =	ssyncset.done $0x0  }
0x93: {  	s5 =	sadd.s32 $0x3600, s25;
	[sflag:s13] =	ssyncadd.s32 $0xFFFFF000  }
0x94: {  	[spmem:s2] =	stream.indirect.scatter.add.f32 [tilespmem:s22], [sflag:$0x9], $0x20, s5, s14, $0xb8;
	[tilespmem:$0x1AC00] =	vst v63  }
0x95: {  	_ =	swait.ge [sflag:s12], $0x1000  }
0x96: {  	[sflag:s12] =	ssyncset.done $0x0  }
0x97: {  	s5 =	sadd.s32 $0x600, s25;
	[sflag:s12] =	ssyncadd.s32 $0xFFFFF000  }
0x98: {  	[tilespmem:s22], [sflag:$0x5] =	stream.indirect.gather [hbm4b:s4+s14], $0x20, s5, s14, $0xb8;
	[tilespmem:$0x1AC00] =	vst v63  }
0x99: {  	_ =	swait.ge [sflag:s17], $0x1000  }
0x9a: {  	[sflag:s17] =	ssyncset.done $0x0  }
0x9b: {  	s5 =	sadd.s32 $0x3680, s25;
	[sflag:s17] =	ssyncadd.s32 $0xFFFFF000  }
0x9c: {  	[spmem:s2] =	stream.indirect.scatter.add.f32 [tilespmem:s24], [sflag:$0x9], $0x20, s5, s14, $0xb8;
	[tilespmem:$0x1AC00] =	vst v63  }
0x9d: {  	_ =	swait.ge [sflag:s12], $0x1000  }
0x9e: {  	[sflag:s12] =	ssyncset.done $0x0  }
0x9f: {  	s5 =	sadd.s32 $0x680, s25;
	[sflag:s12] =	ssyncadd.s32 $0xFFFFF000  }
0xa0: {  	[tilespmem:s24], [sflag:$0x6] =	stream.indirect.gather [hbm4b:s4+s14], $0x20, s5, s14, $0xb8;
	[tilespmem:$0x1AC00] =	vst v63  }
0xa1: {  	_ =	swait.ge [sflag:s19], $0x1000  }
0xa2: {  	[sflag:s19] =	ssyncset.done $0x0  }
0xa3: {  	s5 =	sadd.s32 $0x3700, s25;
	[sflag:s19] =	ssyncadd.s32 $0xFFFFF000  }
0xa4: {  	[spmem:s2] =	stream.indirect.scatter.add.f32 [tilespmem:s26], [sflag:$0x9], $0x20, s5, s14, $0xb8;
	[tilespmem:$0x1AC00] =	vst v63  }
0xa5: {  	_ =	swait.ge [sflag:s12], $0x1000  }
0xa6: {  	[sflag:s12] =	ssyncset.done $0x0  }
0xa7: {  	s5 =	sadd.s32 $0x700, s25;
	[sflag:s12] =	ssyncadd.s32 $0xFFFFF000  }
0xa8: {  	[tilespmem:s26], [sflag:$0x7] =	stream.indirect.gather [hbm4b:s4+s14], $0x20, s5, s14, $0xb8;
	[tilespmem:$0x1AC00] =	vst v63  }
0xa9: {  	_ =	swait.ge [sflag:s21], $0x1000  }
0xaa: {  	[sflag:s21] =	ssyncset.done $0x0  }
.Ltmp0:
0xab: {  	s5 =	sadd.s32 $0x3780, s25;
	[sflag:s21] =	ssyncadd.s32 $0xFFFFF000;
	(pc) =	sbr.rel @p0 .LBB2_2-.Ltmp0, $4  }
0xac: {  	[spmem:s2] =	stream.indirect.scatter.add.f32 [tilespmem:s29], [sflag:$0x9], $0x20, s5, s14, $0xb8;
	[tilespmem:$0x1AC00] =	vst v63  }
0xad: {  	_ =	swait.ge [sflag:s12], $0x1000  }
0xae: {  	[sflag:s12] =	ssyncset.done $0x0  }
0xaf: {  	s25 =	sadd.s32 $0x780, s25;
	[sflag:s12] =	ssyncadd.s32 $0xFFFFF000  }
0xb0: {  	[tilespmem:s29], [sflag:$0x8] =	stream.indirect.gather [hbm4b:s4+s14], $0x20, s25, s14, $0xb8;
	[tilespmem:$0x1AC00] =	vst v63  }
0xb1: {  	_ =	swait.ge [sflag:s30], $0x1000  }
0xb2: {  	[sflag:s30] =	ssyncset.done $0x0  }
0xb3: {  	s5 =	simm.s32 $0x6400;
	[sflag:s30] =	ssyncadd.s32 $0xFFFFF000  }
0xb4: {  	[spmem:s2] =	stream.indirect.scatter.add.f32 [tilespmem:s15], [sflag:$0x9], $0x20, s5, s14, $0xb8;
	[tilespmem:$0x1AC00] =	vst v63  }
0xb5: {  	_ =	swait.ge [sflag:s12], $0x1000  }
0xb6: {  	[sflag:s12] =	ssyncset.done $0x0  }
0xb7: {  	[sflag:s12] =	ssyncadd.s32 $0xFFFFF000  }
0xb8: {  	_ =	swait.ge [sflag:s31], $0x1000  }
0xb9: {  	[sflag:s31] =	ssyncset.done $0x0  }
0xba: {  	s25 =	simm.s32 $0x6480;
	[sflag:s31] =	ssyncadd.s32 $0xFFFFF000  }
0xbb: {  	[spmem:s2] =	stream.indirect.scatter.add.f32 [tilespmem:s16], [sflag:$0x9], $0x20, s25, s14, $0xb8;
	[tilespmem:$0x1AC00] =	vst v63  }
0xbc: {  	_ =	swait.ge [sflag:s12], $0x1000  }
0xbd: {  	[sflag:s12] =	ssyncset.done $0x0  }
0xbe: {  	[sflag:s12] =	ssyncadd.s32 $0xFFFFF000  }
0xbf: {  	_ =	swait.ge [sflag:s1], $0x1000  }
0xc0: {  	[sflag:s1] =	ssyncset.done $0x0  }
0xc1: {  	s23 =	simm.s32 $0x6500;
	[sflag:s1] =	ssyncadd.s32 $0xFFFFF000  }
0xc2: {  	[spmem:s2] =	stream.indirect.scatter.add.f32 [tilespmem:s18], [sflag:$0x9], $0x20, s23, s14, $0xb8;
	[tilespmem:$0x1AC00] =	vst v63  }
0xc3: {  	_ =	swait.ge [sflag:s12], $0x1000  }
0xc4: {  	[sflag:s12] =	ssyncset.done $0x0  }
0xc5: {  	[sflag:s12] =	ssyncadd.s32 $0xFFFFF000  }
0xc6: {  	_ =	swait.ge [sflag:s0], $0x1000  }
0xc7: {  	[sflag:s0] =	ssyncset.done $0x0  }
0xc8: {  	s25 =	simm.s32 $0x6580;
	[sflag:s0] =	ssyncadd.s32 $0xFFFFF000  }
0xc9: {  	[spmem:s2] =	stream.indirect.scatter.add.f32 [tilespmem:s20], [sflag:$0x9], $0x20, s25, s14, $0xb8;
	[tilespmem:$0x1AC00] =	vst v63  }
0xca: {  	_ =	swait.ge [sflag:s12], $0x1000  }
0xcb: {  	[sflag:s12] =	ssyncset.done $0x0  }
0xcc: {  	[sflag:s12] =	ssyncadd.s32 $0xFFFFF000  }
0xcd: {  	_ =	swait.ge [sflag:s13], $0x1000  }
0xce: {  	[sflag:s13] =	ssyncset.done $0x0  }
0xcf: {  	s23 =	simm.s32 $0x6600;
	[sflag:s13] =	ssyncadd.s32 $0xFFFFF000  }
0xd0: {  	[spmem:s2] =	stream.indirect.scatter.add.f32 [tilespmem:s22], [sflag:$0x9], $0x20, s23, s14, $0xb8;
	[tilespmem:$0x1AC00] =	vst v63  }
0xd1: {  	_ =	swait.ge [sflag:s12], $0x1000  }
0xd2: {  	[sflag:s12] =	ssyncset.done $0x0  }
0xd3: {  	[sflag:s12] =	ssyncadd.s32 $0xFFFFF000  }
0xd4: {  	_ =	swait.ge [sflag:s17], $0x1000  }
0xd5: {  	[sflag:s17] =	ssyncset.done $0x0  }
0xd6: {  	s25 =	simm.s32 $0x6680;
	[sflag:s17] =	ssyncadd.s32 $0xFFFFF000  }
0xd7: {  	[spmem:s2] =	stream.indirect.scatter.add.f32 [tilespmem:s24], [sflag:$0x9], $0x20, s25, s14, $0xb8;
	[tilespmem:$0x1AC00] =	vst v63  }
0xd8: {  	_ =	swait.ge [sflag:s12], $0x1000  }
0xd9: {  	[sflag:s12] =	ssyncset.done $0x0  }
0xda: {  	[sflag:s12] =	ssyncadd.s32 $0xFFFFF000  }
0xdb: {  	_ =	swait.ge [sflag:s19], $0x1000  }
0xdc: {  	[sflag:s19] =	ssyncset.done $0x0  }
0xdd: {  	s23 =	simm.s32 $0x6700;
	[sflag:s19] =	ssyncadd.s32 $0xFFFFF000  }
0xde: {  	[spmem:s2] =	stream.indirect.scatter.add.f32 [tilespmem:s26], [sflag:$0x9], $0x20, s23, s14, $0xb8;
	[tilespmem:$0x1AC00] =	vst v63  }
0xdf: {  	_ =	swait.ge [sflag:s12], $0x1000  }
0xe0: {  	[sflag:s12] =	ssyncset.done $0x0  }
0xe1: {  	[sflag:s12] =	ssyncadd.s32 $0xFFFFF000  }
0xe2: {  	_ =	swait.ge [sflag:s21], $0x1000  }
0xe3: {  	[sflag:s21] =	ssyncset.done $0x0  }
0xe4: {  	s25 =	simm.s32 $0x6780;
	[sflag:s21] =	ssyncadd.s32 $0xFFFFF000  }
0xe5: {  	[spmem:s2] =	stream.indirect.scatter.add.f32 [tilespmem:s29], [sflag:$0x9], $0x20, s25, s14, $0xb8;
	[tilespmem:$0x1AC00] =	vst v63  }
0xe6: {  	_ =	swait.ge [sflag:s12], $0x1000  }
0xe7: {  	s28 =	sadd.s32 $0x1, s28;
	[sflag:s12] =	ssyncset.done $0x0  }
0xe8: {  	p0 =	sne.s32 s28, s10;
	[sflag:s12] =	ssyncadd.s32 $0xFFFFF000  }
.Ltmp1:
0xe9: {  	[bflag:$0x0] =	sbarrier.arrive $0xFFFF;
	(pc) =	sbr.rel @p0 .LBB2_1-.Ltmp1, $4  }
0xea: {  	[hbm:s9], [sflag:s6] =	dma.local [spmem:s11], $0x1880  }
0xeb: {  	_ =	swait.ge [sflag:s12], $0x1880  }
0xec: {  	[sflag:s12] =	ssyncset.done $0x0  }
0xed: {  	[sflag:s12] =	ssyncadd.s32 $0xFFFFE780  }
0xee: {  	_ =	sfence.sel $0x180000  }
0xef: {  	[bflag:$0x0] =	sbarrier.arrive $0xFFFF  }
0xf0: {  	_ =	strace $0x9000004A  }
0xf1: {  	s0 =	stileid.u32;
	[bflag:$0x2] =	sbarrier.arrive $0xFFFF  }
0xf2: {  	p0 =	sne.s32 s0, $0x0;
	s0 =	rddreg [dreg:$0x2]  }
0xf3: {  	s0 =	sadd.s32 @!p0 $0x100000, s0  }
0xf4: {  	[sflag:s0] =	ssyncadd.tile.s32 @!p0 $0x1;
	_ =	shalt  }
.Lfunc_end2:
_tile_overlayer_lowered:
.L_overlay_start_2:
0xf5: {  	(tag) =	ssettag $0x2  }
0xf6: {  	s0 =	rddreg [dreg:$0x0];
	s2 =	stileid.u32  }
0xf7: {  	s1 =	rddreg [dreg:$0x1];
	p0 =	sne.s32 s2, $0x0  }
0xf8: {  	s3 =	rddreg [dreg:$0x2];
	[bflag:$0x3] =	sbarrier.arrive $0xFFFF;
	s2 =	simm.s32 @!p0 $0x1C09  }
0xf9: {  	[timem:s3], [sflag:s2] =	dma.local @!p0 [hbm:s0], s1  }
0xfa: {  	s0 =	simm.s32 @!p0 $0x9  }
0xfb: {  	_ =	swait.ge @!p0 [sflag:s0], s1  }
0xfc: {  	s1 =	ssub.s32 @!p0 $0x0, s1;
	[sflag:s0] =	ssyncset.done @!p0 $0x0  }
0xfd: {  	[sflag:s0] =	ssyncadd.s32 @!p0 s1  }
0xfe: {  	[bflag:$0x3] =	sbarrier.arrive $0xFFFF  }
0xff: {  	_ =	shalt  }

// kernel: kernel.17.cloned.1.call-start
scs
__scs_entry_jumppad:
0x0: {  	(pc) =	sbr.rel $0x88, $3  }
0x1: {  	(tag) =	ssettag $0x0;
	lr =	simm.s32 $0x1  }
0x2: {  	[smem:$0x3F8E] =	sst lr;
	_ =	strace $0xD0000000  }
0x3: {  	_ = 	snop  }
0x4: {  	_ = 	snop  }
0x5: {  	_ = 	snop  }
0x6: {  	_ = 	snop  }
0x7: {  	_ = 	snop  }
__scs_overlays_trampoline_lowered:
0x8: {  	[smem:$0x3F9D] =	sst s0  }
0x9: {  	[smem:$0x3F9E] =	sst s1  }
0xa: {  	[smem:$0x3F9F] =	sst s2  }
0xb: {  	[smem:$0x3FA0] =	sst s3  }
0xc: {  	[smem:$0x3FA1] =	sst s4  }
0xd: {  	[smem:$0x3FA2] =	sst s5  }
0xe: {  	[smem:$0x3FA3] =	sst s6  }
0xf: {  	[smem:$0x3FA4] =	sst s7  }
0x10: {  	[smem:$0x3FA5] =	sst s8  }
0x11: {  	[smem:$0x3FA6] =	sst s9;
	s0 =	simm.s32 @!p0 $0x0  }
0x12: {  	s1 =	sld [smem:$0x3F8C];
	s0 =	simm.s32 @p0 $0x1  }
0x13: {  	[smem:$0x3FA7] =	sst s0;
	s0 =	simm.s32 @!p1 $0x0  }
0x14: {  	s2 =	sld [smem:$0x3F8B];
	s0 =	simm.s32 @p1 $0x1  }
0x15: {  	[smem:$0x3FA8] =	sst s0;
	s0 =	simm.s32 @!p2 $0x0  }
0x16: {  	s3 =	sld [smem:$0x3FDB];
	s0 =	simm.s32 @p2 $0x1  }
0x17: {  	s4 =	simm.s32 $0x1BF5;
	[smem:$0x3FAA] =	sst s0  }
0x18: {  	s0 =	sld [smem:$0x3F8D];
	_ =	swait.ge [sflag:s4], $0x0  }
0x19: {  	s7 =	sld [smem:$0x3F8E]  }
0x1a: {  	s8 =	sadd.s32 $0xFFFFE003, lr  }
0x1b: {  	s9 =	sadd.s32 $0xFFFFFEF7, lr;
	s5 =	simm.s32 $0xFFFFFFFF;
	p2 =	slt.u32 s8, $0xFFFFF086  }
0x1c: {  	p1 =	slt.u32 s9, $0xF7A;
	s5 =	simm.s32 @!p2 $0x0  }
0x1d: {  	s5 =	simm.s32 @p1 $0x1;
	p0 =	seq.s32 s7, s2  }
0x1e: {  	s7 =	smul.u32 @!p0 $0xF7A, s2;
	p2 =	seq.s32 @!p0 s5, $0x0  }
0x1f: {  	s9 =	smul.u32 $0xF7A, s1;
	s8 =	simm.s32 @!p0 $0x1BF5;
	p2 =	por !p2, p0  }
0x20: {  	[sflag:s8] =	ssyncset.s32 @!p0 $0xFFFFF086;
	s6 =	sadd.s32 @!p0 s3, s7;
	s7 =	simm.s32 @!p0 $0x108  }
0x21: {  	s3 =	sadd.s32 s3, s9;
	s6 =	sadd.s32 @!p0 $0x88, s6;
	s7 =	simm.s32 @p2 $0x1082  }
0x22: {  	[simem:s7], [sflag:s8] =	dma.local @!p0 [hbm:s6], $0xF7A  }
0x23: {  	s9 =	sor.u32 $0xD0000000, s2;
	s6 =	simm.s32 $0x108;
	_ =	swait.ge @!p0 [sflag:s8], $0x0  }
0x24: {  	s3 =	sadd.s32 $0x88, s3;
	s6 =	simm.s32 @!p1 $0x1082;
	[sflag:s4] =	ssyncset.s32 $0xFFFFF086  }
0x25: {  	[simem:s6], [sflag:s4] =	dma.local [hbm:s3], $0xF7A  }
0x26: {  	[smem:$0x3F8E] =	sst s1;
	(tag) =	ssettag s2;
	_ =	strace s9  }
0x27: {  	s1 =	sld [smem:$0x3F9E]  }
0x28: {  	s2 =	sld [smem:$0x3F9F]  }
0x29: {  	s4 =	sld [smem:$0x3FA1]  }
0x2a: {  	p0 =	seq.s32 s5, $0x0;
	s5 =	sld [smem:$0x3FA2]  }
0x2b: {  	s6 =	sld [smem:$0x3FA3]  }
0x2c: {  	s7 =	sld [smem:$0x3FA4]  }
0x2d: {  	s3 =	simm.s32 $0x108;
	s8 =	sld [smem:$0x3FA5]  }
0x2e: {  	s3 =	simm.s32 @!p0 $0x1082;
	s9 =	sld [smem:$0x3FA6]  }
0x2f: {  	lr =	sadd.s32 s0, s3;
	s0 =	sld [smem:$0x3F9D]  }
0x30: {  	s3 =	sld [smem:$0x3FA0]  }
0x31: {  	[smem:$0x3FA9] =	sst s10  }
0x32: {  	s10 =	sld [smem:$0x3FA7];
	_ =	sdelay $0x3  }
0x33: {  	p0 =	seq.s32 s10, $0x1;
	s10 =	sld [smem:$0x3FA9];
	_ =	sdelay $0x3  }
0x34: {  	[smem:$0x3FA9] =	sst s10  }
0x35: {  	s10 =	sld [smem:$0x3FA8];
	_ =	sdelay $0x3  }
0x36: {  	p1 =	seq.s32 s10, $0x1;
	s10 =	sld [smem:$0x3FA9];
	_ =	sdelay $0x3  }
0x37: {  	[smem:$0x3FA9] =	sst s10  }
0x38: {  	s10 =	sld [smem:$0x3FAA]  }
0x39: {  	_ = 	snop;
	(pc) =	sbr.ind lr, $3  }
0x3a: {  	_ = 	snop  }
0x3b: {  	_ = 	snop  }
0x3c: {  	p2 =	seq.s32 s10, $0x1;
	s10 =	sld [smem:$0x3FA9]  }
0x3d: {  	_ =	shalt  }
0x3e: {  	_ =	shalt  }
0x3f: {  	_ =	shalt  }
0x40: {  	_ =	shalt  }
0x41: {  	_ =	shalt  }
0x42: {  	_ =	shalt  }
0x43: {  	_ =	shalt  }
0x44: {  	_ =	shalt  }
0x45: {  	_ =	shalt  }
0x46: {  	_ =	shalt  }
0x47: {  	_ =	shalt  }
0x48: {  	_ =	shalt  }
0x49: {  	_ =	shalt  }
0x4a: {  	_ =	shalt  }
0x4b: {  	_ =	shalt  }
0x4c: {  	_ =	shalt  }
0x4d: {  	_ =	shalt  }
0x4e: {  	_ =	shalt  }
0x4f: {  	_ =	shalt  }
0x50: {  	_ =	shalt  }
0x51: {  	_ =	shalt  }
0x52: {  	_ =	shalt  }
0x53: {  	_ =	shalt  }
0x54: {  	_ =	shalt  }
0x55: {  	_ =	shalt  }
0x56: {  	_ =	shalt  }
0x57: {  	_ =	shalt  }
0x58: {  	_ =	shalt  }
0x59: {  	_ =	shalt  }
0x5a: {  	_ =	shalt  }
0x5b: {  	_ =	shalt  }
0x5c: {  	_ =	shalt  }
0x5d: {  	_ =	shalt  }
0x5e: {  	_ =	shalt  }
0x5f: {  	_ =	shalt  }
0x60: {  	_ =	shalt  }
0x61: {  	_ =	shalt  }
0x62: {  	_ =	shalt  }
0x63: {  	_ =	shalt  }
0x64: {  	_ =	shalt  }
0x65: {  	_ =	shalt  }
0x66: {  	_ =	shalt  }
0x67: {  	_ =	shalt  }
0x68: {  	_ =	shalt  }
0x69: {  	_ =	shalt  }
0x6a: {  	_ =	shalt  }
0x6b: {  	_ =	shalt  }
0x6c: {  	_ =	shalt  }
0x6d: {  	_ =	shalt  }
0x6e: {  	_ =	shalt  }
0x6f: {  	_ =	shalt  }
0x70: {  	_ =	shalt  }
0x71: {  	_ =	shalt  }
0x72: {  	_ =	shalt  }
0x73: {  	_ =	shalt  }
0x74: {  	_ =	shalt  }
0x75: {  	_ =	shalt  }
0x76: {  	_ =	shalt  }
0x77: {  	_ =	shalt  }
0x78: {  	_ =	shalt  }
0x79: {  	_ =	shalt  }
0x7a: {  	_ =	shalt  }
0x7b: {  	_ =	shalt  }
0x7c: {  	_ =	shalt  }
0x7d: {  	_ =	shalt  }
0x7e: {  	_ =	shalt  }
0x7f: {  	_ =	shalt  }
0x80: {  	_ =	shalt  }
0x81: {  	_ =	shalt  }
0x82: {  	_ =	shalt  }
0x83: {  	_ =	shalt  }
0x84: {  	_ =	shalt  }
0x85: {  	_ =	shalt  }
0x86: {  	_ =	shalt  }
0x87: {  	_ =	shalt  }
.Lfunc_end0:
.L_simem_size_0:
called_computation.2_lowered:
.L_overlay_start_0:
0x88: {  	s2 =	sld [smem:$0x3FD9]  }
0x89: {  	s3 =	sld [smem:$0x3FFE];
	_ =	sdelay $0x1  }
0x8a: {  	s1 =	srdreg.scid  }
0x8b: {  	s0 =	sand.u32 $0x1, s1  }
0x8c: {  	s16 =	sshll.u32 s0, $0xA;
	s2 =	sadd.s32 s3, s2  }
0x8d: {  	s2 =	sadd.s32 s2, s16  }
0x8e: {  	[smem:$0x3FB5] =	sst s2  }
0x8f: {  	_ = 	snop  }
0x90: {  	(tm) =	ssettm $0x1  }
0x91: {  	s17 =	sld [smem:$0x3FFB];
	_ =	sdelay $0x3  }
0x92: {  	_ =	strace s17  }
0x93: {  	s2 =	sld [smem:$0x3FFC];
	_ =	sdelay $0x3  }
0x94: {  	_ =	strace s2  }
0x95: {  	s2 =	sld [smem:$0x3FFD];
	_ =	sdelay $0x3  }
0x96: {  	_ =	strace s2  }
0x97: {  	_ =	strace $0x8FFFFFFF  }
0x98: {  	s18 =	sld [smem:$0x3FDB];
	_ =	sdelay $0x1  }
0x99: {  	s19 =	simm.s32 $_scs_section_size  }
0x9a: {  	s4 =	simm.s32 $_size__tile_overlayer_lowered;
	s5 =	simm.s32 $_tile_overlayer_lowered  }
0x9b: {  	s22 =	simm.s32 $0x1BFF;
	s21 =	sshll.u32 s5, $0x1;
	s2 =	sadd.s32 s19, s18  }
0x9c: {  	s6 =	simm.s32 $0x0;
	s20 =	sshll.u32 s4, $0x1;
	s4 =	sadd.s32 s21, s2  }
0x9d: {  	[timem:s6], [sflag:s22] =	dma.local [hbm:s4], s20  }
0x9e: {  	_ =	swait.ge [sflag:s22], s20  }
0x9f: {  	s3 =	ssub.s32 $0x0, s20;
	[sflag:s22] =	ssyncset.done $0x0  }
0xa0: {  	[sflag:s22] =	ssyncadd.s32 s3;
	_ =	sdelay $0x1  }
0xa1: {  	s23 =	simm.s32 $0x1B8B  }
0xa2: {  	_ =	swait.ge [sflag:s23], $0x1  }
0xa3: {  	[sflag:s23] =	ssyncset.done $0x0  }
0xa4: {  	s25 =	simm.s32 $0x1B8E;
	s24 =	sld [smem:$0x3FFE];
	[sflag:s23] =	ssyncadd.s32 $0xFFFFFFFF  }
0xa5: {  	s26 =	simm.s32 $execute0_lowered;
	[smem:$0x3FD2] =	sst s25  }
0xa6: {  	s4 =	sshll.u32 s26, $0x1;
	_ =	strace $0x8000004C;
	[dreg:$0x1] =	wrdreg $0xFFFFFFFF  }
0xa7: {  	s28 =	simm.s32 $_size_execute0_lowered;
	s2 =	sadd.s32 s2, s4;
	[dreg:$0x0] =	wrdreg $0x0  }
0xa8: {  	s4 =	sshll.u32 s28, $0x1;
	[dreg:$0x2] =	wrdreg s2  }
0xa9: {  	[dreg:$0x3] =	wrdreg s4  }
0xaa: {  	[dreg:$0x4] =	wrdreg $0xC0  }
0xab: {  	_ =	task [dreg:s6], $0x5FFFF  }
0xac: {  	[dreg:$0x1] =	wrdreg $0xFFFFFFFF  }
0xad: {  	[dreg:$0x0] =	wrdreg $0x60  }
0xae: {  	[dreg:$0x2] =	wrdreg s24  }
0xaf: {  	[dreg:$0x3] =	wrdreg $0x138000  }
0xb0: {  	[dreg:$0x4] =	wrdreg $0x9  }
0xb1: {  	_ =	task.clear_ibuf [dreg:s6], $0x5FFFF;
	_ =	strace $0x9000004C  }
0xb2: {  	s29 =	simm.s32 $0x9;
	_ =	strace $0x8000004E  }
0xb3: {  	_ =	swait.ge [sflag:s29], $0x1  }
0xb4: {  	[sflag:s29] =	ssyncadd.s32 $0xFFFFFFFF  }
0xb5: {  	_ =	strace $0x9000004E  }
0xb6: {  	_ =	sfence  }
0xb7: {  	s30 =	sld [smem:$0x0];
	_ =	sdelay $0x2  }
0xb8: {  	s31 =	sshll.u32 s1, $0xD;
	s1 =	sshrl.u32 s1, $0x2  }
0xb9: {  	s3 =	sand.u32 $0x4000, s31;
	s1 =	sadd.s32 s1, s30  }
0xba: {  	s0 =	sor.u32 s3, s0;
	s1 =	sshll.u32 s1, $0x11  }
0xbb: {  	s0 =	sor.u32 s1, s0  }
0xbc: {  	s0 =	sadd.s32 $0x8F2B, s0  }
0xbd: {  	[sflag:s0] =	ssyncadd.remote.s32 $0x1  }
0xbe: {  	_ =	sfence.sel $0xFFFF  }
0xbf: {  	[dreg:$0x0] =	wrdreg $0xFFFFFFFF;
	(pc) =	sbr.abs _section_cstart, $3  }
0xc0: {  	[dreg:$0x1] =	wrdreg $0xFFFFFFFF  }
0xc1: {  	_ =	task.clear_ibuf [dreg:s6], $0x2FFFF;
	_ =	strace $0x9FFFFFFF  }
0xc2: {  	(tm) =	ssettm $0x7FFFFFFF  }
0xc3: {  	_ =	shalt  }
tec
execute0_lowered:
.L_overlay_start_1:
0x0: {  	(tag) =	ssettag $0x1  }
0x1: {  	s0 =	srdreg.scid;
	s5 =	rddreg [dreg:$0x0]  }
0x2: {  	s11 =	stileid.u32;
	s2 =	rddreg [dreg:$0x1]  }
0x3: {  	s3 =	simm.s32 $0x0;
	s12 =	simm.s32 $0x9;
	s14 =	simm.s32 $0x80  }
0x4: {  	s15 =	simm.s32 $0x3800;
	s16 =	simm.s32 $0x5800;
	s18 =	simm.s32 $0x7800  }
0x5: {  	s20 =	simm.s32 $0x9800;
	s22 =	simm.s32 $0xB800;
	s29 =	simm.s32 $0x11800  }
0x6: {  	s30 =	simm.s32 $0x1;
	s31 =	simm.s32 $0x2;
	s13 =	simm.s32 $0x5  }
0x7: {  	s17 =	simm.s32 $0x6;
	s19 =	simm.s32 $0x7;
	s21 =	simm.s32 $0x8  }
0x8: {  	s28 =	simm.s32 $0x0;
	s0 =	sand.u32 $0x1, s0;
	s6 =	smul.u32 $0xC400, s11  }
0x9: {  	[smem:$0x7FF] =	sst s3;
	s4 =	sadd.s32 $0x1600, s5;
	s24 =	sshll.u32 s11, $0x6  }
0xa: {  	s1 =	sshll.u32 s0, $0x4;
	s7 =	smul.u32 $0xC4000, s0;
	_ =	strace $0x8000004D  }
0xb: {  	s0 =	ssub.s32 $0x2, s0;
	s1 =	sor.u32 s11, s1;
	s8 =	sshrl.u32 s6, $0x3  }
0xc: {  	s9 =	sshrl.u32 s0, $0x1;
	s25 =	sadd.s32 s6, s2;
	s1 =	smul.u32 $0x380, s1  }
0xd: {  	s7 =	sadd.s32 s6, s7;
	s8 =	sadd.s32 s8, s5;
	s0 =	ssub.s32 s0, s9  }
0xe: {  	s6 =	sor.u32 $0x1C09, s24;
	s11 =	sshrl.u32 s25, $0x3;
	s24 =	simm.s32 $0xD800  }
0xf: {  	s7 =	sshrl.u32 s7, $0x3;
	s26 =	sadd.s32 $0x19E00, s8;
	s1 =	sadd.s32 s1, s5  }
0x10: {  	s10 =	sadd.s32 s7, s5;
	[dreg:$0x3] =	wrdreg s26;
	s26 =	simm.s32 $0xF800  }
0x11: {  	s7 =	sadd.s32 $0x63600, s1;
	s8 =	sadd.s32 $0x6A600, s1;
	s9 =	sadd.s32 $0x32600, s10  }
0x12: {  	s10 =	smax.u32 s0, $0x1;
	s1 =	simm.s32 $0x3;
	s0 =	simm.s32 $0x4  }
.LBB2_1:
0x13: {  	s5 =	rddreg [dreg:$0x3]  }
0x14: {  	[spmem:s11], [sflag:s6] =	dma.local [hbm:s5], $0x1880  }
0x15: {  	_ =	swait.ge [sflag:s12], $0x1880  }
0x16: {  	[sflag:s12] =	ssyncset.done $0x0  }
0x17: {  	[sflag:s12] =	ssyncadd.s32 $0xFFFFE780  }
0x18: {  	[tilespmem:s3], [sflag:$0x9] =	stream.linear.gather [hbm4b:s7+s3], $0x1C00, $0x38;
	[tilespmem:$0x1FC00] =	vst v63  }
0x19: {  	_ =	swait.ge [sflag:s12], $0x1C00  }
0x1a: {  	[sflag:s12] =	ssyncset.done $0x0  }
0x1b: {  	s25 =	simm.s32 $0x1C00;
	[sflag:s12] =	ssyncadd.s32 $0xFFFFE400  }
0x1c: {  	[tilespmem:s25], [sflag:$0x9] =	stream.linear.gather [hbm4b:s8+s3], $0x1C00, $0x38;
	[tilespmem:$0x1FC00] =	vst v63  }
0x1d: {  	_ =	swait.ge [sflag:s12], $0x1C00  }
0x1e: {  	[sflag:s12] =	ssyncset.done $0x0  }
0x1f: {  	[sflag:s12] =	ssyncadd.s32 $0xFFFFE400  }
0x20: {  	[bflag:$0x0] =	sbarrier.arrive $0xFFFF  }
0x21: {  	[tilespmem:s15], [sflag:$0x1] =	stream.indirect.gather [hbm4b:s4+s14], $0x40, s3, s14, $0xb8;
	[tilespmem:$0x1FC00] =	vst v63  }
0x22: {  	_ = 	snop  }
0x23: {  	[tilespmem:s16], [sflag:$0x2] =	stream.indirect.gather [hbm4b:s4+s14], $0x40, s14, s14, $0xb8;
	[tilespmem:$0x1FC00] =	vst v63  }
0x24: {  	s23 =	simm.s32 $0x100  }
0x25: {  	[tilespmem:s18], [sflag:$0x3] =	stream.indirect.gather [hbm4b:s4+s14], $0x40, s23, s14, $0xb8;
	[tilespmem:$0x1FC00] =	vst v63  }
0x26: {  	s25 =	simm.s32 $0x180  }
0x27: {  	[tilespmem:s20], [sflag:$0x4] =	stream.indirect.gather [hbm4b:s4+s14], $0x40, s25, s14, $0xb8;
	[tilespmem:$0x1FC00] =	vst v63  }
0x28: {  	s23 =	simm.s32 $0x200  }
0x29: {  	[tilespmem:s22], [sflag:$0x5] =	stream.indirect.gather [hbm4b:s4+s14], $0x40, s23, s14, $0xb8;
	[tilespmem:$0x1FC00] =	vst v63  }
0x2a: {  	s25 =	simm.s32 $0x280  }
0x2b: {  	[tilespmem:s24], [sflag:$0x6] =	stream.indirect.gather [hbm4b:s4+s14], $0x40, s25, s14, $0xb8;
	[tilespmem:$0x1FC00] =	vst v63  }
0x2c: {  	s23 =	simm.s32 $0x300  }
0x2d: {  	[tilespmem:s26], [sflag:$0x7] =	stream.indirect.gather [hbm4b:s4+s14], $0x40, s23, s14, $0xb8;
	[tilespmem:$0x1FC00] =	vst v63  }
0x2e: {  	s25 =	simm.s32 $0x380  }
0x2f: {  	[tilespmem:s29], [sflag:$0x8] =	stream.indirect.gather [hbm4b:s4+s14], $0x40, s25, s14, $0xb8;
	[tilespmem:$0x1FC00] =	vst v63  }
0x30: {  	_ =	swait.ge [sflag:s30], $0x2000  }
0x31: {  	[sflag:s30] =	ssyncset.done $0x0  }
0x32: {  	s23 =	simm.s32 $0x1C00;
	[sflag:s30] =	ssyncadd.s32 $0xFFFFE000  }
0x33: {  	[spmem:s2] =	stream.indirect.scatter.add.f32 [tilespmem:s15], [sflag:$0x9], $0x40, s23, s14, $0xb8;
	[tilespmem:$0x1FC00] =	vst v63  }
0x34: {  	_ =	swait.ge [sflag:s12], $0x2000  }
0x35: {  	[sflag:s12] =	ssyncset.done $0x0  }
0x36: {  	s5 =	simm.s32 $0x400;
	[sflag:s12] =	ssyncadd.s32 $0xFFFFE000  }
0x37: {  	[tilespmem:s15], [sflag:$0x1] =	stream.indirect.gather [hbm4b:s4+s14], $0x40, s5, s14, $0xb8;
	[tilespmem:$0x1FC00] =	vst v63  }
0x38: {  	_ =	swait.ge [sflag:s31], $0x2000  }
0x39: {  	[sflag:s31] =	ssyncset.done $0x0  }
0x3a: {  	s25 =	simm.s32 $0x1C80;
	[sflag:s31] =	ssyncadd.s32 $0xFFFFE000  }
0x3b: {  	[spmem:s2] =	stream.indirect.scatter.add.f32 [tilespmem:s16], [sflag:$0x9], $0x40, s25, s14, $0xb8;
	[tilespmem:$0x1FC00] =	vst v63  }
0x3c: {  	_ =	swait.ge [sflag:s12], $0x2000  }
0x3d: {  	[sflag:s12] =	ssyncset.done $0x0  }
0x3e: {  	s5 =	simm.s32 $0x480;
	[sflag:s12] =	ssyncadd.s32 $0xFFFFE000  }
0x3f: {  	[tilespmem:s16], [sflag:$0x2] =	stream.indirect.gather [hbm4b:s4+s14], $0x40, s5, s14, $0xb8;
	[tilespmem:$0x1FC00] =	vst v63  }
0x40: {  	_ =	swait.ge [sflag:s1], $0x2000  }
0x41: {  	[sflag:s1] =	ssyncset.done $0x0  }
0x42: {  	s25 =	simm.s32 $0x1D00;
	[sflag:s1] =	ssyncadd.s32 $0xFFFFE000  }
0x43: {  	[spmem:s2] =	stream.indirect.scatter.add.f32 [tilespmem:s18], [sflag:$0x9], $0x40, s25, s14, $0xb8;
	[tilespmem:$0x1FC00] =	vst v63  }
0x44: {  	_ =	swait.ge [sflag:s12], $0x2000  }
0x45: {  	[sflag:s12] =	ssyncset.done $0x0  }
0x46: {  	s5 =	simm.s32 $0x500;
	[sflag:s12] =	ssyncadd.s32 $0xFFFFE000  }
0x47: {  	[tilespmem:s18], [sflag:$0x3] =	stream.indirect.gather [hbm4b:s4+s14], $0x40, s5, s14, $0xb8;
	[tilespmem:$0x1FC00] =	vst v63  }
0x48: {  	_ =	swait.ge [sflag:s0], $0x2000  }
0x49: {  	[sflag:s0] =	ssyncset.done $0x0  }
0x4a: {  	s25 =	simm.s32 $0x1D80;
	[sflag:s0] =	ssyncadd.s32 $0xFFFFE000  }
0x4b: {  	[spmem:s2] =	stream.indirect.scatter.add.f32 [tilespmem:s20], [sflag:$0x9], $0x40, s25, s14, $0xb8;
	[tilespmem:$0x1FC00] =	vst v63  }
0x4c: {  	_ =	swait.ge [sflag:s12], $0x2000  }
0x4d: {  	[sflag:s12] =	ssyncset.done $0x0  }
0x4e: {  	s5 =	simm.s32 $0x580;
	[sflag:s12] =	ssyncadd.s32 $0xFFFFE000  }
0x4f: {  	[tilespmem:s20], [sflag:$0x4] =	stream.indirect.gather [hbm4b:s4+s14], $0x40, s5, s14, $0xb8;
	[tilespmem:$0x1FC00] =	vst v63  }
0x50: {  	_ =	swait.ge [sflag:s13], $0x2000  }
0x51: {  	[sflag:s13] =	ssyncset.done $0x0  }
0x52: {  	s25 =	simm.s32 $0x1E00;
	[sflag:s13] =	ssyncadd.s32 $0xFFFFE000  }
0x53: {  	[spmem:s2] =	stream.indirect.scatter.add.f32 [tilespmem:s22], [sflag:$0x9], $0x40, s25, s14, $0xb8;
	[tilespmem:$0x1FC00] =	vst v63  }
0x54: {  	_ =	swait.ge [sflag:s12], $0x2000  }
0x55: {  	[sflag:s12] =	ssyncset.done $0x0  }
0x56: {  	s5 =	simm.s32 $0x600;
	[sflag:s12] =	ssyncadd.s32 $0xFFFFE000  }
0x57: {  	[tilespmem:s22], [sflag:$0x5] =	stream.indirect.gather [hbm4b:s4+s14], $0x40, s5, s14, $0xb8;
	[tilespmem:$0x1FC00] =	vst v63  }
0x58: {  	_ =	swait.ge [sflag:s17], $0x2000  }
0x59: {  	[sflag:s17] =	ssyncset.done $0x0  }
0x5a: {  	s25 =	simm.s32 $0x1E80;
	[sflag:s17] =	ssyncadd.s32 $0xFFFFE000  }
0x5b: {  	[spmem:s2] =	stream.indirect.scatter.add.f32 [tilespmem:s24], [sflag:$0x9], $0x40, s25, s14, $0xb8;
	[tilespmem:$0x1FC00] =	vst v63  }
0x5c: {  	_ =	swait.ge [sflag:s12], $0x2000  }
0x5d: {  	[sflag:s12] =	ssyncset.done $0x0  }
0x5e: {  	s5 =	simm.s32 $0x680;
	[sflag:s12] =	ssyncadd.s32 $0xFFFFE000  }
0x5f: {  	[tilespmem:s24], [sflag:$0x6] =	stream.indirect.gather [hbm4b:s4+s14], $0x40, s5, s14, $0xb8;
	[tilespmem:$0x1FC00] =	vst v63  }
0x60: {  	_ =	swait.ge [sflag:s19], $0x2000  }
0x61: {  	[sflag:s19] =	ssyncset.done $0x0  }
0x62: {  	s25 =	simm.s32 $0x1F00;
	[sflag:s19] =	ssyncadd.s32 $0xFFFFE000  }
0x63: {  	[spmem:s2] =	stream.indirect.scatter.add.f32 [tilespmem:s26], [sflag:$0x9], $0x40, s25, s14, $0xb8;
	[tilespmem:$0x1FC00] =	vst v63  }
0x64: {  	_ =	swait.ge [sflag:s12], $0x2000  }
0x65: {  	[sflag:s12] =	ssyncset.done $0x0  }
0x66: {  	s5 =	simm.s32 $0x700;
	[sflag:s12] =	ssyncadd.s32 $0xFFFFE000  }
0x67: {  	[tilespmem:s26], [sflag:$0x7] =	stream.indirect.gather [hbm4b:s4+s14], $0x40, s5, s14, $0xb8;
	[tilespmem:$0x1FC00] =	vst v63  }
0x68: {  	_ =	swait.ge [sflag:s21], $0x2000  }
0x69: {  	[sflag:s21] =	ssyncset.done $0x0  }
0x6a: {  	s25 =	simm.s32 $0x1F80;
	[sflag:s21] =	ssyncadd.s32 $0xFFFFE000  }
0x6b: {  	[spmem:s2] =	stream.indirect.scatter.add.f32 [tilespmem:s29], [sflag:$0x9], $0x40, s25, s14, $0xb8;
	[tilespmem:$0x1FC00] =	vst v63  }
0x6c: {  	_ =	swait.ge [sflag:s12], $0x2000  }
0x6d: {  	[sflag:s12] =	ssyncset.done $0x0  }
0x6e: {  	s23 =	simm.s32 $0x1000;
	s25 =	simm.s32 $0x780;
	[sflag:s12] =	ssyncadd.s32 $0xFFFFE000  }
.LBB2_2:
0x6f: {  	[tilespmem:s29], [sflag:$0x8] =	stream.indirect.gather [hbm4b:s4+s14], $0x40, s25, s14, $0xb8;
	[tilespmem:$0x1FC00] =	vst v63  }
0x70: {  	s25 =	smov.u32 s23  }
0x71: {  	p0 =	sne.s32 s23, $0x5000;
	s23 =	sadd.s32 $0x1000, s23;
	_ =	swait.ge [sflag:s30], $0x2000  }
0x72: {  	s25 =	sshra.s32 s25, $0x2;
	[sflag:s30] =	ssyncset.done $0x0  }
0x73: {  	s5 =	sadd.s32 $0x1C00, s25;
	[sflag:s30] =	ssyncadd.s32 $0xFFFFE000  }
0x74: {  	[spmem:s2] =	stream.indirect.scatter.add.f32 [tilespmem:s15], [sflag:$0x9], $0x40, s5, s14, $0xb8;
	[tilespmem:$0x1FC00] =	vst v63  }
0x75: {  	_ =	swait.ge [sflag:s12], $0x2000  }
0x76: {  	[sflag:s12] =	ssyncset.done $0x0  }
0x77: {  	s5 =	sadd.s32 $0x400, s25;
	[sflag:s12] =	ssyncadd.s32 $0xFFFFE000  }
0x78: {  	[tilespmem:s15], [sflag:$0x1] =	stream.indirect.gather [hbm4b:s4+s14], $0x40, s5, s14, $0xb8;
	[tilespmem:$0x1FC00] =	vst v63  }
0x79: {  	_ =	swait.ge [sflag:s31], $0x2000  }
0x7a: {  	[sflag:s31] =	ssyncset.done $0x0  }
0x7b: {  	s5 =	sadd.s32 $0x1C80, s25;
	[sflag:s31] =	ssyncadd.s32 $0xFFFFE000  }
0x7c: {  	[spmem:s2] =	stream.indirect.scatter.add.f32 [tilespmem:s16], [sflag:$0x9], $0x40, s5, s14, $0xb8;
	[tilespmem:$0x1FC00] =	vst v63  }
0x7d: {  	_ =	swait.ge [sflag:s12], $0x2000  }
0x7e: {  	[sflag:s12] =	ssyncset.done $0x0  }
0x7f: {  	s5 =	sadd.s32 $0x480, s25;
	[sflag:s12] =	ssyncadd.s32 $0xFFFFE000  }
0x80: {  	[tilespmem:s16], [sflag:$0x2] =	stream.indirect.gather [hbm4b:s4+s14], $0x40, s5, s14, $0xb8;
	[tilespmem:$0x1FC00] =	vst v63  }
0x81: {  	_ =	swait.ge [sflag:s1], $0x2000  }
0x82: {  	[sflag:s1] =	ssyncset.done $0x0  }
0x83: {  	s5 =	sadd.s32 $0x1D00, s25;
	[sflag:s1] =	ssyncadd.s32 $0xFFFFE000  }
0x84: {  	[spmem:s2] =	stream.indirect.scatter.add.f32 [tilespmem:s18], [sflag:$0x9], $0x40, s5, s14, $0xb8;
	[tilespmem:$0x1FC00] =	vst v63  }
0x85: {  	_ =	swait.ge [sflag:s12], $0x2000  }
0x86: {  	[sflag:s12] =	ssyncset.done $0x0  }
0x87: {  	s5 =	sadd.s32 $0x500, s25;
	[sflag:s12] =	ssyncadd.s32 $0xFFFFE000  }
0x88: {  	[tilespmem:s18], [sflag:$0x3] =	stream.indirect.gather [hbm4b:s4+s14], $0x40, s5, s14, $0xb8;
	[tilespmem:$0x1FC00] =	vst v63  }
0x89: {  	_ =	swait.ge [sflag:s0], $0x2000  }
0x8a: {  	[sflag:s0] =	ssyncset.done $0x0  }
0x8b: {  	s5 =	sadd.s32 $0x1D80, s25;
	[sflag:s0] =	ssyncadd.s32 $0xFFFFE000  }
0x8c: {  	[spmem:s2] =	stream.indirect.scatter.add.f32 [tilespmem:s20], [sflag:$0x9], $0x40, s5, s14, $0xb8;
	[tilespmem:$0x1FC00] =	vst v63  }
0x8d: {  	_ =	swait.ge [sflag:s12], $0x2000  }
0x8e: {  	[sflag:s12] =	ssyncset.done $0x0  }
0x8f: {  	s5 =	sadd.s32 $0x580, s25;
	[sflag:s12] =	ssyncadd.s32 $0xFFFFE000  }
0x90: {  	[tilespmem:s20], [sflag:$0x4] =	stream.indirect.gather [hbm4b:s4+s14], $0x40, s5, s14, $0xb8;
	[tilespmem:$0x1FC00] =	vst v63  }
0x91: {  	_ =	swait.ge [sflag:s13], $0x2000  }
0x92: {  	[sflag:s13] =	ssyncset.done $0x0  }
0x93: {  	s5 =	sadd.s32 $0x1E00, s25;
	[sflag:s13] =	ssyncadd.s32 $0xFFFFE000  }
0x94: {  	[spmem:s2] =	stream.indirect.scatter.add.f32 [tilespmem:s22], [sflag:$0x9], $0x40, s5, s14, $0xb8;
	[tilespmem:$0x1FC00] =	vst v63  }
0x95: {  	_ =	swait.ge [sflag:s12], $0x2000  }
0x96: {  	[sflag:s12] =	ssyncset.done $0x0  }
0x97: {  	s5 =	sadd.s32 $0x600, s25;
	[sflag:s12] =	ssyncadd.s32 $0xFFFFE000  }
0x98: {  	[tilespmem:s22], [sflag:$0x5] =	stream.indirect.gather [hbm4b:s4+s14], $0x40, s5, s14, $0xb8;
	[tilespmem:$0x1FC00] =	vst v63  }
0x99: {  	_ =	swait.ge [sflag:s17], $0x2000  }
0x9a: {  	[sflag:s17] =	ssyncset.done $0x0  }
0x9b: {  	s5 =	sadd.s32 $0x1E80, s25;
	[sflag:s17] =	ssyncadd.s32 $0xFFFFE000  }
0x9c: {  	[spmem:s2] =	stream.indirect.scatter.add.f32 [tilespmem:s24], [sflag:$0x9], $0x40, s5, s14, $0xb8;
	[tilespmem:$0x1FC00] =	vst v63  }
0x9d: {  	_ =	swait.ge [sflag:s12], $0x2000  }
0x9e: {  	[sflag:s12] =	ssyncset.done $0x0  }
0x9f: {  	s5 =	sadd.s32 $0x680, s25;
	[sflag:s12] =	ssyncadd.s32 $0xFFFFE000  }
0xa0: {  	[tilespmem:s24], [sflag:$0x6] =	stream.indirect.gather [hbm4b:s4+s14], $0x40, s5, s14, $0xb8;
	[tilespmem:$0x1FC00] =	vst v63  }
0xa1: {  	_ =	swait.ge [sflag:s19], $0x2000  }
0xa2: {  	[sflag:s19] =	ssyncset.done $0x0  }
0xa3: {  	s5 =	sadd.s32 $0x1F00, s25;
	[sflag:s19] =	ssyncadd.s32 $0xFFFFE000  }
0xa4: {  	[spmem:s2] =	stream.indirect.scatter.add.f32 [tilespmem:s26], [sflag:$0x9], $0x40, s5, s14, $0xb8;
	[tilespmem:$0x1FC00] =	vst v63  }
0xa5: {  	_ =	swait.ge [sflag:s12], $0x2000  }
0xa6: {  	[sflag:s12] =	ssyncset.done $0x0  }
0xa7: {  	s5 =	sadd.s32 $0x700, s25;
	[sflag:s12] =	ssyncadd.s32 $0xFFFFE000  }
0xa8: {  	[tilespmem:s26], [sflag:$0x7] =	stream.indirect.gather [hbm4b:s4+s14], $0x40, s5, s14, $0xb8;
	[tilespmem:$0x1FC00] =	vst v63  }
0xa9: {  	_ =	swait.ge [sflag:s21], $0x2000  }
0xaa: {  	[sflag:s21] =	ssyncset.done $0x0  }
.Ltmp0:
0xab: {  	s5 =	sadd.s32 $0x1F80, s25;
	[sflag:s21] =	ssyncadd.s32 $0xFFFFE000;
	(pc) =	sbr.rel @p0 .LBB2_2-.Ltmp0, $4  }
0xac: {  	[spmem:s2] =	stream.indirect.scatter.add.f32 [tilespmem:s29], [sflag:$0x9], $0x40, s5, s14, $0xb8;
	[tilespmem:$0x1FC00] =	vst v63  }
0xad: {  	_ =	swait.ge [sflag:s12], $0x2000  }
0xae: {  	[sflag:s12] =	ssyncset.done $0x0  }
0xaf: {  	s25 =	sadd.s32 $0x780, s25;
	[sflag:s12] =	ssyncadd.s32 $0xFFFFE000  }
0xb0: {  	[tilespmem:s29], [sflag:$0x8] =	stream.indirect.gather [hbm4b:s4+s14], $0x40, s25, s14, $0xb8;
	[tilespmem:$0x1FC00] =	vst v63  }
0xb1: {  	_ =	swait.ge [sflag:s30], $0x2000  }
0xb2: {  	[sflag:s30] =	ssyncset.done $0x0  }
0xb3: {  	s5 =	simm.s32 $0x3400;
	[sflag:s30] =	ssyncadd.s32 $0xFFFFE000  }
0xb4: {  	[spmem:s2] =	stream.indirect.scatter.add.f32 [tilespmem:s15], [sflag:$0x9], $0x40, s5, s14, $0xb8;
	[tilespmem:$0x1FC00] =	vst v63  }
0xb5: {  	_ =	swait.ge [sflag:s12], $0x2000  }
0xb6: {  	[sflag:s12] =	ssyncset.done $0x0  }
0xb7: {  	[sflag:s12] =	ssyncadd.s32 $0xFFFFE000  }
0xb8: {  	_ =	swait.ge [sflag:s31], $0x2000  }
0xb9: {  	[sflag:s31] =	ssyncset.done $0x0  }
0xba: {  	s25 =	simm.s32 $0x3480;
	[sflag:s31] =	ssyncadd.s32 $0xFFFFE000  }
0xbb: {  	[spmem:s2] =	stream.indirect.scatter.add.f32 [tilespmem:s16], [sflag:$0x9], $0x40, s25, s14, $0xb8;
	[tilespmem:$0x1FC00] =	vst v63  }
0xbc: {  	_ =	swait.ge [sflag:s12], $0x2000  }
0xbd: {  	[sflag:s12] =	ssyncset.done $0x0  }
0xbe: {  	[sflag:s12] =	ssyncadd.s32 $0xFFFFE000  }
0xbf: {  	_ =	swait.ge [sflag:s1], $0x2000  }
0xc0: {  	[sflag:s1] =	ssyncset.done $0x0  }
0xc1: {  	s23 =	simm.s32 $0x3500;
	[sflag:s1] =	ssyncadd.s32 $0xFFFFE000  }
0xc2: {  	[spmem:s2] =	stream.indirect.scatter.add.f32 [tilespmem:s18], [sflag:$0x9], $0x40, s23, s14, $0xb8;
	[tilespmem:$0x1FC00] =	vst v63  }
0xc3: {  	_ =	swait.ge [sflag:s12], $0x2000  }
0xc4: {  	[sflag:s12] =	ssyncset.done $0x0  }
0xc5: {  	[sflag:s12] =	ssyncadd.s32 $0xFFFFE000  }
0xc6: {  	_ =	swait.ge [sflag:s0], $0x2000  }
0xc7: {  	[sflag:s0] =	ssyncset.done $0x0  }
0xc8: {  	s25 =	simm.s32 $0x3580;
	[sflag:s0] =	ssyncadd.s32 $0xFFFFE000  }
0xc9: {  	[spmem:s2] =	stream.indirect.scatter.add.f32 [tilespmem:s20], [sflag:$0x9], $0x40, s25, s14, $0xb8;
	[tilespmem:$0x1FC00] =	vst v63  }
0xca: {  	_ =	swait.ge [sflag:s12], $0x2000  }
0xcb: {  	[sflag:s12] =	ssyncset.done $0x0  }
0xcc: {  	[sflag:s12] =	ssyncadd.s32 $0xFFFFE000  }
0xcd: {  	_ =	swait.ge [sflag:s13], $0x2000  }
0xce: {  	[sflag:s13] =	ssyncset.done $0x0  }
0xcf: {  	s23 =	simm.s32 $0x3600;
	[sflag:s13] =	ssyncadd.s32 $0xFFFFE000  }
0xd0: {  	[spmem:s2] =	stream.indirect.scatter.add.f32 [tilespmem:s22], [sflag:$0x9], $0x40, s23, s14, $0xb8;
	[tilespmem:$0x1FC00] =	vst v63  }
0xd1: {  	_ =	swait.ge [sflag:s12], $0x2000  }
0xd2: {  	[sflag:s12] =	ssyncset.done $0x0  }
0xd3: {  	[sflag:s12] =	ssyncadd.s32 $0xFFFFE000  }
0xd4: {  	_ =	swait.ge [sflag:s17], $0x2000  }
0xd5: {  	[sflag:s17] =	ssyncset.done $0x0  }
0xd6: {  	s25 =	simm.s32 $0x3680;
	[sflag:s17] =	ssyncadd.s32 $0xFFFFE000  }
0xd7: {  	[spmem:s2] =	stream.indirect.scatter.add.f32 [tilespmem:s24], [sflag:$0x9], $0x40, s25, s14, $0xb8;
	[tilespmem:$0x1FC00] =	vst v63  }
0xd8: {  	_ =	swait.ge [sflag:s12], $0x2000  }
0xd9: {  	[sflag:s12] =	ssyncset.done $0x0  }
0xda: {  	[sflag:s12] =	ssyncadd.s32 $0xFFFFE000  }
0xdb: {  	_ =	swait.ge [sflag:s19], $0x2000  }
0xdc: {  	[sflag:s19] =	ssyncset.done $0x0  }
0xdd: {  	s23 =	simm.s32 $0x3700;
	[sflag:s19] =	ssyncadd.s32 $0xFFFFE000  }
0xde: {  	[spmem:s2] =	stream.indirect.scatter.add.f32 [tilespmem:s26], [sflag:$0x9], $0x40, s23, s14, $0xb8;
	[tilespmem:$0x1FC00] =	vst v63  }
0xdf: {  	_ =	swait.ge [sflag:s12], $0x2000  }
0xe0: {  	[sflag:s12] =	ssyncset.done $0x0  }
0xe1: {  	[sflag:s12] =	ssyncadd.s32 $0xFFFFE000  }
0xe2: {  	_ =	swait.ge [sflag:s21], $0x2000  }
0xe3: {  	[sflag:s21] =	ssyncset.done $0x0  }
0xe4: {  	s25 =	simm.s32 $0x3780;
	[sflag:s21] =	ssyncadd.s32 $0xFFFFE000  }
0xe5: {  	[spmem:s2] =	stream.indirect.scatter.add.f32 [tilespmem:s29], [sflag:$0x9], $0x40, s25, s14, $0xb8;
	[tilespmem:$0x1FC00] =	vst v63  }
0xe6: {  	_ =	swait.ge [sflag:s12], $0x2000  }
0xe7: {  	s28 =	sadd.s32 $0x1, s28;
	[sflag:s12] =	ssyncset.done $0x0  }
0xe8: {  	p0 =	sne.s32 s28, s10;
	[sflag:s12] =	ssyncadd.s32 $0xFFFFE000  }
.Ltmp1:
0xe9: {  	[bflag:$0x0] =	sbarrier.arrive $0xFFFF;
	(pc) =	sbr.rel @p0 .LBB2_1-.Ltmp1, $4  }
0xea: {  	[hbm:s9], [sflag:s6] =	dma.local [spmem:s11], $0x1880  }
0xeb: {  	_ =	swait.ge [sflag:s12], $0x1880  }
0xec: {  	[sflag:s12] =	ssyncset.done $0x0  }
0xed: {  	[sflag:s12] =	ssyncadd.s32 $0xFFFFE780  }
0xee: {  	_ =	sfence.sel $0x180000  }
0xef: {  	[bflag:$0x0] =	sbarrier.arrive $0xFFFF  }
0xf0: {  	_ =	strace $0x9000004D  }
0xf1: {  	s0 =	stileid.u32;
	[bflag:$0x2] =	sbarrier.arrive $0xFFFF  }
0xf2: {  	p0 =	sne.s32 s0, $0x0;
	s0 =	rddreg [dreg:$0x2]  }
0xf3: {  	s0 =	sadd.s32 @!p0 $0x100000, s0  }
0xf4: {  	[sflag:s0] =	ssyncadd.tile.s32 @!p0 $0x1;
	_ =	shalt  }
.Lfunc_end2:
_tile_overlayer_lowered:
.L_overlay_start_2:
0xf5: {  	(tag) =	ssettag $0x2  }
0xf6: {  	s0 =	rddreg [dreg:$0x0];
	s2 =	stileid.u32  }
0xf7: {  	s1 =	rddreg [dreg:$0x1];
	p0 =	sne.s32 s2, $0x0  }
0xf8: {  	s3 =	rddreg [dreg:$0x2];
	[bflag:$0x3] =	sbarrier.arrive $0xFFFF;
	s2 =	simm.s32 @!p0 $0x1C09  }
0xf9: {  	[timem:s3], [sflag:s2] =	dma.local @!p0 [hbm:s0], s1  }
0xfa: {  	s0 =	simm.s32 @!p0 $0x9  }
0xfb: {  	_ =	swait.ge @!p0 [sflag:s0], s1  }
0xfc: {  	s1 =	ssub.s32 @!p0 $0x0, s1;
	[sflag:s0] =	ssyncset.done @!p0 $0x0  }
0xfd: {  	[sflag:s0] =	ssyncadd.s32 @!p0 s1  }
0xfe: {  	[bflag:$0x3] =	sbarrier.arrive $0xFFFF  }
0xff: {  	_ =	shalt  }

// kernel: kernel.20.cloned.1.call-start
scs
__scs_entry_jumppad:
0x0: {  	(pc) =	sbr.rel $0x88, $3  }
0x1: {  	(tag) =	ssettag $0x0;
	lr =	simm.s32 $0x1  }
0x2: {  	[smem:$0x3F8E] =	sst lr;
	_ =	strace $0xD0000000  }
0x3: {  	_ = 	snop  }
0x4: {  	_ = 	snop  }
0x5: {  	_ = 	snop  }
0x6: {  	_ = 	snop  }
0x7: {  	_ = 	snop  }
__scs_overlays_trampoline_lowered:
0x8: {  	[smem:$0x3F9D] =	sst s0  }
0x9: {  	[smem:$0x3F9E] =	sst s1  }
0xa: {  	[smem:$0x3F9F] =	sst s2  }
0xb: {  	[smem:$0x3FA0] =	sst s3  }
0xc: {  	[smem:$0x3FA1] =	sst s4  }
0xd: {  	[smem:$0x3FA2] =	sst s5  }
0xe: {  	[smem:$0x3FA3] =	sst s6  }
0xf: {  	[smem:$0x3FA4] =	sst s7  }
0x10: {  	[smem:$0x3FA5] =	sst s8  }
0x11: {  	[smem:$0x3FA6] =	sst s9;
	s0 =	simm.s32 @!p0 $0x0  }
0x12: {  	s1 =	sld [smem:$0x3F8C];
	s0 =	simm.s32 @p0 $0x1  }
0x13: {  	[smem:$0x3FA7] =	sst s0;
	s0 =	simm.s32 @!p1 $0x0  }
0x14: {  	s2 =	sld [smem:$0x3F8B];
	s0 =	simm.s32 @p1 $0x1  }
0x15: {  	[smem:$0x3FA8] =	sst s0;
	s0 =	simm.s32 @!p2 $0x0  }
0x16: {  	s3 =	sld [smem:$0x3FDB];
	s0 =	simm.s32 @p2 $0x1  }
0x17: {  	s4 =	simm.s32 $0x1BF5;
	[smem:$0x3FAA] =	sst s0  }
0x18: {  	s0 =	sld [smem:$0x3F8D];
	_ =	swait.ge [sflag:s4], $0x0  }
0x19: {  	s7 =	sld [smem:$0x3F8E]  }
0x1a: {  	s8 =	sadd.s32 $0xFFFFE003, lr  }
0x1b: {  	s9 =	sadd.s32 $0xFFFFFEF7, lr;
	s5 =	simm.s32 $0xFFFFFFFF;
	p2 =	slt.u32 s8, $0xFFFFF086  }
0x1c: {  	p1 =	slt.u32 s9, $0xF7A;
	s5 =	simm.s32 @!p2 $0x0  }
0x1d: {  	s5 =	simm.s32 @p1 $0x1;
	p0 =	seq.s32 s7, s2  }
0x1e: {  	s7 =	smul.u32 @!p0 $0xF7A, s2;
	p2 =	seq.s32 @!p0 s5, $0x0  }
0x1f: {  	s9 =	smul.u32 $0xF7A, s1;
	s8 =	simm.s32 @!p0 $0x1BF5;
	p2 =	por !p2, p0  }
0x20: {  	[sflag:s8] =	ssyncset.s32 @!p0 $0xFFFFF086;
	s6 =	sadd.s32 @!p0 s3, s7;
	s7 =	simm.s32 @!p0 $0x108  }
0x21: {  	s3 =	sadd.s32 s3, s9;
	s6 =	sadd.s32 @!p0 $0x88, s6;
	s7 =	simm.s32 @p2 $0x1082  }
0x22: {  	[simem:s7], [sflag:s8] =	dma.local @!p0 [hbm:s6], $0xF7A  }
0x23: {  	s9 =	sor.u32 $0xD0000000, s2;
	s6 =	simm.s32 $0x108;
	_ =	swait.ge @!p0 [sflag:s8], $0x0  }
0x24: {  	s3 =	sadd.s32 $0x88, s3;
	s6 =	simm.s32 @!p1 $0x1082;
	[sflag:s4] =	ssyncset.s32 $0xFFFFF086  }
0x25: {  	[simem:s6], [sflag:s4] =	dma.local [hbm:s3], $0xF7A  }
0x26: {  	[smem:$0x3F8E] =	sst s1;
	(tag) =	ssettag s2;
	_ =	strace s9  }
0x27: {  	s1 =	sld [smem:$0x3F9E]  }
0x28: {  	s2 =	sld [smem:$0x3F9F]  }
0x29: {  	s4 =	sld [smem:$0x3FA1]  }
0x2a: {  	p0 =	seq.s32 s5, $0x0;
	s5 =	sld [smem:$0x3FA2]  }
0x2b: {  	s6 =	sld [smem:$0x3FA3]  }
0x2c: {  	s7 =	sld [smem:$0x3FA4]  }
0x2d: {  	s3 =	simm.s32 $0x108;
	s8 =	sld [smem:$0x3FA5]  }
0x2e: {  	s3 =	simm.s32 @!p0 $0x1082;
	s9 =	sld [smem:$0x3FA6]  }
0x2f: {  	lr =	sadd.s32 s0, s3;
	s0 =	sld [smem:$0x3F9D]  }
0x30: {  	s3 =	sld [smem:$0x3FA0]  }
0x31: {  	[smem:$0x3FA9] =	sst s10  }
0x32: {  	s10 =	sld [smem:$0x3FA7];
	_ =	sdelay $0x3  }
0x33: {  	p0 =	seq.s32 s10, $0x1;
	s10 =	sld [smem:$0x3FA9];
	_ =	sdelay $0x3  }
0x34: {  	[smem:$0x3FA9] =	sst s10  }
0x35: {  	s10 =	sld [smem:$0x3FA8];
	_ =	sdelay $0x3  }
0x36: {  	p1 =	seq.s32 s10, $0x1;
	s10 =	sld [smem:$0x3FA9];
	_ =	sdelay $0x3  }
0x37: {  	[smem:$0x3FA9] =	sst s10  }
0x38: {  	s10 =	sld [smem:$0x3FAA]  }
0x39: {  	_ = 	snop;
	(pc) =	sbr.ind lr, $3  }
0x3a: {  	_ = 	snop  }
0x3b: {  	_ = 	snop  }
0x3c: {  	p2 =	seq.s32 s10, $0x1;
	s10 =	sld [smem:$0x3FA9]  }
0x3d: {  	_ =	shalt  }
0x3e: {  	_ =	shalt  }
0x3f: {  	_ =	shalt  }
0x40: {  	_ =	shalt  }
0x41: {  	_ =	shalt  }
0x42: {  	_ =	shalt  }
0x43: {  	_ =	shalt  }
0x44: {  	_ =	shalt  }
0x45: {  	_ =	shalt  }
0x46: {  	_ =	shalt  }
0x47: {  	_ =	shalt  }
0x48: {  	_ =	shalt  }
0x49: {  	_ =	shalt  }
0x4a: {  	_ =	shalt  }
0x4b: {  	_ =	shalt  }
0x4c: {  	_ =	shalt  }
0x4d: {  	_ =	shalt  }
0x4e: {  	_ =	shalt  }
0x4f: {  	_ =	shalt  }
0x50: {  	_ =	shalt  }
0x51: {  	_ =	shalt  }
0x52: {  	_ =	shalt  }
0x53: {  	_ =	shalt  }
0x54: {  	_ =	shalt  }
0x55: {  	_ =	shalt  }
0x56: {  	_ =	shalt  }
0x57: {  	_ =	shalt  }
0x58: {  	_ =	shalt  }
0x59: {  	_ =	shalt  }
0x5a: {  	_ =	shalt  }
0x5b: {  	_ =	shalt  }
0x5c: {  	_ =	shalt  }
0x5d: {  	_ =	shalt  }
0x5e: {  	_ =	shalt  }
0x5f: {  	_ =	shalt  }
0x60: {  	_ =	shalt  }
0x61: {  	_ =	shalt  }
0x62: {  	_ =	shalt  }
0x63: {  	_ =	shalt  }
0x64: {  	_ =	shalt  }
0x65: {  	_ =	shalt  }
0x66: {  	_ =	shalt  }
0x67: {  	_ =	shalt  }
0x68: {  	_ =	shalt  }
0x69: {  	_ =	shalt  }
0x6a: {  	_ =	shalt  }
0x6b: {  	_ =	shalt  }
0x6c: {  	_ =	shalt  }
0x6d: {  	_ =	shalt  }
0x6e: {  	_ =	shalt  }
0x6f: {  	_ =	shalt  }
0x70: {  	_ =	shalt  }
0x71: {  	_ =	shalt  }
0x72: {  	_ =	shalt  }
0x73: {  	_ =	shalt  }
0x74: {  	_ =	shalt  }
0x75: {  	_ =	shalt  }
0x76: {  	_ =	shalt  }
0x77: {  	_ =	shalt  }
0x78: {  	_ =	shalt  }
0x79: {  	_ =	shalt  }
0x7a: {  	_ =	shalt  }
0x7b: {  	_ =	shalt  }
0x7c: {  	_ =	shalt  }
0x7d: {  	_ =	shalt  }
0x7e: {  	_ =	shalt  }
0x7f: {  	_ =	shalt  }
0x80: {  	_ =	shalt  }
0x81: {  	_ =	shalt  }
0x82: {  	_ =	shalt  }
0x83: {  	_ =	shalt  }
0x84: {  	_ =	shalt  }
0x85: {  	_ =	shalt  }
0x86: {  	_ =	shalt  }
0x87: {  	_ =	shalt  }
.Lfunc_end0:
.L_simem_size_0:
called_computation.3_lowered:
.L_overlay_start_0:
0x88: {  	s2 =	sld [smem:$0x3FD9]  }
0x89: {  	s3 =	sld [smem:$0x3FFE];
	_ =	sdelay $0x1  }
0x8a: {  	s1 =	srdreg.scid  }
0x8b: {  	s0 =	sand.u32 $0x1, s1  }
0x8c: {  	s16 =	sshll.u32 s0, $0xA;
	s2 =	sadd.s32 s3, s2  }
0x8d: {  	s2 =	sadd.s32 s2, s16  }
0x8e: {  	[smem:$0x3FB5] =	sst s2  }
0x8f: {  	_ = 	snop  }
0x90: {  	(tm) =	ssettm $0x1  }
0x91: {  	s17 =	sld [smem:$0x3FFB];
	_ =	sdelay $0x3  }
0x92: {  	_ =	strace s17  }
0x93: {  	s2 =	sld [smem:$0x3FFC];
	_ =	sdelay $0x3  }
0x94: {  	_ =	strace s2  }
0x95: {  	s2 =	sld [smem:$0x3FFD];
	_ =	sdelay $0x3  }
0x96: {  	_ =	strace s2  }
0x97: {  	_ =	strace $0x8FFFFFFF  }
0x98: {  	s18 =	sld [smem:$0x3FDB];
	_ =	sdelay $0x1  }
0x99: {  	s19 =	simm.s32 $_scs_section_size  }
0x9a: {  	s4 =	simm.s32 $_size__tile_overlayer_lowered;
	s5 =	simm.s32 $_tile_overlayer_lowered  }
0x9b: {  	s22 =	simm.s32 $0x1BFF;
	s21 =	sshll.u32 s5, $0x1;
	s2 =	sadd.s32 s19, s18  }
0x9c: {  	s6 =	simm.s32 $0x0;
	s20 =	sshll.u32 s4, $0x1;
	s4 =	sadd.s32 s21, s2  }
0x9d: {  	[timem:s6], [sflag:s22] =	dma.local [hbm:s4], s20  }
0x9e: {  	_ =	swait.ge [sflag:s22], s20  }
0x9f: {  	s3 =	ssub.s32 $0x0, s20;
	[sflag:s22] =	ssyncset.done $0x0  }
0xa0: {  	[sflag:s22] =	ssyncadd.s32 s3;
	_ =	sdelay $0x1  }
0xa1: {  	s23 =	simm.s32 $0x1B8B  }
0xa2: {  	_ =	swait.ge [sflag:s23], $0x1  }
0xa3: {  	[sflag:s23] =	ssyncset.done $0x0  }
0xa4: {  	s25 =	simm.s32 $0x1B8E;
	s24 =	sld [smem:$0x3FFE];
	[sflag:s23] =	ssyncadd.s32 $0xFFFFFFFF  }
0xa5: {  	s26 =	simm.s32 $execute0_lowered;
	[smem:$0x3FD2] =	sst s25  }
0xa6: {  	s4 =	sshll.u32 s26, $0x1;
	_ =	strace $0x8000004F;
	[dreg:$0x1] =	wrdreg $0xFFFFFFFF  }
0xa7: {  	s28 =	simm.s32 $_size_execute0_lowered;
	s2 =	sadd.s32 s2, s4;
	[dreg:$0x0] =	wrdreg $0x0  }
0xa8: {  	s4 =	sshll.u32 s28, $0x1;
	[dreg:$0x2] =	wrdreg s2  }
0xa9: {  	[dreg:$0x3] =	wrdreg s4  }
0xaa: {  	[dreg:$0x4] =	wrdreg $0xC0  }
0xab: {  	_ =	task [dreg:s6], $0x5FFFF  }
0xac: {  	[dreg:$0x1] =	wrdreg $0xFFFFFFFF  }
0xad: {  	[dreg:$0x0] =	wrdreg $0x60  }
0xae: {  	[dreg:$0x2] =	wrdreg s24  }
0xaf: {  	[dreg:$0x3] =	wrdreg $0x11C000  }
0xb0: {  	[dreg:$0x4] =	wrdreg $0x9  }
0xb1: {  	_ =	task.clear_ibuf [dreg:s6], $0x5FFFF;
	_ =	strace $0x9000004F  }
0xb2: {  	s29 =	simm.s32 $0x9;
	_ =	strace $0x80000051  }
0xb3: {  	_ =	swait.ge [sflag:s29], $0x1  }
0xb4: {  	[sflag:s29] =	ssyncadd.s32 $0xFFFFFFFF  }
0xb5: {  	_ =	strace $0x90000051  }
0xb6: {  	_ =	sfence  }
0xb7: {  	s30 =	sld [smem:$0x0];
	_ =	sdelay $0x2  }
0xb8: {  	s31 =	sshll.u32 s1, $0xD;
	s1 =	sshrl.u32 s1, $0x2  }
0xb9: {  	s3 =	sand.u32 $0x4000, s31;
	s1 =	sadd.s32 s1, s30  }
0xba: {  	s0 =	sor.u32 s3, s0;
	s1 =	sshll.u32 s1, $0x11  }
0xbb: {  	s0 =	sor.u32 s1, s0  }
0xbc: {  	s0 =	sadd.s32 $0x8F2B, s0  }
0xbd: {  	[sflag:s0] =	ssyncadd.remote.s32 $0x1  }
0xbe: {  	_ =	sfence.sel $0xFFFF  }
0xbf: {  	[dreg:$0x0] =	wrdreg $0xFFFFFFFF;
	(pc) =	sbr.abs _section_cstart, $3  }
0xc0: {  	[dreg:$0x1] =	wrdreg $0xFFFFFFFF  }
0xc1: {  	_ =	task.clear_ibuf [dreg:s6], $0x2FFFF;
	_ =	strace $0x9FFFFFFF  }
0xc2: {  	(tm) =	ssettm $0x7FFFFFFF  }
0xc3: {  	_ =	shalt  }
tec
execute0_lowered:
.L_overlay_start_1:
0x0: {  	(tag) =	ssettag $0x1  }
0x1: {  	s0 =	srdreg.scid;
	s24 =	stileid.u32  }
0x2: {  	s5 =	rddreg [dreg:$0x0];
	s13 =	simm.s32 $0xE00;
	s14 =	simm.s32 $0x80  }
0x3: {  	s15 =	simm.s32 $0x1C00;
	s16 =	simm.s32 $0x5C00;
	s17 =	simm.s32 $0x100  }
0x4: {  	s18 =	simm.s32 $0x9C00;
	s19 =	simm.s32 $0x180;
	s20 =	simm.s32 $0xDC00  }
0x5: {  	s21 =	simm.s32 $0x1;
	s22 =	simm.s32 $0x2;
	s23 =	simm.s32 $0x3  }
0x6: {  	s28 =	simm.s32 $0x1B00;
	s29 =	simm.s32 $0x1B80;
	s30 =	simm.s32 $0x0  }
0x7: {  	s1 =	sand.u32 $0x1, s0;
	s7 =	smul.u32 $0xC800, s24;
	s4 =	sadd.s32 $0x1600, s5  }
0x8: {  	s31 =	sshll.u32 s24, $0x6;
	s2 =	sshll.u32 s1, $0x4;
	s8 =	smul.u32 $0xC8000, s1  }
0x9: {  	s1 =	ssub.s32 $0x2, s1;
	s3 =	sor.u32 s24, s2;
	s2 =	rddreg [dreg:$0x1]  }
0xa: {  	s26 =	sshrl.u32 s7, $0x3;
	s10 =	sshrl.u32 s1, $0x1;
	s24 =	simm.s32 $0x4  }
0xb: {  	s6 =	smul.u32 $0x1C0, s3;
	s3 =	simm.s32 $0x0;
	s25 =	sadd.s32 s7, s8  }
0xc: {  	s8 =	sadd.s32 s26, s5;
	s1 =	ssub.s32 s1, s10;
	s12 =	sadd.s32 s7, s2  }
0xd: {  	s26 =	simm.s32 $0x1A80;
	[smem:$0x7FF] =	sst s3;
	s10 =	smax.u32 s1, $0x1  }
0xe: {  	_ =	strace $0x80000050;
	s9 =	sadd.s32 s6, s5;
	s6 =	sshrl.u32 s25, $0x3  }
0xf: {  	s25 =	simm.s32 $0x1A00;
	s11 =	sadd.s32 s6, s5;
	s5 =	sadd.s32 $0x19E00, s8  }
0x10: {  	s6 =	sor.u32 $0x1C05, s31;
	s7 =	sadd.s32 $0x71600, s9;
	s8 =	sadd.s32 $0x74E00, s9  }
0x11: {  	s9 =	sadd.s32 $0x32E00, s11;
	s11 =	sshrl.u32 s12, $0x3;
	s12 =	simm.s32 $0x5  }
.LBB2_1:
0x12: {  	[spmem:s11], [sflag:s6] =	dma.local [hbm:s5], $0x1900  }
0x13: {  	_ =	swait.ge [sflag:s12], $0x1900  }
0x14: {  	[sflag:s12] =	ssyncset.done $0x0  }
0x15: {  	[sflag:s12] =	ssyncadd.s32 $0xFFFFE700  }
0x16: {  	[tilespmem:s3], [sflag:$0x5] =	stream.linear.gather [hbm4b:s7+s3], $0xE00, $0x38;
	[tilespmem:$0x1E400] =	vst v63  }
0x17: {  	_ =	swait.ge [sflag:s12], $0xE00  }
0x18: {  	[sflag:s12] =	ssyncset.done $0x0  }
0x19: {  	[sflag:s12] =	ssyncadd.s32 $0xFFFFF200  }
0x1a: {  	[tilespmem:s13], [sflag:$0x5] =	stream.linear.gather [hbm4b:s8+s3], $0xE00, $0x38;
	[tilespmem:$0x1E400] =	vst v63  }
0x1b: {  	_ =	swait.ge [sflag:s12], $0xE00  }
0x1c: {  	[sflag:s12] =	ssyncset.done $0x0  }
0x1d: {  	[sflag:s12] =	ssyncadd.s32 $0xFFFFF200  }
0x1e: {  	[bflag:$0x0] =	sbarrier.arrive $0xFFFF  }
0x1f: {  	[tilespmem:s15], [sflag:$0x1] =	stream.indirect.gather [hbm4b:s4+s14], $0x80, s3, s14, $0xb8;
	[tilespmem:$0x1E400] =	vst v63  }
0x20: {  	_ = 	snop  }
0x21: {  	[tilespmem:s16], [sflag:$0x2] =	stream.indirect.gather [hbm4b:s4+s14], $0x80, s14, s14, $0xb8;
	[tilespmem:$0x1E400] =	vst v63  }
0x22: {  	_ = 	snop  }
0x23: {  	[tilespmem:s18], [sflag:$0x3] =	stream.indirect.gather [hbm4b:s4+s14], $0x80, s17, s14, $0xb8;
	[tilespmem:$0x1E400] =	vst v63  }
0x24: {  	_ = 	snop  }
0x25: {  	[tilespmem:s20], [sflag:$0x4] =	stream.indirect.gather [hbm4b:s4+s14], $0x80, s19, s14, $0xb8;
	[tilespmem:$0x1E400] =	vst v63  }
0x26: {  	_ =	swait.ge [sflag:s21], $0x4000  }
0x27: {  	[sflag:s21] =	ssyncset.done $0x0  }
0x28: {  	s1 =	simm.s32 $0xE00;
	[sflag:s21] =	ssyncadd.s32 $0xFFFFC000  }
0x29: {  	[spmem:s2] =	stream.indirect.scatter.add.f32 [tilespmem:s15], [sflag:$0x5], $0x80, s1, s14, $0xb8;
	[tilespmem:$0x1E400] =	vst v63  }
0x2a: {  	_ =	swait.ge [sflag:s12], $0x4000  }
0x2b: {  	[sflag:s12] =	ssyncset.done $0x0  }
0x2c: {  	s0 =	simm.s32 $0x200;
	[sflag:s12] =	ssyncadd.s32 $0xFFFFC000  }
0x2d: {  	[tilespmem:s15], [sflag:$0x1] =	stream.indirect.gather [hbm4b:s4+s14], $0x80, s0, s14, $0xb8;
	[tilespmem:$0x1E400] =	vst v63  }
0x2e: {  	_ =	swait.ge [sflag:s22], $0x4000  }
0x2f: {  	[sflag:s22] =	ssyncset.done $0x0  }
0x30: {  	s0 =	simm.s32 $0xE80;
	[sflag:s22] =	ssyncadd.s32 $0xFFFFC000  }
0x31: {  	[spmem:s2] =	stream.indirect.scatter.add.f32 [tilespmem:s16], [sflag:$0x5], $0x80, s0, s14, $0xb8;
	[tilespmem:$0x1E400] =	vst v63  }
0x32: {  	_ =	swait.ge [sflag:s12], $0x4000  }
0x33: {  	[sflag:s12] =	ssyncset.done $0x0  }
0x34: {  	s0 =	simm.s32 $0x280;
	[sflag:s12] =	ssyncadd.s32 $0xFFFFC000  }
0x35: {  	[tilespmem:s16], [sflag:$0x2] =	stream.indirect.gather [hbm4b:s4+s14], $0x80, s0, s14, $0xb8;
	[tilespmem:$0x1E400] =	vst v63  }
0x36: {  	_ =	swait.ge [sflag:s23], $0x4000  }
0x37: {  	[sflag:s23] =	ssyncset.done $0x0  }
0x38: {  	s0 =	simm.s32 $0xF00;
	[sflag:s23] =	ssyncadd.s32 $0xFFFFC000  }
0x39: {  	[spmem:s2] =	stream.indirect.scatter.add.f32 [tilespmem:s18], [sflag:$0x5], $0x80, s0, s14, $0xb8;
	[tilespmem:$0x1E400] =	vst v63  }
0x3a: {  	_ =	swait.ge [sflag:s12], $0x4000  }
0x3b: {  	[sflag:s12] =	ssyncset.done $0x0  }
0x3c: {  	s0 =	simm.s32 $0x300;
	[sflag:s12] =	ssyncadd.s32 $0xFFFFC000  }
0x3d: {  	[tilespmem:s18], [sflag:$0x3] =	stream.indirect.gather [hbm4b:s4+s14], $0x80, s0, s14, $0xb8;
	[tilespmem:$0x1E400] =	vst v63  }
0x3e: {  	_ =	swait.ge [sflag:s24], $0x4000  }
0x3f: {  	[sflag:s24] =	ssyncset.done $0x0  }
0x40: {  	s0 =	simm.s32 $0xF80;
	[sflag:s24] =	ssyncadd.s32 $0xFFFFC000  }
0x41: {  	[spmem:s2] =	stream.indirect.scatter.add.f32 [tilespmem:s20], [sflag:$0x5], $0x80, s0, s14, $0xb8;
	[tilespmem:$0x1E400] =	vst v63  }
0x42: {  	_ =	swait.ge [sflag:s12], $0x4000  }
0x43: {  	[sflag:s12] =	ssyncset.done $0x0  }
0x44: {  	s31 =	simm.s32 $0x800;
	s1 =	simm.s32 $0x380;
	[sflag:s12] =	ssyncadd.s32 $0xFFFFC000  }
.LBB2_2:
0x45: {  	[tilespmem:s20], [sflag:$0x4] =	stream.indirect.gather [hbm4b:s4+s14], $0x80, s1, s14, $0xb8;
	[tilespmem:$0x1E400] =	vst v63  }
0x46: {  	s1 =	smov.u32 s31  }
0x47: {  	p0 =	sne.s32 s31, $0x2800;
	s31 =	sadd.s32 $0x800, s31;
	_ =	swait.ge [sflag:s21], $0x4000  }
0x48: {  	s1 =	sshra.s32 s1, $0x2;
	[sflag:s21] =	ssyncset.done $0x0  }
0x49: {  	s0 =	sadd.s32 $0xE00, s1;
	[sflag:s21] =	ssyncadd.s32 $0xFFFFC000  }
0x4a: {  	[spmem:s2] =	stream.indirect.scatter.add.f32 [tilespmem:s15], [sflag:$0x5], $0x80, s0, s14, $0xb8;
	[tilespmem:$0x1E400] =	vst v63  }
0x4b: {  	_ =	swait.ge [sflag:s12], $0x4000  }
0x4c: {  	[sflag:s12] =	ssyncset.done $0x0  }
0x4d: {  	s0 =	sadd.s32 $0x200, s1;
	[sflag:s12] =	ssyncadd.s32 $0xFFFFC000  }
0x4e: {  	[tilespmem:s15], [sflag:$0x1] =	stream.indirect.gather [hbm4b:s4+s14], $0x80, s0, s14, $0xb8;
	[tilespmem:$0x1E400] =	vst v63  }
0x4f: {  	_ =	swait.ge [sflag:s22], $0x4000  }
0x50: {  	[sflag:s22] =	ssyncset.done $0x0  }
0x51: {  	s0 =	sadd.s32 $0xE80, s1;
	[sflag:s22] =	ssyncadd.s32 $0xFFFFC000  }
0x52: {  	[spmem:s2] =	stream.indirect.scatter.add.f32 [tilespmem:s16], [sflag:$0x5], $0x80, s0, s14, $0xb8;
	[tilespmem:$0x1E400] =	vst v63  }
0x53: {  	_ =	swait.ge [sflag:s12], $0x4000  }
0x54: {  	[sflag:s12] =	ssyncset.done $0x0  }
0x55: {  	s0 =	sadd.s32 $0x280, s1;
	[sflag:s12] =	ssyncadd.s32 $0xFFFFC000  }
0x56: {  	[tilespmem:s16], [sflag:$0x2] =	stream.indirect.gather [hbm4b:s4+s14], $0x80, s0, s14, $0xb8;
	[tilespmem:$0x1E400] =	vst v63  }
0x57: {  	_ =	swait.ge [sflag:s23], $0x4000  }
0x58: {  	[sflag:s23] =	ssyncset.done $0x0  }
0x59: {  	s0 =	sadd.s32 $0xF00, s1;
	[sflag:s23] =	ssyncadd.s32 $0xFFFFC000  }
0x5a: {  	[spmem:s2] =	stream.indirect.scatter.add.f32 [tilespmem:s18], [sflag:$0x5], $0x80, s0, s14, $0xb8;
	[tilespmem:$0x1E400] =	vst v63  }
0x5b: {  	_ =	swait.ge [sflag:s12], $0x4000  }
0x5c: {  	[sflag:s12] =	ssyncset.done $0x0  }
0x5d: {  	s0 =	sadd.s32 $0x300, s1;
	[sflag:s12] =	ssyncadd.s32 $0xFFFFC000  }
0x5e: {  	[tilespmem:s18], [sflag:$0x3] =	stream.indirect.gather [hbm4b:s4+s14], $0x80, s0, s14, $0xb8;
	[tilespmem:$0x1E400] =	vst v63  }
0x5f: {  	_ =	swait.ge [sflag:s24], $0x4000  }
0x60: {  	[sflag:s24] =	ssyncset.done $0x0  }
.Ltmp0:
0x61: {  	s0 =	sadd.s32 $0xF80, s1;
	[sflag:s24] =	ssyncadd.s32 $0xFFFFC000;
	(pc) =	sbr.rel @p0 .LBB2_2-.Ltmp0, $4  }
0x62: {  	[spmem:s2] =	stream.indirect.scatter.add.f32 [tilespmem:s20], [sflag:$0x5], $0x80, s0, s14, $0xb8;
	[tilespmem:$0x1E400] =	vst v63  }
0x63: {  	_ =	swait.ge [sflag:s12], $0x4000  }
0x64: {  	[sflag:s12] =	ssyncset.done $0x0  }
0x65: {  	s1 =	sadd.s32 $0x380, s1;
	[sflag:s12] =	ssyncadd.s32 $0xFFFFC000  }
0x66: {  	[tilespmem:s20], [sflag:$0x4] =	stream.indirect.gather [hbm4b:s4+s14], $0x80, s1, s14, $0xb8;
	[tilespmem:$0x1E400] =	vst v63  }
0x67: {  	_ =	swait.ge [sflag:s21], $0x4000  }
0x68: {  	[sflag:s21] =	ssyncset.done $0x0  }
0x69: {  	[sflag:s21] =	ssyncadd.s32 $0xFFFFC000  }
0x6a: {  	[spmem:s2] =	stream.indirect.scatter.add.f32 [tilespmem:s15], [sflag:$0x5], $0x80, s25, s14, $0xb8;
	[tilespmem:$0x1E400] =	vst v63  }
0x6b: {  	_ =	swait.ge [sflag:s12], $0x4000  }
0x6c: {  	[sflag:s12] =	ssyncset.done $0x0  }
0x6d: {  	[sflag:s12] =	ssyncadd.s32 $0xFFFFC000  }
0x6e: {  	_ =	swait.ge [sflag:s22], $0x4000  }
0x6f: {  	[sflag:s22] =	ssyncset.done $0x0  }
0x70: {  	[sflag:s22] =	ssyncadd.s32 $0xFFFFC000  }
0x71: {  	[spmem:s2] =	stream.indirect.scatter.add.f32 [tilespmem:s16], [sflag:$0x5], $0x80, s26, s14, $0xb8;
	[tilespmem:$0x1E400] =	vst v63  }
0x72: {  	_ =	swait.ge [sflag:s12], $0x4000  }
0x73: {  	[sflag:s12] =	ssyncset.done $0x0  }
0x74: {  	[sflag:s12] =	ssyncadd.s32 $0xFFFFC000  }
0x75: {  	_ =	swait.ge [sflag:s23], $0x4000  }
0x76: {  	[sflag:s23] =	ssyncset.done $0x0  }
0x77: {  	[sflag:s23] =	ssyncadd.s32 $0xFFFFC000  }
0x78: {  	[spmem:s2] =	stream.indirect.scatter.add.f32 [tilespmem:s18], [sflag:$0x5], $0x80, s28, s14, $0xb8;
	[tilespmem:$0x1E400] =	vst v63  }
0x79: {  	_ =	swait.ge [sflag:s12], $0x4000  }
0x7a: {  	[sflag:s12] =	ssyncset.done $0x0  }
0x7b: {  	[sflag:s12] =	ssyncadd.s32 $0xFFFFC000  }
0x7c: {  	_ =	swait.ge [sflag:s24], $0x4000  }
0x7d: {  	[sflag:s24] =	ssyncset.done $0x0  }
0x7e: {  	[sflag:s24] =	ssyncadd.s32 $0xFFFFC000  }
0x7f: {  	[spmem:s2] =	stream.indirect.scatter.add.f32 [tilespmem:s20], [sflag:$0x5], $0x80, s29, s14, $0xb8;
	[tilespmem:$0x1E400] =	vst v63  }
0x80: {  	_ =	swait.ge [sflag:s12], $0x4000  }
0x81: {  	s30 =	sadd.s32 $0x1, s30;
	[sflag:s12] =	ssyncset.done $0x0  }
0x82: {  	p0 =	sne.s32 s30, s10;
	[sflag:s12] =	ssyncadd.s32 $0xFFFFC000  }
.Ltmp1:
0x83: {  	[bflag:$0x0] =	sbarrier.arrive $0xFFFF;
	(pc) =	sbr.rel @p0 .LBB2_1-.Ltmp1, $4  }
0x84: {  	[hbm:s9], [sflag:s6] =	dma.local [spmem:s11], $0x1900  }
0x85: {  	_ =	swait.ge [sflag:s12], $0x1900  }
0x86: {  	[sflag:s12] =	ssyncset.done $0x0  }
0x87: {  	[sflag:s12] =	ssyncadd.s32 $0xFFFFE700  }
0x88: {  	_ =	sfence.sel $0x180000  }
0x89: {  	[bflag:$0x0] =	sbarrier.arrive $0xFFFF  }
0x8a: {  	_ =	strace $0x90000050  }
0x8b: {  	s0 =	stileid.u32;
	[bflag:$0x2] =	sbarrier.arrive $0xFFFF  }
0x8c: {  	p0 =	sne.s32 s0, $0x0;
	s0 =	rddreg [dreg:$0x2]  }
0x8d: {  	s0 =	sadd.s32 @!p0 $0x100000, s0  }
0x8e: {  	[sflag:s0] =	ssyncadd.tile.s32 @!p0 $0x1;
	_ =	shalt  }
.Lfunc_end2:
_tile_overlayer_lowered:
.L_overlay_start_2:
0x8f: {  	(tag) =	ssettag $0x2  }
0x90: {  	s0 =	rddreg [dreg:$0x0];
	s2 =	stileid.u32  }
0x91: {  	s1 =	rddreg [dreg:$0x1];
	p0 =	sne.s32 s2, $0x0  }
0x92: {  	s3 =	rddreg [dreg:$0x2];
	[bflag:$0x3] =	sbarrier.arrive $0xFFFF;
	s2 =	simm.s32 @!p0 $0x1C05  }
0x93: {  	[timem:s3], [sflag:s2] =	dma.local @!p0 [hbm:s0], s1  }
0x94: {  	s0 =	simm.s32 @!p0 $0x5  }
0x95: {  	_ =	swait.ge @!p0 [sflag:s0], s1  }
0x96: {  	s1 =	ssub.s32 @!p0 $0x0, s1;
	[sflag:s0] =	ssyncset.done @!p0 $0x0  }
0x97: {  	[sflag:s0] =	ssyncadd.s32 @!p0 s1  }
0x98: {  	[bflag:$0x3] =	sbarrier.arrive $0xFFFF  }
0x99: {  	_ =	shalt  }

</sc_bundles>
